<compile_context>
chip_gen: v7x
topology: tpu7x:2x2x1
jax: 0.10.2.dev20260603
libtpu: 0.0.44.dev20260713+nightly
codegen_flags: <defaults>
</compile_context>

<pallas_src>
import functools

import jax
import jax.numpy as jnp
from jax import lax
from jax.experimental import pallas as pl
from jax.experimental.pallas import tpu as pltpu
from jax.experimental.pallas import tpu_sc as plsc

_B = 4
_MD = 128
_N = 8192
_H = 4
_F = 32
_S = 64
_NB = 2048
_NPC = 1024
_G = _S * _S
_CNT = _B * _N

_SC_PARAMS = pltpu.CompilerParams(use_tc_tiling_on_sc=False,
                                  needs_layout_passes=False)


def _sc_mesh():
    return plsc.VectorSubcoreMesh(core_axis_name="c", subcore_axis_name="s",
                                  num_cores=2, num_subcores=16)


def _stage_a_body(x_ref, wvt_ref, wk_ref, vt_ref, kvk_ref,
                  vs1_ref, vs2_ref, ks1_ref, ks2_ref):
    b = pl.program_id(0)
    nb = pl.program_id(1)
    x = x_ref[0]
    vtc = lax.dot_general(x, wvt_ref[...], (((0,), (0,)), ((), ())),
                          preferred_element_type=jnp.float32)
    vt_ref[0] = vtc
    kc = jnp.dot(wk_ref[...], x, preferred_element_type=jnp.float32)
    kvk_ref[0] = kc
    pv1 = jnp.sum(vtc, axis=0).reshape(1, 128)
    pv2 = jnp.sum(vtc * vtc, axis=0).reshape(1, 128)
    pk1 = jnp.sum(kc, axis=1).reshape(1, 16)
    pk2 = jnp.sum(kc * kc, axis=1).reshape(1, 16)
    first = (b == 0) & (nb == 0)

    @pl.when(first)
    def _():
        vs1_ref[...] = pv1
        vs2_ref[...] = pv2
        ks1_ref[...] = pk1
        ks2_ref[...] = pk2

    @pl.when(jnp.logical_not(first))
    def _():
        vs1_ref[...] += pv1
        vs2_ref[...] += pv2
        ks1_ref[...] += pk1
        ks2_ref[...] += pk2


def _stage_a(x, wvt, wk):
    return pl.pallas_call(
        _stage_a_body,
        grid=(_B, _N // _NB),
        in_specs=[
            pl.BlockSpec((1, _MD, _NB), lambda b, n: (b, 0, n)),
            pl.BlockSpec((_MD, 128), lambda b, n: (0, 0)),
            pl.BlockSpec((16, _MD), lambda b, n: (0, 0)),
        ],
        out_specs=[
            pl.BlockSpec((1, _NB, 128), lambda b, n: (b, n, 0)),
            pl.BlockSpec((1, 16, _NB), lambda b, n: (b, 0, n)),
            pl.BlockSpec((1, 128), lambda b, n: (0, 0)),
            pl.BlockSpec((1, 128), lambda b, n: (0, 0)),
            pl.BlockSpec((1, 16), lambda b, n: (0, 0)),
            pl.BlockSpec((1, 16), lambda b, n: (0, 0)),
        ],
        out_shape=[
            jax.ShapeDtypeStruct((_B, _N, 128), jnp.float32),
            jax.ShapeDtypeStruct((_B, 16, _N), jnp.float32),
            jax.ShapeDtypeStruct((1, 128), jnp.float32),
            jax.ShapeDtypeStruct((1, 128), jnp.float32),
            jax.ShapeDtypeStruct((1, 16), jnp.float32),
            jax.ShapeDtypeStruct((1, 16), jnp.float32),
        ],
    )(x, wvt, wk)


def _stage_b_body(kvk_ref, orig_ref, ps_ref, po_ref, kb_ref,
                  w_ref, idx_ref, ks1_ref, ks2_ref):
    b = pl.program_id(0)
    nb = pl.program_id(1)
    keys8 = (jnp.dot(ps_ref[...], kvk_ref[0], preferred_element_type=jnp.float32)
             + jnp.dot(po_ref[...], orig_ref[0], preferred_element_type=jnp.float32)
             + kb_ref[:, 0:1])
    ks = jnp.sum(keys8)
    ks2 = jnp.sum(keys8 * keys8)
    first = (b == 0) & (nb == 0)

    @pl.when(first)
    def _():
        ks1_ref[0, 0] = ks
        ks2_ref[0, 0] = ks2

    @pl.when(jnp.logical_not(first))
    def _():
        ks1_ref[0, 0] += ks
        ks2_ref[0, 0] += ks2

    lat = jnp.tanh(keys8)
    g = jnp.clip((lat + 1.0) * (0.5 * (_S - 1)), 0.0, _S - 1.0)
    base = jnp.clip(jnp.floor(g).astype(jnp.int32), 0, _S - 2)
    fr = g - base.astype(jnp.float32)
    fy, fx = fr[:4], fr[4:]
    by, bx = base[:4], base[4:]
    w_list, i_list = [], []
    for oy in (0, 1):
        for ox in (0, 1):
            wy = fy if oy else 1.0 - fy
            wx = fx if ox else 1.0 - fx
            w_list.append(wy * wx)
            i_list.append((by + oy) * _S + (bx + ox))
    w_ref[0] = jnp.stack(w_list, axis=1)
    idx_ref[0] = jnp.stack(i_list, axis=1)


def _stage_b(kvk, orig8, ps16, po8, kb):
    return pl.pallas_call(
        _stage_b_body,
        grid=(_B, _N // _NB),
        in_specs=[
            pl.BlockSpec((1, 16, _NB), lambda b, n: (b, 0, n)),
            pl.BlockSpec((1, 8, _NB), lambda b, n: (b, 0, n)),
            pl.BlockSpec((8, 16), lambda b, n: (0, 0)),
            pl.BlockSpec((8, 8), lambda b, n: (0, 0)),
            pl.BlockSpec((8, 128), lambda b, n: (0, 0)),
        ],
        out_specs=[
            pl.BlockSpec((1, _H, 4, _NB), lambda b, n: (b, 0, 0, n)),
            pl.BlockSpec((1, _H, 4, _NB), lambda b, n: (b, 0, 0, n)),
            pl.BlockSpec((1, 1), lambda b, n: (0, 0), memory_space=pltpu.SMEM),
            pl.BlockSpec((1, 1), lambda b, n: (0, 0), memory_space=pltpu.SMEM),
        ],
        out_shape=[
            jax.ShapeDtypeStruct((_B, _H, 4, _N), jnp.float32),
            jax.ShapeDtypeStruct((_B, _H, 4, _N), jnp.int32),
            jax.ShapeDtypeStruct((1, 1), jnp.float32),
            jax.ShapeDtypeStruct((1, 1), jnp.float32),
        ],
    )(kvk, orig8, ps16, po8, kb)


def _splat_sc(vt, vsc, vbi, w_all, idx_all, zinit):
    @functools.partial(
        pl.kernel,
        out_type=jax.ShapeDtypeStruct((_B, _G, 128), jnp.float32),
        mesh=_sc_mesh(),
        compiler_params=_SC_PARAMS,
        scratch_types=[
            pltpu.VMEM((_G, 16), jnp.float32),
            pltpu.VMEM((2, _NPC, 16), jnp.float32),
            pltpu.VMEM((2, 4, _NPC), jnp.float32),
            pltpu.VMEM((2, 4, _NPC), jnp.int32),
            pltpu.VMEM((16,), jnp.float32),
            pltpu.VMEM((16,), jnp.float32),
            pltpu.SemaphoreType.DMA((2,)),
            pltpu.SemaphoreType.DMA((2,)),
            pltpu.SemaphoreType.DMA((2,)),
        ],
    )
    def k(vt_hbm, vsc_hbm, vbi_hbm, w_hbm, idx_hbm, zer_hbm, z_hbm,
          grid_v, vals_v, w_v, i_v, sc_v, bi_v, sem_v, sem_w, sem_i):
        wid = lax.axis_index("s") * 2 + lax.axis_index("c")
        b = wid // 8
        r = wid % 8
        h = r // 2
        half = r % 2
        ch0 = h * 32 + half * 16

        def start(ci, s):
            p0 = ci * _NPC
            pltpu.async_copy(vt_hbm.at[b, pl.ds(p0, _NPC), pl.ds(ch0, 16)],
                             vals_v.at[s], sem_v.at[s])
            pltpu.async_copy(w_hbm.at[b, h, :, pl.ds(p0, _NPC)],
                             w_v.at[s], sem_w.at[s])
            pltpu.async_copy(idx_hbm.at[b, h, :, pl.ds(p0, _NPC)],
                             i_v.at[s], sem_i.at[s])

        def drain(s):
            pltpu.make_async_copy(vt_hbm.at[b, pl.ds(0, _NPC), pl.ds(ch0, 16)],
                                  vals_v.at[s], sem_v.at[s]).wait()
            pltpu.make_async_copy(w_hbm.at[b, h, :, pl.ds(0, _NPC)],
                                  w_v.at[s], sem_w.at[s]).wait()
            pltpu.make_async_copy(idx_hbm.at[b, h, :, pl.ds(0, _NPC)],
                                  i_v.at[s], sem_i.at[s]).wait()

        start(0, 0)
        pltpu.sync_copy(zer_hbm, grid_v)
        pltpu.sync_copy(vsc_hbm.at[pl.ds(ch0, 16)], sc_v)
        pltpu.sync_copy(vbi_hbm.at[pl.ds(ch0, 16)], bi_v)
        sc = sc_v[...]
        bi = bi_v[...]
        nchunk = _N // _NPC

        def chunk(ci, carry):
            s = lax.rem(ci, 2)

            @pl.when(ci + 1 < nchunk)
            def _():
                start(ci + 1, lax.rem(ci + 1, 2))

            drain(s)

            @plsc.parallel_loop(0, _NPC // 16, 1, unroll=4)
            def blk16(gq):
                q0 = gq * 16
                wrows = [w_v[s, c, pl.ds(q0, 16)] for c in range(4)]
                irows = [i_v[s, c, pl.ds(q0, 16)] for c in range(4)]
                for j in range(16):
                    vn = vals_v[s, q0 + j, :] * sc + bi
                    for c in range(4):
                        plsc.addupdate(grid_v.at[irows[c][j]],
                                       vn * wrows[c][j])

            return carry

        lax.fori_loop(0, nchunk, chunk, 0)
        pltpu.sync_copy(grid_v, z_hbm.at[b, :, pl.ds(ch0, 16)])

    return k(vt, vsc, vbi, w_all, idx_all, zinit)


def _stage_d_body(z_ref, wblk_ref, m_ref, zc_ref, occ_ref):
    b = pl.program_id(0)
    z2 = z_ref[0]
    cnt = jnp.sum((jnp.abs(z2) > 1e-9).astype(jnp.float32))

    @pl.when(b == 0)
    def _():
        occ_ref[0, 0] = cnt

    @pl.when(b != 0)
    def _():
        occ_ref[0, 0] += cnt

    acc = None
    for t in range(9):
        sy, sx = t // 3 - 1, t % 3 - 1
        kk = sy * _S + sx
        zr = z2 if kk == 0 else jnp.roll(z2, -kk, axis=0)
        zm = zr * m_ref[:, t:t + 1]
        d = jnp.dot(zm, wblk_ref[t], preferred_element_type=jnp.float32)
        acc = d if acc is None else acc + d
    zc_ref[0] = acc


def _stage_d(z, wblk, masks):
    return pl.pallas_call(
        _stage_d_body,
        grid=(_B,),
        in_specs=[
            pl.BlockSpec((1, _G, 128), lambda b: (b, 0, 0)),
            pl.BlockSpec((9, 128, 128), lambda b: (0, 0, 0)),
            pl.BlockSpec((_G, 16), lambda b: (0, 0)),
        ],
        out_specs=[
            pl.BlockSpec((1, _G, 128), lambda b: (b, 0, 0)),
            pl.BlockSpec((1, 1), lambda b: (0, 0), memory_space=pltpu.SMEM),
        ],
        out_shape=[
            jax.ShapeDtypeStruct((_B, _G, 128), jnp.float32),
            jax.ShapeDtypeStruct((1, 1), jnp.float32),
        ],
    )(z, wblk, masks)


def _slice_sc(zc, w_all, idx_all):
    @functools.partial(
        pl.kernel,
        out_type=(jax.ShapeDtypeStruct((_B, _N, 128), jnp.float32),
                  jax.ShapeDtypeStruct((32, 2, 16), jnp.float32)),
        mesh=_sc_mesh(),
        compiler_params=_SC_PARAMS,
        scratch_types=[
            pltpu.VMEM((_G, 16), jnp.float32),
            pltpu.VMEM((2, _NPC, 16), jnp.float32),
            pltpu.VMEM((2, 4, _NPC), jnp.float32),
            pltpu.VMEM((2, 4, _NPC), jnp.int32),
            pltpu.VMEM((2, 16), jnp.float32),
            pltpu.SemaphoreType.DMA((2,)),
            pltpu.SemaphoreType.DMA((2,)),
            pltpu.SemaphoreType.DMA((2,)),
        ],
    )
    def k(zc_hbm, w_hbm, idx_hbm, out_hbm, st_hbm,
          grid_v, obuf_v, w_v, i_v, st_v, sem_w, sem_i, sem_o):
        wid = lax.axis_index("s") * 2 + lax.axis_index("c")
        b = wid // 8
        r = wid % 8
        h = r // 2
        half = r % 2
        ch0 = h * 32 + half * 16

        def start(ci, s):
            p0 = ci * _NPC
            pltpu.async_copy(w_hbm.at[b, h, :, pl.ds(p0, _NPC)],
                             w_v.at[s], sem_w.at[s])
            pltpu.async_copy(idx_hbm.at[b, h, :, pl.ds(p0, _NPC)],
                             i_v.at[s], sem_i.at[s])

        def drain(s):
            pltpu.make_async_copy(w_hbm.at[b, h, :, pl.ds(0, _NPC)],
                                  w_v.at[s], sem_w.at[s]).wait()
            pltpu.make_async_copy(idx_hbm.at[b, h, :, pl.ds(0, _NPC)],
                                  i_v.at[s], sem_i.at[s]).wait()

        start(0, 0)
        pltpu.sync_copy(zc_hbm.at[b, :, pl.ds(ch0, 16)], grid_v)
        zero16 = jnp.zeros((16,), jnp.float32)
        nchunk = _N // _NPC

        def chunk(ci, carry):
            s = lax.rem(ci, 2)

            @pl.when(ci + 1 < nchunk)
            def _():
                start(ci + 1, lax.rem(ci + 1, 2))

            drain(s)

            @pl.when(ci >= 2)
            def _():
                pltpu.make_async_copy(
                    obuf_v.at[s],
                    out_hbm.at[b, pl.ds(0, _NPC), pl.ds(ch0, 16)],
                    sem_o.at[s]).wait()

            @plsc.parallel_loop(0, _NPC // 16, 1, unroll=4, carry=carry)
            def blk16(gq, cr):
                s1, s2 = cr
                q0 = gq * 16
                wrows = [w_v[s, c, pl.ds(q0, 16)] for c in range(4)]
                irows = [i_v[s, c, pl.ds(q0, 16)] for c in range(4)]
                for j in range(16):
                    acc = grid_v[irows[0][j], :] * wrows[0][j]
                    for c in range(1, 4):
                        acc = acc + grid_v[irows[c][j], :] * wrows[c][j]
                    obuf_v[s, q0 + j, :] = acc
                    s1 = s1 + acc
                    s2 = s2 + acc * acc
                return (s1, s2)

            p0 = ci * _NPC
            pltpu.async_copy(obuf_v.at[s],
                             out_hbm.at[b, pl.ds(p0, _NPC), pl.ds(ch0, 16)],
                             sem_o.at[s])
            return blk16

        carry = lax.fori_loop(0, nchunk, chunk, (zero16, zero16))
        s1, s2 = carry
        pltpu.make_async_copy(obuf_v.at[0],
                              out_hbm.at[b, pl.ds(0, _NPC), pl.ds(ch0, 16)],
                              sem_o.at[0]).wait()
        pltpu.make_async_copy(obuf_v.at[1],
                              out_hbm.at[b, pl.ds(0, _NPC), pl.ds(ch0, 16)],
                              sem_o.at[1]).wait()
        st_v[0, :] = s1
        st_v[1, :] = s2
        pltpu.sync_copy(st_v, st_hbm.at[wid])

    return k(zc, w_all, idx_all)


def _stage_f_body(x_ref, sc_ref, bi_ref, o_ref):
    x = x_ref[0]
    y = jnp.maximum(x * sc_ref[0:1, :] + bi_ref[0:1, :], 0.0)
    o_ref[0] = y.T


def _stage_f(xt, sc1, bi1):
    return pl.pallas_call(
        _stage_f_body,
        grid=(_B, _N // _NB),
        in_specs=[
            pl.BlockSpec((1, _NB, 128), lambda b, n: (b, n, 0)),
            pl.BlockSpec((1, 128), lambda b, n: (0, 0)),
            pl.BlockSpec((1, 128), lambda b, n: (0, 0)),
        ],
        out_specs=[pl.BlockSpec((1, 128, _NB), lambda b, n: (b, 0, n))],
        out_shape=[jax.ShapeDtypeStruct((_B, 128, _N), jnp.float32)],
    )(xt, sc1, bi1)


def kernel(input, orig_pcd, W_kv, kbn_gamma, kbn_beta, vbn_gamma, vbn_beta,
           P, conv_w, conv_b, abn_gamma, abn_beta):
    f32 = jnp.float32
    wvt = jnp.swapaxes(W_kv[12:140], 0, 1)
    wk = jnp.pad(W_kv[:12], ((0, 4), (0, 0)))
    orig8 = jnp.pad(orig_pcd, ((0, 0), (0, 5), (0, 0)))

    pm = []
    for d in range(2):
        rows = []
        for h in range(4):
            row = jnp.zeros((12,), f32).at[3 * h:3 * h + 3].set(P[h, d, :])
            rows.append(row)
        pm.append(jnp.stack(rows))
    Pmat = jnp.concatenate(pm, axis=0)
    Po = jnp.concatenate([P[:, 0, :], P[:, 1, :]], axis=0)

    vt, kvk, vs1, vs2, ks1a, ks2a = _stage_a(input, wvt, wk)

    vmean = vs1[0] / _CNT
    vvar = vs2[0] / _CNT - vmean * vmean
    vsc = vbn_gamma * lax.rsqrt(vvar + 1e-5)
    vbi = vbn_beta - vmean * vsc

    kmean = ks1a[0, :12] / _CNT
    kvar = ks2a[0, :12] / _CNT - kmean * kmean
    ksc = kbn_gamma * lax.rsqrt(kvar + 1e-5)
    kbi = kbn_beta - kmean * ksc

    ps16 = jnp.pad(Pmat * ksc[None, :], ((0, 0), (0, 4)))
    po8 = jnp.pad(Po, ((0, 0), (0, 5)))
    kb = jnp.broadcast_to((Pmat @ kbi).reshape(8, 1), (8, 128))

    w_all, idx_all, ks1, ks2 = _stage_b(kvk, orig8, ps16, po8, kb)

    zinit = jnp.zeros((_G, 16), f32)
    z = _splat_sc(vt, vsc, vbi, w_all, idx_all, zinit)

    wblk_rows = []
    for t in range(9):
        dy, dx = t // 3, t % 3
        taps = [conv_w[h * 32:(h + 1) * 32, :, dy, dx] for h in range(4)]
        wblk_rows.append(jax.scipy.linalg.block_diag(*taps).T)
    wblk = jnp.stack(wblk_rows)
    cells = jnp.arange(_G, dtype=jnp.int32)
    cy, cx = cells // _S, cells % _S
    mcols = []
    for t in range(9):
        sy, sx = t // 3 - 1, t % 3 - 1
        ok = ((cy + sy >= 0) & (cy + sy < _S) & (cx + sx >= 0) & (cx + sx < _S))
        mcols.append(ok.astype(f32))
    masks = jnp.pad(jnp.stack(mcols, axis=1), ((0, 0), (0, 7)))

    zc, occ_raw = _stage_d(z, wblk, masks)

    sliced_t, st = _slice_sc(zc, w_all, idx_all)

    stv = st.reshape(_B, 8, 2, 16).sum(axis=0)
    t1o = stv[:, 0, :].reshape(128)
    t2o = stv[:, 1, :].reshape(128)
    t1 = t1o + conv_b * _CNT
    t2 = t2o + 2.0 * conv_b * t1o + conv_b * conv_b * _CNT
    m2 = t1 / _CNT
    v2 = t2 / _CNT - m2 * m2
    sc2 = abn_gamma * lax.rsqrt(v2 + 1e-5)
    bi2 = abn_beta - m2 * sc2 + conv_b * sc2
    sc1 = sc2.reshape(1, 128)
    bi1 = bi2.reshape(1, 128)

    result, = _stage_f(sliced_t, sc1, bi1)

    occ = occ_raw[0, 0] / (_B * _F * _H)
    km = ks1[0, 0] / (_B * 8 * _N)
    kvv = ks2[0, 0] / (_B * 8 * _N) - km * km
    return result, occ, km, kvv

# --- scband reference (transcript-rebuilt; emitter-appended) ---
"""Pipeline reference for scband-multi-head-60662118088792 (READ-ONLY COPY).

The authoritative reference and input builder live on the scoring server;
editing this copy changes nothing except your own understanding.
"""

import jax, jax.numpy as jnp
import numpy as np

MODEL_DIM = 128
F = 32
HEADS = 4
S = 64
DIM = 2
B = 4
N = 8192


def setup_inputs(seed: int = 0) -> dict:
    key = jax.random.key(seed)
    ks = jax.random.split(key, 8)
    inp = {}
    inp['input'] = jax.random.normal(ks[0], (B, MODEL_DIM, N), jnp.float32)
    inp['orig_pcd'] = jax.random.normal(ks[1], (B, 3, N), jnp.float32)
    oc = HEADS * (F + 3)
    inp['W_kv'] = jax.random.normal(ks[2], (oc, MODEL_DIM), jnp.float32) / np.sqrt(MODEL_DIM)
    inp['kbn_gamma'] = jnp.zeros((HEADS * 3,), jnp.float32)
    inp['kbn_beta'] = jnp.zeros((HEADS * 3,), jnp.float32)
    inp['vbn_gamma'] = jnp.ones((HEADS * F,), jnp.float32)
    inp['vbn_beta'] = jnp.zeros((HEADS * F,), jnp.float32)
    inp['P'] = jax.random.normal(ks[3], (HEADS, DIM, 3), jnp.float32) / np.sqrt(3.0)
    inp['conv_w'] = jax.random.normal(ks[4], (HEADS * F, F, 3, 3), jnp.float32) / np.sqrt(F * 9.0)
    inp['conv_b'] = jnp.zeros((HEADS * F,), jnp.float32)
    inp['abn_gamma'] = jnp.ones((HEADS * F,), jnp.float32)
    inp['abn_beta'] = jnp.zeros((HEADS * F,), jnp.float32)
    return inp


def _bn(x, gamma, beta):
    m = jnp.mean(x, axis=(0, 2), keepdims=True)
    v = jnp.var(x, axis=(0, 2), keepdims=True)
    return (x - m) / jnp.sqrt(v + 1e-5) * gamma[None, :, None] + beta[None, :, None]


def _positions(lattice):
    g = (lattice + 1.0) * 0.5 * (S - 1)
    g = jnp.clip(g, 0.0, S - 1.0)
    base = jnp.clip(jnp.floor(g).astype(jnp.int32), 0, S - 2)
    frac = g - base.astype(g.dtype)
    fy, fx = frac[:, :, 0], frac[:, :, 1]
    by, bx = base[:, :, 0], base[:, :, 1]
    ws, idxs = [], []
    for oy in (0, 1):
        for ox in (0, 1):
            wy = fy if oy else 1.0 - fy
            wx = fx if ox else 1.0 - fx
            ws.append(wy * wx)
            idxs.append((by + oy) * S + (bx + ox))
    return jnp.stack(ws, axis=2), jnp.stack(idxs, axis=2)


def _splat(w, idx, values):
    vals = values.reshape(values.shape[0], HEADS, F, -1)
    weighted = vals[:, :, None] * w[:, :, :, None, :]

    def one(wv, ix):
        z = jnp.zeros((F, S * S), wv.dtype)
        vv = jnp.moveaxis(wv, 1, 0).reshape(F, -1)
        return z.at[:, ix.reshape(-1)].add(vv)

    z = jax.vmap(jax.vmap(one))(weighted, idx)
    return z.reshape(values.shape[0], HEADS * F, S, S)


def _slice(w, idx, grid):
    g = grid.reshape(grid.shape[0], HEADS, F, S * S)

    def one(gf, ix, wv):
        gathered = gf[:, ix]
        return jnp.sum(gathered * wv[None], axis=1)

    out = jax.vmap(jax.vmap(one))(g, idx, w)
    return out.reshape(grid.shape[0], HEADS * F, -1)


def _conv(z, w, b):
    out = jax.lax.conv_general_dilated(z, w, (1, 1), 'SAME', feature_group_count=HEADS, dimension_numbers=('NCHW', 'OIHW', 'NCHW'))
    return out + b[None, :, None, None]


def reference(input, orig_pcd, W_kv, kbn_gamma, kbn_beta, vbn_gamma, vbn_beta, P, conv_w, conv_b, abn_gamma, abn_beta):
    kv = jnp.einsum('oc,bcn->bon', W_kv, input)
    keys_res = _bn(kv[:, :HEADS * 3], kbn_gamma, kbn_beta)
    values = _bn(kv[:, HEADS * 3:], vbn_gamma, vbn_beta)
    pos = orig_pcd[:, None] + keys_res.reshape(input.shape[0], HEADS, 3, input.shape[-1])
    keys = jnp.einsum('hdc,bhcn->bhdn', P, pos)
    lattice = jnp.tanh(keys)
    w, idx = _positions(lattice)
    z = _splat(w, idx, values)
    occ = jnp.sum((jnp.abs(z) > 1e-9).astype(jnp.float32)) / (keys.shape[0] * F * HEADS)
    zc = _conv(z, conv_w, conv_b)
    sliced = _slice(w, idx, zc)
    result = jax.nn.relu(_bn(sliced, abn_gamma, abn_beta))
    keys_flat = keys.reshape(input.shape[0], HEADS * DIM, input.shape[-1])
    return result, occ, jnp.mean(keys_flat), jnp.var(keys_flat)

if __name__ == "__main__":
    import jax
    _d = setup_inputs()
    print(jax.jit(kernel)(*tuple(_d.values())))

</pallas_src>

<mosaic_0001>
#map = affine_map<(d0, d1) -> (0, 0, 0)>
#map1 = affine_map<(d0, d1) -> (0, 0, 0, 0)>
module attributes {stable_mosaic.version = 14 : i64} {
  func.func @k(%arg0: i32, %arg1: i32, %arg2: memref<4x4096x128xf32, #tpu.memory_space<hbm>>, %arg3: memref<4x4x4x8192xf32, #tpu.memory_space<hbm>>, %arg4: memref<4x4x4x8192xi32, #tpu.memory_space<hbm>>, %arg5: memref<4x8192x128xf32, #tpu.memory_space<hbm>>, %arg6: memref<32x2x16xf32, #tpu.memory_space<hbm>>, %arg7: memref<4096x16xf32, #tpu.memory_space<vmem>>, %arg8: memref<2x1024x16xf32, #tpu.memory_space<vmem>>, %arg9: memref<2x4x1024xf32, #tpu.memory_space<vmem>>, %arg10: memref<2x4x1024xi32, #tpu.memory_space<vmem>>, %arg11: memref<2x16xf32, #tpu.memory_space<vmem>>, %arg12: memref<2x!tpu.dma_semaphore, #tpu.memory_space<semaphore_mem>>, %arg13: memref<2x!tpu.dma_semaphore, #tpu.memory_space<semaphore_mem>>, %arg14: memref<2x!tpu.dma_semaphore, #tpu.memory_space<semaphore_mem>>) attributes {dimension_semantics = [#tpu.dimension_semantics<core_parallel>, #tpu.dimension_semantics<subcore_parallel>], iteration_bounds = array<i64: 2, 16>, scalar_prefetch = 0 : i64, scratch_operands = 8 : i64, tpu.core_type = #tpu.core_type<sc_vector_subcore>, window_params = [{transform_indices = #map}, {transform_indices = #map1}, {transform_indices = #map1}, {transform_indices = #map}, {transform_indices = #map}]} {
    %mul3A = arith.constant 2 : i32
    %mul3A_0 = arith.muli %arg1, %mul3A : i32
    %add3A = arith.addi %mul3A_0, %arg0 : i32
    %jit3A = arith.constant 8 : i32
    %div3A = arith.divsi %add3A, %jit3A : i32
    %sign3A = arith.constant 0 : i32
    %sign3A_1 = arith.cmpi sgt, %add3A, %sign3A : i32
    %sign3A_2 = arith.extui %sign3A_1 : i1 to i32
    %sign3A_3 = arith.constant 0 : i32
    %sign3A_4 = arith.cmpi slt, %add3A, %sign3A_3 : i32
    %sign3A_5 = arith.extui %sign3A_4 : i1 to i32
    %sign3A_6 = arith.subi %sign3A_2, %sign3A_5 : i32
    %sign3A_7 = arith.constant 0 : i32
    %sign3A_8 = arith.cmpi sgt, %jit3A, %sign3A_7 : i32
    %sign3A_9 = arith.extui %sign3A_8 : i1 to i32
    %sign3A_10 = arith.constant 0 : i32
    %sign3A_11 = arith.cmpi slt, %jit3A, %sign3A_10 : i32
    %sign3A_12 = arith.extui %sign3A_11 : i1 to i32
    %sign3A_13 = arith.subi %sign3A_9, %sign3A_12 : i32
    %ne3A = arith.cmpi ne, %sign3A_6, %sign3A_13 : i32
    %rem3A = arith.remsi %add3A, %jit3A : i32
    %ne3A_14 = arith.constant 0 : i32
    %ne3A_15 = arith.cmpi ne, %rem3A, %ne3A_14 : i32
    %and3A = arith.andi %ne3A, %ne3A_15 : i1
    %sub3A = arith.constant 1 : i32
    %sub3A_16 = arith.subi %div3A, %sub3A : i32
    %select_n3A = arith.select %and3A, %sub3A_16, %div3A : i32
    %jit3A_17 = arith.constant 8 : i32
    %eq3A = arith.constant 0 : i32
    %eq3A_18 = arith.cmpi eq, %jit3A_17, %eq3A : i32
    %jit3A_19 = arith.constant 1 : i32
    %select_n3A_20 = arith.select %eq3A_18, %jit3A_19, %jit3A_17 : i32
    %rem3A_21 = arith.remsi %add3A, %select_n3A_20 : i32
    %ne3A_22 = arith.constant 0 : i32
    %ne3A_23 = arith.cmpi ne, %rem3A_21, %ne3A_22 : i32
    %lt3A = arith.constant 0 : i32
    %lt3A_24 = arith.cmpi slt, %rem3A_21, %lt3A : i32
    %lt3A_25 = arith.constant 0 : i32
    %lt3A_26 = arith.cmpi slt, %select_n3A_20, %lt3A_25 : i32
    %ne3A_27 = arith.xori %lt3A_24, %lt3A_26 : i1
    %and3A_28 = arith.andi %ne3A_27, %ne3A_23 : i1
    %add3A_29 = arith.addi %rem3A_21, %select_n3A_20 : i32
    %select_n3A_30 = arith.select %and3A_28, %add3A_29, %rem3A_21 : i32
    %jit3A_31 = arith.constant 2 : i32
    %div3A_32 = arith.divsi %select_n3A_30, %jit3A_31 : i32
    %sign3A_33 = arith.constant 0 : i32
    %sign3A_34 = arith.cmpi sgt, %select_n3A_30, %sign3A_33 : i32
    %sign3A_35 = arith.extui %sign3A_34 : i1 to i32
    %sign3A_36 = arith.constant 0 : i32
    %sign3A_37 = arith.cmpi slt, %select_n3A_30, %sign3A_36 : i32
    %sign3A_38 = arith.extui %sign3A_37 : i1 to i32
    %sign3A_39 = arith.subi %sign3A_35, %sign3A_38 : i32
    %sign3A_40 = arith.constant 0 : i32
    %sign3A_41 = arith.cmpi sgt, %jit3A_31, %sign3A_40 : i32
    %sign3A_42 = arith.extui %sign3A_41 : i1 to i32
    %sign3A_43 = arith.constant 0 : i32
    %sign3A_44 = arith.cmpi slt, %jit3A_31, %sign3A_43 : i32
    %sign3A_45 = arith.extui %sign3A_44 : i1 to i32
    %sign3A_46 = arith.subi %sign3A_42, %sign3A_45 : i32
    %ne3A_47 = arith.cmpi ne, %sign3A_39, %sign3A_46 : i32
    %rem3A_48 = arith.remsi %select_n3A_30, %jit3A_31 : i32
    %ne3A_49 = arith.constant 0 : i32
    %ne3A_50 = arith.cmpi ne, %rem3A_48, %ne3A_49 : i32
    %and3A_51 = arith.andi %ne3A_47, %ne3A_50 : i1
    %sub3A_52 = arith.constant 1 : i32
    %sub3A_53 = arith.subi %div3A_32, %sub3A_52 : i32
    %select_n3A_54 = arith.select %and3A_51, %sub3A_53, %div3A_32 : i32
    %jit3A_55 = arith.constant 2 : i32
    %eq3A_56 = arith.constant 0 : i32
    %eq3A_57 = arith.cmpi eq, %jit3A_55, %eq3A_56 : i32
    %jit3A_58 = arith.constant 1 : i32
    %select_n3A_59 = arith.select %eq3A_57, %jit3A_58, %jit3A_55 : i32
    %rem3A_60 = arith.remsi %select_n3A_30, %select_n3A_59 : i32
    %ne3A_61 = arith.constant 0 : i32
    %ne3A_62 = arith.cmpi ne, %rem3A_60, %ne3A_61 : i32
    %lt3A_63 = arith.constant 0 : i32
    %lt3A_64 = arith.cmpi slt, %rem3A_60, %lt3A_63 : i32
    %lt3A_65 = arith.constant 0 : i32
    %lt3A_66 = arith.cmpi slt, %select_n3A_59, %lt3A_65 : i32
    %ne3A_67 = arith.xori %lt3A_64, %lt3A_66 : i1
    %and3A_68 = arith.andi %ne3A_67, %ne3A_62 : i1
    %add3A_69 = arith.addi %rem3A_60, %select_n3A_59 : i32
    %select_n3A_70 = arith.select %and3A_68, %add3A_69, %rem3A_60 : i32
    %mul3A_71 = arith.constant 32 : i32
    %mul3A_72 = arith.muli %select_n3A_54, %mul3A_71 : i32
    %mul3A_73 = arith.constant 16 : i32
    %mul3A_74 = arith.muli %select_n3A_70, %mul3A_73 : i32
    %add3A_75 = arith.addi %mul3A_72, %mul3A_74 : i32
    %dma_start3A = arith.constant 0 : i32
    %dma_start3A_76 = arith.constant 0 : i32
    %dma_start3A_77 = arith.constant 0 : i32
    %dma_start3A_78 = arith.constant 0 : i32
    %dma_start3A_79 = tpu.memref_slice %arg9[%dma_start3A, %dma_start3A_77, %dma_start3A_78] : memref<2x4x1024xf32, #tpu.memory_space<vmem>> -> memref<1x4x1024xf32, #tpu.memory_space<vmem>>
    %dma_start3A_80 = tpu.memref_squeeze %dma_start3A_79 : memref<1x4x1024xf32, #tpu.memory_space<vmem>> -> memref<4x1024xf32, #tpu.memory_space<vmem>>
    %dma_start3A_81 = arith.constant 0 : i32
    %dma_start3A_82 = arith.constant 0 : i32
    %dma_start3A_83 = tpu.memref_slice %arg3[%select_n3A, %select_n3A_54, %dma_start3A_81, %dma_start3A_82] : memref<4x4x4x8192xf32, #tpu.memory_space<hbm>> -> memref<1x1x4x1024xf32, #tpu.memory_space<hbm>>
    %dma_start3A_84 = tpu.memref_squeeze %dma_start3A_83 : memref<1x1x4x1024xf32, #tpu.memory_space<hbm>> -> memref<4x1024xf32, #tpu.memory_space<hbm>>
    %dma_start3A_85 = tpu.memref_slice %arg12[%dma_start3A_76] : memref<2x!tpu.dma_semaphore, #tpu.memory_space<semaphore_mem>> -> memref<1x!tpu.dma_semaphore, #tpu.memory_space<semaphore_mem>>
    %dma_start3A_86 = tpu.memref_squeeze %dma_start3A_85 : memref<1x!tpu.dma_semaphore, #tpu.memory_space<semaphore_mem>> -> memref<!tpu.dma_semaphore, #tpu.memory_space<semaphore_mem>>
    %dma_start3A_87 = arith.constant 0 : i32
    %dma_start3A_88 = arith.constant 0 : i32
    %dma_start3A_89 = tpu.memref_slice %arg9[%dma_start3A, %dma_start3A_87, %dma_start3A_88] : memref<2x4x1024xf32, #tpu.memory_space<vmem>> -> memref<1x4x1024xf32, #tpu.memory_space<vmem>>
    %dma_start3A_90 = tpu.memref_squeeze %dma_start3A_89 : memref<1x4x1024xf32, #tpu.memory_space<vmem>> -> memref<4x1024xf32, #tpu.memory_space<vmem>>
    %dma_start3A_91 = arith.constant 0 : i32
    %dma_start3A_92 = arith.constant 0 : i32
    %dma_start3A_93 = tpu.memref_slice %arg3[%select_n3A, %select_n3A_54, %dma_start3A_91, %dma_start3A_92] : memref<4x4x4x8192xf32, #tpu.memory_space<hbm>> -> memref<1x1x4x1024xf32, #tpu.memory_space<hbm>>
    %dma_start3A_94 = tpu.memref_squeeze %dma_start3A_93 : memref<1x1x4x1024xf32, #tpu.memory_space<hbm>> -> memref<4x1024xf32, #tpu.memory_space<hbm>>
    tpu.enqueue_dma source(%dma_start3A_94 : memref<4x1024xf32, #tpu.memory_space<hbm>>) target(%dma_start3A_90 : memref<4x1024xf32, #tpu.memory_space<vmem>>) target_semaphore(%dma_start3A_86 : memref<!tpu.dma_semaphore, #tpu.memory_space<semaphore_mem>>)
    %dma_start3A_95 = arith.constant 0 : i32
    %dma_start3A_96 = arith.constant 0 : i32
    %dma_start3A_97 = arith.constant 0 : i32
    %dma_start3A_98 = arith.constant 0 : i32
    %dma_start3A_99 = tpu.memref_slice %arg10[%dma_start3A_95, %dma_start3A_97, %dma_start3A_98] : memref<2x4x1024xi32, #tpu.memory_space<vmem>> -> memref<1x4x1024xi32, #tpu.memory_space<vmem>>
    %dma_start3A_100 = tpu.memref_squeeze %dma_start3A_99 : memref<1x4x1024xi32, #tpu.memory_space<vmem>> -> memref<4x1024xi32, #tpu.memory_space<vmem>>
    %dma_start3A_101 = arith.constant 0 : i32
    %dma_start3A_102 = arith.constant 0 : i32
    %dma_start3A_103 = tpu.memref_slice %arg4[%select_n3A, %select_n3A_54, %dma_start3A_101, %dma_start3A_102] : memref<4x4x4x8192xi32, #tpu.memory_space<hbm>> -> memref<1x1x4x1024xi32, #tpu.memory_space<hbm>>
    %dma_start3A_104 = tpu.memref_squeeze %dma_start3A_103 : memref<1x1x4x1024xi32, #tpu.memory_space<hbm>> -> memref<4x1024xi32, #tpu.memory_space<hbm>>
    %dma_start3A_105 = tpu.memref_slice %arg13[%dma_start3A_96] : memref<2x!tpu.dma_semaphore, #tpu.memory_space<semaphore_mem>> -> memref<1x!tpu.dma_semaphore, #tpu.memory_space<semaphore_mem>>
    %dma_start3A_106 = tpu.memref_squeeze %dma_start3A_105 : memref<1x!tpu.dma_semaphore, #tpu.memory_space<semaphore_mem>> -> memref<!tpu.dma_semaphore, #tpu.memory_space<semaphore_mem>>
    %dma_start3A_107 = arith.constant 0 : i32
    %dma_start3A_108 = arith.constant 0 : i32
    %dma_start3A_109 = tpu.memref_slice %arg10[%dma_start3A_95, %dma_start3A_107, %dma_start3A_108] : memref<2x4x1024xi32, #tpu.memory_space<vmem>> -> memref<1x4x1024xi32, #tpu.memory_space<vmem>>
    %dma_start3A_110 = tpu.memref_squeeze %dma_start3A_109 : memref<1x4x1024xi32, #tpu.memory_space<vmem>> -> memref<4x1024xi32, #tpu.memory_space<vmem>>
    %dma_start3A_111 = arith.constant 0 : i32
    %dma_start3A_112 = arith.constant 0 : i32
    %dma_start3A_113 = tpu.memref_slice %arg4[%select_n3A, %select_n3A_54, %dma_start3A_111, %dma_start3A_112] : memref<4x4x4x8192xi32, #tpu.memory_space<hbm>> -> memref<1x1x4x1024xi32, #tpu.memory_space<hbm>>
    %dma_start3A_114 = tpu.memref_squeeze %dma_start3A_113 : memref<1x1x4x1024xi32, #tpu.memory_space<hbm>> -> memref<4x1024xi32, #tpu.memory_space<hbm>>
    tpu.enqueue_dma source(%dma_start3A_114 : memref<4x1024xi32, #tpu.memory_space<hbm>>) target(%dma_start3A_110 : memref<4x1024xi32, #tpu.memory_space<vmem>>) target_semaphore(%dma_start3A_106 : memref<!tpu.dma_semaphore, #tpu.memory_space<semaphore_mem>>)
    "tpu.region"() ({
      %run_scoped3A = tpu.sem_alloc : memref<!tpu.dma_semaphore, #tpu.memory_space<semaphore_mem>>
      %dma_start3A_163 = arith.constant 0 : i32
      %dma_start3A_164 = tpu.memref_slice %arg2[%select_n3A, %dma_start3A_163, %add3A_75] : memref<4x4096x128xf32, #tpu.memory_space<hbm>> -> memref<1x4096x16xf32, #tpu.memory_space<hbm>>
      %dma_start3A_165 = tpu.memref_squeeze %dma_start3A_164 : memref<1x4096x16xf32, #tpu.memory_space<hbm>> -> memref<4096x16xf32, #tpu.memory_space<hbm>>
      %dma_start3A_166 = arith.constant 0 : i32
      %dma_start3A_167 = tpu.memref_slice %arg2[%select_n3A, %dma_start3A_166, %add3A_75] : memref<4x4096x128xf32, #tpu.memory_space<hbm>> -> memref<1x4096x16xf32, #tpu.memory_space<hbm>>
      %dma_start3A_168 = tpu.memref_squeeze %dma_start3A_167 : memref<1x4096x16xf32, #tpu.memory_space<hbm>> -> memref<4096x16xf32, #tpu.memory_space<hbm>>
      tpu.enqueue_dma source(%dma_start3A_168 : memref<4096x16xf32, #tpu.memory_space<hbm>>) target(%arg7 : memref<4096x16xf32, #tpu.memory_space<vmem>>) target_semaphore(%run_scoped3A : memref<!tpu.dma_semaphore, #tpu.memory_space<semaphore_mem>>)
      %dma_wait3A_169 = arith.constant 0 : i32
      %dma_wait3A_170 = tpu.memref_slice %arg2[%select_n3A, %dma_wait3A_169, %add3A_75] : memref<4x4096x128xf32, #tpu.memory_space<hbm>> -> memref<1x4096x16xf32, #tpu.memory_space<hbm>>
      %dma_wait3A_171 = tpu.memref_squeeze %dma_wait3A_170 : memref<1x4096x16xf32, #tpu.memory_space<hbm>> -> memref<4096x16xf32, #tpu.memory_space<hbm>>
      %dma_wait3A_172 = arith.constant 0 : i32
      %dma_wait3A_173 = tpu.memref_slice %arg2[%select_n3A, %dma_wait3A_172, %add3A_75] : memref<4x4096x128xf32, #tpu.memory_space<hbm>> -> memref<1x4096x16xf32, #tpu.memory_space<hbm>>
      %dma_wait3A_174 = tpu.memref_squeeze %dma_wait3A_173 : memref<1x4096x16xf32, #tpu.memory_space<hbm>> -> memref<4096x16xf32, #tpu.memory_space<hbm>>
      tpu.wait_dma2 semaphore(%run_scoped3A : memref<!tpu.dma_semaphore, #tpu.memory_space<semaphore_mem>>) src(%dma_wait3A_174 : memref<4096x16xf32, #tpu.memory_space<hbm>>) dst(%arg7 : memref<4096x16xf32, #tpu.memory_space<vmem>>)
      tpu.yield
    }) : () -> ()
    %broadcast_in_dim3A = arith.constant 0.000000e+00 : f32
    %broadcast_in_dim3A_115 = vector.broadcast %broadcast_in_dim3A : f32 to vector<16xf32>
    %scan3A = arith.constant 0 : i32
    %scan3A_116 = arith.constant 8 : i32
    %scan3A_117 = arith.addi %scan3A, %scan3A_116 : i32
    %scan3A_118 = arith.constant 1 : i32
    %scan3A_119:2 = scf.for %scan3A_163 = %scan3A to %scan3A_117 step %scan3A_118 iter_args(%scan3A_164 = %broadcast_in_dim3A_115, %scan3A_165 = %broadcast_in_dim3A_115) -> (vector<16xf32>, vector<16xf32>)  : i32 {
      %rem3A_166 = arith.constant 2 : i32
      %rem3A_167 = arith.remsi %scan3A_163, %rem3A_166 : i32
      %add3A_168 = arith.constant 1 : i32
      %add3A_169 = arith.addi %scan3A_163, %add3A_168 : i32
      %lt3A_170 = arith.constant 8 : i32
      %lt3A_171 = arith.cmpi slt, %add3A_169, %lt3A_170 : i32
      %convert_element_type3A = arith.extui %lt3A_171 : i1 to i32
      %cond3A = arith.constant 0 : i32
      %cond3A_172 = arith.cmpi ne, %convert_element_type3A, %cond3A : i32
      scf.if %cond3A_172 {
        %add3A_232 = arith.constant 1 : i32
        %add3A_233 = arith.addi %scan3A_163, %add3A_232 : i32
        %add3A_234 = arith.constant 1 : i32
        %add3A_235 = arith.addi %scan3A_163, %add3A_234 : i32
        %rem3A_236 = arith.constant 2 : i32
        %rem3A_237 = arith.remsi %add3A_235, %rem3A_236 : i32
        %mul3A_238 = arith.constant 1024 : i32
        %mul3A_239 = arith.muli %add3A_233, %mul3A_238 : i32
        %dma_start3A_240 = arith.constant 0 : i32
        %dma_start3A_241 = arith.constant 0 : i32
        %dma_start3A_242 = tpu.memref_slice %arg9[%rem3A_237, %dma_start3A_240, %dma_start3A_241] : memref<2x4x1024xf32, #tpu.memory_space<vmem>> -> memref<1x4x1024xf32, #tpu.memory_space<vmem>>
        %dma_start3A_243 = tpu.memref_squeeze %dma_start3A_242 : memref<1x4x1024xf32, #tpu.memory_space<vmem>> -> memref<4x1024xf32, #tpu.memory_space<vmem>>
        %dma_start3A_244 = arith.constant 0 : i32
        %dma_start3A_245 = tpu.memref_slice %arg3[%select_n3A, %select_n3A_54, %dma_start3A_244, %mul3A_239] : memref<4x4x4x8192xf32, #tpu.memory_space<hbm>> -> memref<1x1x4x1024xf32, #tpu.memory_space<hbm>>
        %dma_start3A_246 = tpu.memref_squeeze %dma_start3A_245 : memref<1x1x4x1024xf32, #tpu.memory_space<hbm>> -> memref<4x1024xf32, #tpu.memory_space<hbm>>
        %dma_start3A_247 = tpu.memref_slice %arg12[%rem3A_237] : memref<2x!tpu.dma_semaphore, #tpu.memory_space<semaphore_mem>> -> memref<1x!tpu.dma_semaphore, #tpu.memory_space<semaphore_mem>>
        %dma_start3A_248 = tpu.memref_squeeze %dma_start3A_247 : memref<1x!tpu.dma_semaphore, #tpu.memory_space<semaphore_mem>> -> memref<!tpu.dma_semaphore, #tpu.memory_space<semaphore_mem>>
        %dma_start3A_249 = arith.constant 0 : i32
        %dma_start3A_250 = arith.constant 0 : i32
        %dma_start3A_251 = tpu.memref_slice %arg9[%rem3A_237, %dma_start3A_249, %dma_start3A_250] : memref<2x4x1024xf32, #tpu.memory_space<vmem>> -> memref<1x4x1024xf32, #tpu.memory_space<vmem>>
        %dma_start3A_252 = tpu.memref_squeeze %dma_start3A_251 : memref<1x4x1024xf32, #tpu.memory_space<vmem>> -> memref<4x1024xf32, #tpu.memory_space<vmem>>
        %dma_start3A_253 = arith.constant 0 : i32
        %dma_start3A_254 = tpu.memref_slice %arg3[%select_n3A, %select_n3A_54, %dma_start3A_253, %mul3A_239] : memref<4x4x4x8192xf32, #tpu.memory_space<hbm>> -> memref<1x1x4x1024xf32, #tpu.memory_space<hbm>>
        %dma_start3A_255 = tpu.memref_squeeze %dma_start3A_254 : memref<1x1x4x1024xf32, #tpu.memory_space<hbm>> -> memref<4x1024xf32, #tpu.memory_space<hbm>>
        tpu.enqueue_dma source(%dma_start3A_255 : memref<4x1024xf32, #tpu.memory_space<hbm>>) target(%dma_start3A_252 : memref<4x1024xf32, #tpu.memory_space<vmem>>) target_semaphore(%dma_start3A_248 : memref<!tpu.dma_semaphore, #tpu.memory_space<semaphore_mem>>)
        %dma_start3A_256 = arith.constant 0 : i32
        %dma_start3A_257 = arith.constant 0 : i32
        %dma_start3A_258 = tpu.memref_slice %arg10[%rem3A_237, %dma_start3A_256, %dma_start3A_257] : memref<2x4x1024xi32, #tpu.memory_space<vmem>> -> memref<1x4x1024xi32, #tpu.memory_space<vmem>>
        %dma_start3A_259 = tpu.memref_squeeze %dma_start3A_258 : memref<1x4x1024xi32, #tpu.memory_space<vmem>> -> memref<4x1024xi32, #tpu.memory_space<vmem>>
        %dma_start3A_260 = arith.constant 0 : i32
        %dma_start3A_261 = tpu.memref_slice %arg4[%select_n3A, %select_n3A_54, %dma_start3A_260, %mul3A_239] : memref<4x4x4x8192xi32, #tpu.memory_space<hbm>> -> memref<1x1x4x1024xi32, #tpu.memory_space<hbm>>
        %dma_start3A_262 = tpu.memref_squeeze %dma_start3A_261 : memref<1x1x4x1024xi32, #tpu.memory_space<hbm>> -> memref<4x1024xi32, #tpu.memory_space<hbm>>
        %dma_start3A_263 = tpu.memref_slice %arg13[%rem3A_237] : memref<2x!tpu.dma_semaphore, #tpu.memory_space<semaphore_mem>> -> memref<1x!tpu.dma_semaphore, #tpu.memory_space<semaphore_mem>>
        %dma_start3A_264 = tpu.memref_squeeze %dma_start3A_263 : memref<1x!tpu.dma_semaphore, #tpu.memory_space<semaphore_mem>> -> memref<!tpu.dma_semaphore, #tpu.memory_space<semaphore_mem>>
        %dma_start3A_265 = arith.constant 0 : i32
        %dma_start3A_266 = arith.constant 0 : i32
        %dma_start3A_267 = tpu.memref_slice %arg10[%rem3A_237, %dma_start3A_265, %dma_start3A_266] : memref<2x4x1024xi32, #tpu.memory_space<vmem>> -> memref<1x4x1024xi32, #tpu.memory_space<vmem>>
        %dma_start3A_268 = tpu.memref_squeeze %dma_start3A_267 : memref<1x4x1024xi32, #tpu.memory_space<vmem>> -> memref<4x1024xi32, #tpu.memory_space<vmem>>
        %dma_start3A_269 = arith.constant 0 : i32
        %dma_start3A_270 = tpu.memref_slice %arg4[%select_n3A, %select_n3A_54, %dma_start3A_269, %mul3A_239] : memref<4x4x4x8192xi32, #tpu.memory_space<hbm>> -> memref<1x1x4x1024xi32, #tpu.memory_space<hbm>>
        %dma_start3A_271 = tpu.memref_squeeze %dma_start3A_270 : memref<1x1x4x1024xi32, #tpu.memory_space<hbm>> -> memref<4x1024xi32, #tpu.memory_space<hbm>>
        tpu.enqueue_dma source(%dma_start3A_271 : memref<4x1024xi32, #tpu.memory_space<hbm>>) target(%dma_start3A_268 : memref<4x1024xi32, #tpu.memory_space<vmem>>) target_semaphore(%dma_start3A_264 : memref<!tpu.dma_semaphore, #tpu.memory_space<semaphore_mem>>)
      } else {
      }
      %dma_wait3A_173 = arith.constant 0 : i32
      %dma_wait3A_174 = arith.constant 0 : i32
      %dma_wait3A_175 = tpu.memref_slice %arg9[%rem3A_167, %dma_wait3A_173, %dma_wait3A_174] : memref<2x4x1024xf32, #tpu.memory_space<vmem>> -> memref<1x4x1024xf32, #tpu.memory_space<vmem>>
      %dma_wait3A_176 = tpu.memref_squeeze %dma_wait3A_175 : memref<1x4x1024xf32, #tpu.memory_space<vmem>> -> memref<4x1024xf32, #tpu.memory_space<vmem>>
      %dma_wait3A_177 = arith.constant 0 : i32
      %dma_wait3A_178 = arith.constant 0 : i32
      %dma_wait3A_179 = tpu.memref_slice %arg3[%select_n3A, %select_n3A_54, %dma_wait3A_177, %dma_wait3A_178] : memref<4x4x4x8192xf32, #tpu.memory_space<hbm>> -> memref<1x1x4x1024xf32, #tpu.memory_space<hbm>>
      %dma_wait3A_180 = tpu.memref_squeeze %dma_wait3A_179 : memref<1x1x4x1024xf32, #tpu.memory_space<hbm>> -> memref<4x1024xf32, #tpu.memory_space<hbm>>
      %dma_wait3A_181 = tpu.memref_slice %arg12[%rem3A_167] : memref<2x!tpu.dma_semaphore, #tpu.memory_space<semaphore_mem>> -> memref<1x!tpu.dma_semaphore, #tpu.memory_space<semaphore_mem>>
      %dma_wait3A_182 = tpu.memref_squeeze %dma_wait3A_181 : memref<1x!tpu.dma_semaphore, #tpu.memory_space<semaphore_mem>> -> memref<!tpu.dma_semaphore, #tpu.memory_space<semaphore_mem>>
      %dma_wait3A_183 = arith.constant 0 : i32
      %dma_wait3A_184 = arith.constant 0 : i32
      %dma_wait3A_185 = tpu.memref_slice %arg9[%rem3A_167, %dma_wait3A_183, %dma_wait3A_184] : memref<2x4x1024xf32, #tpu.memory_space<vmem>> -> memref<1x4x1024xf32, #tpu.memory_space<vmem>>
      %dma_wait3A_186 = tpu.memref_squeeze %dma_wait3A_185 : memref<1x4x1024xf32, #tpu.memory_space<vmem>> -> memref<4x1024xf32, #tpu.memory_space<vmem>>
      %dma_wait3A_187 = arith.constant 0 : i32
      %dma_wait3A_188 = arith.constant 0 : i32
      %dma_wait3A_189 = tpu.memref_slice %arg3[%select_n3A, %select_n3A_54, %dma_wait3A_187, %dma_wait3A_188] : memref<4x4x4x8192xf32, #tpu.memory_space<hbm>> -> memref<1x1x4x1024xf32, #tpu.memory_space<hbm>>
      %dma_wait3A_190 = tpu.memref_squeeze %dma_wait3A_189 : memref<1x1x4x1024xf32, #tpu.memory_space<hbm>> -> memref<4x1024xf32, #tpu.memory_space<hbm>>
      tpu.wait_dma2 semaphore(%dma_wait3A_182 : memref<!tpu.dma_semaphore, #tpu.memory_space<semaphore_mem>>) src(%dma_wait3A_190 : memref<4x1024xf32, #tpu.memory_space<hbm>>) dst(%dma_wait3A_186 : memref<4x1024xf32, #tpu.memory_space<vmem>>)
      %dma_wait3A_191 = arith.constant 0 : i32
      %dma_wait3A_192 = arith.constant 0 : i32
      %dma_wait3A_193 = tpu.memref_slice %arg10[%rem3A_167, %dma_wait3A_191, %dma_wait3A_192] : memref<2x4x1024xi32, #tpu.memory_space<vmem>> -> memref<1x4x1024xi32, #tpu.memory_space<vmem>>
      %dma_wait3A_194 = tpu.memref_squeeze %dma_wait3A_193 : memref<1x4x1024xi32, #tpu.memory_space<vmem>> -> memref<4x1024xi32, #tpu.memory_space<vmem>>
      %dma_wait3A_195 = arith.constant 0 : i32
      %dma_wait3A_196 = arith.constant 0 : i32
      %dma_wait3A_197 = tpu.memref_slice %arg4[%select_n3A, %select_n3A_54, %dma_wait3A_195, %dma_wait3A_196] : memref<4x4x4x8192xi32, #tpu.memory_space<hbm>> -> memref<1x1x4x1024xi32, #tpu.memory_space<hbm>>
      %dma_wait3A_198 = tpu.memref_squeeze %dma_wait3A_197 : memref<1x1x4x1024xi32, #tpu.memory_space<hbm>> -> memref<4x1024xi32, #tpu.memory_space<hbm>>
      %dma_wait3A_199 = tpu.memref_slice %arg13[%rem3A_167] : memref<2x!tpu.dma_semaphore, #tpu.memory_space<semaphore_mem>> -> memref<1x!tpu.dma_semaphore, #tpu.memory_space<semaphore_mem>>
      %dma_wait3A_200 = tpu.memref_squeeze %dma_wait3A_199 : memref<1x!tpu.dma_semaphore, #tpu.memory_space<semaphore_mem>> -> memref<!tpu.dma_semaphore, #tpu.memory_space<semaphore_mem>>
      %dma_wait3A_201 = arith.constant 0 : i32
      %dma_wait3A_202 = arith.constant 0 : i32
      %dma_wait3A_203 = tpu.memref_slice %arg10[%rem3A_167, %dma_wait3A_201, %dma_wait3A_202] : memref<2x4x1024xi32, #tpu.memory_space<vmem>> -> memref<1x4x1024xi32, #tpu.memory_space<vmem>>
      %dma_wait3A_204 = tpu.memref_squeeze %dma_wait3A_203 : memref<1x4x1024xi32, #tpu.memory_space<vmem>> -> memref<4x1024xi32, #tpu.memory_space<vmem>>
      %dma_wait3A_205 = arith.constant 0 : i32
      %dma_wait3A_206 = arith.constant 0 : i32
      %dma_wait3A_207 = tpu.memref_slice %arg4[%select_n3A, %select_n3A_54, %dma_wait3A_205, %dma_wait3A_206] : memref<4x4x4x8192xi32, #tpu.memory_space<hbm>> -> memref<1x1x4x1024xi32, #tpu.memory_space<hbm>>
      %dma_wait3A_208 = tpu.memref_squeeze %dma_wait3A_207 : memref<1x1x4x1024xi32, #tpu.memory_space<hbm>> -> memref<4x1024xi32, #tpu.memory_space<hbm>>
      tpu.wait_dma2 semaphore(%dma_wait3A_200 : memref<!tpu.dma_semaphore, #tpu.memory_space<semaphore_mem>>) src(%dma_wait3A_208 : memref<4x1024xi32, #tpu.memory_space<hbm>>) dst(%dma_wait3A_204 : memref<4x1024xi32, #tpu.memory_space<vmem>>)
      %ge3A = arith.constant 2 : i32
      %ge3A_209 = arith.cmpi sge, %scan3A_163, %ge3A : i32
      %convert_element_type3A_210 = arith.extui %ge3A_209 : i1 to i32
      %cond3A_211 = arith.constant 0 : i32
      %cond3A_212 = arith.cmpi ne, %convert_element_type3A_210, %cond3A_211 : i32
      scf.if %cond3A_212 {
        %dma_wait3A_232 = arith.constant 0 : i32
        %dma_wait3A_233 = arith.constant 0 : i32
        %dma_wait3A_234 = tpu.memref_slice %arg8[%rem3A_167, %dma_wait3A_232, %dma_wait3A_233] : memref<2x1024x16xf32, #tpu.memory_space<vmem>> -> memref<1x1024x16xf32, #tpu.memory_space<vmem>>
        %dma_wait3A_235 = tpu.memref_squeeze %dma_wait3A_234 : memref<1x1024x16xf32, #tpu.memory_space<vmem>> -> memref<1024x16xf32, #tpu.memory_space<vmem>>
        %dma_wait3A_236 = arith.constant 0 : i32
        %dma_wait3A_237 = tpu.memref_slice %arg5[%select_n3A, %dma_wait3A_236, %add3A_75] : memref<4x8192x128xf32, #tpu.memory_space<hbm>> -> memref<1x1024x16xf32, #tpu.memory_space<hbm>>
        %dma_wait3A_238 = tpu.memref_squeeze %dma_wait3A_237 : memref<1x1024x16xf32, #tpu.memory_space<hbm>> -> memref<1024x16xf32, #tpu.memory_space<hbm>>
        %dma_wait3A_239 = tpu.memref_slice %arg14[%rem3A_167] : memref<2x!tpu.dma_semaphore, #tpu.memory_space<semaphore_mem>> -> memref<1x!tpu.dma_semaphore, #tpu.memory_space<semaphore_mem>>
        %dma_wait3A_240 = tpu.memref_squeeze %dma_wait3A_239 : memref<1x!tpu.dma_semaphore, #tpu.memory_space<semaphore_mem>> -> memref<!tpu.dma_semaphore, #tpu.memory_space<semaphore_mem>>
        %dma_wait3A_241 = arith.constant 0 : i32
        %dma_wait3A_242 = tpu.memref_slice %arg5[%select_n3A, %dma_wait3A_241, %add3A_75] : memref<4x8192x128xf32, #tpu.memory_space<hbm>> -> memref<1x1024x16xf32, #tpu.memory_space<hbm>>
        %dma_wait3A_243 = tpu.memref_squeeze %dma_wait3A_242 : memref<1x1024x16xf32, #tpu.memory_space<hbm>> -> memref<1024x16xf32, #tpu.memory_space<hbm>>
        %dma_wait3A_244 = arith.constant 0 : i32
        %dma_wait3A_245 = arith.constant 0 : i32
        %dma_wait3A_246 = tpu.memref_slice %arg8[%rem3A_167, %dma_wait3A_244, %dma_wait3A_245] : memref<2x1024x16xf32, #tpu.memory_space<vmem>> -> memref<1x1024x16xf32, #tpu.memory_space<vmem>>
        %dma_wait3A_247 = tpu.memref_squeeze %dma_wait3A_246 : memref<1x1024x16xf32, #tpu.memory_space<vmem>> -> memref<1024x16xf32, #tpu.memory_space<vmem>>
        tpu.wait_dma2 semaphore(%dma_wait3A_240 : memref<!tpu.dma_semaphore, #tpu.memory_space<semaphore_mem>>) src(%dma_wait3A_247 : memref<1024x16xf32, #tpu.memory_space<vmem>>) dst(%dma_wait3A_243 : memref<1024x16xf32, #tpu.memory_space<hbm>>)
      } else {
      }
      %parallel_loop3A = arith.constant 0 : i32
      %parallel_loop3A_213 = arith.constant 64 : i32
      %parallel_loop3A_214 = arith.constant 1 : i32
      %parallel_loop3A_215:2 = scf.for %parallel_loop3A_232 = %parallel_loop3A to %parallel_loop3A_213 step %parallel_loop3A_214 iter_args(%parallel_loop3A_233 = %scan3A_164, %parallel_loop3A_234 = %scan3A_165) -> (vector<16xf32>, vector<16xf32>)  : i32 {
        %parallel_loop3A_235 = arith.constant 16 : i32
        %parallel_loop3A_236 = arith.muli %parallel_loop3A_232, %parallel_loop3A_235 : i32
        %parallel_loop3A_237 = arith.constant 0 : i32
        %parallel_loop3A_238 = arith.index_cast %rem3A_167 : i32 to index
        %parallel_loop3A_239 = arith.index_cast %parallel_loop3A_237 : i32 to index
        %parallel_loop3A_240 = arith.index_cast %parallel_loop3A_236 : i32 to index
        %parallel_loop3A_241 = tpu.vector_load %arg9[%parallel_loop3A_238, %parallel_loop3A_239, %parallel_loop3A_240] {strides = array<i32>} : memref<2x4x1024xf32, #tpu.memory_space<vmem>>, vector<16xf32>,
        %parallel_loop3A_242 = arith.constant 1 : i32
        %parallel_loop3A_243 = arith.index_cast %rem3A_167 : i32 to index
        %parallel_loop3A_244 = arith.index_cast %parallel_loop3A_242 : i32 to index
        %parallel_loop3A_245 = arith.index_cast %parallel_loop3A_236 : i32 to index
        %parallel_loop3A_246 = tpu.vector_load %arg9[%parallel_loop3A_243, %parallel_loop3A_244, %parallel_loop3A_245] {strides = array<i32>} : memref<2x4x1024xf32, #tpu.memory_space<vmem>>, vector<16xf32>,
        %parallel_loop3A_247 = arith.constant 2 : i32
        %parallel_loop3A_248 = arith.index_cast %rem3A_167 : i32 to index
        %parallel_loop3A_249 = arith.index_cast %parallel_loop3A_247 : i32 to index
        %parallel_loop3A_250 = arith.index_cast %parallel_loop3A_236 : i32 to index
        %parallel_loop3A_251 = tpu.vector_load %arg9[%parallel_loop3A_248, %parallel_loop3A_249, %parallel_loop3A_250] {strides = array<i32>} : memref<2x4x1024xf32, #tpu.memory_space<vmem>>, vector<16xf32>,
        %parallel_loop3A_252 = arith.constant 3 : i32
        %parallel_loop3A_253 = arith.index_cast %rem3A_167 : i32 to index
        %parallel_loop3A_254 = arith.index_cast %parallel_loop3A_252 : i32 to index
        %parallel_loop3A_255 = arith.index_cast %parallel_loop3A_236 : i32 to index
        %parallel_loop3A_256 = tpu.vector_load %arg9[%parallel_loop3A_253, %parallel_loop3A_254, %parallel_loop3A_255] {strides = array<i32>} : memref<2x4x1024xf32, #tpu.memory_space<vmem>>, vector<16xf32>,
        %parallel_loop3A_257 = arith.constant 0 : i32
        %parallel_loop3A_258 = arith.index_cast %rem3A_167 : i32 to index
        %parallel_loop3A_259 = arith.index_cast %parallel_loop3A_257 : i32 to index
        %parallel_loop3A_260 = arith.index_cast %parallel_loop3A_236 : i32 to index
        %parallel_loop3A_261 = tpu.vector_load %arg10[%parallel_loop3A_258, %parallel_loop3A_259, %parallel_loop3A_260] {strides = array<i32>} : memref<2x4x1024xi32, #tpu.memory_space<vmem>>, vector<16xi32>,
        %parallel_loop3A_262 = arith.constant 1 : i32
        %parallel_loop3A_263 = arith.index_cast %rem3A_167 : i32 to index
        %parallel_loop3A_264 = arith.index_cast %parallel_loop3A_262 : i32 to index
        %parallel_loop3A_265 = arith.index_cast %parallel_loop3A_236 : i32 to index
        %parallel_loop3A_266 = tpu.vector_load %arg10[%parallel_loop3A_263, %parallel_loop3A_264, %parallel_loop3A_265] {strides = array<i32>} : memref<2x4x1024xi32, #tpu.memory_space<vmem>>, vector<16xi32>,
        %parallel_loop3A_267 = arith.constant 2 : i32
        %parallel_loop3A_268 = arith.index_cast %rem3A_167 : i32 to index
        %parallel_loop3A_269 = arith.index_cast %parallel_loop3A_267 : i32 to index
        %parallel_loop3A_270 = arith.index_cast %parallel_loop3A_236 : i32 to index
        %parallel_loop3A_271 = tpu.vector_load %arg10[%parallel_loop3A_268, %parallel_loop3A_269, %parallel_loop3A_270] {strides = array<i32>} : memref<2x4x1024xi32, #tpu.memory_space<vmem>>, vector<16xi32>,
        %parallel_loop3A_272 = arith.constant 3 : i32
        %parallel_loop3A_273 = arith.index_cast %rem3A_167 : i32 to index
        %parallel_loop3A_274 = arith.index_cast %parallel_loop3A_272 : i32 to index
        %parallel_loop3A_275 = arith.index_cast %parallel_loop3A_236 : i32 to index
        %parallel_loop3A_276 = tpu.vector_load %arg10[%parallel_loop3A_273, %parallel_loop3A_274, %parallel_loop3A_275] {strides = array<i32>} : memref<2x4x1024xi32, #tpu.memory_space<vmem>>, vector<16xi32>,
        %parallel_loop3A_277 = vector.extract_strided_slice %parallel_loop3A_261 {offsets = [0], sizes = [1], strides = [1]} : vector<16xi32> to vector<1xi32>
        %parallel_loop3A_278 = vector.extract %parallel_loop3A_277[0] : i32 from vector<1xi32>
        %parallel_loop3A_279 = arith.index_cast %parallel_loop3A_278 : i32 to index
        %parallel_loop3A_280 = arith.constant 0 : index
        %parallel_loop3A_281 = tpu.vector_load %arg7[%parallel_loop3A_279, %parallel_loop3A_280] {strides = array<i32>} : memref<4096x16xf32, #tpu.memory_space<vmem>>, vector<16xf32>,
        %parallel_loop3A_282 = vector.extract_strided_slice %parallel_loop3A_241 {offsets = [0], sizes = [1], strides = [1]} : vector<16xf32> to vector<1xf32>
        %parallel_loop3A_283 = vector.extract %parallel_loop3A_282[0] : f32 from vector<1xf32>
        %parallel_loop3A_284 = vector.broadcast %parallel_loop3A_283 : f32 to vector<16xf32>
        %parallel_loop3A_285 = arith.mulf %parallel_loop3A_281, %parallel_loop3A_284 : vector<16xf32>
        %parallel_loop3A_286 = vector.extract_strided_slice %parallel_loop3A_266 {offsets = [0], sizes = [1], strides = [1]} : vector<16xi32> to vector<1xi32>
        %parallel_loop3A_287 = vector.extract %parallel_loop3A_286[0] : i32 from vector<1xi32>
        %parallel_loop3A_288 = arith.index_cast %parallel_loop3A_287 : i32 to index
        %parallel_loop3A_289 = arith.constant 0 : index
        %parallel_loop3A_290 = tpu.vector_load %arg7[%parallel_loop3A_288, %parallel_loop3A_289] {strides = array<i32>} : memref<4096x16xf32, #tpu.memory_space<vmem>>, vector<16xf32>,
        %parallel_loop3A_291 = vector.extract_strided_slice %parallel_loop3A_246 {offsets = [0], sizes = [1], strides = [1]} : vector<16xf32> to vector<1xf32>
        %parallel_loop3A_292 = vector.extract %parallel_loop3A_291[0] : f32 from vector<1xf32>
        %parallel_loop3A_293 = vector.broadcast %parallel_loop3A_292 : f32 to vector<16xf32>
        %parallel_loop3A_294 = arith.mulf %parallel_loop3A_290, %parallel_loop3A_293 : vector<16xf32>
        %parallel_loop3A_295 = arith.addf %parallel_loop3A_285, %parallel_loop3A_294 : vector<16xf32>
        %parallel_loop3A_296 = vector.extract_strided_slice %parallel_loop3A_271 {offsets = [0], sizes = [1], strides = [1]} : vector<16xi32> to vector<1xi32>
        %parallel_loop3A_297 = vector.extract %parallel_loop3A_296[0] : i32 from vector<1xi32>
        %parallel_loop3A_298 = arith.index_cast %parallel_loop3A_297 : i32 to index
        %parallel_loop3A_299 = arith.constant 0 : index
        %parallel_loop3A_300 = tpu.vector_load %arg7[%parallel_loop3A_298, %parallel_loop3A_299] {strides = array<i32>} : memref<4096x16xf32, #tpu.memory_space<vmem>>, vector<16xf32>,
        %parallel_loop3A_301 = vector.extract_strided_slice %parallel_loop3A_251 {offsets = [0], sizes = [1], strides = [1]} : vector<16xf32> to vector<1xf32>
        %parallel_loop3A_302 = vector.extract %parallel_loop3A_301[0] : f32 from vector<1xf32>
        %parallel_loop3A_303 = vector.broadcast %parallel_loop3A_302 : f32 to vector<16xf32>
        %parallel_loop3A_304 = arith.mulf %parallel_loop3A_300, %parallel_loop3A_303 : vector<16xf32>
        %parallel_loop3A_305 = arith.addf %parallel_loop3A_295, %parallel_loop3A_304 : vector<16xf32>
        %parallel_loop3A_306 = vector.extract_strided_slice %parallel_loop3A_276 {offsets = [0], sizes = [1], strides = [1]} : vector<16xi32> to vector<1xi32>
        %parallel_loop3A_307 = vector.extract %parallel_loop3A_306[0] : i32 from vector<1xi32>
        %parallel_loop3A_308 = arith.index_cast %parallel_loop3A_307 : i32 to index
        %parallel_loop3A_309 = arith.constant 0 : index
        %parallel_loop3A_310 = tpu.vector_load %arg7[%parallel_loop3A_308, %parallel_loop3A_309] {strides = array<i32>} : memref<4096x16xf32, #tpu.memory_space<vmem>>, vector<16xf32>,
        %parallel_loop3A_311 = vector.extract_strided_slice %parallel_loop3A_256 {offsets = [0], sizes = [1], strides = [1]} : vector<16xf32> to vector<1xf32>
        %parallel_loop3A_312 = vector.extract %parallel_loop3A_311[0] : f32 from vector<1xf32>
        %parallel_loop3A_313 = vector.broadcast %parallel_loop3A_312 : f32 to vector<16xf32>
        %parallel_loop3A_314 = arith.mulf %parallel_loop3A_310, %parallel_loop3A_313 : vector<16xf32>
        %parallel_loop3A_315 = arith.addf %parallel_loop3A_305, %parallel_loop3A_314 : vector<16xf32>
        %parallel_loop3A_316 = arith.constant 0 : i32
        %parallel_loop3A_317 = arith.addi %parallel_loop3A_236, %parallel_loop3A_316 : i32
        %parallel_loop3A_318 = arith.index_cast %rem3A_167 : i32 to index
        %parallel_loop3A_319 = arith.index_cast %parallel_loop3A_317 : i32 to index
        %parallel_loop3A_320 = arith.constant 0 : index
        %parallel_loop3A_321 = tpu.vector_load %arg8[%parallel_loop3A_318, %parallel_loop3A_319, %parallel_loop3A_320] {strides = array<i32>} : memref<2x1024x16xf32, #tpu.memory_space<vmem>>, vector<16xf32>,
        tpu.vector_store %arg8[%parallel_loop3A_318, %parallel_loop3A_319, %parallel_loop3A_320], %parallel_loop3A_315 {strides = array<i32>} : memref<2x1024x16xf32, #tpu.memory_space<vmem>>, vector<16xf32>,
        %parallel_loop3A_322 = arith.addf %parallel_loop3A_233, %parallel_loop3A_315 : vector<16xf32>
        %parallel_loop3A_323 = arith.mulf %parallel_loop3A_315, %parallel_loop3A_315 : vector<16xf32>
        %parallel_loop3A_324 = arith.addf %parallel_loop3A_234, %parallel_loop3A_323 : vector<16xf32>
        %parallel_loop3A_325 = vector.extract_strided_slice %parallel_loop3A_261 {offsets = [1], sizes = [1], strides = [1]} : vector<16xi32> to vector<1xi32>
        %parallel_loop3A_326 = vector.extract %parallel_loop3A_325[0] : i32 from vector<1xi32>
        %parallel_loop3A_327 = arith.index_cast %parallel_loop3A_326 : i32 to index
        %parallel_loop3A_328 = arith.constant 0 : index
        %parallel_loop3A_329 = tpu.vector_load %arg7[%parallel_loop3A_327, %parallel_loop3A_328] {strides = array<i32>} : memref<4096x16xf32, #tpu.memory_space<vmem>>, vector<16xf32>,
        %parallel_loop3A_330 = vector.extract_strided_slice %parallel_loop3A_241 {offsets = [1], sizes = [1], strides = [1]} : vector<16xf32> to vector<1xf32>
        %parallel_loop3A_331 = vector.extract %parallel_loop3A_330[0] : f32 from vector<1xf32>
        %parallel_loop3A_332 = vector.broadcast %parallel_loop3A_331 : f32 to vector<16xf32>
        %parallel_loop3A_333 = arith.mulf %parallel_loop3A_329, %parallel_loop3A_332 : vector<16xf32>
        %parallel_loop3A_334 = vector.extract_strided_slice %parallel_loop3A_266 {offsets = [1], sizes = [1], strides = [1]} : vector<16xi32> to vector<1xi32>
        %parallel_loop3A_335 = vector.extract %parallel_loop3A_334[0] : i32 from vector<1xi32>
        %parallel_loop3A_336 = arith.index_cast %parallel_loop3A_335 : i32 to index
        %parallel_loop3A_337 = arith.constant 0 : index
        %parallel_loop3A_338 = tpu.vector_load %arg7[%parallel_loop3A_336, %parallel_loop3A_337] {strides = array<i32>} : memref<4096x16xf32, #tpu.memory_space<vmem>>, vector<16xf32>,
        %parallel_loop3A_339 = vector.extract_strided_slice %parallel_loop3A_246 {offsets = [1], sizes = [1], strides = [1]} : vector<16xf32> to vector<1xf32>
        %parallel_loop3A_340 = vector.extract %parallel_loop3A_339[0] : f32 from vector<1xf32>
        %parallel_loop3A_341 = vector.broadcast %parallel_loop3A_340 : f32 to vector<16xf32>
        %parallel_loop3A_342 = arith.mulf %parallel_loop3A_338, %parallel_loop3A_341 : vector<16xf32>
        %parallel_loop3A_343 = arith.addf %parallel_loop3A_333, %parallel_loop3A_342 : vector<16xf32>
        %parallel_loop3A_344 = vector.extract_strided_slice %parallel_loop3A_271 {offsets = [1], sizes = [1], strides = [1]} : vector<16xi32> to vector<1xi32>
        %parallel_loop3A_345 = vector.extract %parallel_loop3A_344[0] : i32 from vector<1xi32>
        %parallel_loop3A_346 = arith.index_cast %parallel_loop3A_345 : i32 to index
        %parallel_loop3A_347 = arith.constant 0 : index
        %parallel_loop3A_348 = tpu.vector_load %arg7[%parallel_loop3A_346, %parallel_loop3A_347] {strides = array<i32>} : memref<4096x16xf32, #tpu.memory_space<vmem>>, vector<16xf32>,
        %parallel_loop3A_349 = vector.extract_strided_slice %parallel_loop3A_251 {offsets = [1], sizes = [1], strides = [1]} : vector<16xf32> to vector<1xf32>
        %parallel_loop3A_350 = vector.extract %parallel_loop3A_349[0] : f32 from vector<1xf32>
        %parallel_loop3A_351 = vector.broadcast %parallel_loop3A_350 : f32 to vector<16xf32>
        %parallel_loop3A_352 = arith.mulf %parallel_loop3A_348, %parallel_loop3A_351 : vector<16xf32>
        %parallel_loop3A_353 = arith.addf %parallel_loop3A_343, %parallel_loop3A_352 : vector<16xf32>
        %parallel_loop3A_354 = vector.extract_strided_slice %parallel_loop3A_276 {offsets = [1], sizes = [1], strides = [1]} : vector<16xi32> to vector<1xi32>
        %parallel_loop3A_355 = vector.extract %parallel_loop3A_354[0] : i32 from vector<1xi32>
        %parallel_loop3A_356 = arith.index_cast %parallel_loop3A_355 : i32 to index
        %parallel_loop3A_357 = arith.constant 0 : index
        %parallel_loop3A_358 = tpu.vector_load %arg7[%parallel_loop3A_356, %parallel_loop3A_357] {strides = array<i32>} : memref<4096x16xf32, #tpu.memory_space<vmem>>, vector<16xf32>,
        %parallel_loop3A_359 = vector.extract_strided_slice %parallel_loop3A_256 {offsets = [1], sizes = [1], strides = [1]} : vector<16xf32> to vector<1xf32>
        %parallel_loop3A_360 = vector.extract %parallel_loop3A_359[0] : f32 from vector<1xf32>
        %parallel_loop3A_361 = vector.broadcast %parallel_loop3A_360 : f32 to vector<16xf32>
        %parallel_loop3A_362 = arith.mulf %parallel_loop3A_358, %parallel_loop3A_361 : vector<16xf32>
        %parallel_loop3A_363 = arith.addf %parallel_loop3A_353, %parallel_loop3A_362 : vector<16xf32>
        %parallel_loop3A_364 = arith.constant 1 : i32
        %parallel_loop3A_365 = arith.addi %parallel_loop3A_236, %parallel_loop3A_364 : i32
        %parallel_loop3A_366 = arith.index_cast %rem3A_167 : i32 to index
        %parallel_loop3A_367 = arith.index_cast %parallel_loop3A_365 : i32 to index
        %parallel_loop3A_368 = arith.constant 0 : index
        %parallel_loop3A_369 = tpu.vector_load %arg8[%parallel_loop3A_366, %parallel_loop3A_367, %parallel_loop3A_368] {strides = array<i32>} : memref<2x1024x16xf32, #tpu.memory_space<vmem>>, vector<16xf32>,
        tpu.vector_store %arg8[%parallel_loop3A_366, %parallel_loop3A_367, %parallel_loop3A_368], %parallel_loop3A_363 {strides = array<i32>} : memref<2x1024x16xf32, #tpu.memory_space<vmem>>, vector<16xf32>,
        %parallel_loop3A_370 = arith.addf %parallel_loop3A_322, %parallel_loop3A_363 : vector<16xf32>
        %parallel_loop3A_371 = arith.mulf %parallel_loop3A_363, %parallel_loop3A_363 : vector<16xf32>
        %parallel_loop3A_372 = arith.addf %parallel_loop3A_324, %parallel_loop3A_371 : vector<16xf32>
        %parallel_loop3A_373 = vector.extract_strided_slice %parallel_loop3A_261 {offsets = [2], sizes = [1], strides = [1]} : vector<16xi32> to vector<1xi32>
        %parallel_loop3A_374 = vector.extract %parallel_loop3A_373[0] : i32 from vector<1xi32>
        %parallel_loop3A_375 = arith.index_cast %parallel_loop3A_374 : i32 to index
        %parallel_loop3A_376 = arith.constant 0 : index
        %parallel_loop3A_377 = tpu.vector_load %arg7[%parallel_loop3A_375, %parallel_loop3A_376] {strides = array<i32>} : memref<4096x16xf32, #tpu.memory_space<vmem>>, vector<16xf32>,
        %parallel_loop3A_378 = vector.extract_strided_slice %parallel_loop3A_241 {offsets = [2], sizes = [1], strides = [1]} : vector<16xf32> to vector<1xf32>
        %parallel_loop3A_379 = vector.extract %parallel_loop3A_378[0] : f32 from vector<1xf32>
        %parallel_loop3A_380 = vector.broadcast %parallel_loop3A_379 : f32 to vector<16xf32>
        %parallel_loop3A_381 = arith.mulf %parallel_loop3A_377, %parallel_loop3A_380 : vector<16xf32>
        %parallel_loop3A_382 = vector.extract_strided_slice %parallel_loop3A_266 {offsets = [2], sizes = [1], strides = [1]} : vector<16xi32> to vector<1xi32>
        %parallel_loop3A_383 = vector.extract %parallel_loop3A_382[0] : i32 from vector<1xi32>
        %parallel_loop3A_384 = arith.index_cast %parallel_loop3A_383 : i32 to index
        %parallel_loop3A_385 = arith.constant 0 : index
        %parallel_loop3A_386 = tpu.vector_load %arg7[%parallel_loop3A_384, %parallel_loop3A_385] {strides = array<i32>} : memref<4096x16xf32, #tpu.memory_space<vmem>>, vector<16xf32>,
        %parallel_loop3A_387 = vector.extract_strided_slice %parallel_loop3A_246 {offsets = [2], sizes = [1], strides = [1]} : vector<16xf32> to vector<1xf32>
        %parallel_loop3A_388 = vector.extract %parallel_loop3A_387[0] : f32 from vector<1xf32>
        %parallel_loop3A_389 = vector.broadcast %parallel_loop3A_388 : f32 to vector<16xf32>
        %parallel_loop3A_390 = arith.mulf %parallel_loop3A_386, %parallel_loop3A_389 : vector<16xf32>
        %parallel_loop3A_391 = arith.addf %parallel_loop3A_381, %parallel_loop3A_390 : vector<16xf32>
        %parallel_loop3A_392 = vector.extract_strided_slice %parallel_loop3A_271 {offsets = [2], sizes = [1], strides = [1]} : vector<16xi32> to vector<1xi32>
        %parallel_loop3A_393 = vector.extract %parallel_loop3A_392[0] : i32 from vector<1xi32>
        %parallel_loop3A_394 = arith.index_cast %parallel_loop3A_393 : i32 to index
        %parallel_loop3A_395 = arith.constant 0 : index
        %parallel_loop3A_396 = tpu.vector_load %arg7[%parallel_loop3A_394, %parallel_loop3A_395] {strides = array<i32>} : memref<4096x16xf32, #tpu.memory_space<vmem>>, vector<16xf32>,
        %parallel_loop3A_397 = vector.extract_strided_slice %parallel_loop3A_251 {offsets = [2], sizes = [1], strides = [1]} : vector<16xf32> to vector<1xf32>
        %parallel_loop3A_398 = vector.extract %parallel_loop3A_397[0] : f32 from vector<1xf32>
        %parallel_loop3A_399 = vector.broadcast %parallel_loop3A_398 : f32 to vector<16xf32>
        %parallel_loop3A_400 = arith.mulf %parallel_loop3A_396, %parallel_loop3A_399 : vector<16xf32>
        %parallel_loop3A_401 = arith.addf %parallel_loop3A_391, %parallel_loop3A_400 : vector<16xf32>
        %parallel_loop3A_402 = vector.extract_strided_slice %parallel_loop3A_276 {offsets = [2], sizes = [1], strides = [1]} : vector<16xi32> to vector<1xi32>
        %parallel_loop3A_403 = vector.extract %parallel_loop3A_402[0] : i32 from vector<1xi32>
        %parallel_loop3A_404 = arith.index_cast %parallel_loop3A_403 : i32 to index
        %parallel_loop3A_405 = arith.constant 0 : index
        %parallel_loop3A_406 = tpu.vector_load %arg7[%parallel_loop3A_404, %parallel_loop3A_405] {strides = array<i32>} : memref<4096x16xf32, #tpu.memory_space<vmem>>, vector<16xf32>,
        %parallel_loop3A_407 = vector.extract_strided_slice %parallel_loop3A_256 {offsets = [2], sizes = [1], strides = [1]} : vector<16xf32> to vector<1xf32>
        %parallel_loop3A_408 = vector.extract %parallel_loop3A_407[0] : f32 from vector<1xf32>
        %parallel_loop3A_409 = vector.broadcast %parallel_loop3A_408 : f32 to vector<16xf32>
        %parallel_loop3A_410 = arith.mulf %parallel_loop3A_406, %parallel_loop3A_409 : vector<16xf32>
        %parallel_loop3A_411 = arith.addf %parallel_loop3A_401, %parallel_loop3A_410 : vector<16xf32>
        %parallel_loop3A_412 = arith.constant 2 : i32
        %parallel_loop3A_413 = arith.addi %parallel_loop3A_236, %parallel_loop3A_412 : i32
        %parallel_loop3A_414 = arith.index_cast %rem3A_167 : i32 to index
        %parallel_loop3A_415 = arith.index_cast %parallel_loop3A_413 : i32 to index
        %parallel_loop3A_416 = arith.constant 0 : index
        %parallel_loop3A_417 = tpu.vector_load %arg8[%parallel_loop3A_414, %parallel_loop3A_415, %parallel_loop3A_416] {strides = array<i32>} : memref<2x1024x16xf32, #tpu.memory_space<vmem>>, vector<16xf32>,
        tpu.vector_store %arg8[%parallel_loop3A_414, %parallel_loop3A_415, %parallel_loop3A_416], %parallel_loop3A_411 {strides = array<i32>} : memref<2x1024x16xf32, #tpu.memory_space<vmem>>, vector<16xf32>,
        %parallel_loop3A_418 = arith.addf %parallel_loop3A_370, %parallel_loop3A_411 : vector<16xf32>
        %parallel_loop3A_419 = arith.mulf %parallel_loop3A_411, %parallel_loop3A_411 : vector<16xf32>
        %parallel_loop3A_420 = arith.addf %parallel_loop3A_372, %parallel_loop3A_419 : vector<16xf32>
        %parallel_loop3A_421 = vector.extract_strided_slice %parallel_loop3A_261 {offsets = [3], sizes = [1], strides = [1]} : vector<16xi32> to vector<1xi32>
        %parallel_loop3A_422 = vector.extract %parallel_loop3A_421[0] : i32 from vector<1xi32>
        %parallel_loop3A_423 = arith.index_cast %parallel_loop3A_422 : i32 to index
        %parallel_loop3A_424 = arith.constant 0 : index
        %parallel_loop3A_425 = tpu.vector_load %arg7[%parallel_loop3A_423, %parallel_loop3A_424] {strides = array<i32>} : memref<4096x16xf32, #tpu.memory_space<vmem>>, vector<16xf32>,
        %parallel_loop3A_426 = vector.extract_strided_slice %parallel_loop3A_241 {offsets = [3], sizes = [1], strides = [1]} : vector<16xf32> to vector<1xf32>
        %parallel_loop3A_427 = vector.extract %parallel_loop3A_426[0] : f32 from vector<1xf32>
        %parallel_loop3A_428 = vector.broadcast %parallel_loop3A_427 : f32 to vector<16xf32>
        %parallel_loop3A_429 = arith.mulf %parallel_loop3A_425, %parallel_loop3A_428 : vector<16xf32>
        %parallel_loop3A_430 = vector.extract_strided_slice %parallel_loop3A_266 {offsets = [3], sizes = [1], strides = [1]} : vector<16xi32> to vector<1xi32>
        %parallel_loop3A_431 = vector.extract %parallel_loop3A_430[0] : i32 from vector<1xi32>
        %parallel_loop3A_432 = arith.index_cast %parallel_loop3A_431 : i32 to index
        %parallel_loop3A_433 = arith.constant 0 : index
        %parallel_loop3A_434 = tpu.vector_load %arg7[%parallel_loop3A_432, %parallel_loop3A_433] {strides = array<i32>} : memref<4096x16xf32, #tpu.memory_space<vmem>>, vector<16xf32>,
        %parallel_loop3A_435 = vector.extract_strided_slice %parallel_loop3A_246 {offsets = [3], sizes = [1], strides = [1]} : vector<16xf32> to vector<1xf32>
        %parallel_loop3A_436 = vector.extract %parallel_loop3A_435[0] : f32 from vector<1xf32>
        %parallel_loop3A_437 = vector.broadcast %parallel_loop3A_436 : f32 to vector<16xf32>
        %parallel_loop3A_438 = arith.mulf %parallel_loop3A_434, %parallel_loop3A_437 : vector<16xf32>
        %parallel_loop3A_439 = arith.addf %parallel_loop3A_429, %parallel_loop3A_438 : vector<16xf32>
        %parallel_loop3A_440 = vector.extract_strided_slice %parallel_loop3A_271 {offsets = [3], sizes = [1], strides = [1]} : vector<16xi32> to vector<1xi32>
        %parallel_loop3A_441 = vector.extract %parallel_loop3A_440[0] : i32 from vector<1xi32>
        %parallel_loop3A_442 = arith.index_cast %parallel_loop3A_441 : i32 to index
        %parallel_loop3A_443 = arith.constant 0 : index
        %parallel_loop3A_444 = tpu.vector_load %arg7[%parallel_loop3A_442, %parallel_loop3A_443] {strides = array<i32>} : memref<4096x16xf32, #tpu.memory_space<vmem>>, vector<16xf32>,
        %parallel_loop3A_445 = vector.extract_strided_slice %parallel_loop3A_251 {offsets = [3], sizes = [1], strides = [1]} : vector<16xf32> to vector<1xf32>
        %parallel_loop3A_446 = vector.extract %parallel_loop3A_445[0] : f32 from vector<1xf32>
        %parallel_loop3A_447 = vector.broadcast %parallel_loop3A_446 : f32 to vector<16xf32>
        %parallel_loop3A_448 = arith.mulf %parallel_loop3A_444, %parallel_loop3A_447 : vector<16xf32>
        %parallel_loop3A_449 = arith.addf %parallel_loop3A_439, %parallel_loop3A_448 : vector<16xf32>
        %parallel_loop3A_450 = vector.extract_strided_slice %parallel_loop3A_276 {offsets = [3], sizes = [1], strides = [1]} : vector<16xi32> to vector<1xi32>
        %parallel_loop3A_451 = vector.extract %parallel_loop3A_450[0] : i32 from vector<1xi32>
        %parallel_loop3A_452 = arith.index_cast %parallel_loop3A_451 : i32 to index
        %parallel_loop3A_453 = arith.constant 0 : index
        %parallel_loop3A_454 = tpu.vector_load %arg7[%parallel_loop3A_452, %parallel_loop3A_453] {strides = array<i32>} : memref<4096x16xf32, #tpu.memory_space<vmem>>, vector<16xf32>,
        %parallel_loop3A_455 = vector.extract_strided_slice %parallel_loop3A_256 {offsets = [3], sizes = [1], strides = [1]} : vector<16xf32> to vector<1xf32>
        %parallel_loop3A_456 = vector.extract %parallel_loop3A_455[0] : f32 from vector<1xf32>
        %parallel_loop3A_457 = vector.broadcast %parallel_loop3A_456 : f32 to vector<16xf32>
        %parallel_loop3A_458 = arith.mulf %parallel_loop3A_454, %parallel_loop3A_457 : vector<16xf32>
        %parallel_loop3A_459 = arith.addf %parallel_loop3A_449, %parallel_loop3A_458 : vector<16xf32>
        %parallel_loop3A_460 = arith.constant 3 : i32
        %parallel_loop3A_461 = arith.addi %parallel_loop3A_236, %parallel_loop3A_460 : i32
        %parallel_loop3A_462 = arith.index_cast %rem3A_167 : i32 to index
        %parallel_loop3A_463 = arith.index_cast %parallel_loop3A_461 : i32 to index
        %parallel_loop3A_464 = arith.constant 0 : index
        %parallel_loop3A_465 = tpu.vector_load %arg8[%parallel_loop3A_462, %parallel_loop3A_463, %parallel_loop3A_464] {strides = array<i32>} : memref<2x1024x16xf32, #tpu.memory_space<vmem>>, vector<16xf32>,
        tpu.vector_store %arg8[%parallel_loop3A_462, %parallel_loop3A_463, %parallel_loop3A_464], %parallel_loop3A_459 {strides = array<i32>} : memref<2x1024x16xf32, #tpu.memory_space<vmem>>, vector<16xf32>,
        %parallel_loop3A_466 = arith.addf %parallel_loop3A_418, %parallel_loop3A_459 : vector<16xf32>
        %parallel_loop3A_467 = arith.mulf %parallel_loop3A_459, %parallel_loop3A_459 : vector<16xf32>
        %parallel_loop3A_468 = arith.addf %parallel_loop3A_420, %parallel_loop3A_467 : vector<16xf32>
        %parallel_loop3A_469 = vector.extract_strided_slice %parallel_loop3A_261 {offsets = [4], sizes = [1], strides = [1]} : vector<16xi32> to vector<1xi32>
        %parallel_loop3A_470 = vector.extract %parallel_loop3A_469[0] : i32 from vector<1xi32>
        %parallel_loop3A_471 = arith.index_cast %parallel_loop3A_470 : i32 to index
        %parallel_loop3A_472 = arith.constant 0 : index
        %parallel_loop3A_473 = tpu.vector_load %arg7[%parallel_loop3A_471, %parallel_loop3A_472] {strides = array<i32>} : memref<4096x16xf32, #tpu.memory_space<vmem>>, vector<16xf32>,
        %parallel_loop3A_474 = vector.extract_strided_slice %parallel_loop3A_241 {offsets = [4], sizes = [1], strides = [1]} : vector<16xf32> to vector<1xf32>
        %parallel_loop3A_475 = vector.extract %parallel_loop3A_474[0] : f32 from vector<1xf32>
        %parallel_loop3A_476 = vector.broadcast %parallel_loop3A_475 : f32 to vector<16xf32>
        %parallel_loop3A_477 = arith.mulf %parallel_loop3A_473, %parallel_loop3A_476 : vector<16xf32>
        %parallel_loop3A_478 = vector.extract_strided_slice %parallel_loop3A_266 {offsets = [4], sizes = [1], strides = [1]} : vector<16xi32> to vector<1xi32>
        %parallel_loop3A_479 = vector.extract %parallel_loop3A_478[0] : i32 from vector<1xi32>
        %parallel_loop3A_480 = arith.index_cast %parallel_loop3A_479 : i32 to index
        %parallel_loop3A_481 = arith.constant 0 : index
        %parallel_loop3A_482 = tpu.vector_load %arg7[%parallel_loop3A_480, %parallel_loop3A_481] {strides = array<i32>} : memref<4096x16xf32, #tpu.memory_space<vmem>>, vector<16xf32>,
        %parallel_loop3A_483 = vector.extract_strided_slice %parallel_loop3A_246 {offsets = [4], sizes = [1], strides = [1]} : vector<16xf32> to vector<1xf32>
        %parallel_loop3A_484 = vector.extract %parallel_loop3A_483[0] : f32 from vector<1xf32>
        %parallel_loop3A_485 = vector.broadcast %parallel_loop3A_484 : f32 to vector<16xf32>
        %parallel_loop3A_486 = arith.mulf %parallel_loop3A_482, %parallel_loop3A_485 : vector<16xf32>
        %parallel_loop3A_487 = arith.addf %parallel_loop3A_477, %parallel_loop3A_486 : vector<16xf32>
        %parallel_loop3A_488 = vector.extract_strided_slice %parallel_loop3A_271 {offsets = [4], sizes = [1], strides = [1]} : vector<16xi32> to vector<1xi32>
        %parallel_loop3A_489 = vector.extract %parallel_loop3A_488[0] : i32 from vector<1xi32>
        %parallel_loop3A_490 = arith.index_cast %parallel_loop3A_489 : i32 to index
        %parallel_loop3A_491 = arith.constant 0 : index
        %parallel_loop3A_492 = tpu.vector_load %arg7[%parallel_loop3A_490, %parallel_loop3A_491] {strides = array<i32>} : memref<4096x16xf32, #tpu.memory_space<vmem>>, vector<16xf32>,
        %parallel_loop3A_493 = vector.extract_strided_slice %parallel_loop3A_251 {offsets = [4], sizes = [1], strides = [1]} : vector<16xf32> to vector<1xf32>
        %parallel_loop3A_494 = vector.extract %parallel_loop3A_493[0] : f32 from vector<1xf32>
        %parallel_loop3A_495 = vector.broadcast %parallel_loop3A_494 : f32 to vector<16xf32>
        %parallel_loop3A_496 = arith.mulf %parallel_loop3A_492, %parallel_loop3A_495 : vector<16xf32>
        %parallel_loop3A_497 = arith.addf %parallel_loop3A_487, %parallel_loop3A_496 : vector<16xf32>
        %parallel_loop3A_498 = vector.extract_strided_slice %parallel_loop3A_276 {offsets = [4], sizes = [1], strides = [1]} : vector<16xi32> to vector<1xi32>
        %parallel_loop3A_499 = vector.extract %parallel_loop3A_498[0] : i32 from vector<1xi32>
        %parallel_loop3A_500 = arith.index_cast %parallel_loop3A_499 : i32 to index
        %parallel_loop3A_501 = arith.constant 0 : index
        %parallel_loop3A_502 = tpu.vector_load %arg7[%parallel_loop3A_500, %parallel_loop3A_501] {strides = array<i32>} : memref<4096x16xf32, #tpu.memory_space<vmem>>, vector<16xf32>,
        %parallel_loop3A_503 = vector.extract_strided_slice %parallel_loop3A_256 {offsets = [4], sizes = [1], strides = [1]} : vector<16xf32> to vector<1xf32>
        %parallel_loop3A_504 = vector.extract %parallel_loop3A_503[0] : f32 from vector<1xf32>
        %parallel_loop3A_505 = vector.broadcast %parallel_loop3A_504 : f32 to vector<16xf32>
        %parallel_loop3A_506 = arith.mulf %parallel_loop3A_502, %parallel_loop3A_505 : vector<16xf32>
        %parallel_loop3A_507 = arith.addf %parallel_loop3A_497, %parallel_loop3A_506 : vector<16xf32>
        %parallel_loop3A_508 = arith.constant 4 : i32
        %parallel_loop3A_509 = arith.addi %parallel_loop3A_236, %parallel_loop3A_508 : i32
        %parallel_loop3A_510 = arith.index_cast %rem3A_167 : i32 to index
        %parallel_loop3A_511 = arith.index_cast %parallel_loop3A_509 : i32 to index
        %parallel_loop3A_512 = arith.constant 0 : index
        %parallel_loop3A_513 = tpu.vector_load %arg8[%parallel_loop3A_510, %parallel_loop3A_511, %parallel_loop3A_512] {strides = array<i32>} : memref<2x1024x16xf32, #tpu.memory_space<vmem>>, vector<16xf32>,
        tpu.vector_store %arg8[%parallel_loop3A_510, %parallel_loop3A_511, %parallel_loop3A_512], %parallel_loop3A_507 {strides = array<i32>} : memref<2x1024x16xf32, #tpu.memory_space<vmem>>, vector<16xf32>,
        %parallel_loop3A_514 = arith.addf %parallel_loop3A_466, %parallel_loop3A_507 : vector<16xf32>
        %parallel_loop3A_515 = arith.mulf %parallel_loop3A_507, %parallel_loop3A_507 : vector<16xf32>
        %parallel_loop3A_516 = arith.addf %parallel_loop3A_468, %parallel_loop3A_515 : vector<16xf32>
        %parallel_loop3A_517 = vector.extract_strided_slice %parallel_loop3A_261 {offsets = [5], sizes = [1], strides = [1]} : vector<16xi32> to vector<1xi32>
        %parallel_loop3A_518 = vector.extract %parallel_loop3A_517[0] : i32 from vector<1xi32>
        %parallel_loop3A_519 = arith.index_cast %parallel_loop3A_518 : i32 to index
        %parallel_loop3A_520 = arith.constant 0 : index
        %parallel_loop3A_521 = tpu.vector_load %arg7[%parallel_loop3A_519, %parallel_loop3A_520] {strides = array<i32>} : memref<4096x16xf32, #tpu.memory_space<vmem>>, vector<16xf32>,
        %parallel_loop3A_522 = vector.extract_strided_slice %parallel_loop3A_241 {offsets = [5], sizes = [1], strides = [1]} : vector<16xf32> to vector<1xf32>
        %parallel_loop3A_523 = vector.extract %parallel_loop3A_522[0] : f32 from vector<1xf32>
        %parallel_loop3A_524 = vector.broadcast %parallel_loop3A_523 : f32 to vector<16xf32>
        %parallel_loop3A_525 = arith.mulf %parallel_loop3A_521, %parallel_loop3A_524 : vector<16xf32>
        %parallel_loop3A_526 = vector.extract_strided_slice %parallel_loop3A_266 {offsets = [5], sizes = [1], strides = [1]} : vector<16xi32> to vector<1xi32>
        %parallel_loop3A_527 = vector.extract %parallel_loop3A_526[0] : i32 from vector<1xi32>
        %parallel_loop3A_528 = arith.index_cast %parallel_loop3A_527 : i32 to index
        %parallel_loop3A_529 = arith.constant 0 : index
        %parallel_loop3A_530 = tpu.vector_load %arg7[%parallel_loop3A_528, %parallel_loop3A_529] {strides = array<i32>} : memref<4096x16xf32, #tpu.memory_space<vmem>>, vector<16xf32>,
        %parallel_loop3A_531 = vector.extract_strided_slice %parallel_loop3A_246 {offsets = [5], sizes = [1], strides = [1]} : vector<16xf32> to vector<1xf32>
        %parallel_loop3A_532 = vector.extract %parallel_loop3A_531[0] : f32 from vector<1xf32>
        %parallel_loop3A_533 = vector.broadcast %parallel_loop3A_532 : f32 to vector<16xf32>
        %parallel_loop3A_534 = arith.mulf %parallel_loop3A_530, %parallel_loop3A_533 : vector<16xf32>
        %parallel_loop3A_535 = arith.addf %parallel_loop3A_525, %parallel_loop3A_534 : vector<16xf32>
        %parallel_loop3A_536 = vector.extract_strided_slice %parallel_loop3A_271 {offsets = [5], sizes = [1], strides = [1]} : vector<16xi32> to vector<1xi32>
        %parallel_loop3A_537 = vector.extract %parallel_loop3A_536[0] : i32 from vector<1xi32>
        %parallel_loop3A_538 = arith.index_cast %parallel_loop3A_537 : i32 to index
        %parallel_loop3A_539 = arith.constant 0 : index
        %parallel_loop3A_540 = tpu.vector_load %arg7[%parallel_loop3A_538, %parallel_loop3A_539] {strides = array<i32>} : memref<4096x16xf32, #tpu.memory_space<vmem>>, vector<16xf32>,
        %parallel_loop3A_541 = vector.extract_strided_slice %parallel_loop3A_251 {offsets = [5], sizes = [1], strides = [1]} : vector<16xf32> to vector<1xf32>
        %parallel_loop3A_542 = vector.extract %parallel_loop3A_541[0] : f32 from vector<1xf32>
        %parallel_loop3A_543 = vector.broadcast %parallel_loop3A_542 : f32 to vector<16xf32>
        %parallel_loop3A_544 = arith.mulf %parallel_loop3A_540, %parallel_loop3A_543 : vector<16xf32>
        %parallel_loop3A_545 = arith.addf %parallel_loop3A_535, %parallel_loop3A_544 : vector<16xf32>
        %parallel_loop3A_546 = vector.extract_strided_slice %parallel_loop3A_276 {offsets = [5], sizes = [1], strides = [1]} : vector<16xi32> to vector<1xi32>
        %parallel_loop3A_547 = vector.extract %parallel_loop3A_546[0] : i32 from vector<1xi32>
        %parallel_loop3A_548 = arith.index_cast %parallel_loop3A_547 : i32 to index
        %parallel_loop3A_549 = arith.constant 0 : index
        %parallel_loop3A_550 = tpu.vector_load %arg7[%parallel_loop3A_548, %parallel_loop3A_549] {strides = array<i32>} : memref<4096x16xf32, #tpu.memory_space<vmem>>, vector<16xf32>,
        %parallel_loop3A_551 = vector.extract_strided_slice %parallel_loop3A_256 {offsets = [5], sizes = [1], strides = [1]} : vector<16xf32> to vector<1xf32>
        %parallel_loop3A_552 = vector.extract %parallel_loop3A_551[0] : f32 from vector<1xf32>
        %parallel_loop3A_553 = vector.broadcast %parallel_loop3A_552 : f32 to vector<16xf32>
        %parallel_loop3A_554 = arith.mulf %parallel_loop3A_550, %parallel_loop3A_553 : vector<16xf32>
        %parallel_loop3A_555 = arith.addf %parallel_loop3A_545, %parallel_loop3A_554 : vector<16xf32>
        %parallel_loop3A_556 = arith.constant 5 : i32
        %parallel_loop3A_557 = arith.addi %parallel_loop3A_236, %parallel_loop3A_556 : i32
        %parallel_loop3A_558 = arith.index_cast %rem3A_167 : i32 to index
        %parallel_loop3A_559 = arith.index_cast %parallel_loop3A_557 : i32 to index
        %parallel_loop3A_560 = arith.constant 0 : index
        %parallel_loop3A_561 = tpu.vector_load %arg8[%parallel_loop3A_558, %parallel_loop3A_559, %parallel_loop3A_560] {strides = array<i32>} : memref<2x1024x16xf32, #tpu.memory_space<vmem>>, vector<16xf32>,
        tpu.vector_store %arg8[%parallel_loop3A_558, %parallel_loop3A_559, %parallel_loop3A_560], %parallel_loop3A_555 {strides = array<i32>} : memref<2x1024x16xf32, #tpu.memory_space<vmem>>, vector<16xf32>,
        %parallel_loop3A_562 = arith.addf %parallel_loop3A_514, %parallel_loop3A_555 : vector<16xf32>
        %parallel_loop3A_563 = arith.mulf %parallel_loop3A_555, %parallel_loop3A_555 : vector<16xf32>
        %parallel_loop3A_564 = arith.addf %parallel_loop3A_516, %parallel_loop3A_563 : vector<16xf32>
        %parallel_loop3A_565 = vector.extract_strided_slice %parallel_loop3A_261 {offsets = [6], sizes = [1], strides = [1]} : vector<16xi32> to vector<1xi32>
        %parallel_loop3A_566 = vector.extract %parallel_loop3A_565[0] : i32 from vector<1xi32>
        %parallel_loop3A_567 = arith.index_cast %parallel_loop3A_566 : i32 to index
        %parallel_loop3A_568 = arith.constant 0 : index
        %parallel_loop3A_569 = tpu.vector_load %arg7[%parallel_loop3A_567, %parallel_loop3A_568] {strides = array<i32>} : memref<4096x16xf32, #tpu.memory_space<vmem>>, vector<16xf32>,
        %parallel_loop3A_570 = vector.extract_strided_slice %parallel_loop3A_241 {offsets = [6], sizes = [1], strides = [1]} : vector<16xf32> to vector<1xf32>
        %parallel_loop3A_571 = vector.extract %parallel_loop3A_570[0] : f32 from vector<1xf32>
        %parallel_loop3A_572 = vector.broadcast %parallel_loop3A_571 : f32 to vector<16xf32>
        %parallel_loop3A_573 = arith.mulf %parallel_loop3A_569, %parallel_loop3A_572 : vector<16xf32>
        %parallel_loop3A_574 = vector.extract_strided_slice %parallel_loop3A_266 {offsets = [6], sizes = [1], strides = [1]} : vector<16xi32> to vector<1xi32>
        %parallel_loop3A_575 = vector.extract %parallel_loop3A_574[0] : i32 from vector<1xi32>
        %parallel_loop3A_576 = arith.index_cast %parallel_loop3A_575 : i32 to index
        %parallel_loop3A_577 = arith.constant 0 : index
        %parallel_loop3A_578 = tpu.vector_load %arg7[%parallel_loop3A_576, %parallel_loop3A_577] {strides = array<i32>} : memref<4096x16xf32, #tpu.memory_space<vmem>>, vector<16xf32>,
        %parallel_loop3A_579 = vector.extract_strided_slice %parallel_loop3A_246 {offsets = [6], sizes = [1], strides = [1]} : vector<16xf32> to vector<1xf32>
        %parallel_loop3A_580 = vector.extract %parallel_loop3A_579[0] : f32 from vector<1xf32>
        %parallel_loop3A_581 = vector.broadcast %parallel_loop3A_580 : f32 to vector<16xf32>
        %parallel_loop3A_582 = arith.mulf %parallel_loop3A_578, %parallel_loop3A_581 : vector<16xf32>
        %parallel_loop3A_583 = arith.addf %parallel_loop3A_573, %parallel_loop3A_582 : vector<16xf32>
        %parallel_loop3A_584 = vector.extract_strided_slice %parallel_loop3A_271 {offsets = [6], sizes = [1], strides = [1]} : vector<16xi32> to vector<1xi32>
        %parallel_loop3A_585 = vector.extract %parallel_loop3A_584[0] : i32 from vector<1xi32>
        %parallel_loop3A_586 = arith.index_cast %parallel_loop3A_585 : i32 to index
        %parallel_loop3A_587 = arith.constant 0 : index
        %parallel_loop3A_588 = tpu.vector_load %arg7[%parallel_loop3A_586, %parallel_loop3A_587] {strides = array<i32>} : memref<4096x16xf32, #tpu.memory_space<vmem>>, vector<16xf32>,
        %parallel_loop3A_589 = vector.extract_strided_slice %parallel_loop3A_251 {offsets = [6], sizes = [1], strides = [1]} : vector<16xf32> to vector<1xf32>
        %parallel_loop3A_590 = vector.extract %parallel_loop3A_589[0] : f32 from vector<1xf32>
        %parallel_loop3A_591 = vector.broadcast %parallel_loop3A_590 : f32 to vector<16xf32>
        %parallel_loop3A_592 = arith.mulf %parallel_loop3A_588, %parallel_loop3A_591 : vector<16xf32>
        %parallel_loop3A_593 = arith.addf %parallel_loop3A_583, %parallel_loop3A_592 : vector<16xf32>
        %parallel_loop3A_594 = vector.extract_strided_slice %parallel_loop3A_276 {offsets = [6], sizes = [1], strides = [1]} : vector<16xi32> to vector<1xi32>
        %parallel_loop3A_595 = vector.extract %parallel_loop3A_594[0] : i32 from vector<1xi32>
        %parallel_loop3A_596 = arith.index_cast %parallel_loop3A_595 : i32 to index
        %parallel_loop3A_597 = arith.constant 0 : index
        %parallel_loop3A_598 = tpu.vector_load %arg7[%parallel_loop3A_596, %parallel_loop3A_597] {strides = array<i32>} : memref<4096x16xf32, #tpu.memory_space<vmem>>, vector<16xf32>,
        %parallel_loop3A_599 = vector.extract_strided_slice %parallel_loop3A_256 {offsets = [6], sizes = [1], strides = [1]} : vector<16xf32> to vector<1xf32>
        %parallel_loop3A_600 = vector.extract %parallel_loop3A_599[0] : f32 from vector<1xf32>
        %parallel_loop3A_601 = vector.broadcast %parallel_loop3A_600 : f32 to vector<16xf32>
        %parallel_loop3A_602 = arith.mulf %parallel_loop3A_598, %parallel_loop3A_601 : vector<16xf32>
        %parallel_loop3A_603 = arith.addf %parallel_loop3A_593, %parallel_loop3A_602 : vector<16xf32>
        %parallel_loop3A_604 = arith.constant 6 : i32
        %parallel_loop3A_605 = arith.addi %parallel_loop3A_236, %parallel_loop3A_604 : i32
        %parallel_loop3A_606 = arith.index_cast %rem3A_167 : i32 to index
        %parallel_loop3A_607 = arith.index_cast %parallel_loop3A_605 : i32 to index
        %parallel_loop3A_608 = arith.constant 0 : index
        %parallel_loop3A_609 = tpu.vector_load %arg8[%parallel_loop3A_606, %parallel_loop3A_607, %parallel_loop3A_608] {strides = array<i32>} : memref<2x1024x16xf32, #tpu.memory_space<vmem>>, vector<16xf32>,
        tpu.vector_store %arg8[%parallel_loop3A_606, %parallel_loop3A_607, %parallel_loop3A_608], %parallel_loop3A_603 {strides = array<i32>} : memref<2x1024x16xf32, #tpu.memory_space<vmem>>, vector<16xf32>,
        %parallel_loop3A_610 = arith.addf %parallel_loop3A_562, %parallel_loop3A_603 : vector<16xf32>
        %parallel_loop3A_611 = arith.mulf %parallel_loop3A_603, %parallel_loop3A_603 : vector<16xf32>
        %parallel_loop3A_612 = arith.addf %parallel_loop3A_564, %parallel_loop3A_611 : vector<16xf32>
        %parallel_loop3A_613 = vector.extract_strided_slice %parallel_loop3A_261 {offsets = [7], sizes = [1], strides = [1]} : vector<16xi32> to vector<1xi32>
        %parallel_loop3A_614 = vector.extract %parallel_loop3A_613[0] : i32 from vector<1xi32>
        %parallel_loop3A_615 = arith.index_cast %parallel_loop3A_614 : i32 to index
        %parallel_loop3A_616 = arith.constant 0 : index
        %parallel_loop3A_617 = tpu.vector_load %arg7[%parallel_loop3A_615, %parallel_loop3A_616] {strides = array<i32>} : memref<4096x16xf32, #tpu.memory_space<vmem>>, vector<16xf32>,
        %parallel_loop3A_618 = vector.extract_strided_slice %parallel_loop3A_241 {offsets = [7], sizes = [1], strides = [1]} : vector<16xf32> to vector<1xf32>
        %parallel_loop3A_619 = vector.extract %parallel_loop3A_618[0] : f32 from vector<1xf32>
        %parallel_loop3A_620 = vector.broadcast %parallel_loop3A_619 : f32 to vector<16xf32>
        %parallel_loop3A_621 = arith.mulf %parallel_loop3A_617, %parallel_loop3A_620 : vector<16xf32>
        %parallel_loop3A_622 = vector.extract_strided_slice %parallel_loop3A_266 {offsets = [7], sizes = [1], strides = [1]} : vector<16xi32> to vector<1xi32>
        %parallel_loop3A_623 = vector.extract %parallel_loop3A_622[0] : i32 from vector<1xi32>
        %parallel_loop3A_624 = arith.index_cast %parallel_loop3A_623 : i32 to index
        %parallel_loop3A_625 = arith.constant 0 : index
        %parallel_loop3A_626 = tpu.vector_load %arg7[%parallel_loop3A_624, %parallel_loop3A_625] {strides = array<i32>} : memref<4096x16xf32, #tpu.memory_space<vmem>>, vector<16xf32>,
        %parallel_loop3A_627 = vector.extract_strided_slice %parallel_loop3A_246 {offsets = [7], sizes = [1], strides = [1]} : vector<16xf32> to vector<1xf32>
        %parallel_loop3A_628 = vector.extract %parallel_loop3A_627[0] : f32 from vector<1xf32>
        %parallel_loop3A_629 = vector.broadcast %parallel_loop3A_628 : f32 to vector<16xf32>
        %parallel_loop3A_630 = arith.mulf %parallel_loop3A_626, %parallel_loop3A_629 : vector<16xf32>
        %parallel_loop3A_631 = arith.addf %parallel_loop3A_621, %parallel_loop3A_630 : vector<16xf32>
        %parallel_loop3A_632 = vector.extract_strided_slice %parallel_loop3A_271 {offsets = [7], sizes = [1], strides = [1]} : vector<16xi32> to vector<1xi32>
        %parallel_loop3A_633 = vector.extract %parallel_loop3A_632[0] : i32 from vector<1xi32>
        %parallel_loop3A_634 = arith.index_cast %parallel_loop3A_633 : i32 to index
        %parallel_loop3A_635 = arith.constant 0 : index
        %parallel_loop3A_636 = tpu.vector_load %arg7[%parallel_loop3A_634, %parallel_loop3A_635] {strides = array<i32>} : memref<4096x16xf32, #tpu.memory_space<vmem>>, vector<16xf32>,
        %parallel_loop3A_637 = vector.extract_strided_slice %parallel_loop3A_251 {offsets = [7], sizes = [1], strides = [1]} : vector<16xf32> to vector<1xf32>
        %parallel_loop3A_638 = vector.extract %parallel_loop3A_637[0] : f32 from vector<1xf32>
        %parallel_loop3A_639 = vector.broadcast %parallel_loop3A_638 : f32 to vector<16xf32>
        %parallel_loop3A_640 = arith.mulf %parallel_loop3A_636, %parallel_loop3A_639 : vector<16xf32>
        %parallel_loop3A_641 = arith.addf %parallel_loop3A_631, %parallel_loop3A_640 : vector<16xf32>
        %parallel_loop3A_642 = vector.extract_strided_slice %parallel_loop3A_276 {offsets = [7], sizes = [1], strides = [1]} : vector<16xi32> to vector<1xi32>
        %parallel_loop3A_643 = vector.extract %parallel_loop3A_642[0] : i32 from vector<1xi32>
        %parallel_loop3A_644 = arith.index_cast %parallel_loop3A_643 : i32 to index
        %parallel_loop3A_645 = arith.constant 0 : index
        %parallel_loop3A_646 = tpu.vector_load %arg7[%parallel_loop3A_644, %parallel_loop3A_645] {strides = array<i32>} : memref<4096x16xf32, #tpu.memory_space<vmem>>, vector<16xf32>,
        %parallel_loop3A_647 = vector.extract_strided_slice %parallel_loop3A_256 {offsets = [7], sizes = [1], strides = [1]} : vector<16xf32> to vector<1xf32>
        %parallel_loop3A_648 = vector.extract %parallel_loop3A_647[0] : f32 from vector<1xf32>
        %parallel_loop3A_649 = vector.broadcast %parallel_loop3A_648 : f32 to vector<16xf32>
        %parallel_loop3A_650 = arith.mulf %parallel_loop3A_646, %parallel_loop3A_649 : vector<16xf32>
        %parallel_loop3A_651 = arith.addf %parallel_loop3A_641, %parallel_loop3A_650 : vector<16xf32>
        %parallel_loop3A_652 = arith.constant 7 : i32
        %parallel_loop3A_653 = arith.addi %parallel_loop3A_236, %parallel_loop3A_652 : i32
        %parallel_loop3A_654 = arith.index_cast %rem3A_167 : i32 to index
        %parallel_loop3A_655 = arith.index_cast %parallel_loop3A_653 : i32 to index
        %parallel_loop3A_656 = arith.constant 0 : index
        %parallel_loop3A_657 = tpu.vector_load %arg8[%parallel_loop3A_654, %parallel_loop3A_655, %parallel_loop3A_656] {strides = array<i32>} : memref<2x1024x16xf32, #tpu.memory_space<vmem>>, vector<16xf32>,
        tpu.vector_store %arg8[%parallel_loop3A_654, %parallel_loop3A_655, %parallel_loop3A_656], %parallel_loop3A_651 {strides = array<i32>} : memref<2x1024x16xf32, #tpu.memory_space<vmem>>, vector<16xf32>,
        %parallel_loop3A_658 = arith.addf %parallel_loop3A_610, %parallel_loop3A_651 : vector<16xf32>
        %parallel_loop3A_659 = arith.mulf %parallel_loop3A_651, %parallel_loop3A_651 : vector<16xf32>
        %parallel_loop3A_660 = arith.addf %parallel_loop3A_612, %parallel_loop3A_659 : vector<16xf32>
        %parallel_loop3A_661 = vector.extract_strided_slice %parallel_loop3A_261 {offsets = [8], sizes = [1], strides = [1]} : vector<16xi32> to vector<1xi32>
        %parallel_loop3A_662 = vector.extract %parallel_loop3A_661[0] : i32 from vector<1xi32>
        %parallel_loop3A_663 = arith.index_cast %parallel_loop3A_662 : i32 to index
        %parallel_loop3A_664 = arith.constant 0 : index
        %parallel_loop3A_665 = tpu.vector_load %arg7[%parallel_loop3A_663, %parallel_loop3A_664] {strides = array<i32>} : memref<4096x16xf32, #tpu.memory_space<vmem>>, vector<16xf32>,
        %parallel_loop3A_666 = vector.extract_strided_slice %parallel_loop3A_241 {offsets = [8], sizes = [1], strides = [1]} : vector<16xf32> to vector<1xf32>
        %parallel_loop3A_667 = vector.extract %parallel_loop3A_666[0] : f32 from vector<1xf32>
        %parallel_loop3A_668 = vector.broadcast %parallel_loop3A_667 : f32 to vector<16xf32>
        %parallel_loop3A_669 = arith.mulf %parallel_loop3A_665, %parallel_loop3A_668 : vector<16xf32>
        %parallel_loop3A_670 = vector.extract_strided_slice %parallel_loop3A_266 {offsets = [8], sizes = [1], strides = [1]} : vector<16xi32> to vector<1xi32>
        %parallel_loop3A_671 = vector.extract %parallel_loop3A_670[0] : i32 from vector<1xi32>
        %parallel_loop3A_672 = arith.index_cast %parallel_loop3A_671 : i32 to index
        %parallel_loop3A_673 = arith.constant 0 : index
        %parallel_loop3A_674 = tpu.vector_load %arg7[%parallel_loop3A_672, %parallel_loop3A_673] {strides = array<i32>} : memref<4096x16xf32, #tpu.memory_space<vmem>>, vector<16xf32>,
        %parallel_loop3A_675 = vector.extract_strided_slice %parallel_loop3A_246 {offsets = [8], sizes = [1], strides = [1]} : vector<16xf32> to vector<1xf32>
        %parallel_loop3A_676 = vector.extract %parallel_loop3A_675[0] : f32 from vector<1xf32>
        %parallel_loop3A_677 = vector.broadcast %parallel_loop3A_676 : f32 to vector<16xf32>
        %parallel_loop3A_678 = arith.mulf %parallel_loop3A_674, %parallel_loop3A_677 : vector<16xf32>
        %parallel_loop3A_679 = arith.addf %parallel_loop3A_669, %parallel_loop3A_678 : vector<16xf32>
        %parallel_loop3A_680 = vector.extract_strided_slice %parallel_loop3A_271 {offsets = [8], sizes = [1], strides = [1]} : vector<16xi32> to vector<1xi32>
        %parallel_loop3A_681 = vector.extract %parallel_loop3A_680[0] : i32 from vector<1xi32>
        %parallel_loop3A_682 = arith.index_cast %parallel_loop3A_681 : i32 to index
        %parallel_loop3A_683 = arith.constant 0 : index
        %parallel_loop3A_684 = tpu.vector_load %arg7[%parallel_loop3A_682, %parallel_loop3A_683] {strides = array<i32>} : memref<4096x16xf32, #tpu.memory_space<vmem>>, vector<16xf32>,
        %parallel_loop3A_685 = vector.extract_strided_slice %parallel_loop3A_251 {offsets = [8], sizes = [1], strides = [1]} : vector<16xf32> to vector<1xf32>
        %parallel_loop3A_686 = vector.extract %parallel_loop3A_685[0] : f32 from vector<1xf32>
        %parallel_loop3A_687 = vector.broadcast %parallel_loop3A_686 : f32 to vector<16xf32>
        %parallel_loop3A_688 = arith.mulf %parallel_loop3A_684, %parallel_loop3A_687 : vector<16xf32>
        %parallel_loop3A_689 = arith.addf %parallel_loop3A_679, %parallel_loop3A_688 : vector<16xf32>
        %parallel_loop3A_690 = vector.extract_strided_slice %parallel_loop3A_276 {offsets = [8], sizes = [1], strides = [1]} : vector<16xi32> to vector<1xi32>
        %parallel_loop3A_691 = vector.extract %parallel_loop3A_690[0] : i32 from vector<1xi32>
        %parallel_loop3A_692 = arith.index_cast %parallel_loop3A_691 : i32 to index
        %parallel_loop3A_693 = arith.constant 0 : index
        %parallel_loop3A_694 = tpu.vector_load %arg7[%parallel_loop3A_692, %parallel_loop3A_693] {strides = array<i32>} : memref<4096x16xf32, #tpu.memory_space<vmem>>, vector<16xf32>,
        %parallel_loop3A_695 = vector.extract_strided_slice %parallel_loop3A_256 {offsets = [8], sizes = [1], strides = [1]} : vector<16xf32> to vector<1xf32>
        %parallel_loop3A_696 = vector.extract %parallel_loop3A_695[0] : f32 from vector<1xf32>
        %parallel_loop3A_697 = vector.broadcast %parallel_loop3A_696 : f32 to vector<16xf32>
        %parallel_loop3A_698 = arith.mulf %parallel_loop3A_694, %parallel_loop3A_697 : vector<16xf32>
        %parallel_loop3A_699 = arith.addf %parallel_loop3A_689, %parallel_loop3A_698 : vector<16xf32>
        %parallel_loop3A_700 = arith.constant 8 : i32
        %parallel_loop3A_701 = arith.addi %parallel_loop3A_236, %parallel_loop3A_700 : i32
        %parallel_loop3A_702 = arith.index_cast %rem3A_167 : i32 to index
        %parallel_loop3A_703 = arith.index_cast %parallel_loop3A_701 : i32 to index
        %parallel_loop3A_704 = arith.constant 0 : index
        %parallel_loop3A_705 = tpu.vector_load %arg8[%parallel_loop3A_702, %parallel_loop3A_703, %parallel_loop3A_704] {strides = array<i32>} : memref<2x1024x16xf32, #tpu.memory_space<vmem>>, vector<16xf32>,
        tpu.vector_store %arg8[%parallel_loop3A_702, %parallel_loop3A_703, %parallel_loop3A_704], %parallel_loop3A_699 {strides = array<i32>} : memref<2x1024x16xf32, #tpu.memory_space<vmem>>, vector<16xf32>,
        %parallel_loop3A_706 = arith.addf %parallel_loop3A_658, %parallel_loop3A_699 : vector<16xf32>
        %parallel_loop3A_707 = arith.mulf %parallel_loop3A_699, %parallel_loop3A_699 : vector<16xf32>
        %parallel_loop3A_708 = arith.addf %parallel_loop3A_660, %parallel_loop3A_707 : vector<16xf32>
        %parallel_loop3A_709 = vector.extract_strided_slice %parallel_loop3A_261 {offsets = [9], sizes = [1], strides = [1]} : vector<16xi32> to vector<1xi32>
        %parallel_loop3A_710 = vector.extract %parallel_loop3A_709[0] : i32 from vector<1xi32>
        %parallel_loop3A_711 = arith.index_cast %parallel_loop3A_710 : i32 to index
        %parallel_loop3A_712 = arith.constant 0 : index
        %parallel_loop3A_713 = tpu.vector_load %arg7[%parallel_loop3A_711, %parallel_loop3A_712] {strides = array<i32>} : memref<4096x16xf32, #tpu.memory_space<vmem>>, vector<16xf32>,
        %parallel_loop3A_714 = vector.extract_strided_slice %parallel_loop3A_241 {offsets = [9], sizes = [1], strides = [1]} : vector<16xf32> to vector<1xf32>
        %parallel_loop3A_715 = vector.extract %parallel_loop3A_714[0] : f32 from vector<1xf32>
        %parallel_loop3A_716 = vector.broadcast %parallel_loop3A_715 : f32 to vector<16xf32>
        %parallel_loop3A_717 = arith.mulf %parallel_loop3A_713, %parallel_loop3A_716 : vector<16xf32>
        %parallel_loop3A_718 = vector.extract_strided_slice %parallel_loop3A_266 {offsets = [9], sizes = [1], strides = [1]} : vector<16xi32> to vector<1xi32>
        %parallel_loop3A_719 = vector.extract %parallel_loop3A_718[0] : i32 from vector<1xi32>
        %parallel_loop3A_720 = arith.index_cast %parallel_loop3A_719 : i32 to index
        %parallel_loop3A_721 = arith.constant 0 : index
        %parallel_loop3A_722 = tpu.vector_load %arg7[%parallel_loop3A_720, %parallel_loop3A_721] {strides = array<i32>} : memref<4096x16xf32, #tpu.memory_space<vmem>>, vector<16xf32>,
        %parallel_loop3A_723 = vector.extract_strided_slice %parallel_loop3A_246 {offsets = [9], sizes = [1], strides = [1]} : vector<16xf32> to vector<1xf32>
        %parallel_loop3A_724 = vector.extract %parallel_loop3A_723[0] : f32 from vector<1xf32>
        %parallel_loop3A_725 = vector.broadcast %parallel_loop3A_724 : f32 to vector<16xf32>
        %parallel_loop3A_726 = arith.mulf %parallel_loop3A_722, %parallel_loop3A_725 : vector<16xf32>
        %parallel_loop3A_727 = arith.addf %parallel_loop3A_717, %parallel_loop3A_726 : vector<16xf32>
        %parallel_loop3A_728 = vector.extract_strided_slice %parallel_loop3A_271 {offsets = [9], sizes = [1], strides = [1]} : vector<16xi32> to vector<1xi32>
        %parallel_loop3A_729 = vector.extract %parallel_loop3A_728[0] : i32 from vector<1xi32>
        %parallel_loop3A_730 = arith.index_cast %parallel_loop3A_729 : i32 to index
        %parallel_loop3A_731 = arith.constant 0 : index
        %parallel_loop3A_732 = tpu.vector_load %arg7[%parallel_loop3A_730, %parallel_loop3A_731] {strides = array<i32>} : memref<4096x16xf32, #tpu.memory_space<vmem>>, vector<16xf32>,
        %parallel_loop3A_733 = vector.extract_strided_slice %parallel_loop3A_251 {offsets = [9], sizes = [1], strides = [1]} : vector<16xf32> to vector<1xf32>
        %parallel_loop3A_734 = vector.extract %parallel_loop3A_733[0] : f32 from vector<1xf32>
        %parallel_loop3A_735 = vector.broadcast %parallel_loop3A_734 : f32 to vector<16xf32>
        %parallel_loop3A_736 = arith.mulf %parallel_loop3A_732, %parallel_loop3A_735 : vector<16xf32>
        %parallel_loop3A_737 = arith.addf %parallel_loop3A_727, %parallel_loop3A_736 : vector<16xf32>
        %parallel_loop3A_738 = vector.extract_strided_slice %parallel_loop3A_276 {offsets = [9], sizes = [1], strides = [1]} : vector<16xi32> to vector<1xi32>
        %parallel_loop3A_739 = vector.extract %parallel_loop3A_738[0] : i32 from vector<1xi32>
        %parallel_loop3A_740 = arith.index_cast %parallel_loop3A_739 : i32 to index
        %parallel_loop3A_741 = arith.constant 0 : index
        %parallel_loop3A_742 = tpu.vector_load %arg7[%parallel_loop3A_740, %parallel_loop3A_741] {strides = array<i32>} : memref<4096x16xf32, #tpu.memory_space<vmem>>, vector<16xf32>,
        %parallel_loop3A_743 = vector.extract_strided_slice %parallel_loop3A_256 {offsets = [9], sizes = [1], strides = [1]} : vector<16xf32> to vector<1xf32>
        %parallel_loop3A_744 = vector.extract %parallel_loop3A_743[0] : f32 from vector<1xf32>
        %parallel_loop3A_745 = vector.broadcast %parallel_loop3A_744 : f32 to vector<16xf32>
        %parallel_loop3A_746 = arith.mulf %parallel_loop3A_742, %parallel_loop3A_745 : vector<16xf32>
        %parallel_loop3A_747 = arith.addf %parallel_loop3A_737, %parallel_loop3A_746 : vector<16xf32>
        %parallel_loop3A_748 = arith.constant 9 : i32
        %parallel_loop3A_749 = arith.addi %parallel_loop3A_236, %parallel_loop3A_748 : i32
        %parallel_loop3A_750 = arith.index_cast %rem3A_167 : i32 to index
        %parallel_loop3A_751 = arith.index_cast %parallel_loop3A_749 : i32 to index
        %parallel_loop3A_752 = arith.constant 0 : index
        %parallel_loop3A_753 = tpu.vector_load %arg8[%parallel_loop3A_750, %parallel_loop3A_751, %parallel_loop3A_752] {strides = array<i32>} : memref<2x1024x16xf32, #tpu.memory_space<vmem>>, vector<16xf32>,
        tpu.vector_store %arg8[%parallel_loop3A_750, %parallel_loop3A_751, %parallel_loop3A_752], %parallel_loop3A_747 {strides = array<i32>} : memref<2x1024x16xf32, #tpu.memory_space<vmem>>, vector<16xf32>,
        %parallel_loop3A_754 = arith.addf %parallel_loop3A_706, %parallel_loop3A_747 : vector<16xf32>
        %parallel_loop3A_755 = arith.mulf %parallel_loop3A_747, %parallel_loop3A_747 : vector<16xf32>
        %parallel_loop3A_756 = arith.addf %parallel_loop3A_708, %parallel_loop3A_755 : vector<16xf32>
        %parallel_loop3A_757 = vector.extract_strided_slice %parallel_loop3A_261 {offsets = [10], sizes = [1], strides = [1]} : vector<16xi32> to vector<1xi32>
        %parallel_loop3A_758 = vector.extract %parallel_loop3A_757[0] : i32 from vector<1xi32>
        %parallel_loop3A_759 = arith.index_cast %parallel_loop3A_758 : i32 to index
        %parallel_loop3A_760 = arith.constant 0 : index
        %parallel_loop3A_761 = tpu.vector_load %arg7[%parallel_loop3A_759, %parallel_loop3A_760] {strides = array<i32>} : memref<4096x16xf32, #tpu.memory_space<vmem>>, vector<16xf32>,
        %parallel_loop3A_762 = vector.extract_strided_slice %parallel_loop3A_241 {offsets = [10], sizes = [1], strides = [1]} : vector<16xf32> to vector<1xf32>
        %parallel_loop3A_763 = vector.extract %parallel_loop3A_762[0] : f32 from vector<1xf32>
        %parallel_loop3A_764 = vector.broadcast %parallel_loop3A_763 : f32 to vector<16xf32>
        %parallel_loop3A_765 = arith.mulf %parallel_loop3A_761, %parallel_loop3A_764 : vector<16xf32>
        %parallel_loop3A_766 = vector.extract_strided_slice %parallel_loop3A_266 {offsets = [10], sizes = [1], strides = [1]} : vector<16xi32> to vector<1xi32>
        %parallel_loop3A_767 = vector.extract %parallel_loop3A_766[0] : i32 from vector<1xi32>
        %parallel_loop3A_768 = arith.index_cast %parallel_loop3A_767 : i32 to index
        %parallel_loop3A_769 = arith.constant 0 : index
        %parallel_loop3A_770 = tpu.vector_load %arg7[%parallel_loop3A_768, %parallel_loop3A_769] {strides = array<i32>} : memref<4096x16xf32, #tpu.memory_space<vmem>>, vector<16xf32>,
        %parallel_loop3A_771 = vector.extract_strided_slice %parallel_loop3A_246 {offsets = [10], sizes = [1], strides = [1]} : vector<16xf32> to vector<1xf32>
        %parallel_loop3A_772 = vector.extract %parallel_loop3A_771[0] : f32 from vector<1xf32>
        %parallel_loop3A_773 = vector.broadcast %parallel_loop3A_772 : f32 to vector<16xf32>
        %parallel_loop3A_774 = arith.mulf %parallel_loop3A_770, %parallel_loop3A_773 : vector<16xf32>
        %parallel_loop3A_775 = arith.addf %parallel_loop3A_765, %parallel_loop3A_774 : vector<16xf32>
        %parallel_loop3A_776 = vector.extract_strided_slice %parallel_loop3A_271 {offsets = [10], sizes = [1], strides = [1]} : vector<16xi32> to vector<1xi32>
        %parallel_loop3A_777 = vector.extract %parallel_loop3A_776[0] : i32 from vector<1xi32>
        %parallel_loop3A_778 = arith.index_cast %parallel_loop3A_777 : i32 to index
        %parallel_loop3A_779 = arith.constant 0 : index
        %parallel_loop3A_780 = tpu.vector_load %arg7[%parallel_loop3A_778, %parallel_loop3A_779] {strides = array<i32>} : memref<4096x16xf32, #tpu.memory_space<vmem>>, vector<16xf32>,
        %parallel_loop3A_781 = vector.extract_strided_slice %parallel_loop3A_251 {offsets = [10], sizes = [1], strides = [1]} : vector<16xf32> to vector<1xf32>
        %parallel_loop3A_782 = vector.extract %parallel_loop3A_781[0] : f32 from vector<1xf32>
        %parallel_loop3A_783 = vector.broadcast %parallel_loop3A_782 : f32 to vector<16xf32>
        %parallel_loop3A_784 = arith.mulf %parallel_loop3A_780, %parallel_loop3A_783 : vector<16xf32>
        %parallel_loop3A_785 = arith.addf %parallel_loop3A_775, %parallel_loop3A_784 : vector<16xf32>
        %parallel_loop3A_786 = vector.extract_strided_slice %parallel_loop3A_276 {offsets = [10], sizes = [1], strides = [1]} : vector<16xi32> to vector<1xi32>
        %parallel_loop3A_787 = vector.extract %parallel_loop3A_786[0] : i32 from vector<1xi32>
        %parallel_loop3A_788 = arith.index_cast %parallel_loop3A_787 : i32 to index
        %parallel_loop3A_789 = arith.constant 0 : index
        %parallel_loop3A_790 = tpu.vector_load %arg7[%parallel_loop3A_788, %parallel_loop3A_789] {strides = array<i32>} : memref<4096x16xf32, #tpu.memory_space<vmem>>, vector<16xf32>,
        %parallel_loop3A_791 = vector.extract_strided_slice %parallel_loop3A_256 {offsets = [10], sizes = [1], strides = [1]} : vector<16xf32> to vector<1xf32>
        %parallel_loop3A_792 = vector.extract %parallel_loop3A_791[0] : f32 from vector<1xf32>
        %parallel_loop3A_793 = vector.broadcast %parallel_loop3A_792 : f32 to vector<16xf32>
        %parallel_loop3A_794 = arith.mulf %parallel_loop3A_790, %parallel_loop3A_793 : vector<16xf32>
        %parallel_loop3A_795 = arith.addf %parallel_loop3A_785, %parallel_loop3A_794 : vector<16xf32>
        %parallel_loop3A_796 = arith.constant 10 : i32
        %parallel_loop3A_797 = arith.addi %parallel_loop3A_236, %parallel_loop3A_796 : i32
        %parallel_loop3A_798 = arith.index_cast %rem3A_167 : i32 to index
        %parallel_loop3A_799 = arith.index_cast %parallel_loop3A_797 : i32 to index
        %parallel_loop3A_800 = arith.constant 0 : index
        %parallel_loop3A_801 = tpu.vector_load %arg8[%parallel_loop3A_798, %parallel_loop3A_799, %parallel_loop3A_800] {strides = array<i32>} : memref<2x1024x16xf32, #tpu.memory_space<vmem>>, vector<16xf32>,
        tpu.vector_store %arg8[%parallel_loop3A_798, %parallel_loop3A_799, %parallel_loop3A_800], %parallel_loop3A_795 {strides = array<i32>} : memref<2x1024x16xf32, #tpu.memory_space<vmem>>, vector<16xf32>,
        %parallel_loop3A_802 = arith.addf %parallel_loop3A_754, %parallel_loop3A_795 : vector<16xf32>
        %parallel_loop3A_803 = arith.mulf %parallel_loop3A_795, %parallel_loop3A_795 : vector<16xf32>
        %parallel_loop3A_804 = arith.addf %parallel_loop3A_756, %parallel_loop3A_803 : vector<16xf32>
        %parallel_loop3A_805 = vector.extract_strided_slice %parallel_loop3A_261 {offsets = [11], sizes = [1], strides = [1]} : vector<16xi32> to vector<1xi32>
        %parallel_loop3A_806 = vector.extract %parallel_loop3A_805[0] : i32 from vector<1xi32>
        %parallel_loop3A_807 = arith.index_cast %parallel_loop3A_806 : i32 to index
        %parallel_loop3A_808 = arith.constant 0 : index
        %parallel_loop3A_809 = tpu.vector_load %arg7[%parallel_loop3A_807, %parallel_loop3A_808] {strides = array<i32>} : memref<4096x16xf32, #tpu.memory_space<vmem>>, vector<16xf32>,
        %parallel_loop3A_810 = vector.extract_strided_slice %parallel_loop3A_241 {offsets = [11], sizes = [1], strides = [1]} : vector<16xf32> to vector<1xf32>
        %parallel_loop3A_811 = vector.extract %parallel_loop3A_810[0] : f32 from vector<1xf32>
        %parallel_loop3A_812 = vector.broadcast %parallel_loop3A_811 : f32 to vector<16xf32>
        %parallel_loop3A_813 = arith.mulf %parallel_loop3A_809, %parallel_loop3A_812 : vector<16xf32>
        %parallel_loop3A_814 = vector.extract_strided_slice %parallel_loop3A_266 {offsets = [11], sizes = [1], strides = [1]} : vector<16xi32> to vector<1xi32>
        %parallel_loop3A_815 = vector.extract %parallel_loop3A_814[0] : i32 from vector<1xi32>
        %parallel_loop3A_816 = arith.index_cast %parallel_loop3A_815 : i32 to index
        %parallel_loop3A_817 = arith.constant 0 : index
        %parallel_loop3A_818 = tpu.vector_load %arg7[%parallel_loop3A_816, %parallel_loop3A_817] {strides = array<i32>} : memref<4096x16xf32, #tpu.memory_space<vmem>>, vector<16xf32>,
        %parallel_loop3A_819 = vector.extract_strided_slice %parallel_loop3A_246 {offsets = [11], sizes = [1], strides = [1]} : vector<16xf32> to vector<1xf32>
        %parallel_loop3A_820 = vector.extract %parallel_loop3A_819[0] : f32 from vector<1xf32>
        %parallel_loop3A_821 = vector.broadcast %parallel_loop3A_820 : f32 to vector<16xf32>
        %parallel_loop3A_822 = arith.mulf %parallel_loop3A_818, %parallel_loop3A_821 : vector<16xf32>
        %parallel_loop3A_823 = arith.addf %parallel_loop3A_813, %parallel_loop3A_822 : vector<16xf32>
        %parallel_loop3A_824 = vector.extract_strided_slice %parallel_loop3A_271 {offsets = [11], sizes = [1], strides = [1]} : vector<16xi32> to vector<1xi32>
        %parallel_loop3A_825 = vector.extract %parallel_loop3A_824[0] : i32 from vector<1xi32>
        %parallel_loop3A_826 = arith.index_cast %parallel_loop3A_825 : i32 to index
        %parallel_loop3A_827 = arith.constant 0 : index
        %parallel_loop3A_828 = tpu.vector_load %arg7[%parallel_loop3A_826, %parallel_loop3A_827] {strides = array<i32>} : memref<4096x16xf32, #tpu.memory_space<vmem>>, vector<16xf32>,
        %parallel_loop3A_829 = vector.extract_strided_slice %parallel_loop3A_251 {offsets = [11], sizes = [1], strides = [1]} : vector<16xf32> to vector<1xf32>
        %parallel_loop3A_830 = vector.extract %parallel_loop3A_829[0] : f32 from vector<1xf32>
        %parallel_loop3A_831 = vector.broadcast %parallel_loop3A_830 : f32 to vector<16xf32>
        %parallel_loop3A_832 = arith.mulf %parallel_loop3A_828, %parallel_loop3A_831 : vector<16xf32>
        %parallel_loop3A_833 = arith.addf %parallel_loop3A_823, %parallel_loop3A_832 : vector<16xf32>
        %parallel_loop3A_834 = vector.extract_strided_slice %parallel_loop3A_276 {offsets = [11], sizes = [1], strides = [1]} : vector<16xi32> to vector<1xi32>
        %parallel_loop3A_835 = vector.extract %parallel_loop3A_834[0] : i32 from vector<1xi32>
        %parallel_loop3A_836 = arith.index_cast %parallel_loop3A_835 : i32 to index
        %parallel_loop3A_837 = arith.constant 0 : index
        %parallel_loop3A_838 = tpu.vector_load %arg7[%parallel_loop3A_836, %parallel_loop3A_837] {strides = array<i32>} : memref<4096x16xf32, #tpu.memory_space<vmem>>, vector<16xf32>,
        %parallel_loop3A_839 = vector.extract_strided_slice %parallel_loop3A_256 {offsets = [11], sizes = [1], strides = [1]} : vector<16xf32> to vector<1xf32>
        %parallel_loop3A_840 = vector.extract %parallel_loop3A_839[0] : f32 from vector<1xf32>
        %parallel_loop3A_841 = vector.broadcast %parallel_loop3A_840 : f32 to vector<16xf32>
        %parallel_loop3A_842 = arith.mulf %parallel_loop3A_838, %parallel_loop3A_841 : vector<16xf32>
        %parallel_loop3A_843 = arith.addf %parallel_loop3A_833, %parallel_loop3A_842 : vector<16xf32>
        %parallel_loop3A_844 = arith.constant 11 : i32
        %parallel_loop3A_845 = arith.addi %parallel_loop3A_236, %parallel_loop3A_844 : i32
        %parallel_loop3A_846 = arith.index_cast %rem3A_167 : i32 to index
        %parallel_loop3A_847 = arith.index_cast %parallel_loop3A_845 : i32 to index
        %parallel_loop3A_848 = arith.constant 0 : index
        %parallel_loop3A_849 = tpu.vector_load %arg8[%parallel_loop3A_846, %parallel_loop3A_847, %parallel_loop3A_848] {strides = array<i32>} : memref<2x1024x16xf32, #tpu.memory_space<vmem>>, vector<16xf32>,
        tpu.vector_store %arg8[%parallel_loop3A_846, %parallel_loop3A_847, %parallel_loop3A_848], %parallel_loop3A_843 {strides = array<i32>} : memref<2x1024x16xf32, #tpu.memory_space<vmem>>, vector<16xf32>,
        %parallel_loop3A_850 = arith.addf %parallel_loop3A_802, %parallel_loop3A_843 : vector<16xf32>
        %parallel_loop3A_851 = arith.mulf %parallel_loop3A_843, %parallel_loop3A_843 : vector<16xf32>
        %parallel_loop3A_852 = arith.addf %parallel_loop3A_804, %parallel_loop3A_851 : vector<16xf32>
        %parallel_loop3A_853 = vector.extract_strided_slice %parallel_loop3A_261 {offsets = [12], sizes = [1], strides = [1]} : vector<16xi32> to vector<1xi32>
        %parallel_loop3A_854 = vector.extract %parallel_loop3A_853[0] : i32 from vector<1xi32>
        %parallel_loop3A_855 = arith.index_cast %parallel_loop3A_854 : i32 to index
        %parallel_loop3A_856 = arith.constant 0 : index
        %parallel_loop3A_857 = tpu.vector_load %arg7[%parallel_loop3A_855, %parallel_loop3A_856] {strides = array<i32>} : memref<4096x16xf32, #tpu.memory_space<vmem>>, vector<16xf32>,
        %parallel_loop3A_858 = vector.extract_strided_slice %parallel_loop3A_241 {offsets = [12], sizes = [1], strides = [1]} : vector<16xf32> to vector<1xf32>
        %parallel_loop3A_859 = vector.extract %parallel_loop3A_858[0] : f32 from vector<1xf32>
        %parallel_loop3A_860 = vector.broadcast %parallel_loop3A_859 : f32 to vector<16xf32>
        %parallel_loop3A_861 = arith.mulf %parallel_loop3A_857, %parallel_loop3A_860 : vector<16xf32>
        %parallel_loop3A_862 = vector.extract_strided_slice %parallel_loop3A_266 {offsets = [12], sizes = [1], strides = [1]} : vector<16xi32> to vector<1xi32>
        %parallel_loop3A_863 = vector.extract %parallel_loop3A_862[0] : i32 from vector<1xi32>
        %parallel_loop3A_864 = arith.index_cast %parallel_loop3A_863 : i32 to index
        %parallel_loop3A_865 = arith.constant 0 : index
        %parallel_loop3A_866 = tpu.vector_load %arg7[%parallel_loop3A_864, %parallel_loop3A_865] {strides = array<i32>} : memref<4096x16xf32, #tpu.memory_space<vmem>>, vector<16xf32>,
        %parallel_loop3A_867 = vector.extract_strided_slice %parallel_loop3A_246 {offsets = [12], sizes = [1], strides = [1]} : vector<16xf32> to vector<1xf32>
        %parallel_loop3A_868 = vector.extract %parallel_loop3A_867[0] : f32 from vector<1xf32>
        %parallel_loop3A_869 = vector.broadcast %parallel_loop3A_868 : f32 to vector<16xf32>
        %parallel_loop3A_870 = arith.mulf %parallel_loop3A_866, %parallel_loop3A_869 : vector<16xf32>
        %parallel_loop3A_871 = arith.addf %parallel_loop3A_861, %parallel_loop3A_870 : vector<16xf32>
        %parallel_loop3A_872 = vector.extract_strided_slice %parallel_loop3A_271 {offsets = [12], sizes = [1], strides = [1]} : vector<16xi32> to vector<1xi32>
        %parallel_loop3A_873 = vector.extract %parallel_loop3A_872[0] : i32 from vector<1xi32>
        %parallel_loop3A_874 = arith.index_cast %parallel_loop3A_873 : i32 to index
        %parallel_loop3A_875 = arith.constant 0 : index
        %parallel_loop3A_876 = tpu.vector_load %arg7[%parallel_loop3A_874, %parallel_loop3A_875] {strides = array<i32>} : memref<4096x16xf32, #tpu.memory_space<vmem>>, vector<16xf32>,
        %parallel_loop3A_877 = vector.extract_strided_slice %parallel_loop3A_251 {offsets = [12], sizes = [1], strides = [1]} : vector<16xf32> to vector<1xf32>
        %parallel_loop3A_878 = vector.extract %parallel_loop3A_877[0] : f32 from vector<1xf32>
        %parallel_loop3A_879 = vector.broadcast %parallel_loop3A_878 : f32 to vector<16xf32>
        %parallel_loop3A_880 = arith.mulf %parallel_loop3A_876, %parallel_loop3A_879 : vector<16xf32>
        %parallel_loop3A_881 = arith.addf %parallel_loop3A_871, %parallel_loop3A_880 : vector<16xf32>
        %parallel_loop3A_882 = vector.extract_strided_slice %parallel_loop3A_276 {offsets = [12], sizes = [1], strides = [1]} : vector<16xi32> to vector<1xi32>
        %parallel_loop3A_883 = vector.extract %parallel_loop3A_882[0] : i32 from vector<1xi32>
        %parallel_loop3A_884 = arith.index_cast %parallel_loop3A_883 : i32 to index
        %parallel_loop3A_885 = arith.constant 0 : index
        %parallel_loop3A_886 = tpu.vector_load %arg7[%parallel_loop3A_884, %parallel_loop3A_885] {strides = array<i32>} : memref<4096x16xf32, #tpu.memory_space<vmem>>, vector<16xf32>,
        %parallel_loop3A_887 = vector.extract_strided_slice %parallel_loop3A_256 {offsets = [12], sizes = [1], strides = [1]} : vector<16xf32> to vector<1xf32>
        %parallel_loop3A_888 = vector.extract %parallel_loop3A_887[0] : f32 from vector<1xf32>
        %parallel_loop3A_889 = vector.broadcast %parallel_loop3A_888 : f32 to vector<16xf32>
        %parallel_loop3A_890 = arith.mulf %parallel_loop3A_886, %parallel_loop3A_889 : vector<16xf32>
        %parallel_loop3A_891 = arith.addf %parallel_loop3A_881, %parallel_loop3A_890 : vector<16xf32>
        %parallel_loop3A_892 = arith.constant 12 : i32
        %parallel_loop3A_893 = arith.addi %parallel_loop3A_236, %parallel_loop3A_892 : i32
        %parallel_loop3A_894 = arith.index_cast %rem3A_167 : i32 to index
        %parallel_loop3A_895 = arith.index_cast %parallel_loop3A_893 : i32 to index
        %parallel_loop3A_896 = arith.constant 0 : index
        %parallel_loop3A_897 = tpu.vector_load %arg8[%parallel_loop3A_894, %parallel_loop3A_895, %parallel_loop3A_896] {strides = array<i32>} : memref<2x1024x16xf32, #tpu.memory_space<vmem>>, vector<16xf32>,
        tpu.vector_store %arg8[%parallel_loop3A_894, %parallel_loop3A_895, %parallel_loop3A_896], %parallel_loop3A_891 {strides = array<i32>} : memref<2x1024x16xf32, #tpu.memory_space<vmem>>, vector<16xf32>,
        %parallel_loop3A_898 = arith.addf %parallel_loop3A_850, %parallel_loop3A_891 : vector<16xf32>
        %parallel_loop3A_899 = arith.mulf %parallel_loop3A_891, %parallel_loop3A_891 : vector<16xf32>
        %parallel_loop3A_900 = arith.addf %parallel_loop3A_852, %parallel_loop3A_899 : vector<16xf32>
        %parallel_loop3A_901 = vector.extract_strided_slice %parallel_loop3A_261 {offsets = [13], sizes = [1], strides = [1]} : vector<16xi32> to vector<1xi32>
        %parallel_loop3A_902 = vector.extract %parallel_loop3A_901[0] : i32 from vector<1xi32>
        %parallel_loop3A_903 = arith.index_cast %parallel_loop3A_902 : i32 to index
        %parallel_loop3A_904 = arith.constant 0 : index
        %parallel_loop3A_905 = tpu.vector_load %arg7[%parallel_loop3A_903, %parallel_loop3A_904] {strides = array<i32>} : memref<4096x16xf32, #tpu.memory_space<vmem>>, vector<16xf32>,
        %parallel_loop3A_906 = vector.extract_strided_slice %parallel_loop3A_241 {offsets = [13], sizes = [1], strides = [1]} : vector<16xf32> to vector<1xf32>
        %parallel_loop3A_907 = vector.extract %parallel_loop3A_906[0] : f32 from vector<1xf32>
        %parallel_loop3A_908 = vector.broadcast %parallel_loop3A_907 : f32 to vector<16xf32>
        %parallel_loop3A_909 = arith.mulf %parallel_loop3A_905, %parallel_loop3A_908 : vector<16xf32>
        %parallel_loop3A_910 = vector.extract_strided_slice %parallel_loop3A_266 {offsets = [13], sizes = [1], strides = [1]} : vector<16xi32> to vector<1xi32>
        %parallel_loop3A_911 = vector.extract %parallel_loop3A_910[0] : i32 from vector<1xi32>
        %parallel_loop3A_912 = arith.index_cast %parallel_loop3A_911 : i32 to index
        %parallel_loop3A_913 = arith.constant 0 : index
        %parallel_loop3A_914 = tpu.vector_load %arg7[%parallel_loop3A_912, %parallel_loop3A_913] {strides = array<i32>} : memref<4096x16xf32, #tpu.memory_space<vmem>>, vector<16xf32>,
        %parallel_loop3A_915 = vector.extract_strided_slice %parallel_loop3A_246 {offsets = [13], sizes = [1], strides = [1]} : vector<16xf32> to vector<1xf32>
        %parallel_loop3A_916 = vector.extract %parallel_loop3A_915[0] : f32 from vector<1xf32>
        %parallel_loop3A_917 = vector.broadcast %parallel_loop3A_916 : f32 to vector<16xf32>
        %parallel_loop3A_918 = arith.mulf %parallel_loop3A_914, %parallel_loop3A_917 : vector<16xf32>
        %parallel_loop3A_919 = arith.addf %parallel_loop3A_909, %parallel_loop3A_918 : vector<16xf32>
        %parallel_loop3A_920 = vector.extract_strided_slice %parallel_loop3A_271 {offsets = [13], sizes = [1], strides = [1]} : vector<16xi32> to vector<1xi32>
        %parallel_loop3A_921 = vector.extract %parallel_loop3A_920[0] : i32 from vector<1xi32>
        %parallel_loop3A_922 = arith.index_cast %parallel_loop3A_921 : i32 to index
        %parallel_loop3A_923 = arith.constant 0 : index
        %parallel_loop3A_924 = tpu.vector_load %arg7[%parallel_loop3A_922, %parallel_loop3A_923] {strides = array<i32>} : memref<4096x16xf32, #tpu.memory_space<vmem>>, vector<16xf32>,
        %parallel_loop3A_925 = vector.extract_strided_slice %parallel_loop3A_251 {offsets = [13], sizes = [1], strides = [1]} : vector<16xf32> to vector<1xf32>
        %parallel_loop3A_926 = vector.extract %parallel_loop3A_925[0] : f32 from vector<1xf32>
        %parallel_loop3A_927 = vector.broadcast %parallel_loop3A_926 : f32 to vector<16xf32>
        %parallel_loop3A_928 = arith.mulf %parallel_loop3A_924, %parallel_loop3A_927 : vector<16xf32>
        %parallel_loop3A_929 = arith.addf %parallel_loop3A_919, %parallel_loop3A_928 : vector<16xf32>
        %parallel_loop3A_930 = vector.extract_strided_slice %parallel_loop3A_276 {offsets = [13], sizes = [1], strides = [1]} : vector<16xi32> to vector<1xi32>
        %parallel_loop3A_931 = vector.extract %parallel_loop3A_930[0] : i32 from vector<1xi32>
        %parallel_loop3A_932 = arith.index_cast %parallel_loop3A_931 : i32 to index
        %parallel_loop3A_933 = arith.constant 0 : index
        %parallel_loop3A_934 = tpu.vector_load %arg7[%parallel_loop3A_932, %parallel_loop3A_933] {strides = array<i32>} : memref<4096x16xf32, #tpu.memory_space<vmem>>, vector<16xf32>,
        %parallel_loop3A_935 = vector.extract_strided_slice %parallel_loop3A_256 {offsets = [13], sizes = [1], strides = [1]} : vector<16xf32> to vector<1xf32>
        %parallel_loop3A_936 = vector.extract %parallel_loop3A_935[0] : f32 from vector<1xf32>
        %parallel_loop3A_937 = vector.broadcast %parallel_loop3A_936 : f32 to vector<16xf32>
        %parallel_loop3A_938 = arith.mulf %parallel_loop3A_934, %parallel_loop3A_937 : vector<16xf32>
        %parallel_loop3A_939 = arith.addf %parallel_loop3A_929, %parallel_loop3A_938 : vector<16xf32>
        %parallel_loop3A_940 = arith.constant 13 : i32
        %parallel_loop3A_941 = arith.addi %parallel_loop3A_236, %parallel_loop3A_940 : i32
        %parallel_loop3A_942 = arith.index_cast %rem3A_167 : i32 to index
        %parallel_loop3A_943 = arith.index_cast %parallel_loop3A_941 : i32 to index
        %parallel_loop3A_944 = arith.constant 0 : index
        %parallel_loop3A_945 = tpu.vector_load %arg8[%parallel_loop3A_942, %parallel_loop3A_943, %parallel_loop3A_944] {strides = array<i32>} : memref<2x1024x16xf32, #tpu.memory_space<vmem>>, vector<16xf32>,
        tpu.vector_store %arg8[%parallel_loop3A_942, %parallel_loop3A_943, %parallel_loop3A_944], %parallel_loop3A_939 {strides = array<i32>} : memref<2x1024x16xf32, #tpu.memory_space<vmem>>, vector<16xf32>,
        %parallel_loop3A_946 = arith.addf %parallel_loop3A_898, %parallel_loop3A_939 : vector<16xf32>
        %parallel_loop3A_947 = arith.mulf %parallel_loop3A_939, %parallel_loop3A_939 : vector<16xf32>
        %parallel_loop3A_948 = arith.addf %parallel_loop3A_900, %parallel_loop3A_947 : vector<16xf32>
        %parallel_loop3A_949 = vector.extract_strided_slice %parallel_loop3A_261 {offsets = [14], sizes = [1], strides = [1]} : vector<16xi32> to vector<1xi32>
        %parallel_loop3A_950 = vector.extract %parallel_loop3A_949[0] : i32 from vector<1xi32>
        %parallel_loop3A_951 = arith.index_cast %parallel_loop3A_950 : i32 to index
        %parallel_loop3A_952 = arith.constant 0 : index
        %parallel_loop3A_953 = tpu.vector_load %arg7[%parallel_loop3A_951, %parallel_loop3A_952] {strides = array<i32>} : memref<4096x16xf32, #tpu.memory_space<vmem>>, vector<16xf32>,
        %parallel_loop3A_954 = vector.extract_strided_slice %parallel_loop3A_241 {offsets = [14], sizes = [1], strides = [1]} : vector<16xf32> to vector<1xf32>
        %parallel_loop3A_955 = vector.extract %parallel_loop3A_954[0] : f32 from vector<1xf32>
        %parallel_loop3A_956 = vector.broadcast %parallel_loop3A_955 : f32 to vector<16xf32>
        %parallel_loop3A_957 = arith.mulf %parallel_loop3A_953, %parallel_loop3A_956 : vector<16xf32>
        %parallel_loop3A_958 = vector.extract_strided_slice %parallel_loop3A_266 {offsets = [14], sizes = [1], strides = [1]} : vector<16xi32> to vector<1xi32>
        %parallel_loop3A_959 = vector.extract %parallel_loop3A_958[0] : i32 from vector<1xi32>
        %parallel_loop3A_960 = arith.index_cast %parallel_loop3A_959 : i32 to index
        %parallel_loop3A_961 = arith.constant 0 : index
        %parallel_loop3A_962 = tpu.vector_load %arg7[%parallel_loop3A_960, %parallel_loop3A_961] {strides = array<i32>} : memref<4096x16xf32, #tpu.memory_space<vmem>>, vector<16xf32>,
        %parallel_loop3A_963 = vector.extract_strided_slice %parallel_loop3A_246 {offsets = [14], sizes = [1], strides = [1]} : vector<16xf32> to vector<1xf32>
        %parallel_loop3A_964 = vector.extract %parallel_loop3A_963[0] : f32 from vector<1xf32>
        %parallel_loop3A_965 = vector.broadcast %parallel_loop3A_964 : f32 to vector<16xf32>
        %parallel_loop3A_966 = arith.mulf %parallel_loop3A_962, %parallel_loop3A_965 : vector<16xf32>
        %parallel_loop3A_967 = arith.addf %parallel_loop3A_957, %parallel_loop3A_966 : vector<16xf32>
        %parallel_loop3A_968 = vector.extract_strided_slice %parallel_loop3A_271 {offsets = [14], sizes = [1], strides = [1]} : vector<16xi32> to vector<1xi32>
        %parallel_loop3A_969 = vector.extract %parallel_loop3A_968[0] : i32 from vector<1xi32>
        %parallel_loop3A_970 = arith.index_cast %parallel_loop3A_969 : i32 to index
        %parallel_loop3A_971 = arith.constant 0 : index
        %parallel_loop3A_972 = tpu.vector_load %arg7[%parallel_loop3A_970, %parallel_loop3A_971] {strides = array<i32>} : memref<4096x16xf32, #tpu.memory_space<vmem>>, vector<16xf32>,
        %parallel_loop3A_973 = vector.extract_strided_slice %parallel_loop3A_251 {offsets = [14], sizes = [1], strides = [1]} : vector<16xf32> to vector<1xf32>
        %parallel_loop3A_974 = vector.extract %parallel_loop3A_973[0] : f32 from vector<1xf32>
        %parallel_loop3A_975 = vector.broadcast %parallel_loop3A_974 : f32 to vector<16xf32>
        %parallel_loop3A_976 = arith.mulf %parallel_loop3A_972, %parallel_loop3A_975 : vector<16xf32>
        %parallel_loop3A_977 = arith.addf %parallel_loop3A_967, %parallel_loop3A_976 : vector<16xf32>
        %parallel_loop3A_978 = vector.extract_strided_slice %parallel_loop3A_276 {offsets = [14], sizes = [1], strides = [1]} : vector<16xi32> to vector<1xi32>
        %parallel_loop3A_979 = vector.extract %parallel_loop3A_978[0] : i32 from vector<1xi32>
        %parallel_loop3A_980 = arith.index_cast %parallel_loop3A_979 : i32 to index
        %parallel_loop3A_981 = arith.constant 0 : index
        %parallel_loop3A_982 = tpu.vector_load %arg7[%parallel_loop3A_980, %parallel_loop3A_981] {strides = array<i32>} : memref<4096x16xf32, #tpu.memory_space<vmem>>, vector<16xf32>,
        %parallel_loop3A_983 = vector.extract_strided_slice %parallel_loop3A_256 {offsets = [14], sizes = [1], strides = [1]} : vector<16xf32> to vector<1xf32>
        %parallel_loop3A_984 = vector.extract %parallel_loop3A_983[0] : f32 from vector<1xf32>
        %parallel_loop3A_985 = vector.broadcast %parallel_loop3A_984 : f32 to vector<16xf32>
        %parallel_loop3A_986 = arith.mulf %parallel_loop3A_982, %parallel_loop3A_985 : vector<16xf32>
        %parallel_loop3A_987 = arith.addf %parallel_loop3A_977, %parallel_loop3A_986 : vector<16xf32>
        %parallel_loop3A_988 = arith.constant 14 : i32
        %parallel_loop3A_989 = arith.addi %parallel_loop3A_236, %parallel_loop3A_988 : i32
        %parallel_loop3A_990 = arith.index_cast %rem3A_167 : i32 to index
        %parallel_loop3A_991 = arith.index_cast %parallel_loop3A_989 : i32 to index
        %parallel_loop3A_992 = arith.constant 0 : index
        %parallel_loop3A_993 = tpu.vector_load %arg8[%parallel_loop3A_990, %parallel_loop3A_991, %parallel_loop3A_992] {strides = array<i32>} : memref<2x1024x16xf32, #tpu.memory_space<vmem>>, vector<16xf32>,
        tpu.vector_store %arg8[%parallel_loop3A_990, %parallel_loop3A_991, %parallel_loop3A_992], %parallel_loop3A_987 {strides = array<i32>} : memref<2x1024x16xf32, #tpu.memory_space<vmem>>, vector<16xf32>,
        %parallel_loop3A_994 = arith.addf %parallel_loop3A_946, %parallel_loop3A_987 : vector<16xf32>
        %parallel_loop3A_995 = arith.mulf %parallel_loop3A_987, %parallel_loop3A_987 : vector<16xf32>
        %parallel_loop3A_996 = arith.addf %parallel_loop3A_948, %parallel_loop3A_995 : vector<16xf32>
        %parallel_loop3A_997 = vector.extract_strided_slice %parallel_loop3A_261 {offsets = [15], sizes = [1], strides = [1]} : vector<16xi32> to vector<1xi32>
        %parallel_loop3A_998 = vector.extract %parallel_loop3A_997[0] : i32 from vector<1xi32>
        %parallel_loop3A_999 = arith.index_cast %parallel_loop3A_998 : i32 to index
        %parallel_loop3A_1000 = arith.constant 0 : index
        %parallel_loop3A_1001 = tpu.vector_load %arg7[%parallel_loop3A_999, %parallel_loop3A_1000] {strides = array<i32>} : memref<4096x16xf32, #tpu.memory_space<vmem>>, vector<16xf32>,
        %parallel_loop3A_1002 = vector.extract_strided_slice %parallel_loop3A_241 {offsets = [15], sizes = [1], strides = [1]} : vector<16xf32> to vector<1xf32>
        %parallel_loop3A_1003 = vector.extract %parallel_loop3A_1002[0] : f32 from vector<1xf32>
        %parallel_loop3A_1004 = vector.broadcast %parallel_loop3A_1003 : f32 to vector<16xf32>
        %parallel_loop3A_1005 = arith.mulf %parallel_loop3A_1001, %parallel_loop3A_1004 : vector<16xf32>
        %parallel_loop3A_1006 = vector.extract_strided_slice %parallel_loop3A_266 {offsets = [15], sizes = [1], strides = [1]} : vector<16xi32> to vector<1xi32>
        %parallel_loop3A_1007 = vector.extract %parallel_loop3A_1006[0] : i32 from vector<1xi32>
        %parallel_loop3A_1008 = arith.index_cast %parallel_loop3A_1007 : i32 to index
        %parallel_loop3A_1009 = arith.constant 0 : index
        %parallel_loop3A_1010 = tpu.vector_load %arg7[%parallel_loop3A_1008, %parallel_loop3A_1009] {strides = array<i32>} : memref<4096x16xf32, #tpu.memory_space<vmem>>, vector<16xf32>,
        %parallel_loop3A_1011 = vector.extract_strided_slice %parallel_loop3A_246 {offsets = [15], sizes = [1], strides = [1]} : vector<16xf32> to vector<1xf32>
        %parallel_loop3A_1012 = vector.extract %parallel_loop3A_1011[0] : f32 from vector<1xf32>
        %parallel_loop3A_1013 = vector.broadcast %parallel_loop3A_1012 : f32 to vector<16xf32>
        %parallel_loop3A_1014 = arith.mulf %parallel_loop3A_1010, %parallel_loop3A_1013 : vector<16xf32>
        %parallel_loop3A_1015 = arith.addf %parallel_loop3A_1005, %parallel_loop3A_1014 : vector<16xf32>
        %parallel_loop3A_1016 = vector.extract_strided_slice %parallel_loop3A_271 {offsets = [15], sizes = [1], strides = [1]} : vector<16xi32> to vector<1xi32>
        %parallel_loop3A_1017 = vector.extract %parallel_loop3A_1016[0] : i32 from vector<1xi32>
        %parallel_loop3A_1018 = arith.index_cast %parallel_loop3A_1017 : i32 to index
        %parallel_loop3A_1019 = arith.constant 0 : index
        %parallel_loop3A_1020 = tpu.vector_load %arg7[%parallel_loop3A_1018, %parallel_loop3A_1019] {strides = array<i32>} : memref<4096x16xf32, #tpu.memory_space<vmem>>, vector<16xf32>,
        %parallel_loop3A_1021 = vector.extract_strided_slice %parallel_loop3A_251 {offsets = [15], sizes = [1], strides = [1]} : vector<16xf32> to vector<1xf32>
        %parallel_loop3A_1022 = vector.extract %parallel_loop3A_1021[0] : f32 from vector<1xf32>
        %parallel_loop3A_1023 = vector.broadcast %parallel_loop3A_1022 : f32 to vector<16xf32>
        %parallel_loop3A_1024 = arith.mulf %parallel_loop3A_1020, %parallel_loop3A_1023 : vector<16xf32>
        %parallel_loop3A_1025 = arith.addf %parallel_loop3A_1015, %parallel_loop3A_1024 : vector<16xf32>
        %parallel_loop3A_1026 = vector.extract_strided_slice %parallel_loop3A_276 {offsets = [15], sizes = [1], strides = [1]} : vector<16xi32> to vector<1xi32>
        %parallel_loop3A_1027 = vector.extract %parallel_loop3A_1026[0] : i32 from vector<1xi32>
        %parallel_loop3A_1028 = arith.index_cast %parallel_loop3A_1027 : i32 to index
        %parallel_loop3A_1029 = arith.constant 0 : index
        %parallel_loop3A_1030 = tpu.vector_load %arg7[%parallel_loop3A_1028, %parallel_loop3A_1029] {strides = array<i32>} : memref<4096x16xf32, #tpu.memory_space<vmem>>, vector<16xf32>,
        %parallel_loop3A_1031 = vector.extract_strided_slice %parallel_loop3A_256 {offsets = [15], sizes = [1], strides = [1]} : vector<16xf32> to vector<1xf32>
        %parallel_loop3A_1032 = vector.extract %parallel_loop3A_1031[0] : f32 from vector<1xf32>
        %parallel_loop3A_1033 = vector.broadcast %parallel_loop3A_1032 : f32 to vector<16xf32>
        %parallel_loop3A_1034 = arith.mulf %parallel_loop3A_1030, %parallel_loop3A_1033 : vector<16xf32>
        %parallel_loop3A_1035 = arith.addf %parallel_loop3A_1025, %parallel_loop3A_1034 : vector<16xf32>
        %parallel_loop3A_1036 = arith.constant 15 : i32
        %parallel_loop3A_1037 = arith.addi %parallel_loop3A_236, %parallel_loop3A_1036 : i32
        %parallel_loop3A_1038 = arith.index_cast %rem3A_167 : i32 to index
        %parallel_loop3A_1039 = arith.index_cast %parallel_loop3A_1037 : i32 to index
        %parallel_loop3A_1040 = arith.constant 0 : index
        %parallel_loop3A_1041 = tpu.vector_load %arg8[%parallel_loop3A_1038, %parallel_loop3A_1039, %parallel_loop3A_1040] {strides = array<i32>} : memref<2x1024x16xf32, #tpu.memory_space<vmem>>, vector<16xf32>,
        tpu.vector_store %arg8[%parallel_loop3A_1038, %parallel_loop3A_1039, %parallel_loop3A_1040], %parallel_loop3A_1035 {strides = array<i32>} : memref<2x1024x16xf32, #tpu.memory_space<vmem>>, vector<16xf32>,
        %parallel_loop3A_1042 = arith.addf %parallel_loop3A_994, %parallel_loop3A_1035 : vector<16xf32>
        %parallel_loop3A_1043 = arith.mulf %parallel_loop3A_1035, %parallel_loop3A_1035 : vector<16xf32>
        %parallel_loop3A_1044 = arith.addf %parallel_loop3A_996, %parallel_loop3A_1043 : vector<16xf32>
        scf.yield %parallel_loop3A_1042, %parallel_loop3A_1044 : vector<16xf32>, vector<16xf32>
      } {sc.loop_unroll_factor = 4 : i64, sc.parallel_access}
      %mul3A_216 = arith.constant 1024 : i32
      %mul3A_217 = arith.muli %scan3A_163, %mul3A_216 : i32
      %dma_start3A_218 = arith.constant 0 : i32
      %dma_start3A_219 = arith.constant 0 : i32
      %dma_start3A_220 = tpu.memref_slice %arg8[%rem3A_167, %dma_start3A_218, %dma_start3A_219] : memref<2x1024x16xf32, #tpu.memory_space<vmem>> -> memref<1x1024x16xf32, #tpu.memory_space<vmem>>
      %dma_start3A_221 = tpu.memref_squeeze %dma_start3A_220 : memref<1x1024x16xf32, #tpu.memory_space<vmem>> -> memref<1024x16xf32, #tpu.memory_space<vmem>>
      %dma_start3A_222 = tpu.memref_slice %arg5[%select_n3A, %mul3A_217, %add3A_75] : memref<4x8192x128xf32, #tpu.memory_space<hbm>> -> memref<1x1024x16xf32, #tpu.memory_space<hbm>>
      %dma_start3A_223 = tpu.memref_squeeze %dma_start3A_222 : memref<1x1024x16xf32, #tpu.memory_space<hbm>> -> memref<1024x16xf32, #tpu.memory_space<hbm>>
      %dma_start3A_224 = tpu.memref_slice %arg14[%rem3A_167] : memref<2x!tpu.dma_semaphore, #tpu.memory_space<semaphore_mem>> -> memref<1x!tpu.dma_semaphore, #tpu.memory_space<semaphore_mem>>
      %dma_start3A_225 = tpu.memref_squeeze %dma_start3A_224 : memref<1x!tpu.dma_semaphore, #tpu.memory_space<semaphore_mem>> -> memref<!tpu.dma_semaphore, #tpu.memory_space<semaphore_mem>>
      %dma_start3A_226 = tpu.memref_slice %arg5[%select_n3A, %mul3A_217, %add3A_75] : memref<4x8192x128xf32, #tpu.memory_space<hbm>> -> memref<1x1024x16xf32, #tpu.memory_space<hbm>>
      %dma_start3A_227 = tpu.memref_squeeze %dma_start3A_226 : memref<1x1024x16xf32, #tpu.memory_space<hbm>> -> memref<1024x16xf32, #tpu.memory_space<hbm>>
      %dma_start3A_228 = arith.constant 0 : i32
      %dma_start3A_229 = arith.constant 0 : i32
      %dma_start3A_230 = tpu.memref_slice %arg8[%rem3A_167, %dma_start3A_228, %dma_start3A_229] : memref<2x1024x16xf32, #tpu.memory_space<vmem>> -> memref<1x1024x16xf32, #tpu.memory_space<vmem>>
      %dma_start3A_231 = tpu.memref_squeeze %dma_start3A_230 : memref<1x1024x16xf32, #tpu.memory_space<vmem>> -> memref<1024x16xf32, #tpu.memory_space<vmem>>
      tpu.enqueue_dma source(%dma_start3A_231 : memref<1024x16xf32, #tpu.memory_space<vmem>>) target(%dma_start3A_227 : memref<1024x16xf32, #tpu.memory_space<hbm>>) target_semaphore(%dma_start3A_225 : memref<!tpu.dma_semaphore, #tpu.memory_space<semaphore_mem>>)
      scf.yield %parallel_loop3A_215#0, %parallel_loop3A_215#1 : vector<16xf32>, vector<16xf32>
    }
    %scan3A_120 = arith.constant 8 : i32
    %dma_wait3A = arith.constant 0 : i32
    %dma_wait3A_121 = arith.constant 0 : i32
    %dma_wait3A_122 = arith.constant 0 : i32
    %dma_wait3A_123 = arith.constant 0 : i32
    %dma_wait3A_124 = tpu.memref_slice %arg8[%dma_wait3A, %dma_wait3A_122, %dma_wait3A_123] : memref<2x1024x16xf32, #tpu.memory_space<vmem>> -> memref<1x1024x16xf32, #tpu.memory_space<vmem>>
    %dma_wait3A_125 = tpu.memref_squeeze %dma_wait3A_124 : memref<1x1024x16xf32, #tpu.memory_space<vmem>> -> memref<1024x16xf32, #tpu.memory_space<vmem>>
    %dma_wait3A_126 = arith.constant 0 : i32
    %dma_wait3A_127 = tpu.memref_slice %arg5[%select_n3A, %dma_wait3A_126, %add3A_75] : memref<4x8192x128xf32, #tpu.memory_space<hbm>> -> memref<1x1024x16xf32, #tpu.memory_space<hbm>>
    %dma_wait3A_128 = tpu.memref_squeeze %dma_wait3A_127 : memref<1x1024x16xf32, #tpu.memory_space<hbm>> -> memref<1024x16xf32, #tpu.memory_space<hbm>>
    %dma_wait3A_129 = tpu.memref_slice %arg14[%dma_wait3A_121] : memref<2x!tpu.dma_semaphore, #tpu.memory_space<semaphore_mem>> -> memref<1x!tpu.dma_semaphore, #tpu.memory_space<semaphore_mem>>
    %dma_wait3A_130 = tpu.memref_squeeze %dma_wait3A_129 : memref<1x!tpu.dma_semaphore, #tpu.memory_space<semaphore_mem>> -> memref<!tpu.dma_semaphore, #tpu.memory_space<semaphore_mem>>
    %dma_wait3A_131 = arith.constant 0 : i32
    %dma_wait3A_132 = tpu.memref_slice %arg5[%select_n3A, %dma_wait3A_131, %add3A_75] : memref<4x8192x128xf32, #tpu.memory_space<hbm>> -> memref<1x1024x16xf32, #tpu.memory_space<hbm>>
    %dma_wait3A_133 = tpu.memref_squeeze %dma_wait3A_132 : memref<1x1024x16xf32, #tpu.memory_space<hbm>> -> memref<1024x16xf32, #tpu.memory_space<hbm>>
    %dma_wait3A_134 = arith.constant 0 : i32
    %dma_wait3A_135 = arith.constant 0 : i32
    %dma_wait3A_136 = tpu.memref_slice %arg8[%dma_wait3A, %dma_wait3A_134, %dma_wait3A_135] : memref<2x1024x16xf32, #tpu.memory_space<vmem>> -> memref<1x1024x16xf32, #tpu.memory_space<vmem>>
    %dma_wait3A_137 = tpu.memref_squeeze %dma_wait3A_136 : memref<1x1024x16xf32, #tpu.memory_space<vmem>> -> memref<1024x16xf32, #tpu.memory_space<vmem>>
    tpu.wait_dma2 semaphore(%dma_wait3A_130 : memref<!tpu.dma_semaphore, #tpu.memory_space<semaphore_mem>>) src(%dma_wait3A_137 : memref<1024x16xf32, #tpu.memory_space<vmem>>) dst(%dma_wait3A_133 : memref<1024x16xf32, #tpu.memory_space<hbm>>)
    %dma_wait3A_138 = arith.constant 1 : i32
    %dma_wait3A_139 = arith.constant 1 : i32
    %dma_wait3A_140 = arith.constant 0 : i32
    %dma_wait3A_141 = arith.constant 0 : i32
    %dma_wait3A_142 = tpu.memref_slice %arg8[%dma_wait3A_138, %dma_wait3A_140, %dma_wait3A_141] : memref<2x1024x16xf32, #tpu.memory_space<vmem>> -> memref<1x1024x16xf32, #tpu.memory_space<vmem>>
    %dma_wait3A_143 = tpu.memref_squeeze %dma_wait3A_142 : memref<1x1024x16xf32, #tpu.memory_space<vmem>> -> memref<1024x16xf32, #tpu.memory_space<vmem>>
    %dma_wait3A_144 = arith.constant 0 : i32
    %dma_wait3A_145 = tpu.memref_slice %arg5[%select_n3A, %dma_wait3A_144, %add3A_75] : memref<4x8192x128xf32, #tpu.memory_space<hbm>> -> memref<1x1024x16xf32, #tpu.memory_space<hbm>>
    %dma_wait3A_146 = tpu.memref_squeeze %dma_wait3A_145 : memref<1x1024x16xf32, #tpu.memory_space<hbm>> -> memref<1024x16xf32, #tpu.memory_space<hbm>>
    %dma_wait3A_147 = tpu.memref_slice %arg14[%dma_wait3A_139] : memref<2x!tpu.dma_semaphore, #tpu.memory_space<semaphore_mem>> -> memref<1x!tpu.dma_semaphore, #tpu.memory_space<semaphore_mem>>
    %dma_wait3A_148 = tpu.memref_squeeze %dma_wait3A_147 : memref<1x!tpu.dma_semaphore, #tpu.memory_space<semaphore_mem>> -> memref<!tpu.dma_semaphore, #tpu.memory_space<semaphore_mem>>
    %dma_wait3A_149 = arith.constant 0 : i32
    %dma_wait3A_150 = tpu.memref_slice %arg5[%select_n3A, %dma_wait3A_149, %add3A_75] : memref<4x8192x128xf32, #tpu.memory_space<hbm>> -> memref<1x1024x16xf32, #tpu.memory_space<hbm>>
    %dma_wait3A_151 = tpu.memref_squeeze %dma_wait3A_150 : memref<1x1024x16xf32, #tpu.memory_space<hbm>> -> memref<1024x16xf32, #tpu.memory_space<hbm>>
    %dma_wait3A_152 = arith.constant 0 : i32
    %dma_wait3A_153 = arith.constant 0 : i32
    %dma_wait3A_154 = tpu.memref_slice %arg8[%dma_wait3A_138, %dma_wait3A_152, %dma_wait3A_153] : memref<2x1024x16xf32, #tpu.memory_space<vmem>> -> memref<1x1024x16xf32, #tpu.memory_space<vmem>>
    %dma_wait3A_155 = tpu.memref_squeeze %dma_wait3A_154 : memref<1x1024x16xf32, #tpu.memory_space<vmem>> -> memref<1024x16xf32, #tpu.memory_space<vmem>>
    tpu.wait_dma2 semaphore(%dma_wait3A_148 : memref<!tpu.dma_semaphore, #tpu.memory_space<semaphore_mem>>) src(%dma_wait3A_155 : memref<1024x16xf32, #tpu.memory_space<vmem>>) dst(%dma_wait3A_151 : memref<1024x16xf32, #tpu.memory_space<hbm>>)
    %swap3A = arith.constant 0 : i32
    %swap3A_156 = arith.index_cast %swap3A : i32 to index
    %swap3A_157 = arith.constant 0 : index
    %swap3A_158 = tpu.vector_load %arg11[%swap3A_156, %swap3A_157] {strides = array<i32>} : memref<2x16xf32, #tpu.memory_space<vmem>>, vector<16xf32>,
    tpu.vector_store %arg11[%swap3A_156, %swap3A_157], %scan3A_119#0 {strides = array<i32>} : memref<2x16xf32, #tpu.memory_space<vmem>>, vector<16xf32>,
    %swap3A_159 = arith.constant 1 : i32
    %swap3A_160 = arith.index_cast %swap3A_159 : i32 to index
    %swap3A_161 = arith.constant 0 : index
    %swap3A_162 = tpu.vector_load %arg11[%swap3A_160, %swap3A_161] {strides = array<i32>} : memref<2x16xf32, #tpu.memory_space<vmem>>, vector<16xf32>,
    tpu.vector_store %arg11[%swap3A_160, %swap3A_161], %scan3A_119#1 {strides = array<i32>} : memref<2x16xf32, #tpu.memory_space<vmem>>, vector<16xf32>,
    "tpu.region"() ({
      %run_scoped3A = tpu.sem_alloc : memref<!tpu.dma_semaphore, #tpu.memory_space<semaphore_mem>>
      %dma_start3A_163 = arith.constant 0 : i32
      %dma_start3A_164 = arith.constant 0 : i32
      %dma_start3A_165 = tpu.memref_slice %arg6[%add3A, %dma_start3A_163, %dma_start3A_164] : memref<32x2x16xf32, #tpu.memory_space<hbm>> -> memref<1x2x16xf32, #tpu.memory_space<hbm>>
      %dma_start3A_166 = tpu.memref_squeeze %dma_start3A_165 : memref<1x2x16xf32, #tpu.memory_space<hbm>> -> memref<2x16xf32, #tpu.memory_space<hbm>>
      %dma_start3A_167 = arith.constant 0 : i32
      %dma_start3A_168 = arith.constant 0 : i32
      %dma_start3A_169 = tpu.memref_slice %arg6[%add3A, %dma_start3A_167, %dma_start3A_168] : memref<32x2x16xf32, #tpu.memory_space<hbm>> -> memref<1x2x16xf32, #tpu.memory_space<hbm>>
      %dma_start3A_170 = tpu.memref_squeeze %dma_start3A_169 : memref<1x2x16xf32, #tpu.memory_space<hbm>> -> memref<2x16xf32, #tpu.memory_space<hbm>>
      tpu.enqueue_dma source(%arg11 : memref<2x16xf32, #tpu.memory_space<vmem>>) target(%dma_start3A_170 : memref<2x16xf32, #tpu.memory_space<hbm>>) target_semaphore(%run_scoped3A : memref<!tpu.dma_semaphore, #tpu.memory_space<semaphore_mem>>)
      %dma_wait3A_171 = arith.constant 0 : i32
      %dma_wait3A_172 = arith.constant 0 : i32
      %dma_wait3A_173 = tpu.memref_slice %arg6[%add3A, %dma_wait3A_171, %dma_wait3A_172] : memref<32x2x16xf32, #tpu.memory_space<hbm>> -> memref<1x2x16xf32, #tpu.memory_space<hbm>>
      %dma_wait3A_174 = tpu.memref_squeeze %dma_wait3A_173 : memref<1x2x16xf32, #tpu.memory_space<hbm>> -> memref<2x16xf32, #tpu.memory_space<hbm>>
      %dma_wait3A_175 = arith.constant 0 : i32
      %dma_wait3A_176 = arith.constant 0 : i32
      %dma_wait3A_177 = tpu.memref_slice %arg6[%add3A, %dma_wait3A_175, %dma_wait3A_176] : memref<32x2x16xf32, #tpu.memory_space<hbm>> -> memref<1x2x16xf32, #tpu.memory_space<hbm>>
      %dma_wait3A_178 = tpu.memref_squeeze %dma_wait3A_177 : memref<1x2x16xf32, #tpu.memory_space<hbm>> -> memref<2x16xf32, #tpu.memory_space<hbm>>
      tpu.wait_dma2 semaphore(%run_scoped3A : memref<!tpu.dma_semaphore, #tpu.memory_space<semaphore_mem>>) src(%arg11 : memref<2x16xf32, #tpu.memory_space<vmem>>) dst(%dma_wait3A_178 : memref<2x16xf32, #tpu.memory_space<hbm>>)
      tpu.yield
    }) : () -> ()
    return
  }
}

#map = affine_map<(d0, d1) -> (0, 0, 0)>
#map1 = affine_map<(d0, d1) -> (0)>
#map2 = affine_map<(d0, d1) -> (0, 0, 0, 0)>
#map3 = affine_map<(d0, d1) -> (0, 0)>
module attributes {stable_mosaic.version = 14 : i64} {
  func.func @k(%arg0: i32, %arg1: i32, %arg2: memref<4x8192x128xf32, #tpu.memory_space<hbm>>, %arg3: memref<128xf32, #tpu.memory_space<hbm>>, %arg4: memref<128xf32, #tpu.memory_space<hbm>>, %arg5: memref<4x4x4x8192xf32, #tpu.memory_space<hbm>>, %arg6: memref<4x4x4x8192xi32, #tpu.memory_space<hbm>>, %arg7: memref<4096x16xf32, #tpu.memory_space<hbm>>, %arg8: memref<4x4096x128xf32, #tpu.memory_space<hbm>>, %arg9: memref<4096x16xf32, #tpu.memory_space<vmem>>, %arg10: memref<2x1024x16xf32, #tpu.memory_space<vmem>>, %arg11: memref<2x4x1024xf32, #tpu.memory_space<vmem>>, %arg12: memref<2x4x1024xi32, #tpu.memory_space<vmem>>, %arg13: memref<16xf32, #tpu.memory_space<vmem>>, %arg14: memref<16xf32, #tpu.memory_space<vmem>>, %arg15: memref<2x!tpu.dma_semaphore, #tpu.memory_space<semaphore_mem>>, %arg16: memref<2x!tpu.dma_semaphore, #tpu.memory_space<semaphore_mem>>, %arg17: memref<2x!tpu.dma_semaphore, #tpu.memory_space<semaphore_mem>>) attributes {dimension_semantics = [#tpu.dimension_semantics<core_parallel>, #tpu.dimension_semantics<subcore_parallel>], iteration_bounds = array<i64: 2, 16>, scalar_prefetch = 0 : i64, scratch_operands = 9 : i64, tpu.core_type = #tpu.core_type<sc_vector_subcore>, window_params = [{transform_indices = #map}, {transform_indices = #map1}, {transform_indices = #map1}, {transform_indices = #map2}, {transform_indices = #map2}, {transform_indices = #map3}, {transform_indices = #map}]} {
    %mul3A = arith.constant 2 : i32
    %mul3A_0 = arith.muli %arg1, %mul3A : i32
    %add3A = arith.addi %mul3A_0, %arg0 : i32
    %jit3A = arith.constant 8 : i32
    %div3A = arith.divsi %add3A, %jit3A : i32
    %sign3A = arith.constant 0 : i32
    %sign3A_1 = arith.cmpi sgt, %add3A, %sign3A : i32
    %sign3A_2 = arith.extui %sign3A_1 : i1 to i32
    %sign3A_3 = arith.constant 0 : i32
    %sign3A_4 = arith.cmpi slt, %add3A, %sign3A_3 : i32
    %sign3A_5 = arith.extui %sign3A_4 : i1 to i32
    %sign3A_6 = arith.subi %sign3A_2, %sign3A_5 : i32
    %sign3A_7 = arith.constant 0 : i32
    %sign3A_8 = arith.cmpi sgt, %jit3A, %sign3A_7 : i32
    %sign3A_9 = arith.extui %sign3A_8 : i1 to i32
    %sign3A_10 = arith.constant 0 : i32
    %sign3A_11 = arith.cmpi slt, %jit3A, %sign3A_10 : i32
    %sign3A_12 = arith.extui %sign3A_11 : i1 to i32
    %sign3A_13 = arith.subi %sign3A_9, %sign3A_12 : i32
    %ne3A = arith.cmpi ne, %sign3A_6, %sign3A_13 : i32
    %rem3A = arith.remsi %add3A, %jit3A : i32
    %ne3A_14 = arith.constant 0 : i32
    %ne3A_15 = arith.cmpi ne, %rem3A, %ne3A_14 : i32
    %and3A = arith.andi %ne3A, %ne3A_15 : i1
    %sub3A = arith.constant 1 : i32
    %sub3A_16 = arith.subi %div3A, %sub3A : i32
    %select_n3A = arith.select %and3A, %sub3A_16, %div3A : i32
    %jit3A_17 = arith.constant 8 : i32
    %eq3A = arith.constant 0 : i32
    %eq3A_18 = arith.cmpi eq, %jit3A_17, %eq3A : i32
    %jit3A_19 = arith.constant 1 : i32
    %select_n3A_20 = arith.select %eq3A_18, %jit3A_19, %jit3A_17 : i32
    %rem3A_21 = arith.remsi %add3A, %select_n3A_20 : i32
    %ne3A_22 = arith.constant 0 : i32
    %ne3A_23 = arith.cmpi ne, %rem3A_21, %ne3A_22 : i32
    %lt3A = arith.constant 0 : i32
    %lt3A_24 = arith.cmpi slt, %rem3A_21, %lt3A : i32
    %lt3A_25 = arith.constant 0 : i32
    %lt3A_26 = arith.cmpi slt, %select_n3A_20, %lt3A_25 : i32
    %ne3A_27 = arith.xori %lt3A_24, %lt3A_26 : i1
    %and3A_28 = arith.andi %ne3A_27, %ne3A_23 : i1
    %add3A_29 = arith.addi %rem3A_21, %select_n3A_20 : i32
    %select_n3A_30 = arith.select %and3A_28, %add3A_29, %rem3A_21 : i32
    %jit3A_31 = arith.constant 2 : i32
    %div3A_32 = arith.divsi %select_n3A_30, %jit3A_31 : i32
    %sign3A_33 = arith.constant 0 : i32
    %sign3A_34 = arith.cmpi sgt, %select_n3A_30, %sign3A_33 : i32
    %sign3A_35 = arith.extui %sign3A_34 : i1 to i32
    %sign3A_36 = arith.constant 0 : i32
    %sign3A_37 = arith.cmpi slt, %select_n3A_30, %sign3A_36 : i32
    %sign3A_38 = arith.extui %sign3A_37 : i1 to i32
    %sign3A_39 = arith.subi %sign3A_35, %sign3A_38 : i32
    %sign3A_40 = arith.constant 0 : i32
    %sign3A_41 = arith.cmpi sgt, %jit3A_31, %sign3A_40 : i32
    %sign3A_42 = arith.extui %sign3A_41 : i1 to i32
    %sign3A_43 = arith.constant 0 : i32
    %sign3A_44 = arith.cmpi slt, %jit3A_31, %sign3A_43 : i32
    %sign3A_45 = arith.extui %sign3A_44 : i1 to i32
    %sign3A_46 = arith.subi %sign3A_42, %sign3A_45 : i32
    %ne3A_47 = arith.cmpi ne, %sign3A_39, %sign3A_46 : i32
    %rem3A_48 = arith.remsi %select_n3A_30, %jit3A_31 : i32
    %ne3A_49 = arith.constant 0 : i32
    %ne3A_50 = arith.cmpi ne, %rem3A_48, %ne3A_49 : i32
    %and3A_51 = arith.andi %ne3A_47, %ne3A_50 : i1
    %sub3A_52 = arith.constant 1 : i32
    %sub3A_53 = arith.subi %div3A_32, %sub3A_52 : i32
    %select_n3A_54 = arith.select %and3A_51, %sub3A_53, %div3A_32 : i32
    %jit3A_55 = arith.constant 2 : i32
    %eq3A_56 = arith.constant 0 : i32
    %eq3A_57 = arith.cmpi eq, %jit3A_55, %eq3A_56 : i32
    %jit3A_58 = arith.constant 1 : i32
    %select_n3A_59 = arith.select %eq3A_57, %jit3A_58, %jit3A_55 : i32
    %rem3A_60 = arith.remsi %select_n3A_30, %select_n3A_59 : i32
    %ne3A_61 = arith.constant 0 : i32
    %ne3A_62 = arith.cmpi ne, %rem3A_60, %ne3A_61 : i32
    %lt3A_63 = arith.constant 0 : i32
    %lt3A_64 = arith.cmpi slt, %rem3A_60, %lt3A_63 : i32
    %lt3A_65 = arith.constant 0 : i32
    %lt3A_66 = arith.cmpi slt, %select_n3A_59, %lt3A_65 : i32
    %ne3A_67 = arith.xori %lt3A_64, %lt3A_66 : i1
    %and3A_68 = arith.andi %ne3A_67, %ne3A_62 : i1
    %add3A_69 = arith.addi %rem3A_60, %select_n3A_59 : i32
    %select_n3A_70 = arith.select %and3A_68, %add3A_69, %rem3A_60 : i32
    %mul3A_71 = arith.constant 32 : i32
    %mul3A_72 = arith.muli %select_n3A_54, %mul3A_71 : i32
    %mul3A_73 = arith.constant 16 : i32
    %mul3A_74 = arith.muli %select_n3A_70, %mul3A_73 : i32
    %add3A_75 = arith.addi %mul3A_72, %mul3A_74 : i32
    %dma_start3A = arith.constant 0 : i32
    %dma_start3A_76 = arith.constant 0 : i32
    %dma_start3A_77 = arith.constant 0 : i32
    %dma_start3A_78 = arith.constant 0 : i32
    %dma_start3A_79 = tpu.memref_slice %arg10[%dma_start3A, %dma_start3A_77, %dma_start3A_78] : memref<2x1024x16xf32, #tpu.memory_space<vmem>> -> memref<1x1024x16xf32, #tpu.memory_space<vmem>>
    %dma_start3A_80 = tpu.memref_squeeze %dma_start3A_79 : memref<1x1024x16xf32, #tpu.memory_space<vmem>> -> memref<1024x16xf32, #tpu.memory_space<vmem>>
    %dma_start3A_81 = arith.constant 0 : i32
    %dma_start3A_82 = tpu.memref_slice %arg2[%select_n3A, %dma_start3A_81, %add3A_75] : memref<4x8192x128xf32, #tpu.memory_space<hbm>> -> memref<1x1024x16xf32, #tpu.memory_space<hbm>>
    %dma_start3A_83 = tpu.memref_squeeze %dma_start3A_82 : memref<1x1024x16xf32, #tpu.memory_space<hbm>> -> memref<1024x16xf32, #tpu.memory_space<hbm>>
    %dma_start3A_84 = tpu.memref_slice %arg15[%dma_start3A_76] : memref<2x!tpu.dma_semaphore, #tpu.memory_space<semaphore_mem>> -> memref<1x!tpu.dma_semaphore, #tpu.memory_space<semaphore_mem>>
    %dma_start3A_85 = tpu.memref_squeeze %dma_start3A_84 : memref<1x!tpu.dma_semaphore, #tpu.memory_space<semaphore_mem>> -> memref<!tpu.dma_semaphore, #tpu.memory_space<semaphore_mem>>
    %dma_start3A_86 = arith.constant 0 : i32
    %dma_start3A_87 = arith.constant 0 : i32
    %dma_start3A_88 = tpu.memref_slice %arg10[%dma_start3A, %dma_start3A_86, %dma_start3A_87] : memref<2x1024x16xf32, #tpu.memory_space<vmem>> -> memref<1x1024x16xf32, #tpu.memory_space<vmem>>
    %dma_start3A_89 = tpu.memref_squeeze %dma_start3A_88 : memref<1x1024x16xf32, #tpu.memory_space<vmem>> -> memref<1024x16xf32, #tpu.memory_space<vmem>>
    %dma_start3A_90 = arith.constant 0 : i32
    %dma_start3A_91 = tpu.memref_slice %arg2[%select_n3A, %dma_start3A_90, %add3A_75] : memref<4x8192x128xf32, #tpu.memory_space<hbm>> -> memref<1x1024x16xf32, #tpu.memory_space<hbm>>
    %dma_start3A_92 = tpu.memref_squeeze %dma_start3A_91 : memref<1x1024x16xf32, #tpu.memory_space<hbm>> -> memref<1024x16xf32, #tpu.memory_space<hbm>>
    tpu.enqueue_dma source(%dma_start3A_92 : memref<1024x16xf32, #tpu.memory_space<hbm>>) target(%dma_start3A_89 : memref<1024x16xf32, #tpu.memory_space<vmem>>) target_semaphore(%dma_start3A_85 : memref<!tpu.dma_semaphore, #tpu.memory_space<semaphore_mem>>)
    %dma_start3A_93 = arith.constant 0 : i32
    %dma_start3A_94 = arith.constant 0 : i32
    %dma_start3A_95 = arith.constant 0 : i32
    %dma_start3A_96 = arith.constant 0 : i32
    %dma_start3A_97 = tpu.memref_slice %arg11[%dma_start3A_93, %dma_start3A_95, %dma_start3A_96] : memref<2x4x1024xf32, #tpu.memory_space<vmem>> -> memref<1x4x1024xf32, #tpu.memory_space<vmem>>
    %dma_start3A_98 = tpu.memref_squeeze %dma_start3A_97 : memref<1x4x1024xf32, #tpu.memory_space<vmem>> -> memref<4x1024xf32, #tpu.memory_space<vmem>>
    %dma_start3A_99 = arith.constant 0 : i32
    %dma_start3A_100 = arith.constant 0 : i32
    %dma_start3A_101 = tpu.memref_slice %arg5[%select_n3A, %select_n3A_54, %dma_start3A_99, %dma_start3A_100] : memref<4x4x4x8192xf32, #tpu.memory_space<hbm>> -> memref<1x1x4x1024xf32, #tpu.memory_space<hbm>>
    %dma_start3A_102 = tpu.memref_squeeze %dma_start3A_101 : memref<1x1x4x1024xf32, #tpu.memory_space<hbm>> -> memref<4x1024xf32, #tpu.memory_space<hbm>>
    %dma_start3A_103 = tpu.memref_slice %arg16[%dma_start3A_94] : memref<2x!tpu.dma_semaphore, #tpu.memory_space<semaphore_mem>> -> memref<1x!tpu.dma_semaphore, #tpu.memory_space<semaphore_mem>>
    %dma_start3A_104 = tpu.memref_squeeze %dma_start3A_103 : memref<1x!tpu.dma_semaphore, #tpu.memory_space<semaphore_mem>> -> memref<!tpu.dma_semaphore, #tpu.memory_space<semaphore_mem>>
    %dma_start3A_105 = arith.constant 0 : i32
    %dma_start3A_106 = arith.constant 0 : i32
    %dma_start3A_107 = tpu.memref_slice %arg11[%dma_start3A_93, %dma_start3A_105, %dma_start3A_106] : memref<2x4x1024xf32, #tpu.memory_space<vmem>> -> memref<1x4x1024xf32, #tpu.memory_space<vmem>>
    %dma_start3A_108 = tpu.memref_squeeze %dma_start3A_107 : memref<1x4x1024xf32, #tpu.memory_space<vmem>> -> memref<4x1024xf32, #tpu.memory_space<vmem>>
    %dma_start3A_109 = arith.constant 0 : i32
    %dma_start3A_110 = arith.constant 0 : i32
    %dma_start3A_111 = tpu.memref_slice %arg5[%select_n3A, %select_n3A_54, %dma_start3A_109, %dma_start3A_110] : memref<4x4x4x8192xf32, #tpu.memory_space<hbm>> -> memref<1x1x4x1024xf32, #tpu.memory_space<hbm>>
    %dma_start3A_112 = tpu.memref_squeeze %dma_start3A_111 : memref<1x1x4x1024xf32, #tpu.memory_space<hbm>> -> memref<4x1024xf32, #tpu.memory_space<hbm>>
    tpu.enqueue_dma source(%dma_start3A_112 : memref<4x1024xf32, #tpu.memory_space<hbm>>) target(%dma_start3A_108 : memref<4x1024xf32, #tpu.memory_space<vmem>>) target_semaphore(%dma_start3A_104 : memref<!tpu.dma_semaphore, #tpu.memory_space<semaphore_mem>>)
    %dma_start3A_113 = arith.constant 0 : i32
    %dma_start3A_114 = arith.constant 0 : i32
    %dma_start3A_115 = arith.constant 0 : i32
    %dma_start3A_116 = arith.constant 0 : i32
    %dma_start3A_117 = tpu.memref_slice %arg12[%dma_start3A_113, %dma_start3A_115, %dma_start3A_116] : memref<2x4x1024xi32, #tpu.memory_space<vmem>> -> memref<1x4x1024xi32, #tpu.memory_space<vmem>>
    %dma_start3A_118 = tpu.memref_squeeze %dma_start3A_117 : memref<1x4x1024xi32, #tpu.memory_space<vmem>> -> memref<4x1024xi32, #tpu.memory_space<vmem>>
    %dma_start3A_119 = arith.constant 0 : i32
    %dma_start3A_120 = arith.constant 0 : i32
    %dma_start3A_121 = tpu.memref_slice %arg6[%select_n3A, %select_n3A_54, %dma_start3A_119, %dma_start3A_120] : memref<4x4x4x8192xi32, #tpu.memory_space<hbm>> -> memref<1x1x4x1024xi32, #tpu.memory_space<hbm>>
    %dma_start3A_122 = tpu.memref_squeeze %dma_start3A_121 : memref<1x1x4x1024xi32, #tpu.memory_space<hbm>> -> memref<4x1024xi32, #tpu.memory_space<hbm>>
    %dma_start3A_123 = tpu.memref_slice %arg17[%dma_start3A_114] : memref<2x!tpu.dma_semaphore, #tpu.memory_space<semaphore_mem>> -> memref<1x!tpu.dma_semaphore, #tpu.memory_space<semaphore_mem>>
    %dma_start3A_124 = tpu.memref_squeeze %dma_start3A_123 : memref<1x!tpu.dma_semaphore, #tpu.memory_space<semaphore_mem>> -> memref<!tpu.dma_semaphore, #tpu.memory_space<semaphore_mem>>
    %dma_start3A_125 = arith.constant 0 : i32
    %dma_start3A_126 = arith.constant 0 : i32
    %dma_start3A_127 = tpu.memref_slice %arg12[%dma_start3A_113, %dma_start3A_125, %dma_start3A_126] : memref<2x4x1024xi32, #tpu.memory_space<vmem>> -> memref<1x4x1024xi32, #tpu.memory_space<vmem>>
    %dma_start3A_128 = tpu.memref_squeeze %dma_start3A_127 : memref<1x4x1024xi32, #tpu.memory_space<vmem>> -> memref<4x1024xi32, #tpu.memory_space<vmem>>
    %dma_start3A_129 = arith.constant 0 : i32
    %dma_start3A_130 = arith.constant 0 : i32
    %dma_start3A_131 = tpu.memref_slice %arg6[%select_n3A, %select_n3A_54, %dma_start3A_129, %dma_start3A_130] : memref<4x4x4x8192xi32, #tpu.memory_space<hbm>> -> memref<1x1x4x1024xi32, #tpu.memory_space<hbm>>
    %dma_start3A_132 = tpu.memref_squeeze %dma_start3A_131 : memref<1x1x4x1024xi32, #tpu.memory_space<hbm>> -> memref<4x1024xi32, #tpu.memory_space<hbm>>
    tpu.enqueue_dma source(%dma_start3A_132 : memref<4x1024xi32, #tpu.memory_space<hbm>>) target(%dma_start3A_128 : memref<4x1024xi32, #tpu.memory_space<vmem>>) target_semaphore(%dma_start3A_124 : memref<!tpu.dma_semaphore, #tpu.memory_space<semaphore_mem>>)
    "tpu.region"() ({
      %run_scoped3A = tpu.sem_alloc : memref<!tpu.dma_semaphore, #tpu.memory_space<semaphore_mem>>
      tpu.enqueue_dma source(%arg7 : memref<4096x16xf32, #tpu.memory_space<hbm>>) target(%arg9 : memref<4096x16xf32, #tpu.memory_space<vmem>>) target_semaphore(%run_scoped3A : memref<!tpu.dma_semaphore, #tpu.memory_space<semaphore_mem>>)
      tpu.wait_dma2 semaphore(%run_scoped3A : memref<!tpu.dma_semaphore, #tpu.memory_space<semaphore_mem>>) src(%arg7 : memref<4096x16xf32, #tpu.memory_space<hbm>>) dst(%arg9 : memref<4096x16xf32, #tpu.memory_space<vmem>>)
      tpu.yield
    }) : () -> ()
    "tpu.region"() ({
      %run_scoped3A = tpu.sem_alloc : memref<!tpu.dma_semaphore, #tpu.memory_space<semaphore_mem>>
      %dma_start3A_141 = tpu.memref_slice %arg3[%add3A_75] : memref<128xf32, #tpu.memory_space<hbm>> -> memref<16xf32, #tpu.memory_space<hbm>>
      %dma_start3A_142 = tpu.memref_slice %arg3[%add3A_75] : memref<128xf32, #tpu.memory_space<hbm>> -> memref<16xf32, #tpu.memory_space<hbm>>
      tpu.enqueue_dma source(%dma_start3A_142 : memref<16xf32, #tpu.memory_space<hbm>>) target(%arg13 : memref<16xf32, #tpu.memory_space<vmem>>) target_semaphore(%run_scoped3A : memref<!tpu.dma_semaphore, #tpu.memory_space<semaphore_mem>>)
      %dma_wait3A = tpu.memref_slice %arg3[%add3A_75] : memref<128xf32, #tpu.memory_space<hbm>> -> memref<16xf32, #tpu.memory_space<hbm>>
      %dma_wait3A_143 = tpu.memref_slice %arg3[%add3A_75] : memref<128xf32, #tpu.memory_space<hbm>> -> memref<16xf32, #tpu.memory_space<hbm>>
      tpu.wait_dma2 semaphore(%run_scoped3A : memref<!tpu.dma_semaphore, #tpu.memory_space<semaphore_mem>>) src(%dma_wait3A_143 : memref<16xf32, #tpu.memory_space<hbm>>) dst(%arg13 : memref<16xf32, #tpu.memory_space<vmem>>)
      tpu.yield
    }) : () -> ()
    "tpu.region"() ({
      %run_scoped3A = tpu.sem_alloc : memref<!tpu.dma_semaphore, #tpu.memory_space<semaphore_mem>>
      %dma_start3A_141 = tpu.memref_slice %arg4[%add3A_75] : memref<128xf32, #tpu.memory_space<hbm>> -> memref<16xf32, #tpu.memory_space<hbm>>
      %dma_start3A_142 = tpu.memref_slice %arg4[%add3A_75] : memref<128xf32, #tpu.memory_space<hbm>> -> memref<16xf32, #tpu.memory_space<hbm>>
      tpu.enqueue_dma source(%dma_start3A_142 : memref<16xf32, #tpu.memory_space<hbm>>) target(%arg14 : memref<16xf32, #tpu.memory_space<vmem>>) target_semaphore(%run_scoped3A : memref<!tpu.dma_semaphore, #tpu.memory_space<semaphore_mem>>)
      %dma_wait3A = tpu.memref_slice %arg4[%add3A_75] : memref<128xf32, #tpu.memory_space<hbm>> -> memref<16xf32, #tpu.memory_space<hbm>>
      %dma_wait3A_143 = tpu.memref_slice %arg4[%add3A_75] : memref<128xf32, #tpu.memory_space<hbm>> -> memref<16xf32, #tpu.memory_space<hbm>>
      tpu.wait_dma2 semaphore(%run_scoped3A : memref<!tpu.dma_semaphore, #tpu.memory_space<semaphore_mem>>) src(%dma_wait3A_143 : memref<16xf32, #tpu.memory_space<hbm>>) dst(%arg14 : memref<16xf32, #tpu.memory_space<vmem>>)
      tpu.yield
    }) : () -> ()
    %get3A = arith.constant 0 : index
    %get3A_133 = tpu.vector_load %arg13[%get3A] {strides = array<i32>} : memref<16xf32, #tpu.memory_space<vmem>>, vector<16xf32>,
    %get3A_134 = arith.constant 0 : index
    %get3A_135 = tpu.vector_load %arg14[%get3A_134] {strides = array<i32>} : memref<16xf32, #tpu.memory_space<vmem>>, vector<16xf32>,
    %scan3A = arith.constant 0 : i32
    %scan3A_136 = arith.constant 0 : i32
    %scan3A_137 = arith.constant 8 : i32
    %scan3A_138 = arith.addi %scan3A_136, %scan3A_137 : i32
    %scan3A_139 = arith.constant 1 : i32
    scf.for %scan3A_141 = %scan3A_136 to %scan3A_138 step %scan3A_139  : i32 {
      %rem3A_142 = arith.constant 2 : i32
      %rem3A_143 = arith.remsi %scan3A_141, %rem3A_142 : i32
      %add3A_144 = arith.constant 1 : i32
      %add3A_145 = arith.addi %scan3A_141, %add3A_144 : i32
      %lt3A_146 = arith.constant 8 : i32
      %lt3A_147 = arith.cmpi slt, %add3A_145, %lt3A_146 : i32
      %convert_element_type3A = arith.extui %lt3A_147 : i1 to i32
      %cond3A = arith.constant 0 : i32
      %cond3A_148 = arith.cmpi ne, %convert_element_type3A, %cond3A : i32
      scf.if %cond3A_148 {
        %add3A_202 = arith.constant 1 : i32
        %add3A_203 = arith.addi %scan3A_141, %add3A_202 : i32
        %add3A_204 = arith.constant 1 : i32
        %add3A_205 = arith.addi %scan3A_141, %add3A_204 : i32
        %rem3A_206 = arith.constant 2 : i32
        %rem3A_207 = arith.remsi %add3A_205, %rem3A_206 : i32
        %mul3A_208 = arith.constant 1024 : i32
        %mul3A_209 = arith.muli %add3A_203, %mul3A_208 : i32
        %dma_start3A_210 = arith.constant 0 : i32
        %dma_start3A_211 = arith.constant 0 : i32
        %dma_start3A_212 = tpu.memref_slice %arg10[%rem3A_207, %dma_start3A_210, %dma_start3A_211] : memref<2x1024x16xf32, #tpu.memory_space<vmem>> -> memref<1x1024x16xf32, #tpu.memory_space<vmem>>
        %dma_start3A_213 = tpu.memref_squeeze %dma_start3A_212 : memref<1x1024x16xf32, #tpu.memory_space<vmem>> -> memref<1024x16xf32, #tpu.memory_space<vmem>>
        %dma_start3A_214 = tpu.memref_slice %arg2[%select_n3A, %mul3A_209, %add3A_75] : memref<4x8192x128xf32, #tpu.memory_space<hbm>> -> memref<1x1024x16xf32, #tpu.memory_space<hbm>>
        %dma_start3A_215 = tpu.memref_squeeze %dma_start3A_214 : memref<1x1024x16xf32, #tpu.memory_space<hbm>> -> memref<1024x16xf32, #tpu.memory_space<hbm>>
        %dma_start3A_216 = tpu.memref_slice %arg15[%rem3A_207] : memref<2x!tpu.dma_semaphore, #tpu.memory_space<semaphore_mem>> -> memref<1x!tpu.dma_semaphore, #tpu.memory_space<semaphore_mem>>
        %dma_start3A_217 = tpu.memref_squeeze %dma_start3A_216 : memref<1x!tpu.dma_semaphore, #tpu.memory_space<semaphore_mem>> -> memref<!tpu.dma_semaphore, #tpu.memory_space<semaphore_mem>>
        %dma_start3A_218 = arith.constant 0 : i32
        %dma_start3A_219 = arith.constant 0 : i32
        %dma_start3A_220 = tpu.memref_slice %arg10[%rem3A_207, %dma_start3A_218, %dma_start3A_219] : memref<2x1024x16xf32, #tpu.memory_space<vmem>> -> memref<1x1024x16xf32, #tpu.memory_space<vmem>>
        %dma_start3A_221 = tpu.memref_squeeze %dma_start3A_220 : memref<1x1024x16xf32, #tpu.memory_space<vmem>> -> memref<1024x16xf32, #tpu.memory_space<vmem>>
        %dma_start3A_222 = tpu.memref_slice %arg2[%select_n3A, %mul3A_209, %add3A_75] : memref<4x8192x128xf32, #tpu.memory_space<hbm>> -> memref<1x1024x16xf32, #tpu.memory_space<hbm>>
        %dma_start3A_223 = tpu.memref_squeeze %dma_start3A_222 : memref<1x1024x16xf32, #tpu.memory_space<hbm>> -> memref<1024x16xf32, #tpu.memory_space<hbm>>
        tpu.enqueue_dma source(%dma_start3A_223 : memref<1024x16xf32, #tpu.memory_space<hbm>>) target(%dma_start3A_221 : memref<1024x16xf32, #tpu.memory_space<vmem>>) target_semaphore(%dma_start3A_217 : memref<!tpu.dma_semaphore, #tpu.memory_space<semaphore_mem>>)
        %dma_start3A_224 = arith.constant 0 : i32
        %dma_start3A_225 = arith.constant 0 : i32
        %dma_start3A_226 = tpu.memref_slice %arg11[%rem3A_207, %dma_start3A_224, %dma_start3A_225] : memref<2x4x1024xf32, #tpu.memory_space<vmem>> -> memref<1x4x1024xf32, #tpu.memory_space<vmem>>
        %dma_start3A_227 = tpu.memref_squeeze %dma_start3A_226 : memref<1x4x1024xf32, #tpu.memory_space<vmem>> -> memref<4x1024xf32, #tpu.memory_space<vmem>>
        %dma_start3A_228 = arith.constant 0 : i32
        %dma_start3A_229 = tpu.memref_slice %arg5[%select_n3A, %select_n3A_54, %dma_start3A_228, %mul3A_209] : memref<4x4x4x8192xf32, #tpu.memory_space<hbm>> -> memref<1x1x4x1024xf32, #tpu.memory_space<hbm>>
        %dma_start3A_230 = tpu.memref_squeeze %dma_start3A_229 : memref<1x1x4x1024xf32, #tpu.memory_space<hbm>> -> memref<4x1024xf32, #tpu.memory_space<hbm>>
        %dma_start3A_231 = tpu.memref_slice %arg16[%rem3A_207] : memref<2x!tpu.dma_semaphore, #tpu.memory_space<semaphore_mem>> -> memref<1x!tpu.dma_semaphore, #tpu.memory_space<semaphore_mem>>
        %dma_start3A_232 = tpu.memref_squeeze %dma_start3A_231 : memref<1x!tpu.dma_semaphore, #tpu.memory_space<semaphore_mem>> -> memref<!tpu.dma_semaphore, #tpu.memory_space<semaphore_mem>>
        %dma_start3A_233 = arith.constant 0 : i32
        %dma_start3A_234 = arith.constant 0 : i32
        %dma_start3A_235 = tpu.memref_slice %arg11[%rem3A_207, %dma_start3A_233, %dma_start3A_234] : memref<2x4x1024xf32, #tpu.memory_space<vmem>> -> memref<1x4x1024xf32, #tpu.memory_space<vmem>>
        %dma_start3A_236 = tpu.memref_squeeze %dma_start3A_235 : memref<1x4x1024xf32, #tpu.memory_space<vmem>> -> memref<4x1024xf32, #tpu.memory_space<vmem>>
        %dma_start3A_237 = arith.constant 0 : i32
        %dma_start3A_238 = tpu.memref_slice %arg5[%select_n3A, %select_n3A_54, %dma_start3A_237, %mul3A_209] : memref<4x4x4x8192xf32, #tpu.memory_space<hbm>> -> memref<1x1x4x1024xf32, #tpu.memory_space<hbm>>
        %dma_start3A_239 = tpu.memref_squeeze %dma_start3A_238 : memref<1x1x4x1024xf32, #tpu.memory_space<hbm>> -> memref<4x1024xf32, #tpu.memory_space<hbm>>
        tpu.enqueue_dma source(%dma_start3A_239 : memref<4x1024xf32, #tpu.memory_space<hbm>>) target(%dma_start3A_236 : memref<4x1024xf32, #tpu.memory_space<vmem>>) target_semaphore(%dma_start3A_232 : memref<!tpu.dma_semaphore, #tpu.memory_space<semaphore_mem>>)
        %dma_start3A_240 = arith.constant 0 : i32
        %dma_start3A_241 = arith.constant 0 : i32
        %dma_start3A_242 = tpu.memref_slice %arg12[%rem3A_207, %dma_start3A_240, %dma_start3A_241] : memref<2x4x1024xi32, #tpu.memory_space<vmem>> -> memref<1x4x1024xi32, #tpu.memory_space<vmem>>
        %dma_start3A_243 = tpu.memref_squeeze %dma_start3A_242 : memref<1x4x1024xi32, #tpu.memory_space<vmem>> -> memref<4x1024xi32, #tpu.memory_space<vmem>>
        %dma_start3A_244 = arith.constant 0 : i32
        %dma_start3A_245 = tpu.memref_slice %arg6[%select_n3A, %select_n3A_54, %dma_start3A_244, %mul3A_209] : memref<4x4x4x8192xi32, #tpu.memory_space<hbm>> -> memref<1x1x4x1024xi32, #tpu.memory_space<hbm>>
        %dma_start3A_246 = tpu.memref_squeeze %dma_start3A_245 : memref<1x1x4x1024xi32, #tpu.memory_space<hbm>> -> memref<4x1024xi32, #tpu.memory_space<hbm>>
        %dma_start3A_247 = tpu.memref_slice %arg17[%rem3A_207] : memref<2x!tpu.dma_semaphore, #tpu.memory_space<semaphore_mem>> -> memref<1x!tpu.dma_semaphore, #tpu.memory_space<semaphore_mem>>
        %dma_start3A_248 = tpu.memref_squeeze %dma_start3A_247 : memref<1x!tpu.dma_semaphore, #tpu.memory_space<semaphore_mem>> -> memref<!tpu.dma_semaphore, #tpu.memory_space<semaphore_mem>>
        %dma_start3A_249 = arith.constant 0 : i32
        %dma_start3A_250 = arith.constant 0 : i32
        %dma_start3A_251 = tpu.memref_slice %arg12[%rem3A_207, %dma_start3A_249, %dma_start3A_250] : memref<2x4x1024xi32, #tpu.memory_space<vmem>> -> memref<1x4x1024xi32, #tpu.memory_space<vmem>>
        %dma_start3A_252 = tpu.memref_squeeze %dma_start3A_251 : memref<1x4x1024xi32, #tpu.memory_space<vmem>> -> memref<4x1024xi32, #tpu.memory_space<vmem>>
        %dma_start3A_253 = arith.constant 0 : i32
        %dma_start3A_254 = tpu.memref_slice %arg6[%select_n3A, %select_n3A_54, %dma_start3A_253, %mul3A_209] : memref<4x4x4x8192xi32, #tpu.memory_space<hbm>> -> memref<1x1x4x1024xi32, #tpu.memory_space<hbm>>
        %dma_start3A_255 = tpu.memref_squeeze %dma_start3A_254 : memref<1x1x4x1024xi32, #tpu.memory_space<hbm>> -> memref<4x1024xi32, #tpu.memory_space<hbm>>
        tpu.enqueue_dma source(%dma_start3A_255 : memref<4x1024xi32, #tpu.memory_space<hbm>>) target(%dma_start3A_252 : memref<4x1024xi32, #tpu.memory_space<vmem>>) target_semaphore(%dma_start3A_248 : memref<!tpu.dma_semaphore, #tpu.memory_space<semaphore_mem>>)
      } else {
      }
      %dma_wait3A = arith.constant 0 : i32
      %dma_wait3A_149 = arith.constant 0 : i32
      %dma_wait3A_150 = tpu.memref_slice %arg10[%rem3A_143, %dma_wait3A, %dma_wait3A_149] : memref<2x1024x16xf32, #tpu.memory_space<vmem>> -> memref<1x1024x16xf32, #tpu.memory_space<vmem>>
      %dma_wait3A_151 = tpu.memref_squeeze %dma_wait3A_150 : memref<1x1024x16xf32, #tpu.memory_space<vmem>> -> memref<1024x16xf32, #tpu.memory_space<vmem>>
      %dma_wait3A_152 = arith.constant 0 : i32
      %dma_wait3A_153 = tpu.memref_slice %arg2[%select_n3A, %dma_wait3A_152, %add3A_75] : memref<4x8192x128xf32, #tpu.memory_space<hbm>> -> memref<1x1024x16xf32, #tpu.memory_space<hbm>>
      %dma_wait3A_154 = tpu.memref_squeeze %dma_wait3A_153 : memref<1x1024x16xf32, #tpu.memory_space<hbm>> -> memref<1024x16xf32, #tpu.memory_space<hbm>>
      %dma_wait3A_155 = tpu.memref_slice %arg15[%rem3A_143] : memref<2x!tpu.dma_semaphore, #tpu.memory_space<semaphore_mem>> -> memref<1x!tpu.dma_semaphore, #tpu.memory_space<semaphore_mem>>
      %dma_wait3A_156 = tpu.memref_squeeze %dma_wait3A_155 : memref<1x!tpu.dma_semaphore, #tpu.memory_space<semaphore_mem>> -> memref<!tpu.dma_semaphore, #tpu.memory_space<semaphore_mem>>
      %dma_wait3A_157 = arith.constant 0 : i32
      %dma_wait3A_158 = arith.constant 0 : i32
      %dma_wait3A_159 = tpu.memref_slice %arg10[%rem3A_143, %dma_wait3A_157, %dma_wait3A_158] : memref<2x1024x16xf32, #tpu.memory_space<vmem>> -> memref<1x1024x16xf32, #tpu.memory_space<vmem>>
      %dma_wait3A_160 = tpu.memref_squeeze %dma_wait3A_159 : memref<1x1024x16xf32, #tpu.memory_space<vmem>> -> memref<1024x16xf32, #tpu.memory_space<vmem>>
      %dma_wait3A_161 = arith.constant 0 : i32
      %dma_wait3A_162 = tpu.memref_slice %arg2[%select_n3A, %dma_wait3A_161, %add3A_75] : memref<4x8192x128xf32, #tpu.memory_space<hbm>> -> memref<1x1024x16xf32, #tpu.memory_space<hbm>>
      %dma_wait3A_163 = tpu.memref_squeeze %dma_wait3A_162 : memref<1x1024x16xf32, #tpu.memory_space<hbm>> -> memref<1024x16xf32, #tpu.memory_space<hbm>>
      tpu.wait_dma2 semaphore(%dma_wait3A_156 : memref<!tpu.dma_semaphore, #tpu.memory_space<semaphore_mem>>) src(%dma_wait3A_163 : memref<1024x16xf32, #tpu.memory_space<hbm>>) dst(%dma_wait3A_160 : memref<1024x16xf32, #tpu.memory_space<vmem>>)
      %dma_wait3A_164 = arith.constant 0 : i32
      %dma_wait3A_165 = arith.constant 0 : i32
      %dma_wait3A_166 = tpu.memref_slice %arg11[%rem3A_143, %dma_wait3A_164, %dma_wait3A_165] : memref<2x4x1024xf32, #tpu.memory_space<vmem>> -> memref<1x4x1024xf32, #tpu.memory_space<vmem>>
      %dma_wait3A_167 = tpu.memref_squeeze %dma_wait3A_166 : memref<1x4x1024xf32, #tpu.memory_space<vmem>> -> memref<4x1024xf32, #tpu.memory_space<vmem>>
      %dma_wait3A_168 = arith.constant 0 : i32
      %dma_wait3A_169 = arith.constant 0 : i32
      %dma_wait3A_170 = tpu.memref_slice %arg5[%select_n3A, %select_n3A_54, %dma_wait3A_168, %dma_wait3A_169] : memref<4x4x4x8192xf32, #tpu.memory_space<hbm>> -> memref<1x1x4x1024xf32, #tpu.memory_space<hbm>>
      %dma_wait3A_171 = tpu.memref_squeeze %dma_wait3A_170 : memref<1x1x4x1024xf32, #tpu.memory_space<hbm>> -> memref<4x1024xf32, #tpu.memory_space<hbm>>
      %dma_wait3A_172 = tpu.memref_slice %arg16[%rem3A_143] : memref<2x!tpu.dma_semaphore, #tpu.memory_space<semaphore_mem>> -> memref<1x!tpu.dma_semaphore, #tpu.memory_space<semaphore_mem>>
      %dma_wait3A_173 = tpu.memref_squeeze %dma_wait3A_172 : memref<1x!tpu.dma_semaphore, #tpu.memory_space<semaphore_mem>> -> memref<!tpu.dma_semaphore, #tpu.memory_space<semaphore_mem>>
      %dma_wait3A_174 = arith.constant 0 : i32
      %dma_wait3A_175 = arith.constant 0 : i32
      %dma_wait3A_176 = tpu.memref_slice %arg11[%rem3A_143, %dma_wait3A_174, %dma_wait3A_175] : memref<2x4x1024xf32, #tpu.memory_space<vmem>> -> memref<1x4x1024xf32, #tpu.memory_space<vmem>>
      %dma_wait3A_177 = tpu.memref_squeeze %dma_wait3A_176 : memref<1x4x1024xf32, #tpu.memory_space<vmem>> -> memref<4x1024xf32, #tpu.memory_space<vmem>>
      %dma_wait3A_178 = arith.constant 0 : i32
      %dma_wait3A_179 = arith.constant 0 : i32
      %dma_wait3A_180 = tpu.memref_slice %arg5[%select_n3A, %select_n3A_54, %dma_wait3A_178, %dma_wait3A_179] : memref<4x4x4x8192xf32, #tpu.memory_space<hbm>> -> memref<1x1x4x1024xf32, #tpu.memory_space<hbm>>
      %dma_wait3A_181 = tpu.memref_squeeze %dma_wait3A_180 : memref<1x1x4x1024xf32, #tpu.memory_space<hbm>> -> memref<4x1024xf32, #tpu.memory_space<hbm>>
      tpu.wait_dma2 semaphore(%dma_wait3A_173 : memref<!tpu.dma_semaphore, #tpu.memory_space<semaphore_mem>>) src(%dma_wait3A_181 : memref<4x1024xf32, #tpu.memory_space<hbm>>) dst(%dma_wait3A_177 : memref<4x1024xf32, #tpu.memory_space<vmem>>)
      %dma_wait3A_182 = arith.constant 0 : i32
      %dma_wait3A_183 = arith.constant 0 : i32
      %dma_wait3A_184 = tpu.memref_slice %arg12[%rem3A_143, %dma_wait3A_182, %dma_wait3A_183] : memref<2x4x1024xi32, #tpu.memory_space<vmem>> -> memref<1x4x1024xi32, #tpu.memory_space<vmem>>
      %dma_wait3A_185 = tpu.memref_squeeze %dma_wait3A_184 : memref<1x4x1024xi32, #tpu.memory_space<vmem>> -> memref<4x1024xi32, #tpu.memory_space<vmem>>
      %dma_wait3A_186 = arith.constant 0 : i32
      %dma_wait3A_187 = arith.constant 0 : i32
      %dma_wait3A_188 = tpu.memref_slice %arg6[%select_n3A, %select_n3A_54, %dma_wait3A_186, %dma_wait3A_187] : memref<4x4x4x8192xi32, #tpu.memory_space<hbm>> -> memref<1x1x4x1024xi32, #tpu.memory_space<hbm>>
      %dma_wait3A_189 = tpu.memref_squeeze %dma_wait3A_188 : memref<1x1x4x1024xi32, #tpu.memory_space<hbm>> -> memref<4x1024xi32, #tpu.memory_space<hbm>>
      %dma_wait3A_190 = tpu.memref_slice %arg17[%rem3A_143] : memref<2x!tpu.dma_semaphore, #tpu.memory_space<semaphore_mem>> -> memref<1x!tpu.dma_semaphore, #tpu.memory_space<semaphore_mem>>
      %dma_wait3A_191 = tpu.memref_squeeze %dma_wait3A_190 : memref<1x!tpu.dma_semaphore, #tpu.memory_space<semaphore_mem>> -> memref<!tpu.dma_semaphore, #tpu.memory_space<semaphore_mem>>
      %dma_wait3A_192 = arith.constant 0 : i32
      %dma_wait3A_193 = arith.constant 0 : i32
      %dma_wait3A_194 = tpu.memref_slice %arg12[%rem3A_143, %dma_wait3A_192, %dma_wait3A_193] : memref<2x4x1024xi32, #tpu.memory_space<vmem>> -> memref<1x4x1024xi32, #tpu.memory_space<vmem>>
      %dma_wait3A_195 = tpu.memref_squeeze %dma_wait3A_194 : memref<1x4x1024xi32, #tpu.memory_space<vmem>> -> memref<4x1024xi32, #tpu.memory_space<vmem>>
      %dma_wait3A_196 = arith.constant 0 : i32
      %dma_wait3A_197 = arith.constant 0 : i32
      %dma_wait3A_198 = tpu.memref_slice %arg6[%select_n3A, %select_n3A_54, %dma_wait3A_196, %dma_wait3A_197] : memref<4x4x4x8192xi32, #tpu.memory_space<hbm>> -> memref<1x1x4x1024xi32, #tpu.memory_space<hbm>>
      %dma_wait3A_199 = tpu.memref_squeeze %dma_wait3A_198 : memref<1x1x4x1024xi32, #tpu.memory_space<hbm>> -> memref<4x1024xi32, #tpu.memory_space<hbm>>
      tpu.wait_dma2 semaphore(%dma_wait3A_191 : memref<!tpu.dma_semaphore, #tpu.memory_space<semaphore_mem>>) src(%dma_wait3A_199 : memref<4x1024xi32, #tpu.memory_space<hbm>>) dst(%dma_wait3A_195 : memref<4x1024xi32, #tpu.memory_space<vmem>>)
      %parallel_loop3A = arith.constant 0 : i32
      %parallel_loop3A_200 = arith.constant 64 : i32
      %parallel_loop3A_201 = arith.constant 1 : i32
      scf.for %parallel_loop3A_202 = %parallel_loop3A to %parallel_loop3A_200 step %parallel_loop3A_201  : i32 {
        %parallel_loop3A_203 = arith.constant 16 : i32
        %parallel_loop3A_204 = arith.muli %parallel_loop3A_202, %parallel_loop3A_203 : i32
        %parallel_loop3A_205 = arith.constant 0 : i32
        %parallel_loop3A_206 = arith.index_cast %rem3A_143 : i32 to index
        %parallel_loop3A_207 = arith.index_cast %parallel_loop3A_205 : i32 to index
        %parallel_loop3A_208 = arith.index_cast %parallel_loop3A_204 : i32 to index
        %parallel_loop3A_209 = tpu.vector_load %arg11[%parallel_loop3A_206, %parallel_loop3A_207, %parallel_loop3A_208] {strides = array<i32>} : memref<2x4x1024xf32, #tpu.memory_space<vmem>>, vector<16xf32>,
        %parallel_loop3A_210 = arith.constant 1 : i32
        %parallel_loop3A_211 = arith.index_cast %rem3A_143 : i32 to index
        %parallel_loop3A_212 = arith.index_cast %parallel_loop3A_210 : i32 to index
        %parallel_loop3A_213 = arith.index_cast %parallel_loop3A_204 : i32 to index
        %parallel_loop3A_214 = tpu.vector_load %arg11[%parallel_loop3A_211, %parallel_loop3A_212, %parallel_loop3A_213] {strides = array<i32>} : memref<2x4x1024xf32, #tpu.memory_space<vmem>>, vector<16xf32>,
        %parallel_loop3A_215 = arith.constant 2 : i32
        %parallel_loop3A_216 = arith.index_cast %rem3A_143 : i32 to index
        %parallel_loop3A_217 = arith.index_cast %parallel_loop3A_215 : i32 to index
        %parallel_loop3A_218 = arith.index_cast %parallel_loop3A_204 : i32 to index
        %parallel_loop3A_219 = tpu.vector_load %arg11[%parallel_loop3A_216, %parallel_loop3A_217, %parallel_loop3A_218] {strides = array<i32>} : memref<2x4x1024xf32, #tpu.memory_space<vmem>>, vector<16xf32>,
        %parallel_loop3A_220 = arith.constant 3 : i32
        %parallel_loop3A_221 = arith.index_cast %rem3A_143 : i32 to index
        %parallel_loop3A_222 = arith.index_cast %parallel_loop3A_220 : i32 to index
        %parallel_loop3A_223 = arith.index_cast %parallel_loop3A_204 : i32 to index
        %parallel_loop3A_224 = tpu.vector_load %arg11[%parallel_loop3A_221, %parallel_loop3A_222, %parallel_loop3A_223] {strides = array<i32>} : memref<2x4x1024xf32, #tpu.memory_space<vmem>>, vector<16xf32>,
        %parallel_loop3A_225 = arith.constant 0 : i32
        %parallel_loop3A_226 = arith.index_cast %rem3A_143 : i32 to index
        %parallel_loop3A_227 = arith.index_cast %parallel_loop3A_225 : i32 to index
        %parallel_loop3A_228 = arith.index_cast %parallel_loop3A_204 : i32 to index
        %parallel_loop3A_229 = tpu.vector_load %arg12[%parallel_loop3A_226, %parallel_loop3A_227, %parallel_loop3A_228] {strides = array<i32>} : memref<2x4x1024xi32, #tpu.memory_space<vmem>>, vector<16xi32>,
        %parallel_loop3A_230 = arith.constant 1 : i32
        %parallel_loop3A_231 = arith.index_cast %rem3A_143 : i32 to index
        %parallel_loop3A_232 = arith.index_cast %parallel_loop3A_230 : i32 to index
        %parallel_loop3A_233 = arith.index_cast %parallel_loop3A_204 : i32 to index
        %parallel_loop3A_234 = tpu.vector_load %arg12[%parallel_loop3A_231, %parallel_loop3A_232, %parallel_loop3A_233] {strides = array<i32>} : memref<2x4x1024xi32, #tpu.memory_space<vmem>>, vector<16xi32>,
        %parallel_loop3A_235 = arith.constant 2 : i32
        %parallel_loop3A_236 = arith.index_cast %rem3A_143 : i32 to index
        %parallel_loop3A_237 = arith.index_cast %parallel_loop3A_235 : i32 to index
        %parallel_loop3A_238 = arith.index_cast %parallel_loop3A_204 : i32 to index
        %parallel_loop3A_239 = tpu.vector_load %arg12[%parallel_loop3A_236, %parallel_loop3A_237, %parallel_loop3A_238] {strides = array<i32>} : memref<2x4x1024xi32, #tpu.memory_space<vmem>>, vector<16xi32>,
        %parallel_loop3A_240 = arith.constant 3 : i32
        %parallel_loop3A_241 = arith.index_cast %rem3A_143 : i32 to index
        %parallel_loop3A_242 = arith.index_cast %parallel_loop3A_240 : i32 to index
        %parallel_loop3A_243 = arith.index_cast %parallel_loop3A_204 : i32 to index
        %parallel_loop3A_244 = tpu.vector_load %arg12[%parallel_loop3A_241, %parallel_loop3A_242, %parallel_loop3A_243] {strides = array<i32>} : memref<2x4x1024xi32, #tpu.memory_space<vmem>>, vector<16xi32>,
        %parallel_loop3A_245 = arith.constant 0 : i32
        %parallel_loop3A_246 = arith.addi %parallel_loop3A_204, %parallel_loop3A_245 : i32
        %parallel_loop3A_247 = arith.index_cast %rem3A_143 : i32 to index
        %parallel_loop3A_248 = arith.index_cast %parallel_loop3A_246 : i32 to index
        %parallel_loop3A_249 = arith.constant 0 : index
        %parallel_loop3A_250 = tpu.vector_load %arg10[%parallel_loop3A_247, %parallel_loop3A_248, %parallel_loop3A_249] {strides = array<i32>} : memref<2x1024x16xf32, #tpu.memory_space<vmem>>, vector<16xf32>,
        %parallel_loop3A_251 = arith.mulf %parallel_loop3A_250, %get3A_133 : vector<16xf32>
        %parallel_loop3A_252 = arith.addf %parallel_loop3A_251, %get3A_135 : vector<16xf32>
        %parallel_loop3A_253 = vector.extract_strided_slice %parallel_loop3A_229 {offsets = [0], sizes = [1], strides = [1]} : vector<16xi32> to vector<1xi32>
        %parallel_loop3A_254 = vector.extract %parallel_loop3A_253[0] : i32 from vector<1xi32>
        %parallel_loop3A_255 = vector.extract_strided_slice %parallel_loop3A_209 {offsets = [0], sizes = [1], strides = [1]} : vector<16xf32> to vector<1xf32>
        %parallel_loop3A_256 = vector.extract %parallel_loop3A_255[0] : f32 from vector<1xf32>
        %parallel_loop3A_257 = vector.broadcast %parallel_loop3A_256 : f32 to vector<16xf32>
        %parallel_loop3A_258 = arith.mulf %parallel_loop3A_252, %parallel_loop3A_257 : vector<16xf32>
        %parallel_loop3A_259 = arith.index_cast %parallel_loop3A_254 : i32 to index
        %parallel_loop3A_260 = arith.constant 0 : index
        %parallel_loop3A_261 = tpu.vector_load %arg9[%parallel_loop3A_259, %parallel_loop3A_260] {strides = array<i32>} : memref<4096x16xf32, #tpu.memory_space<vmem>>, vector<16xf32>,
        tpu.vector_store %arg9[%parallel_loop3A_259, %parallel_loop3A_260], %parallel_loop3A_258 {add = true, strides = array<i32>} : memref<4096x16xf32, #tpu.memory_space<vmem>>, vector<16xf32>,
        %parallel_loop3A_262 = vector.extract_strided_slice %parallel_loop3A_234 {offsets = [0], sizes = [1], strides = [1]} : vector<16xi32> to vector<1xi32>
        %parallel_loop3A_263 = vector.extract %parallel_loop3A_262[0] : i32 from vector<1xi32>
        %parallel_loop3A_264 = vector.extract_strided_slice %parallel_loop3A_214 {offsets = [0], sizes = [1], strides = [1]} : vector<16xf32> to vector<1xf32>
        %parallel_loop3A_265 = vector.extract %parallel_loop3A_264[0] : f32 from vector<1xf32>
        %parallel_loop3A_266 = vector.broadcast %parallel_loop3A_265 : f32 to vector<16xf32>
        %parallel_loop3A_267 = arith.mulf %parallel_loop3A_252, %parallel_loop3A_266 : vector<16xf32>
        %parallel_loop3A_268 = arith.index_cast %parallel_loop3A_263 : i32 to index
        %parallel_loop3A_269 = arith.constant 0 : index
        %parallel_loop3A_270 = tpu.vector_load %arg9[%parallel_loop3A_268, %parallel_loop3A_269] {strides = array<i32>} : memref<4096x16xf32, #tpu.memory_space<vmem>>, vector<16xf32>,
        tpu.vector_store %arg9[%parallel_loop3A_268, %parallel_loop3A_269], %parallel_loop3A_267 {add = true, strides = array<i32>} : memref<4096x16xf32, #tpu.memory_space<vmem>>, vector<16xf32>,
        %parallel_loop3A_271 = vector.extract_strided_slice %parallel_loop3A_239 {offsets = [0], sizes = [1], strides = [1]} : vector<16xi32> to vector<1xi32>
        %parallel_loop3A_272 = vector.extract %parallel_loop3A_271[0] : i32 from vector<1xi32>
        %parallel_loop3A_273 = vector.extract_strided_slice %parallel_loop3A_219 {offsets = [0], sizes = [1], strides = [1]} : vector<16xf32> to vector<1xf32>
        %parallel_loop3A_274 = vector.extract %parallel_loop3A_273[0] : f32 from vector<1xf32>
        %parallel_loop3A_275 = vector.broadcast %parallel_loop3A_274 : f32 to vector<16xf32>
        %parallel_loop3A_276 = arith.mulf %parallel_loop3A_252, %parallel_loop3A_275 : vector<16xf32>
        %parallel_loop3A_277 = arith.index_cast %parallel_loop3A_272 : i32 to index
        %parallel_loop3A_278 = arith.constant 0 : index
        %parallel_loop3A_279 = tpu.vector_load %arg9[%parallel_loop3A_277, %parallel_loop3A_278] {strides = array<i32>} : memref<4096x16xf32, #tpu.memory_space<vmem>>, vector<16xf32>,
        tpu.vector_store %arg9[%parallel_loop3A_277, %parallel_loop3A_278], %parallel_loop3A_276 {add = true, strides = array<i32>} : memref<4096x16xf32, #tpu.memory_space<vmem>>, vector<16xf32>,
        %parallel_loop3A_280 = vector.extract_strided_slice %parallel_loop3A_244 {offsets = [0], sizes = [1], strides = [1]} : vector<16xi32> to vector<1xi32>
        %parallel_loop3A_281 = vector.extract %parallel_loop3A_280[0] : i32 from vector<1xi32>
        %parallel_loop3A_282 = vector.extract_strided_slice %parallel_loop3A_224 {offsets = [0], sizes = [1], strides = [1]} : vector<16xf32> to vector<1xf32>
        %parallel_loop3A_283 = vector.extract %parallel_loop3A_282[0] : f32 from vector<1xf32>
        %parallel_loop3A_284 = vector.broadcast %parallel_loop3A_283 : f32 to vector<16xf32>
        %parallel_loop3A_285 = arith.mulf %parallel_loop3A_252, %parallel_loop3A_284 : vector<16xf32>
        %parallel_loop3A_286 = arith.index_cast %parallel_loop3A_281 : i32 to index
        %parallel_loop3A_287 = arith.constant 0 : index
        %parallel_loop3A_288 = tpu.vector_load %arg9[%parallel_loop3A_286, %parallel_loop3A_287] {strides = array<i32>} : memref<4096x16xf32, #tpu.memory_space<vmem>>, vector<16xf32>,
        tpu.vector_store %arg9[%parallel_loop3A_286, %parallel_loop3A_287], %parallel_loop3A_285 {add = true, strides = array<i32>} : memref<4096x16xf32, #tpu.memory_space<vmem>>, vector<16xf32>,
        %parallel_loop3A_289 = arith.constant 1 : i32
        %parallel_loop3A_290 = arith.addi %parallel_loop3A_204, %parallel_loop3A_289 : i32
        %parallel_loop3A_291 = arith.index_cast %rem3A_143 : i32 to index
        %parallel_loop3A_292 = arith.index_cast %parallel_loop3A_290 : i32 to index
        %parallel_loop3A_293 = arith.constant 0 : index
        %parallel_loop3A_294 = tpu.vector_load %arg10[%parallel_loop3A_291, %parallel_loop3A_292, %parallel_loop3A_293] {strides = array<i32>} : memref<2x1024x16xf32, #tpu.memory_space<vmem>>, vector<16xf32>,
        %parallel_loop3A_295 = arith.mulf %parallel_loop3A_294, %get3A_133 : vector<16xf32>
        %parallel_loop3A_296 = arith.addf %parallel_loop3A_295, %get3A_135 : vector<16xf32>
        %parallel_loop3A_297 = vector.extract_strided_slice %parallel_loop3A_229 {offsets = [1], sizes = [1], strides = [1]} : vector<16xi32> to vector<1xi32>
        %parallel_loop3A_298 = vector.extract %parallel_loop3A_297[0] : i32 from vector<1xi32>
        %parallel_loop3A_299 = vector.extract_strided_slice %parallel_loop3A_209 {offsets = [1], sizes = [1], strides = [1]} : vector<16xf32> to vector<1xf32>
        %parallel_loop3A_300 = vector.extract %parallel_loop3A_299[0] : f32 from vector<1xf32>
        %parallel_loop3A_301 = vector.broadcast %parallel_loop3A_300 : f32 to vector<16xf32>
        %parallel_loop3A_302 = arith.mulf %parallel_loop3A_296, %parallel_loop3A_301 : vector<16xf32>
        %parallel_loop3A_303 = arith.index_cast %parallel_loop3A_298 : i32 to index
        %parallel_loop3A_304 = arith.constant 0 : index
        %parallel_loop3A_305 = tpu.vector_load %arg9[%parallel_loop3A_303, %parallel_loop3A_304] {strides = array<i32>} : memref<4096x16xf32, #tpu.memory_space<vmem>>, vector<16xf32>,
        tpu.vector_store %arg9[%parallel_loop3A_303, %parallel_loop3A_304], %parallel_loop3A_302 {add = true, strides = array<i32>} : memref<4096x16xf32, #tpu.memory_space<vmem>>, vector<16xf32>,
        %parallel_loop3A_306 = vector.extract_strided_slice %parallel_loop3A_234 {offsets = [1], sizes = [1], strides = [1]} : vector<16xi32> to vector<1xi32>
        %parallel_loop3A_307 = vector.extract %parallel_loop3A_306[0] : i32 from vector<1xi32>
        %parallel_loop3A_308 = vector.extract_strided_slice %parallel_loop3A_214 {offsets = [1], sizes = [1], strides = [1]} : vector<16xf32> to vector<1xf32>
        %parallel_loop3A_309 = vector.extract %parallel_loop3A_308[0] : f32 from vector<1xf32>
        %parallel_loop3A_310 = vector.broadcast %parallel_loop3A_309 : f32 to vector<16xf32>
        %parallel_loop3A_311 = arith.mulf %parallel_loop3A_296, %parallel_loop3A_310 : vector<16xf32>
        %parallel_loop3A_312 = arith.index_cast %parallel_loop3A_307 : i32 to index
        %parallel_loop3A_313 = arith.constant 0 : index
        %parallel_loop3A_314 = tpu.vector_load %arg9[%parallel_loop3A_312, %parallel_loop3A_313] {strides = array<i32>} : memref<4096x16xf32, #tpu.memory_space<vmem>>, vector<16xf32>,
        tpu.vector_store %arg9[%parallel_loop3A_312, %parallel_loop3A_313], %parallel_loop3A_311 {add = true, strides = array<i32>} : memref<4096x16xf32, #tpu.memory_space<vmem>>, vector<16xf32>,
        %parallel_loop3A_315 = vector.extract_strided_slice %parallel_loop3A_239 {offsets = [1], sizes = [1], strides = [1]} : vector<16xi32> to vector<1xi32>
        %parallel_loop3A_316 = vector.extract %parallel_loop3A_315[0] : i32 from vector<1xi32>
        %parallel_loop3A_317 = vector.extract_strided_slice %parallel_loop3A_219 {offsets = [1], sizes = [1], strides = [1]} : vector<16xf32> to vector<1xf32>
        %parallel_loop3A_318 = vector.extract %parallel_loop3A_317[0] : f32 from vector<1xf32>
        %parallel_loop3A_319 = vector.broadcast %parallel_loop3A_318 : f32 to vector<16xf32>
        %parallel_loop3A_320 = arith.mulf %parallel_loop3A_296, %parallel_loop3A_319 : vector<16xf32>
        %parallel_loop3A_321 = arith.index_cast %parallel_loop3A_316 : i32 to index
        %parallel_loop3A_322 = arith.constant 0 : index
        %parallel_loop3A_323 = tpu.vector_load %arg9[%parallel_loop3A_321, %parallel_loop3A_322] {strides = array<i32>} : memref<4096x16xf32, #tpu.memory_space<vmem>>, vector<16xf32>,
        tpu.vector_store %arg9[%parallel_loop3A_321, %parallel_loop3A_322], %parallel_loop3A_320 {add = true, strides = array<i32>} : memref<4096x16xf32, #tpu.memory_space<vmem>>, vector<16xf32>,
        %parallel_loop3A_324 = vector.extract_strided_slice %parallel_loop3A_244 {offsets = [1], sizes = [1], strides = [1]} : vector<16xi32> to vector<1xi32>
        %parallel_loop3A_325 = vector.extract %parallel_loop3A_324[0] : i32 from vector<1xi32>
        %parallel_loop3A_326 = vector.extract_strided_slice %parallel_loop3A_224 {offsets = [1], sizes = [1], strides = [1]} : vector<16xf32> to vector<1xf32>
        %parallel_loop3A_327 = vector.extract %parallel_loop3A_326[0] : f32 from vector<1xf32>
        %parallel_loop3A_328 = vector.broadcast %parallel_loop3A_327 : f32 to vector<16xf32>
        %parallel_loop3A_329 = arith.mulf %parallel_loop3A_296, %parallel_loop3A_328 : vector<16xf32>
        %parallel_loop3A_330 = arith.index_cast %parallel_loop3A_325 : i32 to index
        %parallel_loop3A_331 = arith.constant 0 : index
        %parallel_loop3A_332 = tpu.vector_load %arg9[%parallel_loop3A_330, %parallel_loop3A_331] {strides = array<i32>} : memref<4096x16xf32, #tpu.memory_space<vmem>>, vector<16xf32>,
        tpu.vector_store %arg9[%parallel_loop3A_330, %parallel_loop3A_331], %parallel_loop3A_329 {add = true, strides = array<i32>} : memref<4096x16xf32, #tpu.memory_space<vmem>>, vector<16xf32>,
        %parallel_loop3A_333 = arith.constant 2 : i32
        %parallel_loop3A_334 = arith.addi %parallel_loop3A_204, %parallel_loop3A_333 : i32
        %parallel_loop3A_335 = arith.index_cast %rem3A_143 : i32 to index
        %parallel_loop3A_336 = arith.index_cast %parallel_loop3A_334 : i32 to index
        %parallel_loop3A_337 = arith.constant 0 : index
        %parallel_loop3A_338 = tpu.vector_load %arg10[%parallel_loop3A_335, %parallel_loop3A_336, %parallel_loop3A_337] {strides = array<i32>} : memref<2x1024x16xf32, #tpu.memory_space<vmem>>, vector<16xf32>,
        %parallel_loop3A_339 = arith.mulf %parallel_loop3A_338, %get3A_133 : vector<16xf32>
        %parallel_loop3A_340 = arith.addf %parallel_loop3A_339, %get3A_135 : vector<16xf32>
        %parallel_loop3A_341 = vector.extract_strided_slice %parallel_loop3A_229 {offsets = [2], sizes = [1], strides = [1]} : vector<16xi32> to vector<1xi32>
        %parallel_loop3A_342 = vector.extract %parallel_loop3A_341[0] : i32 from vector<1xi32>
        %parallel_loop3A_343 = vector.extract_strided_slice %parallel_loop3A_209 {offsets = [2], sizes = [1], strides = [1]} : vector<16xf32> to vector<1xf32>
        %parallel_loop3A_344 = vector.extract %parallel_loop3A_343[0] : f32 from vector<1xf32>
        %parallel_loop3A_345 = vector.broadcast %parallel_loop3A_344 : f32 to vector<16xf32>
        %parallel_loop3A_346 = arith.mulf %parallel_loop3A_340, %parallel_loop3A_345 : vector<16xf32>
        %parallel_loop3A_347 = arith.index_cast %parallel_loop3A_342 : i32 to index
        %parallel_loop3A_348 = arith.constant 0 : index
        %parallel_loop3A_349 = tpu.vector_load %arg9[%parallel_loop3A_347, %parallel_loop3A_348] {strides = array<i32>} : memref<4096x16xf32, #tpu.memory_space<vmem>>, vector<16xf32>,
        tpu.vector_store %arg9[%parallel_loop3A_347, %parallel_loop3A_348], %parallel_loop3A_346 {add = true, strides = array<i32>} : memref<4096x16xf32, #tpu.memory_space<vmem>>, vector<16xf32>,
        %parallel_loop3A_350 = vector.extract_strided_slice %parallel_loop3A_234 {offsets = [2], sizes = [1], strides = [1]} : vector<16xi32> to vector<1xi32>
        %parallel_loop3A_351 = vector.extract %parallel_loop3A_350[0] : i32 from vector<1xi32>
        %parallel_loop3A_352 = vector.extract_strided_slice %parallel_loop3A_214 {offsets = [2], sizes = [1], strides = [1]} : vector<16xf32> to vector<1xf32>
        %parallel_loop3A_353 = vector.extract %parallel_loop3A_352[0] : f32 from vector<1xf32>
        %parallel_loop3A_354 = vector.broadcast %parallel_loop3A_353 : f32 to vector<16xf32>
        %parallel_loop3A_355 = arith.mulf %parallel_loop3A_340, %parallel_loop3A_354 : vector<16xf32>
        %parallel_loop3A_356 = arith.index_cast %parallel_loop3A_351 : i32 to index
        %parallel_loop3A_357 = arith.constant 0 : index
        %parallel_loop3A_358 = tpu.vector_load %arg9[%parallel_loop3A_356, %parallel_loop3A_357] {strides = array<i32>} : memref<4096x16xf32, #tpu.memory_space<vmem>>, vector<16xf32>,
        tpu.vector_store %arg9[%parallel_loop3A_356, %parallel_loop3A_357], %parallel_loop3A_355 {add = true, strides = array<i32>} : memref<4096x16xf32, #tpu.memory_space<vmem>>, vector<16xf32>,
        %parallel_loop3A_359 = vector.extract_strided_slice %parallel_loop3A_239 {offsets = [2], sizes = [1], strides = [1]} : vector<16xi32> to vector<1xi32>
        %parallel_loop3A_360 = vector.extract %parallel_loop3A_359[0] : i32 from vector<1xi32>
        %parallel_loop3A_361 = vector.extract_strided_slice %parallel_loop3A_219 {offsets = [2], sizes = [1], strides = [1]} : vector<16xf32> to vector<1xf32>
        %parallel_loop3A_362 = vector.extract %parallel_loop3A_361[0] : f32 from vector<1xf32>
        %parallel_loop3A_363 = vector.broadcast %parallel_loop3A_362 : f32 to vector<16xf32>
        %parallel_loop3A_364 = arith.mulf %parallel_loop3A_340, %parallel_loop3A_363 : vector<16xf32>
        %parallel_loop3A_365 = arith.index_cast %parallel_loop3A_360 : i32 to index
        %parallel_loop3A_366 = arith.constant 0 : index
        %parallel_loop3A_367 = tpu.vector_load %arg9[%parallel_loop3A_365, %parallel_loop3A_366] {strides = array<i32>} : memref<4096x16xf32, #tpu.memory_space<vmem>>, vector<16xf32>,
        tpu.vector_store %arg9[%parallel_loop3A_365, %parallel_loop3A_366], %parallel_loop3A_364 {add = true, strides = array<i32>} : memref<4096x16xf32, #tpu.memory_space<vmem>>, vector<16xf32>,
        %parallel_loop3A_368 = vector.extract_strided_slice %parallel_loop3A_244 {offsets = [2], sizes = [1], strides = [1]} : vector<16xi32> to vector<1xi32>
        %parallel_loop3A_369 = vector.extract %parallel_loop3A_368[0] : i32 from vector<1xi32>
        %parallel_loop3A_370 = vector.extract_strided_slice %parallel_loop3A_224 {offsets = [2], sizes = [1], strides = [1]} : vector<16xf32> to vector<1xf32>
        %parallel_loop3A_371 = vector.extract %parallel_loop3A_370[0] : f32 from vector<1xf32>
        %parallel_loop3A_372 = vector.broadcast %parallel_loop3A_371 : f32 to vector<16xf32>
        %parallel_loop3A_373 = arith.mulf %parallel_loop3A_340, %parallel_loop3A_372 : vector<16xf32>
        %parallel_loop3A_374 = arith.index_cast %parallel_loop3A_369 : i32 to index
        %parallel_loop3A_375 = arith.constant 0 : index
        %parallel_loop3A_376 = tpu.vector_load %arg9[%parallel_loop3A_374, %parallel_loop3A_375] {strides = array<i32>} : memref<4096x16xf32, #tpu.memory_space<vmem>>, vector<16xf32>,
        tpu.vector_store %arg9[%parallel_loop3A_374, %parallel_loop3A_375], %parallel_loop3A_373 {add = true, strides = array<i32>} : memref<4096x16xf32, #tpu.memory_space<vmem>>, vector<16xf32>,
        %parallel_loop3A_377 = arith.constant 3 : i32
        %parallel_loop3A_378 = arith.addi %parallel_loop3A_204, %parallel_loop3A_377 : i32
        %parallel_loop3A_379 = arith.index_cast %rem3A_143 : i32 to index
        %parallel_loop3A_380 = arith.index_cast %parallel_loop3A_378 : i32 to index
        %parallel_loop3A_381 = arith.constant 0 : index
        %parallel_loop3A_382 = tpu.vector_load %arg10[%parallel_loop3A_379, %parallel_loop3A_380, %parallel_loop3A_381] {strides = array<i32>} : memref<2x1024x16xf32, #tpu.memory_space<vmem>>, vector<16xf32>,
        %parallel_loop3A_383 = arith.mulf %parallel_loop3A_382, %get3A_133 : vector<16xf32>
        %parallel_loop3A_384 = arith.addf %parallel_loop3A_383, %get3A_135 : vector<16xf32>
        %parallel_loop3A_385 = vector.extract_strided_slice %parallel_loop3A_229 {offsets = [3], sizes = [1], strides = [1]} : vector<16xi32> to vector<1xi32>
        %parallel_loop3A_386 = vector.extract %parallel_loop3A_385[0] : i32 from vector<1xi32>
        %parallel_loop3A_387 = vector.extract_strided_slice %parallel_loop3A_209 {offsets = [3], sizes = [1], strides = [1]} : vector<16xf32> to vector<1xf32>
        %parallel_loop3A_388 = vector.extract %parallel_loop3A_387[0] : f32 from vector<1xf32>
        %parallel_loop3A_389 = vector.broadcast %parallel_loop3A_388 : f32 to vector<16xf32>
        %parallel_loop3A_390 = arith.mulf %parallel_loop3A_384, %parallel_loop3A_389 : vector<16xf32>
        %parallel_loop3A_391 = arith.index_cast %parallel_loop3A_386 : i32 to index
        %parallel_loop3A_392 = arith.constant 0 : index
        %parallel_loop3A_393 = tpu.vector_load %arg9[%parallel_loop3A_391, %parallel_loop3A_392] {strides = array<i32>} : memref<4096x16xf32, #tpu.memory_space<vmem>>, vector<16xf32>,
        tpu.vector_store %arg9[%parallel_loop3A_391, %parallel_loop3A_392], %parallel_loop3A_390 {add = true, strides = array<i32>} : memref<4096x16xf32, #tpu.memory_space<vmem>>, vector<16xf32>,
        %parallel_loop3A_394 = vector.extract_strided_slice %parallel_loop3A_234 {offsets = [3], sizes = [1], strides = [1]} : vector<16xi32> to vector<1xi32>
        %parallel_loop3A_395 = vector.extract %parallel_loop3A_394[0] : i32 from vector<1xi32>
        %parallel_loop3A_396 = vector.extract_strided_slice %parallel_loop3A_214 {offsets = [3], sizes = [1], strides = [1]} : vector<16xf32> to vector<1xf32>
        %parallel_loop3A_397 = vector.extract %parallel_loop3A_396[0] : f32 from vector<1xf32>
        %parallel_loop3A_398 = vector.broadcast %parallel_loop3A_397 : f32 to vector<16xf32>
        %parallel_loop3A_399 = arith.mulf %parallel_loop3A_384, %parallel_loop3A_398 : vector<16xf32>
        %parallel_loop3A_400 = arith.index_cast %parallel_loop3A_395 : i32 to index
        %parallel_loop3A_401 = arith.constant 0 : index
        %parallel_loop3A_402 = tpu.vector_load %arg9[%parallel_loop3A_400, %parallel_loop3A_401] {strides = array<i32>} : memref<4096x16xf32, #tpu.memory_space<vmem>>, vector<16xf32>,
        tpu.vector_store %arg9[%parallel_loop3A_400, %parallel_loop3A_401], %parallel_loop3A_399 {add = true, strides = array<i32>} : memref<4096x16xf32, #tpu.memory_space<vmem>>, vector<16xf32>,
        %parallel_loop3A_403 = vector.extract_strided_slice %parallel_loop3A_239 {offsets = [3], sizes = [1], strides = [1]} : vector<16xi32> to vector<1xi32>
        %parallel_loop3A_404 = vector.extract %parallel_loop3A_403[0] : i32 from vector<1xi32>
        %parallel_loop3A_405 = vector.extract_strided_slice %parallel_loop3A_219 {offsets = [3], sizes = [1], strides = [1]} : vector<16xf32> to vector<1xf32>
        %parallel_loop3A_406 = vector.extract %parallel_loop3A_405[0] : f32 from vector<1xf32>
        %parallel_loop3A_407 = vector.broadcast %parallel_loop3A_406 : f32 to vector<16xf32>
        %parallel_loop3A_408 = arith.mulf %parallel_loop3A_384, %parallel_loop3A_407 : vector<16xf32>
        %parallel_loop3A_409 = arith.index_cast %parallel_loop3A_404 : i32 to index
        %parallel_loop3A_410 = arith.constant 0 : index
        %parallel_loop3A_411 = tpu.vector_load %arg9[%parallel_loop3A_409, %parallel_loop3A_410] {strides = array<i32>} : memref<4096x16xf32, #tpu.memory_space<vmem>>, vector<16xf32>,
        tpu.vector_store %arg9[%parallel_loop3A_409, %parallel_loop3A_410], %parallel_loop3A_408 {add = true, strides = array<i32>} : memref<4096x16xf32, #tpu.memory_space<vmem>>, vector<16xf32>,
        %parallel_loop3A_412 = vector.extract_strided_slice %parallel_loop3A_244 {offsets = [3], sizes = [1], strides = [1]} : vector<16xi32> to vector<1xi32>
        %parallel_loop3A_413 = vector.extract %parallel_loop3A_412[0] : i32 from vector<1xi32>
        %parallel_loop3A_414 = vector.extract_strided_slice %parallel_loop3A_224 {offsets = [3], sizes = [1], strides = [1]} : vector<16xf32> to vector<1xf32>
        %parallel_loop3A_415 = vector.extract %parallel_loop3A_414[0] : f32 from vector<1xf32>
        %parallel_loop3A_416 = vector.broadcast %parallel_loop3A_415 : f32 to vector<16xf32>
        %parallel_loop3A_417 = arith.mulf %parallel_loop3A_384, %parallel_loop3A_416 : vector<16xf32>
        %parallel_loop3A_418 = arith.index_cast %parallel_loop3A_413 : i32 to index
        %parallel_loop3A_419 = arith.constant 0 : index
        %parallel_loop3A_420 = tpu.vector_load %arg9[%parallel_loop3A_418, %parallel_loop3A_419] {strides = array<i32>} : memref<4096x16xf32, #tpu.memory_space<vmem>>, vector<16xf32>,
        tpu.vector_store %arg9[%parallel_loop3A_418, %parallel_loop3A_419], %parallel_loop3A_417 {add = true, strides = array<i32>} : memref<4096x16xf32, #tpu.memory_space<vmem>>, vector<16xf32>,
        %parallel_loop3A_421 = arith.constant 4 : i32
        %parallel_loop3A_422 = arith.addi %parallel_loop3A_204, %parallel_loop3A_421 : i32
        %parallel_loop3A_423 = arith.index_cast %rem3A_143 : i32 to index
        %parallel_loop3A_424 = arith.index_cast %parallel_loop3A_422 : i32 to index
        %parallel_loop3A_425 = arith.constant 0 : index
        %parallel_loop3A_426 = tpu.vector_load %arg10[%parallel_loop3A_423, %parallel_loop3A_424, %parallel_loop3A_425] {strides = array<i32>} : memref<2x1024x16xf32, #tpu.memory_space<vmem>>, vector<16xf32>,
        %parallel_loop3A_427 = arith.mulf %parallel_loop3A_426, %get3A_133 : vector<16xf32>
        %parallel_loop3A_428 = arith.addf %parallel_loop3A_427, %get3A_135 : vector<16xf32>
        %parallel_loop3A_429 = vector.extract_strided_slice %parallel_loop3A_229 {offsets = [4], sizes = [1], strides = [1]} : vector<16xi32> to vector<1xi32>
        %parallel_loop3A_430 = vector.extract %parallel_loop3A_429[0] : i32 from vector<1xi32>
        %parallel_loop3A_431 = vector.extract_strided_slice %parallel_loop3A_209 {offsets = [4], sizes = [1], strides = [1]} : vector<16xf32> to vector<1xf32>
        %parallel_loop3A_432 = vector.extract %parallel_loop3A_431[0] : f32 from vector<1xf32>
        %parallel_loop3A_433 = vector.broadcast %parallel_loop3A_432 : f32 to vector<16xf32>
        %parallel_loop3A_434 = arith.mulf %parallel_loop3A_428, %parallel_loop3A_433 : vector<16xf32>
        %parallel_loop3A_435 = arith.index_cast %parallel_loop3A_430 : i32 to index
        %parallel_loop3A_436 = arith.constant 0 : index
        %parallel_loop3A_437 = tpu.vector_load %arg9[%parallel_loop3A_435, %parallel_loop3A_436] {strides = array<i32>} : memref<4096x16xf32, #tpu.memory_space<vmem>>, vector<16xf32>,
        tpu.vector_store %arg9[%parallel_loop3A_435, %parallel_loop3A_436], %parallel_loop3A_434 {add = true, strides = array<i32>} : memref<4096x16xf32, #tpu.memory_space<vmem>>, vector<16xf32>,
        %parallel_loop3A_438 = vector.extract_strided_slice %parallel_loop3A_234 {offsets = [4], sizes = [1], strides = [1]} : vector<16xi32> to vector<1xi32>
        %parallel_loop3A_439 = vector.extract %parallel_loop3A_438[0] : i32 from vector<1xi32>
        %parallel_loop3A_440 = vector.extract_strided_slice %parallel_loop3A_214 {offsets = [4], sizes = [1], strides = [1]} : vector<16xf32> to vector<1xf32>
        %parallel_loop3A_441 = vector.extract %parallel_loop3A_440[0] : f32 from vector<1xf32>
        %parallel_loop3A_442 = vector.broadcast %parallel_loop3A_441 : f32 to vector<16xf32>
        %parallel_loop3A_443 = arith.mulf %parallel_loop3A_428, %parallel_loop3A_442 : vector<16xf32>
        %parallel_loop3A_444 = arith.index_cast %parallel_loop3A_439 : i32 to index
        %parallel_loop3A_445 = arith.constant 0 : index
        %parallel_loop3A_446 = tpu.vector_load %arg9[%parallel_loop3A_444, %parallel_loop3A_445] {strides = array<i32>} : memref<4096x16xf32, #tpu.memory_space<vmem>>, vector<16xf32>,
        tpu.vector_store %arg9[%parallel_loop3A_444, %parallel_loop3A_445], %parallel_loop3A_443 {add = true, strides = array<i32>} : memref<4096x16xf32, #tpu.memory_space<vmem>>, vector<16xf32>,
        %parallel_loop3A_447 = vector.extract_strided_slice %parallel_loop3A_239 {offsets = [4], sizes = [1], strides = [1]} : vector<16xi32> to vector<1xi32>
        %parallel_loop3A_448 = vector.extract %parallel_loop3A_447[0] : i32 from vector<1xi32>
        %parallel_loop3A_449 = vector.extract_strided_slice %parallel_loop3A_219 {offsets = [4], sizes = [1], strides = [1]} : vector<16xf32> to vector<1xf32>
        %parallel_loop3A_450 = vector.extract %parallel_loop3A_449[0] : f32 from vector<1xf32>
        %parallel_loop3A_451 = vector.broadcast %parallel_loop3A_450 : f32 to vector<16xf32>
        %parallel_loop3A_452 = arith.mulf %parallel_loop3A_428, %parallel_loop3A_451 : vector<16xf32>
        %parallel_loop3A_453 = arith.index_cast %parallel_loop3A_448 : i32 to index
        %parallel_loop3A_454 = arith.constant 0 : index
        %parallel_loop3A_455 = tpu.vector_load %arg9[%parallel_loop3A_453, %parallel_loop3A_454] {strides = array<i32>} : memref<4096x16xf32, #tpu.memory_space<vmem>>, vector<16xf32>,
        tpu.vector_store %arg9[%parallel_loop3A_453, %parallel_loop3A_454], %parallel_loop3A_452 {add = true, strides = array<i32>} : memref<4096x16xf32, #tpu.memory_space<vmem>>, vector<16xf32>,
        %parallel_loop3A_456 = vector.extract_strided_slice %parallel_loop3A_244 {offsets = [4], sizes = [1], strides = [1]} : vector<16xi32> to vector<1xi32>
        %parallel_loop3A_457 = vector.extract %parallel_loop3A_456[0] : i32 from vector<1xi32>
        %parallel_loop3A_458 = vector.extract_strided_slice %parallel_loop3A_224 {offsets = [4], sizes = [1], strides = [1]} : vector<16xf32> to vector<1xf32>
        %parallel_loop3A_459 = vector.extract %parallel_loop3A_458[0] : f32 from vector<1xf32>
        %parallel_loop3A_460 = vector.broadcast %parallel_loop3A_459 : f32 to vector<16xf32>
        %parallel_loop3A_461 = arith.mulf %parallel_loop3A_428, %parallel_loop3A_460 : vector<16xf32>
        %parallel_loop3A_462 = arith.index_cast %parallel_loop3A_457 : i32 to index
        %parallel_loop3A_463 = arith.constant 0 : index
        %parallel_loop3A_464 = tpu.vector_load %arg9[%parallel_loop3A_462, %parallel_loop3A_463] {strides = array<i32>} : memref<4096x16xf32, #tpu.memory_space<vmem>>, vector<16xf32>,
        tpu.vector_store %arg9[%parallel_loop3A_462, %parallel_loop3A_463], %parallel_loop3A_461 {add = true, strides = array<i32>} : memref<4096x16xf32, #tpu.memory_space<vmem>>, vector<16xf32>,
        %parallel_loop3A_465 = arith.constant 5 : i32
        %parallel_loop3A_466 = arith.addi %parallel_loop3A_204, %parallel_loop3A_465 : i32
        %parallel_loop3A_467 = arith.index_cast %rem3A_143 : i32 to index
        %parallel_loop3A_468 = arith.index_cast %parallel_loop3A_466 : i32 to index
        %parallel_loop3A_469 = arith.constant 0 : index
        %parallel_loop3A_470 = tpu.vector_load %arg10[%parallel_loop3A_467, %parallel_loop3A_468, %parallel_loop3A_469] {strides = array<i32>} : memref<2x1024x16xf32, #tpu.memory_space<vmem>>, vector<16xf32>,
        %parallel_loop3A_471 = arith.mulf %parallel_loop3A_470, %get3A_133 : vector<16xf32>
        %parallel_loop3A_472 = arith.addf %parallel_loop3A_471, %get3A_135 : vector<16xf32>
        %parallel_loop3A_473 = vector.extract_strided_slice %parallel_loop3A_229 {offsets = [5], sizes = [1], strides = [1]} : vector<16xi32> to vector<1xi32>
        %parallel_loop3A_474 = vector.extract %parallel_loop3A_473[0] : i32 from vector<1xi32>
        %parallel_loop3A_475 = vector.extract_strided_slice %parallel_loop3A_209 {offsets = [5], sizes = [1], strides = [1]} : vector<16xf32> to vector<1xf32>
        %parallel_loop3A_476 = vector.extract %parallel_loop3A_475[0] : f32 from vector<1xf32>
        %parallel_loop3A_477 = vector.broadcast %parallel_loop3A_476 : f32 to vector<16xf32>
        %parallel_loop3A_478 = arith.mulf %parallel_loop3A_472, %parallel_loop3A_477 : vector<16xf32>
        %parallel_loop3A_479 = arith.index_cast %parallel_loop3A_474 : i32 to index
        %parallel_loop3A_480 = arith.constant 0 : index
        %parallel_loop3A_481 = tpu.vector_load %arg9[%parallel_loop3A_479, %parallel_loop3A_480] {strides = array<i32>} : memref<4096x16xf32, #tpu.memory_space<vmem>>, vector<16xf32>,
        tpu.vector_store %arg9[%parallel_loop3A_479, %parallel_loop3A_480], %parallel_loop3A_478 {add = true, strides = array<i32>} : memref<4096x16xf32, #tpu.memory_space<vmem>>, vector<16xf32>,
        %parallel_loop3A_482 = vector.extract_strided_slice %parallel_loop3A_234 {offsets = [5], sizes = [1], strides = [1]} : vector<16xi32> to vector<1xi32>
        %parallel_loop3A_483 = vector.extract %parallel_loop3A_482[0] : i32 from vector<1xi32>
        %parallel_loop3A_484 = vector.extract_strided_slice %parallel_loop3A_214 {offsets = [5], sizes = [1], strides = [1]} : vector<16xf32> to vector<1xf32>
        %parallel_loop3A_485 = vector.extract %parallel_loop3A_484[0] : f32 from vector<1xf32>
        %parallel_loop3A_486 = vector.broadcast %parallel_loop3A_485 : f32 to vector<16xf32>
        %parallel_loop3A_487 = arith.mulf %parallel_loop3A_472, %parallel_loop3A_486 : vector<16xf32>
        %parallel_loop3A_488 = arith.index_cast %parallel_loop3A_483 : i32 to index
        %parallel_loop3A_489 = arith.constant 0 : index
        %parallel_loop3A_490 = tpu.vector_load %arg9[%parallel_loop3A_488, %parallel_loop3A_489] {strides = array<i32>} : memref<4096x16xf32, #tpu.memory_space<vmem>>, vector<16xf32>,
        tpu.vector_store %arg9[%parallel_loop3A_488, %parallel_loop3A_489], %parallel_loop3A_487 {add = true, strides = array<i32>} : memref<4096x16xf32, #tpu.memory_space<vmem>>, vector<16xf32>,
        %parallel_loop3A_491 = vector.extract_strided_slice %parallel_loop3A_239 {offsets = [5], sizes = [1], strides = [1]} : vector<16xi32> to vector<1xi32>
        %parallel_loop3A_492 = vector.extract %parallel_loop3A_491[0] : i32 from vector<1xi32>
        %parallel_loop3A_493 = vector.extract_strided_slice %parallel_loop3A_219 {offsets = [5], sizes = [1], strides = [1]} : vector<16xf32> to vector<1xf32>
        %parallel_loop3A_494 = vector.extract %parallel_loop3A_493[0] : f32 from vector<1xf32>
        %parallel_loop3A_495 = vector.broadcast %parallel_loop3A_494 : f32 to vector<16xf32>
        %parallel_loop3A_496 = arith.mulf %parallel_loop3A_472, %parallel_loop3A_495 : vector<16xf32>
        %parallel_loop3A_497 = arith.index_cast %parallel_loop3A_492 : i32 to index
        %parallel_loop3A_498 = arith.constant 0 : index
        %parallel_loop3A_499 = tpu.vector_load %arg9[%parallel_loop3A_497, %parallel_loop3A_498] {strides = array<i32>} : memref<4096x16xf32, #tpu.memory_space<vmem>>, vector<16xf32>,
        tpu.vector_store %arg9[%parallel_loop3A_497, %parallel_loop3A_498], %parallel_loop3A_496 {add = true, strides = array<i32>} : memref<4096x16xf32, #tpu.memory_space<vmem>>, vector<16xf32>,
        %parallel_loop3A_500 = vector.extract_strided_slice %parallel_loop3A_244 {offsets = [5], sizes = [1], strides = [1]} : vector<16xi32> to vector<1xi32>
        %parallel_loop3A_501 = vector.extract %parallel_loop3A_500[0] : i32 from vector<1xi32>
        %parallel_loop3A_502 = vector.extract_strided_slice %parallel_loop3A_224 {offsets = [5], sizes = [1], strides = [1]} : vector<16xf32> to vector<1xf32>
        %parallel_loop3A_503 = vector.extract %parallel_loop3A_502[0] : f32 from vector<1xf32>
        %parallel_loop3A_504 = vector.broadcast %parallel_loop3A_503 : f32 to vector<16xf32>
        %parallel_loop3A_505 = arith.mulf %parallel_loop3A_472, %parallel_loop3A_504 : vector<16xf32>
        %parallel_loop3A_506 = arith.index_cast %parallel_loop3A_501 : i32 to index
        %parallel_loop3A_507 = arith.constant 0 : index
        %parallel_loop3A_508 = tpu.vector_load %arg9[%parallel_loop3A_506, %parallel_loop3A_507] {strides = array<i32>} : memref<4096x16xf32, #tpu.memory_space<vmem>>, vector<16xf32>,
        tpu.vector_store %arg9[%parallel_loop3A_506, %parallel_loop3A_507], %parallel_loop3A_505 {add = true, strides = array<i32>} : memref<4096x16xf32, #tpu.memory_space<vmem>>, vector<16xf32>,
        %parallel_loop3A_509 = arith.constant 6 : i32
        %parallel_loop3A_510 = arith.addi %parallel_loop3A_204, %parallel_loop3A_509 : i32
        %parallel_loop3A_511 = arith.index_cast %rem3A_143 : i32 to index
        %parallel_loop3A_512 = arith.index_cast %parallel_loop3A_510 : i32 to index
        %parallel_loop3A_513 = arith.constant 0 : index
        %parallel_loop3A_514 = tpu.vector_load %arg10[%parallel_loop3A_511, %parallel_loop3A_512, %parallel_loop3A_513] {strides = array<i32>} : memref<2x1024x16xf32, #tpu.memory_space<vmem>>, vector<16xf32>,
        %parallel_loop3A_515 = arith.mulf %parallel_loop3A_514, %get3A_133 : vector<16xf32>
        %parallel_loop3A_516 = arith.addf %parallel_loop3A_515, %get3A_135 : vector<16xf32>
        %parallel_loop3A_517 = vector.extract_strided_slice %parallel_loop3A_229 {offsets = [6], sizes = [1], strides = [1]} : vector<16xi32> to vector<1xi32>
        %parallel_loop3A_518 = vector.extract %parallel_loop3A_517[0] : i32 from vector<1xi32>
        %parallel_loop3A_519 = vector.extract_strided_slice %parallel_loop3A_209 {offsets = [6], sizes = [1], strides = [1]} : vector<16xf32> to vector<1xf32>
        %parallel_loop3A_520 = vector.extract %parallel_loop3A_519[0] : f32 from vector<1xf32>
        %parallel_loop3A_521 = vector.broadcast %parallel_loop3A_520 : f32 to vector<16xf32>
        %parallel_loop3A_522 = arith.mulf %parallel_loop3A_516, %parallel_loop3A_521 : vector<16xf32>
        %parallel_loop3A_523 = arith.index_cast %parallel_loop3A_518 : i32 to index
        %parallel_loop3A_524 = arith.constant 0 : index
        %parallel_loop3A_525 = tpu.vector_load %arg9[%parallel_loop3A_523, %parallel_loop3A_524] {strides = array<i32>} : memref<4096x16xf32, #tpu.memory_space<vmem>>, vector<16xf32>,
        tpu.vector_store %arg9[%parallel_loop3A_523, %parallel_loop3A_524], %parallel_loop3A_522 {add = true, strides = array<i32>} : memref<4096x16xf32, #tpu.memory_space<vmem>>, vector<16xf32>,
        %parallel_loop3A_526 = vector.extract_strided_slice %parallel_loop3A_234 {offsets = [6], sizes = [1], strides = [1]} : vector<16xi32> to vector<1xi32>
        %parallel_loop3A_527 = vector.extract %parallel_loop3A_526[0] : i32 from vector<1xi32>
        %parallel_loop3A_528 = vector.extract_strided_slice %parallel_loop3A_214 {offsets = [6], sizes = [1], strides = [1]} : vector<16xf32> to vector<1xf32>
        %parallel_loop3A_529 = vector.extract %parallel_loop3A_528[0] : f32 from vector<1xf32>
        %parallel_loop3A_530 = vector.broadcast %parallel_loop3A_529 : f32 to vector<16xf32>
        %parallel_loop3A_531 = arith.mulf %parallel_loop3A_516, %parallel_loop3A_530 : vector<16xf32>
        %parallel_loop3A_532 = arith.index_cast %parallel_loop3A_527 : i32 to index
        %parallel_loop3A_533 = arith.constant 0 : index
        %parallel_loop3A_534 = tpu.vector_load %arg9[%parallel_loop3A_532, %parallel_loop3A_533] {strides = array<i32>} : memref<4096x16xf32, #tpu.memory_space<vmem>>, vector<16xf32>,
        tpu.vector_store %arg9[%parallel_loop3A_532, %parallel_loop3A_533], %parallel_loop3A_531 {add = true, strides = array<i32>} : memref<4096x16xf32, #tpu.memory_space<vmem>>, vector<16xf32>,
        %parallel_loop3A_535 = vector.extract_strided_slice %parallel_loop3A_239 {offsets = [6], sizes = [1], strides = [1]} : vector<16xi32> to vector<1xi32>
        %parallel_loop3A_536 = vector.extract %parallel_loop3A_535[0] : i32 from vector<1xi32>
        %parallel_loop3A_537 = vector.extract_strided_slice %parallel_loop3A_219 {offsets = [6], sizes = [1], strides = [1]} : vector<16xf32> to vector<1xf32>
        %parallel_loop3A_538 = vector.extract %parallel_loop3A_537[0] : f32 from vector<1xf32>
        %parallel_loop3A_539 = vector.broadcast %parallel_loop3A_538 : f32 to vector<16xf32>
        %parallel_loop3A_540 = arith.mulf %parallel_loop3A_516, %parallel_loop3A_539 : vector<16xf32>
        %parallel_loop3A_541 = arith.index_cast %parallel_loop3A_536 : i32 to index
        %parallel_loop3A_542 = arith.constant 0 : index
        %parallel_loop3A_543 = tpu.vector_load %arg9[%parallel_loop3A_541, %parallel_loop3A_542] {strides = array<i32>} : memref<4096x16xf32, #tpu.memory_space<vmem>>, vector<16xf32>,
        tpu.vector_store %arg9[%parallel_loop3A_541, %parallel_loop3A_542], %parallel_loop3A_540 {add = true, strides = array<i32>} : memref<4096x16xf32, #tpu.memory_space<vmem>>, vector<16xf32>,
        %parallel_loop3A_544 = vector.extract_strided_slice %parallel_loop3A_244 {offsets = [6], sizes = [1], strides = [1]} : vector<16xi32> to vector<1xi32>
        %parallel_loop3A_545 = vector.extract %parallel_loop3A_544[0] : i32 from vector<1xi32>
        %parallel_loop3A_546 = vector.extract_strided_slice %parallel_loop3A_224 {offsets = [6], sizes = [1], strides = [1]} : vector<16xf32> to vector<1xf32>
        %parallel_loop3A_547 = vector.extract %parallel_loop3A_546[0] : f32 from vector<1xf32>
        %parallel_loop3A_548 = vector.broadcast %parallel_loop3A_547 : f32 to vector<16xf32>
        %parallel_loop3A_549 = arith.mulf %parallel_loop3A_516, %parallel_loop3A_548 : vector<16xf32>
        %parallel_loop3A_550 = arith.index_cast %parallel_loop3A_545 : i32 to index
        %parallel_loop3A_551 = arith.constant 0 : index
        %parallel_loop3A_552 = tpu.vector_load %arg9[%parallel_loop3A_550, %parallel_loop3A_551] {strides = array<i32>} : memref<4096x16xf32, #tpu.memory_space<vmem>>, vector<16xf32>,
        tpu.vector_store %arg9[%parallel_loop3A_550, %parallel_loop3A_551], %parallel_loop3A_549 {add = true, strides = array<i32>} : memref<4096x16xf32, #tpu.memory_space<vmem>>, vector<16xf32>,
        %parallel_loop3A_553 = arith.constant 7 : i32
        %parallel_loop3A_554 = arith.addi %parallel_loop3A_204, %parallel_loop3A_553 : i32
        %parallel_loop3A_555 = arith.index_cast %rem3A_143 : i32 to index
        %parallel_loop3A_556 = arith.index_cast %parallel_loop3A_554 : i32 to index
        %parallel_loop3A_557 = arith.constant 0 : index
        %parallel_loop3A_558 = tpu.vector_load %arg10[%parallel_loop3A_555, %parallel_loop3A_556, %parallel_loop3A_557] {strides = array<i32>} : memref<2x1024x16xf32, #tpu.memory_space<vmem>>, vector<16xf32>,
        %parallel_loop3A_559 = arith.mulf %parallel_loop3A_558, %get3A_133 : vector<16xf32>
        %parallel_loop3A_560 = arith.addf %parallel_loop3A_559, %get3A_135 : vector<16xf32>
        %parallel_loop3A_561 = vector.extract_strided_slice %parallel_loop3A_229 {offsets = [7], sizes = [1], strides = [1]} : vector<16xi32> to vector<1xi32>
        %parallel_loop3A_562 = vector.extract %parallel_loop3A_561[0] : i32 from vector<1xi32>
        %parallel_loop3A_563 = vector.extract_strided_slice %parallel_loop3A_209 {offsets = [7], sizes = [1], strides = [1]} : vector<16xf32> to vector<1xf32>
        %parallel_loop3A_564 = vector.extract %parallel_loop3A_563[0] : f32 from vector<1xf32>
        %parallel_loop3A_565 = vector.broadcast %parallel_loop3A_564 : f32 to vector<16xf32>
        %parallel_loop3A_566 = arith.mulf %parallel_loop3A_560, %parallel_loop3A_565 : vector<16xf32>
        %parallel_loop3A_567 = arith.index_cast %parallel_loop3A_562 : i32 to index
        %parallel_loop3A_568 = arith.constant 0 : index
        %parallel_loop3A_569 = tpu.vector_load %arg9[%parallel_loop3A_567, %parallel_loop3A_568] {strides = array<i32>} : memref<4096x16xf32, #tpu.memory_space<vmem>>, vector<16xf32>,
        tpu.vector_store %arg9[%parallel_loop3A_567, %parallel_loop3A_568], %parallel_loop3A_566 {add = true, strides = array<i32>} : memref<4096x16xf32, #tpu.memory_space<vmem>>, vector<16xf32>,
        %parallel_loop3A_570 = vector.extract_strided_slice %parallel_loop3A_234 {offsets = [7], sizes = [1], strides = [1]} : vector<16xi32> to vector<1xi32>
        %parallel_loop3A_571 = vector.extract %parallel_loop3A_570[0] : i32 from vector<1xi32>
        %parallel_loop3A_572 = vector.extract_strided_slice %parallel_loop3A_214 {offsets = [7], sizes = [1], strides = [1]} : vector<16xf32> to vector<1xf32>
        %parallel_loop3A_573 = vector.extract %parallel_loop3A_572[0] : f32 from vector<1xf32>
        %parallel_loop3A_574 = vector.broadcast %parallel_loop3A_573 : f32 to vector<16xf32>
        %parallel_loop3A_575 = arith.mulf %parallel_loop3A_560, %parallel_loop3A_574 : vector<16xf32>
        %parallel_loop3A_576 = arith.index_cast %parallel_loop3A_571 : i32 to index
        %parallel_loop3A_577 = arith.constant 0 : index
        %parallel_loop3A_578 = tpu.vector_load %arg9[%parallel_loop3A_576, %parallel_loop3A_577] {strides = array<i32>} : memref<4096x16xf32, #tpu.memory_space<vmem>>, vector<16xf32>,
        tpu.vector_store %arg9[%parallel_loop3A_576, %parallel_loop3A_577], %parallel_loop3A_575 {add = true, strides = array<i32>} : memref<4096x16xf32, #tpu.memory_space<vmem>>, vector<16xf32>,
        %parallel_loop3A_579 = vector.extract_strided_slice %parallel_loop3A_239 {offsets = [7], sizes = [1], strides = [1]} : vector<16xi32> to vector<1xi32>
        %parallel_loop3A_580 = vector.extract %parallel_loop3A_579[0] : i32 from vector<1xi32>
        %parallel_loop3A_581 = vector.extract_strided_slice %parallel_loop3A_219 {offsets = [7], sizes = [1], strides = [1]} : vector<16xf32> to vector<1xf32>
        %parallel_loop3A_582 = vector.extract %parallel_loop3A_581[0] : f32 from vector<1xf32>
        %parallel_loop3A_583 = vector.broadcast %parallel_loop3A_582 : f32 to vector<16xf32>
        %parallel_loop3A_584 = arith.mulf %parallel_loop3A_560, %parallel_loop3A_583 : vector<16xf32>
        %parallel_loop3A_585 = arith.index_cast %parallel_loop3A_580 : i32 to index
        %parallel_loop3A_586 = arith.constant 0 : index
        %parallel_loop3A_587 = tpu.vector_load %arg9[%parallel_loop3A_585, %parallel_loop3A_586] {strides = array<i32>} : memref<4096x16xf32, #tpu.memory_space<vmem>>, vector<16xf32>,
        tpu.vector_store %arg9[%parallel_loop3A_585, %parallel_loop3A_586], %parallel_loop3A_584 {add = true, strides = array<i32>} : memref<4096x16xf32, #tpu.memory_space<vmem>>, vector<16xf32>,
        %parallel_loop3A_588 = vector.extract_strided_slice %parallel_loop3A_244 {offsets = [7], sizes = [1], strides = [1]} : vector<16xi32> to vector<1xi32>
        %parallel_loop3A_589 = vector.extract %parallel_loop3A_588[0] : i32 from vector<1xi32>
        %parallel_loop3A_590 = vector.extract_strided_slice %parallel_loop3A_224 {offsets = [7], sizes = [1], strides = [1]} : vector<16xf32> to vector<1xf32>
        %parallel_loop3A_591 = vector.extract %parallel_loop3A_590[0] : f32 from vector<1xf32>
        %parallel_loop3A_592 = vector.broadcast %parallel_loop3A_591 : f32 to vector<16xf32>
        %parallel_loop3A_593 = arith.mulf %parallel_loop3A_560, %parallel_loop3A_592 : vector<16xf32>
        %parallel_loop3A_594 = arith.index_cast %parallel_loop3A_589 : i32 to index
        %parallel_loop3A_595 = arith.constant 0 : index
        %parallel_loop3A_596 = tpu.vector_load %arg9[%parallel_loop3A_594, %parallel_loop3A_595] {strides = array<i32>} : memref<4096x16xf32, #tpu.memory_space<vmem>>, vector<16xf32>,
        tpu.vector_store %arg9[%parallel_loop3A_594, %parallel_loop3A_595], %parallel_loop3A_593 {add = true, strides = array<i32>} : memref<4096x16xf32, #tpu.memory_space<vmem>>, vector<16xf32>,
        %parallel_loop3A_597 = arith.constant 8 : i32
        %parallel_loop3A_598 = arith.addi %parallel_loop3A_204, %parallel_loop3A_597 : i32
        %parallel_loop3A_599 = arith.index_cast %rem3A_143 : i32 to index
        %parallel_loop3A_600 = arith.index_cast %parallel_loop3A_598 : i32 to index
        %parallel_loop3A_601 = arith.constant 0 : index
        %parallel_loop3A_602 = tpu.vector_load %arg10[%parallel_loop3A_599, %parallel_loop3A_600, %parallel_loop3A_601] {strides = array<i32>} : memref<2x1024x16xf32, #tpu.memory_space<vmem>>, vector<16xf32>,
        %parallel_loop3A_603 = arith.mulf %parallel_loop3A_602, %get3A_133 : vector<16xf32>
        %parallel_loop3A_604 = arith.addf %parallel_loop3A_603, %get3A_135 : vector<16xf32>
        %parallel_loop3A_605 = vector.extract_strided_slice %parallel_loop3A_229 {offsets = [8], sizes = [1], strides = [1]} : vector<16xi32> to vector<1xi32>
        %parallel_loop3A_606 = vector.extract %parallel_loop3A_605[0] : i32 from vector<1xi32>
        %parallel_loop3A_607 = vector.extract_strided_slice %parallel_loop3A_209 {offsets = [8], sizes = [1], strides = [1]} : vector<16xf32> to vector<1xf32>
        %parallel_loop3A_608 = vector.extract %parallel_loop3A_607[0] : f32 from vector<1xf32>
        %parallel_loop3A_609 = vector.broadcast %parallel_loop3A_608 : f32 to vector<16xf32>
        %parallel_loop3A_610 = arith.mulf %parallel_loop3A_604, %parallel_loop3A_609 : vector<16xf32>
        %parallel_loop3A_611 = arith.index_cast %parallel_loop3A_606 : i32 to index
        %parallel_loop3A_612 = arith.constant 0 : index
        %parallel_loop3A_613 = tpu.vector_load %arg9[%parallel_loop3A_611, %parallel_loop3A_612] {strides = array<i32>} : memref<4096x16xf32, #tpu.memory_space<vmem>>, vector<16xf32>,
        tpu.vector_store %arg9[%parallel_loop3A_611, %parallel_loop3A_612], %parallel_loop3A_610 {add = true, strides = array<i32>} : memref<4096x16xf32, #tpu.memory_space<vmem>>, vector<16xf32>,
        %parallel_loop3A_614 = vector.extract_strided_slice %parallel_loop3A_234 {offsets = [8], sizes = [1], strides = [1]} : vector<16xi32> to vector<1xi32>
        %parallel_loop3A_615 = vector.extract %parallel_loop3A_614[0] : i32 from vector<1xi32>
        %parallel_loop3A_616 = vector.extract_strided_slice %parallel_loop3A_214 {offsets = [8], sizes = [1], strides = [1]} : vector<16xf32> to vector<1xf32>
        %parallel_loop3A_617 = vector.extract %parallel_loop3A_616[0] : f32 from vector<1xf32>
        %parallel_loop3A_618 = vector.broadcast %parallel_loop3A_617 : f32 to vector<16xf32>
        %parallel_loop3A_619 = arith.mulf %parallel_loop3A_604, %parallel_loop3A_618 : vector<16xf32>
        %parallel_loop3A_620 = arith.index_cast %parallel_loop3A_615 : i32 to index
        %parallel_loop3A_621 = arith.constant 0 : index
        %parallel_loop3A_622 = tpu.vector_load %arg9[%parallel_loop3A_620, %parallel_loop3A_621] {strides = array<i32>} : memref<4096x16xf32, #tpu.memory_space<vmem>>, vector<16xf32>,
        tpu.vector_store %arg9[%parallel_loop3A_620, %parallel_loop3A_621], %parallel_loop3A_619 {add = true, strides = array<i32>} : memref<4096x16xf32, #tpu.memory_space<vmem>>, vector<16xf32>,
        %parallel_loop3A_623 = vector.extract_strided_slice %parallel_loop3A_239 {offsets = [8], sizes = [1], strides = [1]} : vector<16xi32> to vector<1xi32>
        %parallel_loop3A_624 = vector.extract %parallel_loop3A_623[0] : i32 from vector<1xi32>
        %parallel_loop3A_625 = vector.extract_strided_slice %parallel_loop3A_219 {offsets = [8], sizes = [1], strides = [1]} : vector<16xf32> to vector<1xf32>
        %parallel_loop3A_626 = vector.extract %parallel_loop3A_625[0] : f32 from vector<1xf32>
        %parallel_loop3A_627 = vector.broadcast %parallel_loop3A_626 : f32 to vector<16xf32>
        %parallel_loop3A_628 = arith.mulf %parallel_loop3A_604, %parallel_loop3A_627 : vector<16xf32>
        %parallel_loop3A_629 = arith.index_cast %parallel_loop3A_624 : i32 to index
        %parallel_loop3A_630 = arith.constant 0 : index
        %parallel_loop3A_631 = tpu.vector_load %arg9[%parallel_loop3A_629, %parallel_loop3A_630] {strides = array<i32>} : memref<4096x16xf32, #tpu.memory_space<vmem>>, vector<16xf32>,
        tpu.vector_store %arg9[%parallel_loop3A_629, %parallel_loop3A_630], %parallel_loop3A_628 {add = true, strides = array<i32>} : memref<4096x16xf32, #tpu.memory_space<vmem>>, vector<16xf32>,
        %parallel_loop3A_632 = vector.extract_strided_slice %parallel_loop3A_244 {offsets = [8], sizes = [1], strides = [1]} : vector<16xi32> to vector<1xi32>
        %parallel_loop3A_633 = vector.extract %parallel_loop3A_632[0] : i32 from vector<1xi32>
        %parallel_loop3A_634 = vector.extract_strided_slice %parallel_loop3A_224 {offsets = [8], sizes = [1], strides = [1]} : vector<16xf32> to vector<1xf32>
        %parallel_loop3A_635 = vector.extract %parallel_loop3A_634[0] : f32 from vector<1xf32>
        %parallel_loop3A_636 = vector.broadcast %parallel_loop3A_635 : f32 to vector<16xf32>
        %parallel_loop3A_637 = arith.mulf %parallel_loop3A_604, %parallel_loop3A_636 : vector<16xf32>
        %parallel_loop3A_638 = arith.index_cast %parallel_loop3A_633 : i32 to index
        %parallel_loop3A_639 = arith.constant 0 : index
        %parallel_loop3A_640 = tpu.vector_load %arg9[%parallel_loop3A_638, %parallel_loop3A_639] {strides = array<i32>} : memref<4096x16xf32, #tpu.memory_space<vmem>>, vector<16xf32>,
        tpu.vector_store %arg9[%parallel_loop3A_638, %parallel_loop3A_639], %parallel_loop3A_637 {add = true, strides = array<i32>} : memref<4096x16xf32, #tpu.memory_space<vmem>>, vector<16xf32>,
        %parallel_loop3A_641 = arith.constant 9 : i32
        %parallel_loop3A_642 = arith.addi %parallel_loop3A_204, %parallel_loop3A_641 : i32
        %parallel_loop3A_643 = arith.index_cast %rem3A_143 : i32 to index
        %parallel_loop3A_644 = arith.index_cast %parallel_loop3A_642 : i32 to index
        %parallel_loop3A_645 = arith.constant 0 : index
        %parallel_loop3A_646 = tpu.vector_load %arg10[%parallel_loop3A_643, %parallel_loop3A_644, %parallel_loop3A_645] {strides = array<i32>} : memref<2x1024x16xf32, #tpu.memory_space<vmem>>, vector<16xf32>,
        %parallel_loop3A_647 = arith.mulf %parallel_loop3A_646, %get3A_133 : vector<16xf32>
        %parallel_loop3A_648 = arith.addf %parallel_loop3A_647, %get3A_135 : vector<16xf32>
        %parallel_loop3A_649 = vector.extract_strided_slice %parallel_loop3A_229 {offsets = [9], sizes = [1], strides = [1]} : vector<16xi32> to vector<1xi32>
        %parallel_loop3A_650 = vector.extract %parallel_loop3A_649[0] : i32 from vector<1xi32>
        %parallel_loop3A_651 = vector.extract_strided_slice %parallel_loop3A_209 {offsets = [9], sizes = [1], strides = [1]} : vector<16xf32> to vector<1xf32>
        %parallel_loop3A_652 = vector.extract %parallel_loop3A_651[0] : f32 from vector<1xf32>
        %parallel_loop3A_653 = vector.broadcast %parallel_loop3A_652 : f32 to vector<16xf32>
        %parallel_loop3A_654 = arith.mulf %parallel_loop3A_648, %parallel_loop3A_653 : vector<16xf32>
        %parallel_loop3A_655 = arith.index_cast %parallel_loop3A_650 : i32 to index
        %parallel_loop3A_656 = arith.constant 0 : index
        %parallel_loop3A_657 = tpu.vector_load %arg9[%parallel_loop3A_655, %parallel_loop3A_656] {strides = array<i32>} : memref<4096x16xf32, #tpu.memory_space<vmem>>, vector<16xf32>,
        tpu.vector_store %arg9[%parallel_loop3A_655, %parallel_loop3A_656], %parallel_loop3A_654 {add = true, strides = array<i32>} : memref<4096x16xf32, #tpu.memory_space<vmem>>, vector<16xf32>,
        %parallel_loop3A_658 = vector.extract_strided_slice %parallel_loop3A_234 {offsets = [9], sizes = [1], strides = [1]} : vector<16xi32> to vector<1xi32>
        %parallel_loop3A_659 = vector.extract %parallel_loop3A_658[0] : i32 from vector<1xi32>
        %parallel_loop3A_660 = vector.extract_strided_slice %parallel_loop3A_214 {offsets = [9], sizes = [1], strides = [1]} : vector<16xf32> to vector<1xf32>
        %parallel_loop3A_661 = vector.extract %parallel_loop3A_660[0] : f32 from vector<1xf32>
        %parallel_loop3A_662 = vector.broadcast %parallel_loop3A_661 : f32 to vector<16xf32>
        %parallel_loop3A_663 = arith.mulf %parallel_loop3A_648, %parallel_loop3A_662 : vector<16xf32>
        %parallel_loop3A_664 = arith.index_cast %parallel_loop3A_659 : i32 to index
        %parallel_loop3A_665 = arith.constant 0 : index
        %parallel_loop3A_666 = tpu.vector_load %arg9[%parallel_loop3A_664, %parallel_loop3A_665] {strides = array<i32>} : memref<4096x16xf32, #tpu.memory_space<vmem>>, vector<16xf32>,
        tpu.vector_store %arg9[%parallel_loop3A_664, %parallel_loop3A_665], %parallel_loop3A_663 {add = true, strides = array<i32>} : memref<4096x16xf32, #tpu.memory_space<vmem>>, vector<16xf32>,
        %parallel_loop3A_667 = vector.extract_strided_slice %parallel_loop3A_239 {offsets = [9], sizes = [1], strides = [1]} : vector<16xi32> to vector<1xi32>
        %parallel_loop3A_668 = vector.extract %parallel_loop3A_667[0] : i32 from vector<1xi32>
        %parallel_loop3A_669 = vector.extract_strided_slice %parallel_loop3A_219 {offsets = [9], sizes = [1], strides = [1]} : vector<16xf32> to vector<1xf32>
        %parallel_loop3A_670 = vector.extract %parallel_loop3A_669[0] : f32 from vector<1xf32>
        %parallel_loop3A_671 = vector.broadcast %parallel_loop3A_670 : f32 to vector<16xf32>
        %parallel_loop3A_672 = arith.mulf %parallel_loop3A_648, %parallel_loop3A_671 : vector<16xf32>
        %parallel_loop3A_673 = arith.index_cast %parallel_loop3A_668 : i32 to index
        %parallel_loop3A_674 = arith.constant 0 : index
        %parallel_loop3A_675 = tpu.vector_load %arg9[%parallel_loop3A_673, %parallel_loop3A_674] {strides = array<i32>} : memref<4096x16xf32, #tpu.memory_space<vmem>>, vector<16xf32>,
        tpu.vector_store %arg9[%parallel_loop3A_673, %parallel_loop3A_674], %parallel_loop3A_672 {add = true, strides = array<i32>} : memref<4096x16xf32, #tpu.memory_space<vmem>>, vector<16xf32>,
        %parallel_loop3A_676 = vector.extract_strided_slice %parallel_loop3A_244 {offsets = [9], sizes = [1], strides = [1]} : vector<16xi32> to vector<1xi32>
        %parallel_loop3A_677 = vector.extract %parallel_loop3A_676[0] : i32 from vector<1xi32>
        %parallel_loop3A_678 = vector.extract_strided_slice %parallel_loop3A_224 {offsets = [9], sizes = [1], strides = [1]} : vector<16xf32> to vector<1xf32>
        %parallel_loop3A_679 = vector.extract %parallel_loop3A_678[0] : f32 from vector<1xf32>
        %parallel_loop3A_680 = vector.broadcast %parallel_loop3A_679 : f32 to vector<16xf32>
        %parallel_loop3A_681 = arith.mulf %parallel_loop3A_648, %parallel_loop3A_680 : vector<16xf32>
        %parallel_loop3A_682 = arith.index_cast %parallel_loop3A_677 : i32 to index
        %parallel_loop3A_683 = arith.constant 0 : index
        %parallel_loop3A_684 = tpu.vector_load %arg9[%parallel_loop3A_682, %parallel_loop3A_683] {strides = array<i32>} : memref<4096x16xf32, #tpu.memory_space<vmem>>, vector<16xf32>,
        tpu.vector_store %arg9[%parallel_loop3A_682, %parallel_loop3A_683], %parallel_loop3A_681 {add = true, strides = array<i32>} : memref<4096x16xf32, #tpu.memory_space<vmem>>, vector<16xf32>,
        %parallel_loop3A_685 = arith.constant 10 : i32
        %parallel_loop3A_686 = arith.addi %parallel_loop3A_204, %parallel_loop3A_685 : i32
        %parallel_loop3A_687 = arith.index_cast %rem3A_143 : i32 to index
        %parallel_loop3A_688 = arith.index_cast %parallel_loop3A_686 : i32 to index
        %parallel_loop3A_689 = arith.constant 0 : index
        %parallel_loop3A_690 = tpu.vector_load %arg10[%parallel_loop3A_687, %parallel_loop3A_688, %parallel_loop3A_689] {strides = array<i32>} : memref<2x1024x16xf32, #tpu.memory_space<vmem>>, vector<16xf32>,
        %parallel_loop3A_691 = arith.mulf %parallel_loop3A_690, %get3A_133 : vector<16xf32>
        %parallel_loop3A_692 = arith.addf %parallel_loop3A_691, %get3A_135 : vector<16xf32>
        %parallel_loop3A_693 = vector.extract_strided_slice %parallel_loop3A_229 {offsets = [10], sizes = [1], strides = [1]} : vector<16xi32> to vector<1xi32>
        %parallel_loop3A_694 = vector.extract %parallel_loop3A_693[0] : i32 from vector<1xi32>
        %parallel_loop3A_695 = vector.extract_strided_slice %parallel_loop3A_209 {offsets = [10], sizes = [1], strides = [1]} : vector<16xf32> to vector<1xf32>
        %parallel_loop3A_696 = vector.extract %parallel_loop3A_695[0] : f32 from vector<1xf32>
        %parallel_loop3A_697 = vector.broadcast %parallel_loop3A_696 : f32 to vector<16xf32>
        %parallel_loop3A_698 = arith.mulf %parallel_loop3A_692, %parallel_loop3A_697 : vector<16xf32>
        %parallel_loop3A_699 = arith.index_cast %parallel_loop3A_694 : i32 to index
        %parallel_loop3A_700 = arith.constant 0 : index
        %parallel_loop3A_701 = tpu.vector_load %arg9[%parallel_loop3A_699, %parallel_loop3A_700] {strides = array<i32>} : memref<4096x16xf32, #tpu.memory_space<vmem>>, vector<16xf32>,
        tpu.vector_store %arg9[%parallel_loop3A_699, %parallel_loop3A_700], %parallel_loop3A_698 {add = true, strides = array<i32>} : memref<4096x16xf32, #tpu.memory_space<vmem>>, vector<16xf32>,
        %parallel_loop3A_702 = vector.extract_strided_slice %parallel_loop3A_234 {offsets = [10], sizes = [1], strides = [1]} : vector<16xi32> to vector<1xi32>
        %parallel_loop3A_703 = vector.extract %parallel_loop3A_702[0] : i32 from vector<1xi32>
        %parallel_loop3A_704 = vector.extract_strided_slice %parallel_loop3A_214 {offsets = [10], sizes = [1], strides = [1]} : vector<16xf32> to vector<1xf32>
        %parallel_loop3A_705 = vector.extract %parallel_loop3A_704[0] : f32 from vector<1xf32>
        %parallel_loop3A_706 = vector.broadcast %parallel_loop3A_705 : f32 to vector<16xf32>
        %parallel_loop3A_707 = arith.mulf %parallel_loop3A_692, %parallel_loop3A_706 : vector<16xf32>
        %parallel_loop3A_708 = arith.index_cast %parallel_loop3A_703 : i32 to index
        %parallel_loop3A_709 = arith.constant 0 : index
        %parallel_loop3A_710 = tpu.vector_load %arg9[%parallel_loop3A_708, %parallel_loop3A_709] {strides = array<i32>} : memref<4096x16xf32, #tpu.memory_space<vmem>>, vector<16xf32>,
        tpu.vector_store %arg9[%parallel_loop3A_708, %parallel_loop3A_709], %parallel_loop3A_707 {add = true, strides = array<i32>} : memref<4096x16xf32, #tpu.memory_space<vmem>>, vector<16xf32>,
        %parallel_loop3A_711 = vector.extract_strided_slice %parallel_loop3A_239 {offsets = [10], sizes = [1], strides = [1]} : vector<16xi32> to vector<1xi32>
        %parallel_loop3A_712 = vector.extract %parallel_loop3A_711[0] : i32 from vector<1xi32>
        %parallel_loop3A_713 = vector.extract_strided_slice %parallel_loop3A_219 {offsets = [10], sizes = [1], strides = [1]} : vector<16xf32> to vector<1xf32>
        %parallel_loop3A_714 = vector.extract %parallel_loop3A_713[0] : f32 from vector<1xf32>
        %parallel_loop3A_715 = vector.broadcast %parallel_loop3A_714 : f32 to vector<16xf32>
        %parallel_loop3A_716 = arith.mulf %parallel_loop3A_692, %parallel_loop3A_715 : vector<16xf32>
        %parallel_loop3A_717 = arith.index_cast %parallel_loop3A_712 : i32 to index
        %parallel_loop3A_718 = arith.constant 0 : index
        %parallel_loop3A_719 = tpu.vector_load %arg9[%parallel_loop3A_717, %parallel_loop3A_718] {strides = array<i32>} : memref<4096x16xf32, #tpu.memory_space<vmem>>, vector<16xf32>,
        tpu.vector_store %arg9[%parallel_loop3A_717, %parallel_loop3A_718], %parallel_loop3A_716 {add = true, strides = array<i32>} : memref<4096x16xf32, #tpu.memory_space<vmem>>, vector<16xf32>,
        %parallel_loop3A_720 = vector.extract_strided_slice %parallel_loop3A_244 {offsets = [10], sizes = [1], strides = [1]} : vector<16xi32> to vector<1xi32>
        %parallel_loop3A_721 = vector.extract %parallel_loop3A_720[0] : i32 from vector<1xi32>
        %parallel_loop3A_722 = vector.extract_strided_slice %parallel_loop3A_224 {offsets = [10], sizes = [1], strides = [1]} : vector<16xf32> to vector<1xf32>
        %parallel_loop3A_723 = vector.extract %parallel_loop3A_722[0] : f32 from vector<1xf32>
        %parallel_loop3A_724 = vector.broadcast %parallel_loop3A_723 : f32 to vector<16xf32>
        %parallel_loop3A_725 = arith.mulf %parallel_loop3A_692, %parallel_loop3A_724 : vector<16xf32>
        %parallel_loop3A_726 = arith.index_cast %parallel_loop3A_721 : i32 to index
        %parallel_loop3A_727 = arith.constant 0 : index
        %parallel_loop3A_728 = tpu.vector_load %arg9[%parallel_loop3A_726, %parallel_loop3A_727] {strides = array<i32>} : memref<4096x16xf32, #tpu.memory_space<vmem>>, vector<16xf32>,
        tpu.vector_store %arg9[%parallel_loop3A_726, %parallel_loop3A_727], %parallel_loop3A_725 {add = true, strides = array<i32>} : memref<4096x16xf32, #tpu.memory_space<vmem>>, vector<16xf32>,
        %parallel_loop3A_729 = arith.constant 11 : i32
        %parallel_loop3A_730 = arith.addi %parallel_loop3A_204, %parallel_loop3A_729 : i32
        %parallel_loop3A_731 = arith.index_cast %rem3A_143 : i32 to index
        %parallel_loop3A_732 = arith.index_cast %parallel_loop3A_730 : i32 to index
        %parallel_loop3A_733 = arith.constant 0 : index
        %parallel_loop3A_734 = tpu.vector_load %arg10[%parallel_loop3A_731, %parallel_loop3A_732, %parallel_loop3A_733] {strides = array<i32>} : memref<2x1024x16xf32, #tpu.memory_space<vmem>>, vector<16xf32>,
        %parallel_loop3A_735 = arith.mulf %parallel_loop3A_734, %get3A_133 : vector<16xf32>
        %parallel_loop3A_736 = arith.addf %parallel_loop3A_735, %get3A_135 : vector<16xf32>
        %parallel_loop3A_737 = vector.extract_strided_slice %parallel_loop3A_229 {offsets = [11], sizes = [1], strides = [1]} : vector<16xi32> to vector<1xi32>
        %parallel_loop3A_738 = vector.extract %parallel_loop3A_737[0] : i32 from vector<1xi32>
        %parallel_loop3A_739 = vector.extract_strided_slice %parallel_loop3A_209 {offsets = [11], sizes = [1], strides = [1]} : vector<16xf32> to vector<1xf32>
        %parallel_loop3A_740 = vector.extract %parallel_loop3A_739[0] : f32 from vector<1xf32>
        %parallel_loop3A_741 = vector.broadcast %parallel_loop3A_740 : f32 to vector<16xf32>
        %parallel_loop3A_742 = arith.mulf %parallel_loop3A_736, %parallel_loop3A_741 : vector<16xf32>
        %parallel_loop3A_743 = arith.index_cast %parallel_loop3A_738 : i32 to index
        %parallel_loop3A_744 = arith.constant 0 : index
        %parallel_loop3A_745 = tpu.vector_load %arg9[%parallel_loop3A_743, %parallel_loop3A_744] {strides = array<i32>} : memref<4096x16xf32, #tpu.memory_space<vmem>>, vector<16xf32>,
        tpu.vector_store %arg9[%parallel_loop3A_743, %parallel_loop3A_744], %parallel_loop3A_742 {add = true, strides = array<i32>} : memref<4096x16xf32, #tpu.memory_space<vmem>>, vector<16xf32>,
        %parallel_loop3A_746 = vector.extract_strided_slice %parallel_loop3A_234 {offsets = [11], sizes = [1], strides = [1]} : vector<16xi32> to vector<1xi32>
        %parallel_loop3A_747 = vector.extract %parallel_loop3A_746[0] : i32 from vector<1xi32>
        %parallel_loop3A_748 = vector.extract_strided_slice %parallel_loop3A_214 {offsets = [11], sizes = [1], strides = [1]} : vector<16xf32> to vector<1xf32>
        %parallel_loop3A_749 = vector.extract %parallel_loop3A_748[0] : f32 from vector<1xf32>
        %parallel_loop3A_750 = vector.broadcast %parallel_loop3A_749 : f32 to vector<16xf32>
        %parallel_loop3A_751 = arith.mulf %parallel_loop3A_736, %parallel_loop3A_750 : vector<16xf32>
        %parallel_loop3A_752 = arith.index_cast %parallel_loop3A_747 : i32 to index
        %parallel_loop3A_753 = arith.constant 0 : index
        %parallel_loop3A_754 = tpu.vector_load %arg9[%parallel_loop3A_752, %parallel_loop3A_753] {strides = array<i32>} : memref<4096x16xf32, #tpu.memory_space<vmem>>, vector<16xf32>,
        tpu.vector_store %arg9[%parallel_loop3A_752, %parallel_loop3A_753], %parallel_loop3A_751 {add = true, strides = array<i32>} : memref<4096x16xf32, #tpu.memory_space<vmem>>, vector<16xf32>,
        %parallel_loop3A_755 = vector.extract_strided_slice %parallel_loop3A_239 {offsets = [11], sizes = [1], strides = [1]} : vector<16xi32> to vector<1xi32>
        %parallel_loop3A_756 = vector.extract %parallel_loop3A_755[0] : i32 from vector<1xi32>
        %parallel_loop3A_757 = vector.extract_strided_slice %parallel_loop3A_219 {offsets = [11], sizes = [1], strides = [1]} : vector<16xf32> to vector<1xf32>
        %parallel_loop3A_758 = vector.extract %parallel_loop3A_757[0] : f32 from vector<1xf32>
        %parallel_loop3A_759 = vector.broadcast %parallel_loop3A_758 : f32 to vector<16xf32>
        %parallel_loop3A_760 = arith.mulf %parallel_loop3A_736, %parallel_loop3A_759 : vector<16xf32>
        %parallel_loop3A_761 = arith.index_cast %parallel_loop3A_756 : i32 to index
        %parallel_loop3A_762 = arith.constant 0 : index
        %parallel_loop3A_763 = tpu.vector_load %arg9[%parallel_loop3A_761, %parallel_loop3A_762] {strides = array<i32>} : memref<4096x16xf32, #tpu.memory_space<vmem>>, vector<16xf32>,
        tpu.vector_store %arg9[%parallel_loop3A_761, %parallel_loop3A_762], %parallel_loop3A_760 {add = true, strides = array<i32>} : memref<4096x16xf32, #tpu.memory_space<vmem>>, vector<16xf32>,
        %parallel_loop3A_764 = vector.extract_strided_slice %parallel_loop3A_244 {offsets = [11], sizes = [1], strides = [1]} : vector<16xi32> to vector<1xi32>
        %parallel_loop3A_765 = vector.extract %parallel_loop3A_764[0] : i32 from vector<1xi32>
        %parallel_loop3A_766 = vector.extract_strided_slice %parallel_loop3A_224 {offsets = [11], sizes = [1], strides = [1]} : vector<16xf32> to vector<1xf32>
        %parallel_loop3A_767 = vector.extract %parallel_loop3A_766[0] : f32 from vector<1xf32>
        %parallel_loop3A_768 = vector.broadcast %parallel_loop3A_767 : f32 to vector<16xf32>
        %parallel_loop3A_769 = arith.mulf %parallel_loop3A_736, %parallel_loop3A_768 : vector<16xf32>
        %parallel_loop3A_770 = arith.index_cast %parallel_loop3A_765 : i32 to index
        %parallel_loop3A_771 = arith.constant 0 : index
        %parallel_loop3A_772 = tpu.vector_load %arg9[%parallel_loop3A_770, %parallel_loop3A_771] {strides = array<i32>} : memref<4096x16xf32, #tpu.memory_space<vmem>>, vector<16xf32>,
        tpu.vector_store %arg9[%parallel_loop3A_770, %parallel_loop3A_771], %parallel_loop3A_769 {add = true, strides = array<i32>} : memref<4096x16xf32, #tpu.memory_space<vmem>>, vector<16xf32>,
        %parallel_loop3A_773 = arith.constant 12 : i32
        %parallel_loop3A_774 = arith.addi %parallel_loop3A_204, %parallel_loop3A_773 : i32
        %parallel_loop3A_775 = arith.index_cast %rem3A_143 : i32 to index
        %parallel_loop3A_776 = arith.index_cast %parallel_loop3A_774 : i32 to index
        %parallel_loop3A_777 = arith.constant 0 : index
        %parallel_loop3A_778 = tpu.vector_load %arg10[%parallel_loop3A_775, %parallel_loop3A_776, %parallel_loop3A_777] {strides = array<i32>} : memref<2x1024x16xf32, #tpu.memory_space<vmem>>, vector<16xf32>,
        %parallel_loop3A_779 = arith.mulf %parallel_loop3A_778, %get3A_133 : vector<16xf32>
        %parallel_loop3A_780 = arith.addf %parallel_loop3A_779, %get3A_135 : vector<16xf32>
        %parallel_loop3A_781 = vector.extract_strided_slice %parallel_loop3A_229 {offsets = [12], sizes = [1], strides = [1]} : vector<16xi32> to vector<1xi32>
        %parallel_loop3A_782 = vector.extract %parallel_loop3A_781[0] : i32 from vector<1xi32>
        %parallel_loop3A_783 = vector.extract_strided_slice %parallel_loop3A_209 {offsets = [12], sizes = [1], strides = [1]} : vector<16xf32> to vector<1xf32>
        %parallel_loop3A_784 = vector.extract %parallel_loop3A_783[0] : f32 from vector<1xf32>
        %parallel_loop3A_785 = vector.broadcast %parallel_loop3A_784 : f32 to vector<16xf32>
        %parallel_loop3A_786 = arith.mulf %parallel_loop3A_780, %parallel_loop3A_785 : vector<16xf32>
        %parallel_loop3A_787 = arith.index_cast %parallel_loop3A_782 : i32 to index
        %parallel_loop3A_788 = arith.constant 0 : index
        %parallel_loop3A_789 = tpu.vector_load %arg9[%parallel_loop3A_787, %parallel_loop3A_788] {strides = array<i32>} : memref<4096x16xf32, #tpu.memory_space<vmem>>, vector<16xf32>,
        tpu.vector_store %arg9[%parallel_loop3A_787, %parallel_loop3A_788], %parallel_loop3A_786 {add = true, strides = array<i32>} : memref<4096x16xf32, #tpu.memory_space<vmem>>, vector<16xf32>,
        %parallel_loop3A_790 = vector.extract_strided_slice %parallel_loop3A_234 {offsets = [12], sizes = [1], strides = [1]} : vector<16xi32> to vector<1xi32>
        %parallel_loop3A_791 = vector.extract %parallel_loop3A_790[0] : i32 from vector<1xi32>
        %parallel_loop3A_792 = vector.extract_strided_slice %parallel_loop3A_214 {offsets = [12], sizes = [1], strides = [1]} : vector<16xf32> to vector<1xf32>
        %parallel_loop3A_793 = vector.extract %parallel_loop3A_792[0] : f32 from vector<1xf32>
        %parallel_loop3A_794 = vector.broadcast %parallel_loop3A_793 : f32 to vector<16xf32>
        %parallel_loop3A_795 = arith.mulf %parallel_loop3A_780, %parallel_loop3A_794 : vector<16xf32>
        %parallel_loop3A_796 = arith.index_cast %parallel_loop3A_791 : i32 to index
        %parallel_loop3A_797 = arith.constant 0 : index
        %parallel_loop3A_798 = tpu.vector_load %arg9[%parallel_loop3A_796, %parallel_loop3A_797] {strides = array<i32>} : memref<4096x16xf32, #tpu.memory_space<vmem>>, vector<16xf32>,
        tpu.vector_store %arg9[%parallel_loop3A_796, %parallel_loop3A_797], %parallel_loop3A_795 {add = true, strides = array<i32>} : memref<4096x16xf32, #tpu.memory_space<vmem>>, vector<16xf32>,
        %parallel_loop3A_799 = vector.extract_strided_slice %parallel_loop3A_239 {offsets = [12], sizes = [1], strides = [1]} : vector<16xi32> to vector<1xi32>
        %parallel_loop3A_800 = vector.extract %parallel_loop3A_799[0] : i32 from vector<1xi32>
        %parallel_loop3A_801 = vector.extract_strided_slice %parallel_loop3A_219 {offsets = [12], sizes = [1], strides = [1]} : vector<16xf32> to vector<1xf32>
        %parallel_loop3A_802 = vector.extract %parallel_loop3A_801[0] : f32 from vector<1xf32>
        %parallel_loop3A_803 = vector.broadcast %parallel_loop3A_802 : f32 to vector<16xf32>
        %parallel_loop3A_804 = arith.mulf %parallel_loop3A_780, %parallel_loop3A_803 : vector<16xf32>
        %parallel_loop3A_805 = arith.index_cast %parallel_loop3A_800 : i32 to index
        %parallel_loop3A_806 = arith.constant 0 : index
        %parallel_loop3A_807 = tpu.vector_load %arg9[%parallel_loop3A_805, %parallel_loop3A_806] {strides = array<i32>} : memref<4096x16xf32, #tpu.memory_space<vmem>>, vector<16xf32>,
        tpu.vector_store %arg9[%parallel_loop3A_805, %parallel_loop3A_806], %parallel_loop3A_804 {add = true, strides = array<i32>} : memref<4096x16xf32, #tpu.memory_space<vmem>>, vector<16xf32>,
        %parallel_loop3A_808 = vector.extract_strided_slice %parallel_loop3A_244 {offsets = [12], sizes = [1], strides = [1]} : vector<16xi32> to vector<1xi32>
        %parallel_loop3A_809 = vector.extract %parallel_loop3A_808[0] : i32 from vector<1xi32>
        %parallel_loop3A_810 = vector.extract_strided_slice %parallel_loop3A_224 {offsets = [12], sizes = [1], strides = [1]} : vector<16xf32> to vector<1xf32>
        %parallel_loop3A_811 = vector.extract %parallel_loop3A_810[0] : f32 from vector<1xf32>
        %parallel_loop3A_812 = vector.broadcast %parallel_loop3A_811 : f32 to vector<16xf32>
        %parallel_loop3A_813 = arith.mulf %parallel_loop3A_780, %parallel_loop3A_812 : vector<16xf32>
        %parallel_loop3A_814 = arith.index_cast %parallel_loop3A_809 : i32 to index
        %parallel_loop3A_815 = arith.constant 0 : index
        %parallel_loop3A_816 = tpu.vector_load %arg9[%parallel_loop3A_814, %parallel_loop3A_815] {strides = array<i32>} : memref<4096x16xf32, #tpu.memory_space<vmem>>, vector<16xf32>,
        tpu.vector_store %arg9[%parallel_loop3A_814, %parallel_loop3A_815], %parallel_loop3A_813 {add = true, strides = array<i32>} : memref<4096x16xf32, #tpu.memory_space<vmem>>, vector<16xf32>,
        %parallel_loop3A_817 = arith.constant 13 : i32
        %parallel_loop3A_818 = arith.addi %parallel_loop3A_204, %parallel_loop3A_817 : i32
        %parallel_loop3A_819 = arith.index_cast %rem3A_143 : i32 to index
        %parallel_loop3A_820 = arith.index_cast %parallel_loop3A_818 : i32 to index
        %parallel_loop3A_821 = arith.constant 0 : index
        %parallel_loop3A_822 = tpu.vector_load %arg10[%parallel_loop3A_819, %parallel_loop3A_820, %parallel_loop3A_821] {strides = array<i32>} : memref<2x1024x16xf32, #tpu.memory_space<vmem>>, vector<16xf32>,
        %parallel_loop3A_823 = arith.mulf %parallel_loop3A_822, %get3A_133 : vector<16xf32>
        %parallel_loop3A_824 = arith.addf %parallel_loop3A_823, %get3A_135 : vector<16xf32>
        %parallel_loop3A_825 = vector.extract_strided_slice %parallel_loop3A_229 {offsets = [13], sizes = [1], strides = [1]} : vector<16xi32> to vector<1xi32>
        %parallel_loop3A_826 = vector.extract %parallel_loop3A_825[0] : i32 from vector<1xi32>
        %parallel_loop3A_827 = vector.extract_strided_slice %parallel_loop3A_209 {offsets = [13], sizes = [1], strides = [1]} : vector<16xf32> to vector<1xf32>
        %parallel_loop3A_828 = vector.extract %parallel_loop3A_827[0] : f32 from vector<1xf32>
        %parallel_loop3A_829 = vector.broadcast %parallel_loop3A_828 : f32 to vector<16xf32>
        %parallel_loop3A_830 = arith.mulf %parallel_loop3A_824, %parallel_loop3A_829 : vector<16xf32>
        %parallel_loop3A_831 = arith.index_cast %parallel_loop3A_826 : i32 to index
        %parallel_loop3A_832 = arith.constant 0 : index
        %parallel_loop3A_833 = tpu.vector_load %arg9[%parallel_loop3A_831, %parallel_loop3A_832] {strides = array<i32>} : memref<4096x16xf32, #tpu.memory_space<vmem>>, vector<16xf32>,
        tpu.vector_store %arg9[%parallel_loop3A_831, %parallel_loop3A_832], %parallel_loop3A_830 {add = true, strides = array<i32>} : memref<4096x16xf32, #tpu.memory_space<vmem>>, vector<16xf32>,
        %parallel_loop3A_834 = vector.extract_strided_slice %parallel_loop3A_234 {offsets = [13], sizes = [1], strides = [1]} : vector<16xi32> to vector<1xi32>
        %parallel_loop3A_835 = vector.extract %parallel_loop3A_834[0] : i32 from vector<1xi32>
        %parallel_loop3A_836 = vector.extract_strided_slice %parallel_loop3A_214 {offsets = [13], sizes = [1], strides = [1]} : vector<16xf32> to vector<1xf32>
        %parallel_loop3A_837 = vector.extract %parallel_loop3A_836[0] : f32 from vector<1xf32>
        %parallel_loop3A_838 = vector.broadcast %parallel_loop3A_837 : f32 to vector<16xf32>
        %parallel_loop3A_839 = arith.mulf %parallel_loop3A_824, %parallel_loop3A_838 : vector<16xf32>
        %parallel_loop3A_840 = arith.index_cast %parallel_loop3A_835 : i32 to index
        %parallel_loop3A_841 = arith.constant 0 : index
        %parallel_loop3A_842 = tpu.vector_load %arg9[%parallel_loop3A_840, %parallel_loop3A_841] {strides = array<i32>} : memref<4096x16xf32, #tpu.memory_space<vmem>>, vector<16xf32>,
        tpu.vector_store %arg9[%parallel_loop3A_840, %parallel_loop3A_841], %parallel_loop3A_839 {add = true, strides = array<i32>} : memref<4096x16xf32, #tpu.memory_space<vmem>>, vector<16xf32>,
        %parallel_loop3A_843 = vector.extract_strided_slice %parallel_loop3A_239 {offsets = [13], sizes = [1], strides = [1]} : vector<16xi32> to vector<1xi32>
        %parallel_loop3A_844 = vector.extract %parallel_loop3A_843[0] : i32 from vector<1xi32>
        %parallel_loop3A_845 = vector.extract_strided_slice %parallel_loop3A_219 {offsets = [13], sizes = [1], strides = [1]} : vector<16xf32> to vector<1xf32>
        %parallel_loop3A_846 = vector.extract %parallel_loop3A_845[0] : f32 from vector<1xf32>
        %parallel_loop3A_847 = vector.broadcast %parallel_loop3A_846 : f32 to vector<16xf32>
        %parallel_loop3A_848 = arith.mulf %parallel_loop3A_824, %parallel_loop3A_847 : vector<16xf32>
        %parallel_loop3A_849 = arith.index_cast %parallel_loop3A_844 : i32 to index
        %parallel_loop3A_850 = arith.constant 0 : index
        %parallel_loop3A_851 = tpu.vector_load %arg9[%parallel_loop3A_849, %parallel_loop3A_850] {strides = array<i32>} : memref<4096x16xf32, #tpu.memory_space<vmem>>, vector<16xf32>,
        tpu.vector_store %arg9[%parallel_loop3A_849, %parallel_loop3A_850], %parallel_loop3A_848 {add = true, strides = array<i32>} : memref<4096x16xf32, #tpu.memory_space<vmem>>, vector<16xf32>,
        %parallel_loop3A_852 = vector.extract_strided_slice %parallel_loop3A_244 {offsets = [13], sizes = [1], strides = [1]} : vector<16xi32> to vector<1xi32>
        %parallel_loop3A_853 = vector.extract %parallel_loop3A_852[0] : i32 from vector<1xi32>
        %parallel_loop3A_854 = vector.extract_strided_slice %parallel_loop3A_224 {offsets = [13], sizes = [1], strides = [1]} : vector<16xf32> to vector<1xf32>
        %parallel_loop3A_855 = vector.extract %parallel_loop3A_854[0] : f32 from vector<1xf32>
        %parallel_loop3A_856 = vector.broadcast %parallel_loop3A_855 : f32 to vector<16xf32>
        %parallel_loop3A_857 = arith.mulf %parallel_loop3A_824, %parallel_loop3A_856 : vector<16xf32>
        %parallel_loop3A_858 = arith.index_cast %parallel_loop3A_853 : i32 to index
        %parallel_loop3A_859 = arith.constant 0 : index
        %parallel_loop3A_860 = tpu.vector_load %arg9[%parallel_loop3A_858, %parallel_loop3A_859] {strides = array<i32>} : memref<4096x16xf32, #tpu.memory_space<vmem>>, vector<16xf32>,
        tpu.vector_store %arg9[%parallel_loop3A_858, %parallel_loop3A_859], %parallel_loop3A_857 {add = true, strides = array<i32>} : memref<4096x16xf32, #tpu.memory_space<vmem>>, vector<16xf32>,
        %parallel_loop3A_861 = arith.constant 14 : i32
        %parallel_loop3A_862 = arith.addi %parallel_loop3A_204, %parallel_loop3A_861 : i32
        %parallel_loop3A_863 = arith.index_cast %rem3A_143 : i32 to index
        %parallel_loop3A_864 = arith.index_cast %parallel_loop3A_862 : i32 to index
        %parallel_loop3A_865 = arith.constant 0 : index
        %parallel_loop3A_866 = tpu.vector_load %arg10[%parallel_loop3A_863, %parallel_loop3A_864, %parallel_loop3A_865] {strides = array<i32>} : memref<2x1024x16xf32, #tpu.memory_space<vmem>>, vector<16xf32>,
        %parallel_loop3A_867 = arith.mulf %parallel_loop3A_866, %get3A_133 : vector<16xf32>
        %parallel_loop3A_868 = arith.addf %parallel_loop3A_867, %get3A_135 : vector<16xf32>
        %parallel_loop3A_869 = vector.extract_strided_slice %parallel_loop3A_229 {offsets = [14], sizes = [1], strides = [1]} : vector<16xi32> to vector<1xi32>
        %parallel_loop3A_870 = vector.extract %parallel_loop3A_869[0] : i32 from vector<1xi32>
        %parallel_loop3A_871 = vector.extract_strided_slice %parallel_loop3A_209 {offsets = [14], sizes = [1], strides = [1]} : vector<16xf32> to vector<1xf32>
        %parallel_loop3A_872 = vector.extract %parallel_loop3A_871[0] : f32 from vector<1xf32>
        %parallel_loop3A_873 = vector.broadcast %parallel_loop3A_872 : f32 to vector<16xf32>
        %parallel_loop3A_874 = arith.mulf %parallel_loop3A_868, %parallel_loop3A_873 : vector<16xf32>
        %parallel_loop3A_875 = arith.index_cast %parallel_loop3A_870 : i32 to index
        %parallel_loop3A_876 = arith.constant 0 : index
        %parallel_loop3A_877 = tpu.vector_load %arg9[%parallel_loop3A_875, %parallel_loop3A_876] {strides = array<i32>} : memref<4096x16xf32, #tpu.memory_space<vmem>>, vector<16xf32>,
        tpu.vector_store %arg9[%parallel_loop3A_875, %parallel_loop3A_876], %parallel_loop3A_874 {add = true, strides = array<i32>} : memref<4096x16xf32, #tpu.memory_space<vmem>>, vector<16xf32>,
        %parallel_loop3A_878 = vector.extract_strided_slice %parallel_loop3A_234 {offsets = [14], sizes = [1], strides = [1]} : vector<16xi32> to vector<1xi32>
        %parallel_loop3A_879 = vector.extract %parallel_loop3A_878[0] : i32 from vector<1xi32>
        %parallel_loop3A_880 = vector.extract_strided_slice %parallel_loop3A_214 {offsets = [14], sizes = [1], strides = [1]} : vector<16xf32> to vector<1xf32>
        %parallel_loop3A_881 = vector.extract %parallel_loop3A_880[0] : f32 from vector<1xf32>
        %parallel_loop3A_882 = vector.broadcast %parallel_loop3A_881 : f32 to vector<16xf32>
        %parallel_loop3A_883 = arith.mulf %parallel_loop3A_868, %parallel_loop3A_882 : vector<16xf32>
        %parallel_loop3A_884 = arith.index_cast %parallel_loop3A_879 : i32 to index
        %parallel_loop3A_885 = arith.constant 0 : index
        %parallel_loop3A_886 = tpu.vector_load %arg9[%parallel_loop3A_884, %parallel_loop3A_885] {strides = array<i32>} : memref<4096x16xf32, #tpu.memory_space<vmem>>, vector<16xf32>,
        tpu.vector_store %arg9[%parallel_loop3A_884, %parallel_loop3A_885], %parallel_loop3A_883 {add = true, strides = array<i32>} : memref<4096x16xf32, #tpu.memory_space<vmem>>, vector<16xf32>,
        %parallel_loop3A_887 = vector.extract_strided_slice %parallel_loop3A_239 {offsets = [14], sizes = [1], strides = [1]} : vector<16xi32> to vector<1xi32>
        %parallel_loop3A_888 = vector.extract %parallel_loop3A_887[0] : i32 from vector<1xi32>
        %parallel_loop3A_889 = vector.extract_strided_slice %parallel_loop3A_219 {offsets = [14], sizes = [1], strides = [1]} : vector<16xf32> to vector<1xf32>
        %parallel_loop3A_890 = vector.extract %parallel_loop3A_889[0] : f32 from vector<1xf32>
        %parallel_loop3A_891 = vector.broadcast %parallel_loop3A_890 : f32 to vector<16xf32>
        %parallel_loop3A_892 = arith.mulf %parallel_loop3A_868, %parallel_loop3A_891 : vector<16xf32>
        %parallel_loop3A_893 = arith.index_cast %parallel_loop3A_888 : i32 to index
        %parallel_loop3A_894 = arith.constant 0 : index
        %parallel_loop3A_895 = tpu.vector_load %arg9[%parallel_loop3A_893, %parallel_loop3A_894] {strides = array<i32>} : memref<4096x16xf32, #tpu.memory_space<vmem>>, vector<16xf32>,
        tpu.vector_store %arg9[%parallel_loop3A_893, %parallel_loop3A_894], %parallel_loop3A_892 {add = true, strides = array<i32>} : memref<4096x16xf32, #tpu.memory_space<vmem>>, vector<16xf32>,
        %parallel_loop3A_896 = vector.extract_strided_slice %parallel_loop3A_244 {offsets = [14], sizes = [1], strides = [1]} : vector<16xi32> to vector<1xi32>
        %parallel_loop3A_897 = vector.extract %parallel_loop3A_896[0] : i32 from vector<1xi32>
        %parallel_loop3A_898 = vector.extract_strided_slice %parallel_loop3A_224 {offsets = [14], sizes = [1], strides = [1]} : vector<16xf32> to vector<1xf32>
        %parallel_loop3A_899 = vector.extract %parallel_loop3A_898[0] : f32 from vector<1xf32>
        %parallel_loop3A_900 = vector.broadcast %parallel_loop3A_899 : f32 to vector<16xf32>
        %parallel_loop3A_901 = arith.mulf %parallel_loop3A_868, %parallel_loop3A_900 : vector<16xf32>
        %parallel_loop3A_902 = arith.index_cast %parallel_loop3A_897 : i32 to index
        %parallel_loop3A_903 = arith.constant 0 : index
        %parallel_loop3A_904 = tpu.vector_load %arg9[%parallel_loop3A_902, %parallel_loop3A_903] {strides = array<i32>} : memref<4096x16xf32, #tpu.memory_space<vmem>>, vector<16xf32>,
        tpu.vector_store %arg9[%parallel_loop3A_902, %parallel_loop3A_903], %parallel_loop3A_901 {add = true, strides = array<i32>} : memref<4096x16xf32, #tpu.memory_space<vmem>>, vector<16xf32>,
        %parallel_loop3A_905 = arith.constant 15 : i32
        %parallel_loop3A_906 = arith.addi %parallel_loop3A_204, %parallel_loop3A_905 : i32
        %parallel_loop3A_907 = arith.index_cast %rem3A_143 : i32 to index
        %parallel_loop3A_908 = arith.index_cast %parallel_loop3A_906 : i32 to index
        %parallel_loop3A_909 = arith.constant 0 : index
        %parallel_loop3A_910 = tpu.vector_load %arg10[%parallel_loop3A_907, %parallel_loop3A_908, %parallel_loop3A_909] {strides = array<i32>} : memref<2x1024x16xf32, #tpu.memory_space<vmem>>, vector<16xf32>,
        %parallel_loop3A_911 = arith.mulf %parallel_loop3A_910, %get3A_133 : vector<16xf32>
        %parallel_loop3A_912 = arith.addf %parallel_loop3A_911, %get3A_135 : vector<16xf32>
        %parallel_loop3A_913 = vector.extract_strided_slice %parallel_loop3A_229 {offsets = [15], sizes = [1], strides = [1]} : vector<16xi32> to vector<1xi32>
        %parallel_loop3A_914 = vector.extract %parallel_loop3A_913[0] : i32 from vector<1xi32>
        %parallel_loop3A_915 = vector.extract_strided_slice %parallel_loop3A_209 {offsets = [15], sizes = [1], strides = [1]} : vector<16xf32> to vector<1xf32>
        %parallel_loop3A_916 = vector.extract %parallel_loop3A_915[0] : f32 from vector<1xf32>
        %parallel_loop3A_917 = vector.broadcast %parallel_loop3A_916 : f32 to vector<16xf32>
        %parallel_loop3A_918 = arith.mulf %parallel_loop3A_912, %parallel_loop3A_917 : vector<16xf32>
        %parallel_loop3A_919 = arith.index_cast %parallel_loop3A_914 : i32 to index
        %parallel_loop3A_920 = arith.constant 0 : index
        %parallel_loop3A_921 = tpu.vector_load %arg9[%parallel_loop3A_919, %parallel_loop3A_920] {strides = array<i32>} : memref<4096x16xf32, #tpu.memory_space<vmem>>, vector<16xf32>,
        tpu.vector_store %arg9[%parallel_loop3A_919, %parallel_loop3A_920], %parallel_loop3A_918 {add = true, strides = array<i32>} : memref<4096x16xf32, #tpu.memory_space<vmem>>, vector<16xf32>,
        %parallel_loop3A_922 = vector.extract_strided_slice %parallel_loop3A_234 {offsets = [15], sizes = [1], strides = [1]} : vector<16xi32> to vector<1xi32>
        %parallel_loop3A_923 = vector.extract %parallel_loop3A_922[0] : i32 from vector<1xi32>
        %parallel_loop3A_924 = vector.extract_strided_slice %parallel_loop3A_214 {offsets = [15], sizes = [1], strides = [1]} : vector<16xf32> to vector<1xf32>
        %parallel_loop3A_925 = vector.extract %parallel_loop3A_924[0] : f32 from vector<1xf32>
        %parallel_loop3A_926 = vector.broadcast %parallel_loop3A_925 : f32 to vector<16xf32>
        %parallel_loop3A_927 = arith.mulf %parallel_loop3A_912, %parallel_loop3A_926 : vector<16xf32>
        %parallel_loop3A_928 = arith.index_cast %parallel_loop3A_923 : i32 to index
        %parallel_loop3A_929 = arith.constant 0 : index
        %parallel_loop3A_930 = tpu.vector_load %arg9[%parallel_loop3A_928, %parallel_loop3A_929] {strides = array<i32>} : memref<4096x16xf32, #tpu.memory_space<vmem>>, vector<16xf32>,
        tpu.vector_store %arg9[%parallel_loop3A_928, %parallel_loop3A_929], %parallel_loop3A_927 {add = true, strides = array<i32>} : memref<4096x16xf32, #tpu.memory_space<vmem>>, vector<16xf32>,
        %parallel_loop3A_931 = vector.extract_strided_slice %parallel_loop3A_239 {offsets = [15], sizes = [1], strides = [1]} : vector<16xi32> to vector<1xi32>
        %parallel_loop3A_932 = vector.extract %parallel_loop3A_931[0] : i32 from vector<1xi32>
        %parallel_loop3A_933 = vector.extract_strided_slice %parallel_loop3A_219 {offsets = [15], sizes = [1], strides = [1]} : vector<16xf32> to vector<1xf32>
        %parallel_loop3A_934 = vector.extract %parallel_loop3A_933[0] : f32 from vector<1xf32>
        %parallel_loop3A_935 = vector.broadcast %parallel_loop3A_934 : f32 to vector<16xf32>
        %parallel_loop3A_936 = arith.mulf %parallel_loop3A_912, %parallel_loop3A_935 : vector<16xf32>
        %parallel_loop3A_937 = arith.index_cast %parallel_loop3A_932 : i32 to index
        %parallel_loop3A_938 = arith.constant 0 : index
        %parallel_loop3A_939 = tpu.vector_load %arg9[%parallel_loop3A_937, %parallel_loop3A_938] {strides = array<i32>} : memref<4096x16xf32, #tpu.memory_space<vmem>>, vector<16xf32>,
        tpu.vector_store %arg9[%parallel_loop3A_937, %parallel_loop3A_938], %parallel_loop3A_936 {add = true, strides = array<i32>} : memref<4096x16xf32, #tpu.memory_space<vmem>>, vector<16xf32>,
        %parallel_loop3A_940 = vector.extract_strided_slice %parallel_loop3A_244 {offsets = [15], sizes = [1], strides = [1]} : vector<16xi32> to vector<1xi32>
        %parallel_loop3A_941 = vector.extract %parallel_loop3A_940[0] : i32 from vector<1xi32>
        %parallel_loop3A_942 = vector.extract_strided_slice %parallel_loop3A_224 {offsets = [15], sizes = [1], strides = [1]} : vector<16xf32> to vector<1xf32>
        %parallel_loop3A_943 = vector.extract %parallel_loop3A_942[0] : f32 from vector<1xf32>
        %parallel_loop3A_944 = vector.broadcast %parallel_loop3A_943 : f32 to vector<16xf32>
        %parallel_loop3A_945 = arith.mulf %parallel_loop3A_912, %parallel_loop3A_944 : vector<16xf32>
        %parallel_loop3A_946 = arith.index_cast %parallel_loop3A_941 : i32 to index
        %parallel_loop3A_947 = arith.constant 0 : index
        %parallel_loop3A_948 = tpu.vector_load %arg9[%parallel_loop3A_946, %parallel_loop3A_947] {strides = array<i32>} : memref<4096x16xf32, #tpu.memory_space<vmem>>, vector<16xf32>,
        tpu.vector_store %arg9[%parallel_loop3A_946, %parallel_loop3A_947], %parallel_loop3A_945 {add = true, strides = array<i32>} : memref<4096x16xf32, #tpu.memory_space<vmem>>, vector<16xf32>,
      } {sc.loop_unroll_factor = 4 : i64, sc.parallel_access}
    }
    %scan3A_140 = arith.constant 8 : i32
    "tpu.region"() ({
      %run_scoped3A = tpu.sem_alloc : memref<!tpu.dma_semaphore, #tpu.memory_space<semaphore_mem>>
      %dma_start3A_141 = arith.constant 0 : i32
      %dma_start3A_142 = tpu.memref_slice %arg8[%select_n3A, %dma_start3A_141, %add3A_75] : memref<4x4096x128xf32, #tpu.memory_space<hbm>> -> memref<1x4096x16xf32, #tpu.memory_space<hbm>>
      %dma_start3A_143 = tpu.memref_squeeze %dma_start3A_142 : memref<1x4096x16xf32, #tpu.memory_space<hbm>> -> memref<4096x16xf32, #tpu.memory_space<hbm>>
      %dma_start3A_144 = arith.constant 0 : i32
      %dma_start3A_145 = tpu.memref_slice %arg8[%select_n3A, %dma_start3A_144, %add3A_75] : memref<4x4096x128xf32, #tpu.memory_space<hbm>> -> memref<1x4096x16xf32, #tpu.memory_space<hbm>>
      %dma_start3A_146 = tpu.memref_squeeze %dma_start3A_145 : memref<1x4096x16xf32, #tpu.memory_space<hbm>> -> memref<4096x16xf32, #tpu.memory_space<hbm>>
      tpu.enqueue_dma source(%arg9 : memref<4096x16xf32, #tpu.memory_space<vmem>>) target(%dma_start3A_146 : memref<4096x16xf32, #tpu.memory_space<hbm>>) target_semaphore(%run_scoped3A : memref<!tpu.dma_semaphore, #tpu.memory_space<semaphore_mem>>)
      %dma_wait3A = arith.constant 0 : i32
      %dma_wait3A_147 = tpu.memref_slice %arg8[%select_n3A, %dma_wait3A, %add3A_75] : memref<4x4096x128xf32, #tpu.memory_space<hbm>> -> memref<1x4096x16xf32, #tpu.memory_space<hbm>>
      %dma_wait3A_148 = tpu.memref_squeeze %dma_wait3A_147 : memref<1x4096x16xf32, #tpu.memory_space<hbm>> -> memref<4096x16xf32, #tpu.memory_space<hbm>>
      %dma_wait3A_149 = arith.constant 0 : i32
      %dma_wait3A_150 = tpu.memref_slice %arg8[%select_n3A, %dma_wait3A_149, %add3A_75] : memref<4x4096x128xf32, #tpu.memory_space<hbm>> -> memref<1x4096x16xf32, #tpu.memory_space<hbm>>
      %dma_wait3A_151 = tpu.memref_squeeze %dma_wait3A_150 : memref<1x4096x16xf32, #tpu.memory_space<hbm>> -> memref<4096x16xf32, #tpu.memory_space<hbm>>
      tpu.wait_dma2 semaphore(%run_scoped3A : memref<!tpu.dma_semaphore, #tpu.memory_space<semaphore_mem>>) src(%arg9 : memref<4096x16xf32, #tpu.memory_space<vmem>>) dst(%dma_wait3A_151 : memref<4096x16xf32, #tpu.memory_space<hbm>>)
      tpu.yield
    }) : () -> ()
    return
  }
}

module attributes {stable_mosaic.version = 14 : i64} {
  func.func @_stage_a_body(%arg0: i32, %arg1: i32, %arg2: memref<1x128x2048xf32, #tpu.memory_space<vmem>>, %arg3: memref<128x128xf32, #tpu.memory_space<vmem>>, %arg4: memref<16x128xf32, #tpu.memory_space<vmem>>, %arg5: memref<1x2048x128xf32, #tpu.memory_space<vmem>>, %arg6: memref<1x16x2048xf32, #tpu.memory_space<vmem>>, %arg7: memref<1x128xf32, #tpu.memory_space<vmem>>, %arg8: memref<1x128xf32, #tpu.memory_space<vmem>>, %arg9: memref<1x16xf32, #tpu.memory_space<vmem>>, %arg10: memref<1x16xf32, #tpu.memory_space<vmem>>) attributes {dimension_semantics = [#tpu.dimension_semantics<arbitrary>, #tpu.dimension_semantics<arbitrary>], iteration_bounds = array<i64: 4, 4>, scalar_prefetch = 0 : i64, scratch_operands = 0 : i64, tpu.core_type = #tpu.core_type<tc>, window_params = [{transform_indices = @transform_0, window_bounds = array<i64: 1, 128, 2048>}, {pipeline_mode = #tpu.pipeline_mode<synchronous>, transform_indices = @transform_1, window_bounds = array<i64: 128, 128>}, {pipeline_mode = #tpu.pipeline_mode<synchronous>, transform_indices = @transform_2, window_bounds = array<i64: 16, 128>}, {transform_indices = @transform_3, window_bounds = array<i64: 1, 2048, 128>}, {transform_indices = @transform_4, window_bounds = array<i64: 1, 16, 2048>}, {pipeline_mode = #tpu.pipeline_mode<synchronous>, transform_indices = @transform_5, window_bounds = array<i64: 1, 128>}, {pipeline_mode = #tpu.pipeline_mode<synchronous>, transform_indices = @transform_6, window_bounds = array<i64: 1, 128>}, {pipeline_mode = #tpu.pipeline_mode<synchronous>, transform_indices = @transform_7, window_bounds = array<i64: 1, 16>}, {pipeline_mode = #tpu.pipeline_mode<synchronous>, transform_indices = @transform_8, window_bounds = array<i64: 1, 16>}]} {
    %get3A = arith.constant 0 : index
    %get3A_0 = arith.constant 0 : index
    %get3A_1 = arith.constant 0 : index
    %get3A_2 = vector.load %arg2[%get3A, %get3A_0, %get3A_1] : memref<1x128x2048xf32, #tpu.memory_space<vmem>>, vector<1x128x2048xf32>
    %get3A_3 = vector.shape_cast %get3A_2 : vector<1x128x2048xf32> to vector<128x2048xf32>
    %get3A_4 = arith.constant 0 : index
    %get3A_5 = arith.constant 0 : index
    %get3A_6 = vector.load %arg3[%get3A_4, %get3A_5] : memref<128x128xf32, #tpu.memory_space<vmem>>, vector<128x128xf32>
    %dot_general3A = arith.constant dense<0.000000e+00> : vector<2048x128xf32>
    %dot_general3A_7 = tpu.matmul %get3A_3, %get3A_6, %dot_general3A {dimension_numbers = #tpu.dot_dimension_numbers<[0], [0], [1], [1], [0, 1, 1, 1], [], []>, transpose_lhs_hint = false} : vector<128x2048xf32>, vector<128x128xf32>, vector<2048x128xf32> -> vector<2048x128xf32>
    %swap3A = arith.constant 0 : index
    %swap3A_8 = arith.constant 0 : index
    %swap3A_9 = arith.constant 0 : index
    %swap3A_10 = vector.load %arg5[%swap3A, %swap3A_8, %swap3A_9] : memref<1x2048x128xf32, #tpu.memory_space<vmem>>, vector<1x2048x128xf32>
    %swap3A_11 = vector.shape_cast %swap3A_10 : vector<1x2048x128xf32> to vector<2048x128xf32>
    %swap3A_12 = vector.shape_cast %dot_general3A_7 : vector<2048x128xf32> to vector<1x2048x128xf32>
    tpu.vector_store %arg5[%swap3A, %swap3A_8, %swap3A_9], %swap3A_12 {strides = array<i32>} : memref<1x2048x128xf32, #tpu.memory_space<vmem>>, vector<1x2048x128xf32>,
    %get3A_13 = arith.constant 0 : index
    %get3A_14 = arith.constant 0 : index
    %get3A_15 = vector.load %arg4[%get3A_13, %get3A_14] : memref<16x128xf32, #tpu.memory_space<vmem>>, vector<16x128xf32>
    %dot_general3A_16 = arith.constant dense<0.000000e+00> : vector<16x2048xf32>
    %dot_general3A_17 = tpu.matmul %get3A_15, %get3A_3, %dot_general3A_16 {dimension_numbers = #tpu.dot_dimension_numbers<[1], [0], [0], [1], [0, 0, 1, 1], [], []>, transpose_lhs_hint = false} : vector<16x128xf32>, vector<128x2048xf32>, vector<16x2048xf32> -> vector<16x2048xf32>
    %swap3A_18 = arith.constant 0 : index
    %swap3A_19 = arith.constant 0 : index
    %swap3A_20 = arith.constant 0 : index
    %swap3A_21 = vector.load %arg6[%swap3A_18, %swap3A_19, %swap3A_20] : memref<1x16x2048xf32, #tpu.memory_space<vmem>>, vector<1x16x2048xf32>
    %swap3A_22 = vector.shape_cast %swap3A_21 : vector<1x16x2048xf32> to vector<16x2048xf32>
    %swap3A_23 = vector.shape_cast %dot_general3A_17 : vector<16x2048xf32> to vector<1x16x2048xf32>
    tpu.vector_store %arg6[%swap3A_18, %swap3A_19, %swap3A_20], %swap3A_23 {strides = array<i32>} : memref<1x16x2048xf32, #tpu.memory_space<vmem>>, vector<1x16x2048xf32>,
    %reduce_sum3A = arith.constant dense<0.000000e+00> : vector<128xf32>
    %reduce_sum3A_24 = vector.multi_reduction <add>, %dot_general3A_7, %reduce_sum3A [0] : vector<2048x128xf32> to vector<128xf32>
    %reshape3A = vector.shape_cast %reduce_sum3A_24 : vector<128xf32> to vector<1x128xf32>
    %mul3A = arith.mulf %dot_general3A_7, %dot_general3A_7 : vector<2048x128xf32>
    %reduce_sum3A_25 = arith.constant dense<0.000000e+00> : vector<128xf32>
    %reduce_sum3A_26 = vector.multi_reduction <add>, %mul3A, %reduce_sum3A_25 [0] : vector<2048x128xf32> to vector<128xf32>
    %reshape3A_27 = vector.shape_cast %reduce_sum3A_26 : vector<128xf32> to vector<1x128xf32>
    %reduce_sum3A_28 = arith.constant dense<0.000000e+00> : vector<16xf32>
    %reduce_sum3A_29 = vector.multi_reduction <add>, %dot_general3A_17, %reduce_sum3A_28 [1] : vector<16x2048xf32> to vector<16xf32>
    %reshape3A_30 = vector.shape_cast %reduce_sum3A_29 : vector<16xf32> to vector<1x16xf32>
    %mul3A_31 = arith.mulf %dot_general3A_17, %dot_general3A_17 : vector<16x2048xf32>
    %reduce_sum3A_32 = arith.constant dense<0.000000e+00> : vector<16xf32>
    %reduce_sum3A_33 = vector.multi_reduction <add>, %mul3A_31, %reduce_sum3A_32 [1] : vector<16x2048xf32> to vector<16xf32>
    %reshape3A_34 = vector.shape_cast %reduce_sum3A_33 : vector<16xf32> to vector<1x16xf32>
    %eq3A = arith.constant 0 : i32
    %eq3A_35 = arith.cmpi eq, %arg0, %eq3A : i32
    %eq3A_36 = arith.constant 0 : i32
    %eq3A_37 = arith.cmpi eq, %arg1, %eq3A_36 : i32
    %and3A = arith.andi %eq3A_35, %eq3A_37 : i1
    %convert_element_type3A = arith.extui %and3A : i1 to i32
    %cond3A = arith.constant 0 : i32
    %cond3A_38 = arith.cmpi ne, %convert_element_type3A, %cond3A : i32
    scf.if %cond3A_38 {
      %swap3A_43 = arith.constant 0 : index
      %swap3A_44 = arith.constant 0 : index
      %swap3A_45 = vector.load %arg7[%swap3A_43, %swap3A_44] : memref<1x128xf32, #tpu.memory_space<vmem>>, vector<1x128xf32>
      tpu.vector_store %arg7[%swap3A_43, %swap3A_44], %reshape3A {strides = array<i32>} : memref<1x128xf32, #tpu.memory_space<vmem>>, vector<1x128xf32>,
      %swap3A_46 = arith.constant 0 : index
      %swap3A_47 = arith.constant 0 : index
      %swap3A_48 = vector.load %arg8[%swap3A_46, %swap3A_47] : memref<1x128xf32, #tpu.memory_space<vmem>>, vector<1x128xf32>
      tpu.vector_store %arg8[%swap3A_46, %swap3A_47], %reshape3A_27 {strides = array<i32>} : memref<1x128xf32, #tpu.memory_space<vmem>>, vector<1x128xf32>,
      %swap3A_49 = arith.constant 0 : index
      %swap3A_50 = arith.constant 0 : index
      %swap3A_51 = vector.load %arg9[%swap3A_49, %swap3A_50] : memref<1x16xf32, #tpu.memory_space<vmem>>, vector<1x16xf32>
      tpu.vector_store %arg9[%swap3A_49, %swap3A_50], %reshape3A_30 {strides = array<i32>} : memref<1x16xf32, #tpu.memory_space<vmem>>, vector<1x16xf32>,
      %swap3A_52 = arith.constant 0 : index
      %swap3A_53 = arith.constant 0 : index
      %swap3A_54 = vector.load %arg10[%swap3A_52, %swap3A_53] : memref<1x16xf32, #tpu.memory_space<vmem>>, vector<1x16xf32>
      tpu.vector_store %arg10[%swap3A_52, %swap3A_53], %reshape3A_34 {strides = array<i32>} : memref<1x16xf32, #tpu.memory_space<vmem>>, vector<1x16xf32>,
    } else {
    }
    %not3A = arith.constant true
    %not3A_39 = arith.xori %and3A, %not3A : i1
    %convert_element_type3A_40 = arith.extui %not3A_39 : i1 to i32
    %cond3A_41 = arith.constant 0 : i32
    %cond3A_42 = arith.cmpi ne, %convert_element_type3A_40, %cond3A_41 : i32
    scf.if %cond3A_42 {
      %get3A_43 = arith.constant 0 : index
      %get3A_44 = arith.constant 0 : index
      %get3A_45 = vector.load %arg7[%get3A_43, %get3A_44] : memref<1x128xf32, #tpu.memory_space<vmem>>, vector<1x128xf32>
      %add3A = arith.addf %get3A_45, %reshape3A : vector<1x128xf32>
      %swap3A_46 = arith.constant 0 : index
      %swap3A_47 = arith.constant 0 : index
      %swap3A_48 = vector.load %arg7[%swap3A_46, %swap3A_47] : memref<1x128xf32, #tpu.memory_space<vmem>>, vector<1x128xf32>
      tpu.vector_store %arg7[%swap3A_46, %swap3A_47], %add3A {strides = array<i32>} : memref<1x128xf32, #tpu.memory_space<vmem>>, vector<1x128xf32>,
      %get3A_49 = arith.constant 0 : index
      %get3A_50 = arith.constant 0 : index
      %get3A_51 = vector.load %arg8[%get3A_49, %get3A_50] : memref<1x128xf32, #tpu.memory_space<vmem>>, vector<1x128xf32>
      %add3A_52 = arith.addf %get3A_51, %reshape3A_27 : vector<1x128xf32>
      %swap3A_53 = arith.constant 0 : index
      %swap3A_54 = arith.constant 0 : index
      %swap3A_55 = vector.load %arg8[%swap3A_53, %swap3A_54] : memref<1x128xf32, #tpu.memory_space<vmem>>, vector<1x128xf32>
      tpu.vector_store %arg8[%swap3A_53, %swap3A_54], %add3A_52 {strides = array<i32>} : memref<1x128xf32, #tpu.memory_space<vmem>>, vector<1x128xf32>,
      %get3A_56 = arith.constant 0 : index
      %get3A_57 = arith.constant 0 : index
      %get3A_58 = vector.load %arg9[%get3A_56, %get3A_57] : memref<1x16xf32, #tpu.memory_space<vmem>>, vector<1x16xf32>
      %add3A_59 = arith.addf %get3A_58, %reshape3A_30 : vector<1x16xf32>
      %swap3A_60 = arith.constant 0 : index
      %swap3A_61 = arith.constant 0 : index
      %swap3A_62 = vector.load %arg9[%swap3A_60, %swap3A_61] : memref<1x16xf32, #tpu.memory_space<vmem>>, vector<1x16xf32>
      tpu.vector_store %arg9[%swap3A_60, %swap3A_61], %add3A_59 {strides = array<i32>} : memref<1x16xf32, #tpu.memory_space<vmem>>, vector<1x16xf32>,
      %get3A_63 = arith.constant 0 : index
      %get3A_64 = arith.constant 0 : index
      %get3A_65 = vector.load %arg10[%get3A_63, %get3A_64] : memref<1x16xf32, #tpu.memory_space<vmem>>, vector<1x16xf32>
      %add3A_66 = arith.addf %get3A_65, %reshape3A_34 : vector<1x16xf32>
      %swap3A_67 = arith.constant 0 : index
      %swap3A_68 = arith.constant 0 : index
      %swap3A_69 = vector.load %arg10[%swap3A_67, %swap3A_68] : memref<1x16xf32, #tpu.memory_space<vmem>>, vector<1x16xf32>
      tpu.vector_store %arg10[%swap3A_67, %swap3A_68], %add3A_66 {strides = array<i32>} : memref<1x16xf32, #tpu.memory_space<vmem>>, vector<1x16xf32>,
    } else {
    }
    return
  }
  func.func @transform_0(%arg0: i32, %arg1: i32) -> (i32, i32, i32) {
    %c0_i32 = arith.constant 0 : i32
    %c0_i32_0 = arith.constant 0 : i32
    return %arg0, %c0_i32, %arg1 : i32, i32, i32
  }
  func.func @transform_1(%arg0: i32, %arg1: i32) -> (i32, i32) {
    %c0_i32 = arith.constant 0 : i32
    %c0_i32_0 = arith.constant 0 : i32
    %c0_i32_1 = arith.constant 0 : i32
    return %c0_i32, %c0_i32_0 : i32, i32
  }
  func.func @transform_2(%arg0: i32, %arg1: i32) -> (i32, i32) {
    %c0_i32 = arith.constant 0 : i32
    %c0_i32_0 = arith.constant 0 : i32
    %c0_i32_1 = arith.constant 0 : i32
    return %c0_i32, %c0_i32_0 : i32, i32
  }
  func.func @transform_3(%arg0: i32, %arg1: i32) -> (i32, i32, i32) {
    %c0_i32 = arith.constant 0 : i32
    %c0_i32_0 = arith.constant 0 : i32
    return %arg0, %arg1, %c0_i32 : i32, i32, i32
  }
  func.func @transform_4(%arg0: i32, %arg1: i32) -> (i32, i32, i32) {
    %c0_i32 = arith.constant 0 : i32
    %c0_i32_0 = arith.constant 0 : i32
    return %arg0, %c0_i32, %arg1 : i32, i32, i32
  }
  func.func @transform_5(%arg0: i32, %arg1: i32) -> (i32, i32) {
    %c0_i32 = arith.constant 0 : i32
    %c0_i32_0 = arith.constant 0 : i32
    %c0_i32_1 = arith.constant 0 : i32
    return %c0_i32, %c0_i32_0 : i32, i32
  }
  func.func @transform_6(%arg0: i32, %arg1: i32) -> (i32, i32) {
    %c0_i32 = arith.constant 0 : i32
    %c0_i32_0 = arith.constant 0 : i32
    %c0_i32_1 = arith.constant 0 : i32
    return %c0_i32, %c0_i32_0 : i32, i32
  }
  func.func @transform_7(%arg0: i32, %arg1: i32) -> (i32, i32) {
    %c0_i32 = arith.constant 0 : i32
    %c0_i32_0 = arith.constant 0 : i32
    %c0_i32_1 = arith.constant 0 : i32
    return %c0_i32, %c0_i32_0 : i32, i32
  }
  func.func @transform_8(%arg0: i32, %arg1: i32) -> (i32, i32) {
    %c0_i32 = arith.constant 0 : i32
    %c0_i32_0 = arith.constant 0 : i32
    %c0_i32_1 = arith.constant 0 : i32
    return %c0_i32, %c0_i32_0 : i32, i32
  }
}

module attributes {stable_mosaic.version = 14 : i64} {
  func.func @_stage_b_body(%arg0: i32, %arg1: i32, %arg2: memref<1x16x2048xf32, #tpu.memory_space<vmem>>, %arg3: memref<1x8x2048xf32, #tpu.memory_space<vmem>>, %arg4: memref<8x16xf32, #tpu.memory_space<vmem>>, %arg5: memref<8x8xf32, #tpu.memory_space<vmem>>, %arg6: memref<8x128xf32, #tpu.memory_space<vmem>>, %arg7: memref<1x4x4x2048xf32, #tpu.memory_space<vmem>>, %arg8: memref<1x4x4x2048xi32, #tpu.memory_space<vmem>>, %arg9: memref<1x1xf32, #tpu.memory_space<smem>>, %arg10: memref<1x1xf32, #tpu.memory_space<smem>>) attributes {dimension_semantics = [#tpu.dimension_semantics<arbitrary>, #tpu.dimension_semantics<arbitrary>], iteration_bounds = array<i64: 4, 4>, scalar_prefetch = 0 : i64, scratch_operands = 0 : i64, tpu.core_type = #tpu.core_type<tc>, window_params = [{transform_indices = @transform_0, window_bounds = array<i64: 1, 16, 2048>}, {transform_indices = @transform_1, window_bounds = array<i64: 1, 8, 2048>}, {pipeline_mode = #tpu.pipeline_mode<synchronous>, transform_indices = @transform_2, window_bounds = array<i64: 8, 16>}, {pipeline_mode = #tpu.pipeline_mode<synchronous>, transform_indices = @transform_3, window_bounds = array<i64: 8, 8>}, {pipeline_mode = #tpu.pipeline_mode<synchronous>, transform_indices = @transform_4, window_bounds = array<i64: 8, 128>}, {transform_indices = @transform_5, window_bounds = array<i64: 1, 4, 4, 2048>}, {transform_indices = @transform_6, window_bounds = array<i64: 1, 4, 4, 2048>}, {transform_indices = @transform_7, window_bounds = array<i64: 1, 1>}, {transform_indices = @transform_8, window_bounds = array<i64: 1, 1>}]} {
    %get3A = arith.constant 0 : index
    %get3A_0 = arith.constant 0 : index
    %get3A_1 = vector.load %arg4[%get3A, %get3A_0] : memref<8x16xf32, #tpu.memory_space<vmem>>, vector<8x16xf32>
    %get3A_2 = arith.constant 0 : index
    %get3A_3 = arith.constant 0 : index
    %get3A_4 = arith.constant 0 : index
    %get3A_5 = vector.load %arg2[%get3A_2, %get3A_3, %get3A_4] : memref<1x16x2048xf32, #tpu.memory_space<vmem>>, vector<1x16x2048xf32>
    %get3A_6 = vector.shape_cast %get3A_5 : vector<1x16x2048xf32> to vector<16x2048xf32>
    %dot_general3A = arith.constant dense<0.000000e+00> : vector<8x2048xf32>
    %dot_general3A_7 = tpu.matmul %get3A_1, %get3A_6, %dot_general3A {dimension_numbers = #tpu.dot_dimension_numbers<[1], [0], [0], [1], [0, 0, 1, 1], [], []>, transpose_lhs_hint = false} : vector<8x16xf32>, vector<16x2048xf32>, vector<8x2048xf32> -> vector<8x2048xf32>
    %get3A_8 = arith.constant 0 : index
    %get3A_9 = arith.constant 0 : index
    %get3A_10 = vector.load %arg5[%get3A_8, %get3A_9] : memref<8x8xf32, #tpu.memory_space<vmem>>, vector<8x8xf32>
    %get3A_11 = arith.constant 0 : index
    %get3A_12 = arith.constant 0 : index
    %get3A_13 = arith.constant 0 : index
    %get3A_14 = vector.load %arg3[%get3A_11, %get3A_12, %get3A_13] : memref<1x8x2048xf32, #tpu.memory_space<vmem>>, vector<1x8x2048xf32>
    %get3A_15 = vector.shape_cast %get3A_14 : vector<1x8x2048xf32> to vector<8x2048xf32>
    %dot_general3A_16 = arith.constant dense<0.000000e+00> : vector<8x2048xf32>
    %dot_general3A_17 = tpu.matmul %get3A_10, %get3A_15, %dot_general3A_16 {dimension_numbers = #tpu.dot_dimension_numbers<[1], [0], [0], [1], [0, 0, 1, 1], [], []>, transpose_lhs_hint = false} : vector<8x8xf32>, vector<8x2048xf32>, vector<8x2048xf32> -> vector<8x2048xf32>
    %add3A = arith.addf %dot_general3A_7, %dot_general3A_17 : vector<8x2048xf32>
    %get3A_18 = arith.constant 0 : index
    %get3A_19 = arith.constant 0 : index
    %get3A_20 = vector.load %arg6[%get3A_18, %get3A_19] : memref<8x128xf32, #tpu.memory_space<vmem>>, vector<8x1xf32>
    %add3A_21 = vector.broadcast %get3A_20 : vector<8x1xf32> to vector<8x2048xf32>
    %add3A_22 = arith.addf %add3A, %add3A_21 : vector<8x2048xf32>
    %reduce_sum3A = vector.shape_cast %add3A_22 : vector<8x2048xf32> to vector<1x8x2048xf32>
    %reduce_sum3A_23 = arith.constant dense<0.000000e+00> : vector<1xf32>
    %reduce_sum3A_24 = vector.multi_reduction <add>, %reduce_sum3A, %reduce_sum3A_23 [1, 2] : vector<1x8x2048xf32> to vector<1xf32>
    %reduce_sum3A_25 = vector.shape_cast %reduce_sum3A_24 : vector<1xf32> to vector<1x1x1xf32>
    %reduce_sum3A_26 = vector.extract %reduce_sum3A_25[0, 0, 0] : f32 from vector<1x1x1xf32>
    %mul3A = arith.mulf %add3A_22, %add3A_22 : vector<8x2048xf32>
    %reduce_sum3A_27 = vector.shape_cast %mul3A : vector<8x2048xf32> to vector<1x8x2048xf32>
    %reduce_sum3A_28 = arith.constant dense<0.000000e+00> : vector<1xf32>
    %reduce_sum3A_29 = vector.multi_reduction <add>, %reduce_sum3A_27, %reduce_sum3A_28 [1, 2] : vector<1x8x2048xf32> to vector<1xf32>
    %reduce_sum3A_30 = vector.shape_cast %reduce_sum3A_29 : vector<1xf32> to vector<1x1x1xf32>
    %reduce_sum3A_31 = vector.extract %reduce_sum3A_30[0, 0, 0] : f32 from vector<1x1x1xf32>
    %eq3A = arith.constant 0 : i32
    %eq3A_32 = arith.cmpi eq, %arg0, %eq3A : i32
    %eq3A_33 = arith.constant 0 : i32
    %eq3A_34 = arith.cmpi eq, %arg1, %eq3A_33 : i32
    %and3A = arith.andi %eq3A_32, %eq3A_34 : i1
    %convert_element_type3A = arith.extui %and3A : i1 to i32
    %cond3A = arith.constant 0 : i32
    %cond3A_35 = arith.cmpi ne, %convert_element_type3A, %cond3A : i32
    scf.if %cond3A_35 {
      %swap3A_138 = arith.constant 0 : index
      %swap3A_139 = arith.constant 0 : index
      %swap3A_140 = memref.load %arg9[%swap3A_138, %swap3A_139] : memref<1x1xf32, #tpu.memory_space<smem>>
      memref.store %reduce_sum3A_26, %arg9[%swap3A_138, %swap3A_139] : memref<1x1xf32, #tpu.memory_space<smem>>
      %swap3A_141 = arith.constant 0 : index
      %swap3A_142 = arith.constant 0 : index
      %swap3A_143 = memref.load %arg10[%swap3A_141, %swap3A_142] : memref<1x1xf32, #tpu.memory_space<smem>>
      memref.store %reduce_sum3A_31, %arg10[%swap3A_141, %swap3A_142] : memref<1x1xf32, #tpu.memory_space<smem>>
    } else {
    }
    %not3A = arith.constant true
    %not3A_36 = arith.xori %and3A, %not3A : i1
    %convert_element_type3A_37 = arith.extui %not3A_36 : i1 to i32
    %cond3A_38 = arith.constant 0 : i32
    %cond3A_39 = arith.cmpi ne, %convert_element_type3A_37, %cond3A_38 : i32
    scf.if %cond3A_39 {
      %get3A_138 = arith.constant 0 : index
      %get3A_139 = arith.constant 0 : index
      %get3A_140 = memref.load %arg9[%get3A_138, %get3A_139] : memref<1x1xf32, #tpu.memory_space<smem>>
      %add3A_141 = arith.addf %get3A_140, %reduce_sum3A_26 : f32
      %swap3A_142 = arith.constant 0 : index
      %swap3A_143 = arith.constant 0 : index
      %swap3A_144 = memref.load %arg9[%swap3A_142, %swap3A_143] : memref<1x1xf32, #tpu.memory_space<smem>>
      memref.store %add3A_141, %arg9[%swap3A_142, %swap3A_143] : memref<1x1xf32, #tpu.memory_space<smem>>
      %get3A_145 = arith.constant 0 : index
      %get3A_146 = arith.constant 0 : index
      %get3A_147 = memref.load %arg10[%get3A_145, %get3A_146] : memref<1x1xf32, #tpu.memory_space<smem>>
      %add3A_148 = arith.addf %get3A_147, %reduce_sum3A_31 : f32
      %swap3A_149 = arith.constant 0 : index
      %swap3A_150 = arith.constant 0 : index
      %swap3A_151 = memref.load %arg10[%swap3A_149, %swap3A_150] : memref<1x1xf32, #tpu.memory_space<smem>>
      memref.store %add3A_148, %arg10[%swap3A_149, %swap3A_150] : memref<1x1xf32, #tpu.memory_space<smem>>
    } else {
    }
    %tanh3A = math.tanh %add3A_22 : vector<8x2048xf32>
    %add3A_40 = arith.constant 1.000000e+00 : f32
    %add3A_41 = vector.broadcast %add3A_40 : f32 to vector<8x2048xf32>
    %add3A_42 = arith.addf %tanh3A, %add3A_41 : vector<8x2048xf32>
    %mul3A_43 = arith.constant 3.150000e+01 : f32
    %mul3A_44 = vector.broadcast %mul3A_43 : f32 to vector<8x2048xf32>
    %mul3A_45 = arith.mulf %add3A_42, %mul3A_44 : vector<8x2048xf32>
    %jit3A = arith.constant 0.000000e+00 : f32
    %jit3A_46 = arith.constant 6.300000e+01 : f32
    %max3A = vector.broadcast %jit3A : f32 to vector<8x2048xf32>
    %max3A_47 = arith.maximumf %max3A, %mul3A_45 : vector<8x2048xf32>
    %min3A = vector.broadcast %jit3A_46 : f32 to vector<8x2048xf32>
    %min3A_48 = arith.minimumf %min3A, %max3A_47 : vector<8x2048xf32>
    %floor3A = math.floor %min3A_48 : vector<8x2048xf32>
    %convert_element_type3A_49 = arith.fptosi %floor3A : vector<8x2048xf32> to vector<8x2048xi32>
    %jit3A_50 = arith.constant 0 : i32
    %jit3A_51 = arith.constant 62 : i32
    %max3A_52 = vector.broadcast %jit3A_50 : i32 to vector<8x2048xi32>
    %max3A_53 = arith.maxsi %max3A_52, %convert_element_type3A_49 : vector<8x2048xi32>
    %min3A_54 = vector.broadcast %jit3A_51 : i32 to vector<8x2048xi32>
    %min3A_55 = arith.minsi %min3A_54, %max3A_53 : vector<8x2048xi32>
    %convert_element_type3A_56 = arith.sitofp %min3A_55 : vector<8x2048xi32> to vector<8x2048xf32>
    %sub3A = arith.subf %min3A_48, %convert_element_type3A_56 : vector<8x2048xf32>
    %slice3A = vector.extract_strided_slice %sub3A {offsets = [0, 0], sizes = [4, 2048], strides = [1, 1]} : vector<8x2048xf32> to vector<4x2048xf32>
    %slice3A_57 = vector.extract_strided_slice %sub3A {offsets = [4, 0], sizes = [4, 2048], strides = [1, 1]} : vector<8x2048xf32> to vector<4x2048xf32>
    %slice3A_58 = vector.extract_strided_slice %min3A_55 {offsets = [0, 0], sizes = [4, 2048], strides = [1, 1]} : vector<8x2048xi32> to vector<4x2048xi32>
    %slice3A_59 = vector.extract_strided_slice %min3A_55 {offsets = [4, 0], sizes = [4, 2048], strides = [1, 1]} : vector<8x2048xi32> to vector<4x2048xi32>
    %sub3A_60 = arith.constant 1.000000e+00 : f32
    %sub3A_61 = vector.broadcast %sub3A_60 : f32 to vector<4x2048xf32>
    %sub3A_62 = arith.subf %sub3A_61, %slice3A : vector<4x2048xf32>
    %sub3A_63 = arith.constant 1.000000e+00 : f32
    %sub3A_64 = vector.broadcast %sub3A_63 : f32 to vector<4x2048xf32>
    %sub3A_65 = arith.subf %sub3A_64, %slice3A_57 : vector<4x2048xf32>
    %mul3A_66 = arith.mulf %sub3A_62, %sub3A_65 : vector<4x2048xf32>
    %add3A_67 = arith.constant 0 : i32
    %add3A_68 = vector.broadcast %add3A_67 : i32 to vector<4x2048xi32>
    %add3A_69 = arith.addi %slice3A_58, %add3A_68 : vector<4x2048xi32>
    %mul3A_70 = arith.constant 64 : i32
    %mul3A_71 = vector.broadcast %mul3A_70 : i32 to vector<4x2048xi32>
    %mul3A_72 = arith.muli %add3A_69, %mul3A_71 : vector<4x2048xi32>
    %add3A_73 = arith.constant 0 : i32
    %add3A_74 = vector.broadcast %add3A_73 : i32 to vector<4x2048xi32>
    %add3A_75 = arith.addi %slice3A_59, %add3A_74 : vector<4x2048xi32>
    %add3A_76 = arith.addi %mul3A_72, %add3A_75 : vector<4x2048xi32>
    %sub3A_77 = arith.constant 1.000000e+00 : f32
    %sub3A_78 = vector.broadcast %sub3A_77 : f32 to vector<4x2048xf32>
    %sub3A_79 = arith.subf %sub3A_78, %slice3A : vector<4x2048xf32>
    %mul3A_80 = arith.mulf %sub3A_79, %slice3A_57 : vector<4x2048xf32>
    %add3A_81 = arith.constant 0 : i32
    %add3A_82 = vector.broadcast %add3A_81 : i32 to vector<4x2048xi32>
    %add3A_83 = arith.addi %slice3A_58, %add3A_82 : vector<4x2048xi32>
    %mul3A_84 = arith.constant 64 : i32
    %mul3A_85 = vector.broadcast %mul3A_84 : i32 to vector<4x2048xi32>
    %mul3A_86 = arith.muli %add3A_83, %mul3A_85 : vector<4x2048xi32>
    %add3A_87 = arith.constant 1 : i32
    %add3A_88 = vector.broadcast %add3A_87 : i32 to vector<4x2048xi32>
    %add3A_89 = arith.addi %slice3A_59, %add3A_88 : vector<4x2048xi32>
    %add3A_90 = arith.addi %mul3A_86, %add3A_89 : vector<4x2048xi32>
    %sub3A_91 = arith.constant 1.000000e+00 : f32
    %sub3A_92 = vector.broadcast %sub3A_91 : f32 to vector<4x2048xf32>
    %sub3A_93 = arith.subf %sub3A_92, %slice3A_57 : vector<4x2048xf32>
    %mul3A_94 = arith.mulf %slice3A, %sub3A_93 : vector<4x2048xf32>
    %add3A_95 = arith.constant 1 : i32
    %add3A_96 = vector.broadcast %add3A_95 : i32 to vector<4x2048xi32>
    %add3A_97 = arith.addi %slice3A_58, %add3A_96 : vector<4x2048xi32>
    %mul3A_98 = arith.constant 64 : i32
    %mul3A_99 = vector.broadcast %mul3A_98 : i32 to vector<4x2048xi32>
    %mul3A_100 = arith.muli %add3A_97, %mul3A_99 : vector<4x2048xi32>
    %add3A_101 = arith.constant 0 : i32
    %add3A_102 = vector.broadcast %add3A_101 : i32 to vector<4x2048xi32>
    %add3A_103 = arith.addi %slice3A_59, %add3A_102 : vector<4x2048xi32>
    %add3A_104 = arith.addi %mul3A_100, %add3A_103 : vector<4x2048xi32>
    %mul3A_105 = arith.mulf %slice3A, %slice3A_57 : vector<4x2048xf32>
    %add3A_106 = arith.constant 1 : i32
    %add3A_107 = vector.broadcast %add3A_106 : i32 to vector<4x2048xi32>
    %add3A_108 = arith.addi %slice3A_58, %add3A_107 : vector<4x2048xi32>
    %mul3A_109 = arith.constant 64 : i32
    %mul3A_110 = vector.broadcast %mul3A_109 : i32 to vector<4x2048xi32>
    %mul3A_111 = arith.muli %add3A_108, %mul3A_110 : vector<4x2048xi32>
    %add3A_112 = arith.constant 1 : i32
    %add3A_113 = vector.broadcast %add3A_112 : i32 to vector<4x2048xi32>
    %add3A_114 = arith.addi %slice3A_59, %add3A_113 : vector<4x2048xi32>
    %add3A_115 = arith.addi %mul3A_111, %add3A_114 : vector<4x2048xi32>
    %stack3A = vector.shape_cast %mul3A_66 : vector<4x2048xf32> to vector<4x1x2048xf32>
    %stack3A_116 = vector.shape_cast %mul3A_80 : vector<4x2048xf32> to vector<4x1x2048xf32>
    %stack3A_117 = vector.shape_cast %mul3A_94 : vector<4x2048xf32> to vector<4x1x2048xf32>
    %stack3A_118 = vector.shape_cast %mul3A_105 : vector<4x2048xf32> to vector<4x1x2048xf32>
    %stack3A_119 = tpu.concatenate %stack3A, %stack3A_116, %stack3A_117, %stack3A_118 in 1 : vector<4x1x2048xf32>, vector<4x1x2048xf32>, vector<4x1x2048xf32>, vector<4x1x2048xf32> -> vector<4x4x2048xf32>
    %swap3A = arith.constant 0 : index
    %swap3A_120 = arith.constant 0 : index
    %swap3A_121 = arith.constant 0 : index
    %swap3A_122 = arith.constant 0 : index
    %swap3A_123 = vector.load %arg7[%swap3A, %swap3A_120, %swap3A_121, %swap3A_122] : memref<1x4x4x2048xf32, #tpu.memory_space<vmem>>, vector<1x4x4x2048xf32>
    %swap3A_124 = vector.shape_cast %swap3A_123 : vector<1x4x4x2048xf32> to vector<4x4x2048xf32>
    %swap3A_125 = vector.shape_cast %stack3A_119 : vector<4x4x2048xf32> to vector<1x4x4x2048xf32>
    tpu.vector_store %arg7[%swap3A, %swap3A_120, %swap3A_121, %swap3A_122], %swap3A_125 {strides = array<i32>} : memref<1x4x4x2048xf32, #tpu.memory_space<vmem>>, vector<1x4x4x2048xf32>,
    %stack3A_126 = vector.shape_cast %add3A_76 : vector<4x2048xi32> to vector<4x1x2048xi32>
    %stack3A_127 = vector.shape_cast %add3A_90 : vector<4x2048xi32> to vector<4x1x2048xi32>
    %stack3A_128 = vector.shape_cast %add3A_104 : vector<4x2048xi32> to vector<4x1x2048xi32>
    %stack3A_129 = vector.shape_cast %add3A_115 : vector<4x2048xi32> to vector<4x1x2048xi32>
    %stack3A_130 = tpu.concatenate %stack3A_126, %stack3A_127, %stack3A_128, %stack3A_129 in 1 : vector<4x1x2048xi32>, vector<4x1x2048xi32>, vector<4x1x2048xi32>, vector<4x1x2048xi32> -> vector<4x4x2048xi32>
    %swap3A_131 = arith.constant 0 : index
    %swap3A_132 = arith.constant 0 : index
    %swap3A_133 = arith.constant 0 : index
    %swap3A_134 = arith.constant 0 : index
    %swap3A_135 = vector.load %arg8[%swap3A_131, %swap3A_132, %swap3A_133, %swap3A_134] : memref<1x4x4x2048xi32, #tpu.memory_space<vmem>>, vector<1x4x4x2048xi32>
    %swap3A_136 = vector.shape_cast %swap3A_135 : vector<1x4x4x2048xi32> to vector<4x4x2048xi32>
    %swap3A_137 = vector.shape_cast %stack3A_130 : vector<4x4x2048xi32> to vector<1x4x4x2048xi32>
    tpu.vector_store %arg8[%swap3A_131, %swap3A_132, %swap3A_133, %swap3A_134], %swap3A_137 {strides = array<i32>} : memref<1x4x4x2048xi32, #tpu.memory_space<vmem>>, vector<1x4x4x2048xi32>,
    return
  }
  func.func @transform_0(%arg0: i32, %arg1: i32) -> (i32, i32, i32) {
    %c0_i32 = arith.constant 0 : i32
    %c0_i32_0 = arith.constant 0 : i32
    return %arg0, %c0_i32, %arg1 : i32, i32, i32
  }
  func.func @transform_1(%arg0: i32, %arg1: i32) -> (i32, i32, i32) {
    %c0_i32 = arith.constant 0 : i32
    %c0_i32_0 = arith.constant 0 : i32
    return %arg0, %c0_i32, %arg1 : i32, i32, i32
  }
  func.func @transform_2(%arg0: i32, %arg1: i32) -> (i32, i32) {
    %c0_i32 = arith.constant 0 : i32
    %c0_i32_0 = arith.constant 0 : i32
    %c0_i32_1 = arith.constant 0 : i32
    return %c0_i32, %c0_i32_0 : i32, i32
  }
  func.func @transform_3(%arg0: i32, %arg1: i32) -> (i32, i32) {
    %c0_i32 = arith.constant 0 : i32
    %c0_i32_0 = arith.constant 0 : i32
    %c0_i32_1 = arith.constant 0 : i32
    return %c0_i32, %c0_i32_0 : i32, i32
  }
  func.func @transform_4(%arg0: i32, %arg1: i32) -> (i32, i32) {
    %c0_i32 = arith.constant 0 : i32
    %c0_i32_0 = arith.constant 0 : i32
    %c0_i32_1 = arith.constant 0 : i32
    return %c0_i32, %c0_i32_0 : i32, i32
  }
  func.func @transform_5(%arg0: i32, %arg1: i32) -> (i32, i32, i32, i32) {
    %c0_i32 = arith.constant 0 : i32
    %c0_i32_0 = arith.constant 0 : i32
    %c0_i32_1 = arith.constant 0 : i32
    return %arg0, %c0_i32, %c0_i32_0, %arg1 : i32, i32, i32, i32
  }
  func.func @transform_6(%arg0: i32, %arg1: i32) -> (i32, i32, i32, i32) {
    %c0_i32 = arith.constant 0 : i32
    %c0_i32_0 = arith.constant 0 : i32
    %c0_i32_1 = arith.constant 0 : i32
    return %arg0, %c0_i32, %c0_i32_0, %arg1 : i32, i32, i32, i32
  }
  func.func @transform_7(%arg0: i32, %arg1: i32) -> (i32, i32) {
    %c0_i32 = arith.constant 0 : i32
    %c0_i32_0 = arith.constant 0 : i32
    %c0_i32_1 = arith.constant 0 : i32
    return %c0_i32, %c0_i32_0 : i32, i32
  }
  func.func @transform_8(%arg0: i32, %arg1: i32) -> (i32, i32) {
    %c0_i32 = arith.constant 0 : i32
    %c0_i32_0 = arith.constant 0 : i32
    %c0_i32_1 = arith.constant 0 : i32
    return %c0_i32, %c0_i32_0 : i32, i32
  }
}

module attributes {stable_mosaic.version = 14 : i64} {
  func.func @_stage_d_body(%arg0: i32, %arg1: memref<1x4096x128xf32, #tpu.memory_space<vmem>>, %arg2: memref<9x128x128xf32, #tpu.memory_space<vmem>>, %arg3: memref<4096x16xf32, #tpu.memory_space<vmem>>, %arg4: memref<1x4096x128xf32, #tpu.memory_space<vmem>>, %arg5: memref<1x1xf32, #tpu.memory_space<smem>>) attributes {dimension_semantics = [#tpu.dimension_semantics<arbitrary>], iteration_bounds = array<i64: 4>, scalar_prefetch = 0 : i64, scratch_operands = 0 : i64, tpu.core_type = #tpu.core_type<tc>, window_params = [{transform_indices = @transform_0, window_bounds = array<i64: 1, 4096, 128>}, {pipeline_mode = #tpu.pipeline_mode<synchronous>, transform_indices = @transform_1, window_bounds = array<i64: 9, 128, 128>}, {pipeline_mode = #tpu.pipeline_mode<synchronous>, transform_indices = @transform_2, window_bounds = array<i64: 4096, 16>}, {transform_indices = @transform_3, window_bounds = array<i64: 1, 4096, 128>}, {transform_indices = @transform_4, window_bounds = array<i64: 1, 1>}]} {
    %get3A = arith.constant 0 : index
    %get3A_0 = arith.constant 0 : index
    %get3A_1 = arith.constant 0 : index
    %get3A_2 = vector.load %arg1[%get3A, %get3A_0, %get3A_1] : memref<1x4096x128xf32, #tpu.memory_space<vmem>>, vector<1x4096x128xf32>
    %get3A_3 = vector.shape_cast %get3A_2 : vector<1x4096x128xf32> to vector<4096x128xf32>
    %abs3A = math.absf %get3A_3 : vector<4096x128xf32>
    %gt3A = arith.constant 9.99999971E-10 : f32
    %gt3A_4 = vector.broadcast %gt3A : f32 to vector<4096x128xf32>
    %gt3A_5 = arith.cmpf ogt, %abs3A, %gt3A_4 : vector<4096x128xf32>
    %convert_element_type3A = arith.extui %gt3A_5 : vector<4096x128xi1> to vector<4096x128xi32>
    %convert_element_type3A_6 = arith.sitofp %convert_element_type3A : vector<4096x128xi32> to vector<4096x128xf32>
    %reduce_sum3A = vector.shape_cast %convert_element_type3A_6 : vector<4096x128xf32> to vector<1x4096x128xf32>
    %reduce_sum3A_7 = arith.constant dense<0.000000e+00> : vector<1xf32>
    %reduce_sum3A_8 = vector.multi_reduction <add>, %reduce_sum3A, %reduce_sum3A_7 [1, 2] : vector<1x4096x128xf32> to vector<1xf32>
    %reduce_sum3A_9 = vector.shape_cast %reduce_sum3A_8 : vector<1xf32> to vector<1x1x1xf32>
    %reduce_sum3A_10 = vector.extract %reduce_sum3A_9[0, 0, 0] : f32 from vector<1x1x1xf32>
    %eq3A = arith.constant 0 : i32
    %eq3A_11 = arith.cmpi eq, %arg0, %eq3A : i32
    %convert_element_type3A_12 = arith.extui %eq3A_11 : i1 to i32
    %cond3A = arith.constant 0 : i32
    %cond3A_13 = arith.cmpi ne, %convert_element_type3A_12, %cond3A : i32
    scf.if %cond3A_13 {
      %swap3A_158 = arith.constant 0 : index
      %swap3A_159 = arith.constant 0 : index
      %swap3A_160 = memref.load %arg5[%swap3A_158, %swap3A_159] : memref<1x1xf32, #tpu.memory_space<smem>>
      memref.store %reduce_sum3A_10, %arg5[%swap3A_158, %swap3A_159] : memref<1x1xf32, #tpu.memory_space<smem>>
    } else {
    }
    %ne3A = arith.constant 0 : i32
    %ne3A_14 = arith.cmpi ne, %arg0, %ne3A : i32
    %convert_element_type3A_15 = arith.extui %ne3A_14 : i1 to i32
    %cond3A_16 = arith.constant 0 : i32
    %cond3A_17 = arith.cmpi ne, %convert_element_type3A_15, %cond3A_16 : i32
    scf.if %cond3A_17 {
      %get3A_158 = arith.constant 0 : index
      %get3A_159 = arith.constant 0 : index
      %get3A_160 = memref.load %arg5[%get3A_158, %get3A_159] : memref<1x1xf32, #tpu.memory_space<smem>>
      %add3A_161 = arith.addf %get3A_160, %reduce_sum3A_10 : f32
      %swap3A_162 = arith.constant 0 : index
      %swap3A_163 = arith.constant 0 : index
      %swap3A_164 = memref.load %arg5[%swap3A_162, %swap3A_163] : memref<1x1xf32, #tpu.memory_space<smem>>
      memref.store %add3A_161, %arg5[%swap3A_162, %swap3A_163] : memref<1x1xf32, #tpu.memory_space<smem>>
    } else {
    }
    %slice3A = vector.extract_strided_slice %get3A_3 {offsets = [4031, 0], sizes = [65, 128], strides = [1, 1]} : vector<4096x128xf32> to vector<65x128xf32>
    %slice3A_18 = vector.extract_strided_slice %get3A_3 {offsets = [0, 0], sizes = [4031, 128], strides = [1, 1]} : vector<4096x128xf32> to vector<4031x128xf32>
    %concatenate3A = tpu.concatenate %slice3A, %slice3A_18 in 0 : vector<65x128xf32>, vector<4031x128xf32> -> vector<4096x128xf32>
    %get3A_19 = arith.constant 0 : index
    %get3A_20 = arith.constant 0 : index
    %get3A_21 = vector.load %arg3[%get3A_19, %get3A_20] : memref<4096x16xf32, #tpu.memory_space<vmem>>, vector<4096x1xf32>
    %mul3A = vector.broadcast %get3A_21 : vector<4096x1xf32> to vector<4096x128xf32>
    %mul3A_22 = arith.mulf %concatenate3A, %mul3A : vector<4096x128xf32>
    %get3A_23 = arith.constant 0 : index
    %get3A_24 = arith.constant 0 : index
    %get3A_25 = arith.constant 0 : index
    %get3A_26 = vector.load %arg2[%get3A_23, %get3A_24, %get3A_25] : memref<9x128x128xf32, #tpu.memory_space<vmem>>, vector<1x128x128xf32>
    %get3A_27 = vector.shape_cast %get3A_26 : vector<1x128x128xf32> to vector<128x128xf32>
    %dot_general3A = arith.constant dense<0.000000e+00> : vector<4096x128xf32>
    %dot_general3A_28 = tpu.matmul %mul3A_22, %get3A_27, %dot_general3A {dimension_numbers = #tpu.dot_dimension_numbers<[1], [0], [0], [1], [0, 0, 1, 1], [], []>, transpose_lhs_hint = false} : vector<4096x128xf32>, vector<128x128xf32>, vector<4096x128xf32> -> vector<4096x128xf32>
    %slice3A_29 = vector.extract_strided_slice %get3A_3 {offsets = [4032, 0], sizes = [64, 128], strides = [1, 1]} : vector<4096x128xf32> to vector<64x128xf32>
    %slice3A_30 = vector.extract_strided_slice %get3A_3 {offsets = [0, 0], sizes = [4032, 128], strides = [1, 1]} : vector<4096x128xf32> to vector<4032x128xf32>
    %concatenate3A_31 = tpu.concatenate %slice3A_29, %slice3A_30 in 0 : vector<64x128xf32>, vector<4032x128xf32> -> vector<4096x128xf32>
    %get3A_32 = arith.constant 0 : index
    %get3A_33 = arith.constant 1 : index
    %get3A_34 = vector.load %arg3[%get3A_32, %get3A_33] : memref<4096x16xf32, #tpu.memory_space<vmem>>, vector<4096x1xf32>
    %mul3A_35 = vector.broadcast %get3A_34 : vector<4096x1xf32> to vector<4096x128xf32>
    %mul3A_36 = arith.mulf %concatenate3A_31, %mul3A_35 : vector<4096x128xf32>
    %get3A_37 = arith.constant 1 : index
    %get3A_38 = arith.constant 0 : index
    %get3A_39 = arith.constant 0 : index
    %get3A_40 = vector.load %arg2[%get3A_37, %get3A_38, %get3A_39] : memref<9x128x128xf32, #tpu.memory_space<vmem>>, vector<1x128x128xf32>
    %get3A_41 = vector.shape_cast %get3A_40 : vector<1x128x128xf32> to vector<128x128xf32>
    %dot_general3A_42 = arith.constant dense<0.000000e+00> : vector<4096x128xf32>
    %dot_general3A_43 = tpu.matmul %mul3A_36, %get3A_41, %dot_general3A_42 {dimension_numbers = #tpu.dot_dimension_numbers<[1], [0], [0], [1], [0, 0, 1, 1], [], []>, transpose_lhs_hint = false} : vector<4096x128xf32>, vector<128x128xf32>, vector<4096x128xf32> -> vector<4096x128xf32>
    %add3A = arith.addf %dot_general3A_28, %dot_general3A_43 : vector<4096x128xf32>
    %slice3A_44 = vector.extract_strided_slice %get3A_3 {offsets = [4033, 0], sizes = [63, 128], strides = [1, 1]} : vector<4096x128xf32> to vector<63x128xf32>
    %slice3A_45 = vector.extract_strided_slice %get3A_3 {offsets = [0, 0], sizes = [4033, 128], strides = [1, 1]} : vector<4096x128xf32> to vector<4033x128xf32>
    %concatenate3A_46 = tpu.concatenate %slice3A_44, %slice3A_45 in 0 : vector<63x128xf32>, vector<4033x128xf32> -> vector<4096x128xf32>
    %get3A_47 = arith.constant 0 : index
    %get3A_48 = arith.constant 2 : index
    %get3A_49 = vector.load %arg3[%get3A_47, %get3A_48] : memref<4096x16xf32, #tpu.memory_space<vmem>>, vector<4096x1xf32>
    %mul3A_50 = vector.broadcast %get3A_49 : vector<4096x1xf32> to vector<4096x128xf32>
    %mul3A_51 = arith.mulf %concatenate3A_46, %mul3A_50 : vector<4096x128xf32>
    %get3A_52 = arith.constant 2 : index
    %get3A_53 = arith.constant 0 : index
    %get3A_54 = arith.constant 0 : index
    %get3A_55 = vector.load %arg2[%get3A_52, %get3A_53, %get3A_54] : memref<9x128x128xf32, #tpu.memory_space<vmem>>, vector<1x128x128xf32>
    %get3A_56 = vector.shape_cast %get3A_55 : vector<1x128x128xf32> to vector<128x128xf32>
    %dot_general3A_57 = arith.constant dense<0.000000e+00> : vector<4096x128xf32>
    %dot_general3A_58 = tpu.matmul %mul3A_51, %get3A_56, %dot_general3A_57 {dimension_numbers = #tpu.dot_dimension_numbers<[1], [0], [0], [1], [0, 0, 1, 1], [], []>, transpose_lhs_hint = false} : vector<4096x128xf32>, vector<128x128xf32>, vector<4096x128xf32> -> vector<4096x128xf32>
    %add3A_59 = arith.addf %add3A, %dot_general3A_58 : vector<4096x128xf32>
    %slice3A_60 = vector.extract_strided_slice %get3A_3 {offsets = [4095, 0], sizes = [1, 128], strides = [1, 1]} : vector<4096x128xf32> to vector<1x128xf32>
    %slice3A_61 = vector.extract_strided_slice %get3A_3 {offsets = [0, 0], sizes = [4095, 128], strides = [1, 1]} : vector<4096x128xf32> to vector<4095x128xf32>
    %concatenate3A_62 = tpu.concatenate %slice3A_60, %slice3A_61 in 0 : vector<1x128xf32>, vector<4095x128xf32> -> vector<4096x128xf32>
    %get3A_63 = arith.constant 0 : index
    %get3A_64 = arith.constant 3 : index
    %get3A_65 = vector.load %arg3[%get3A_63, %get3A_64] : memref<4096x16xf32, #tpu.memory_space<vmem>>, vector<4096x1xf32>
    %mul3A_66 = vector.broadcast %get3A_65 : vector<4096x1xf32> to vector<4096x128xf32>
    %mul3A_67 = arith.mulf %concatenate3A_62, %mul3A_66 : vector<4096x128xf32>
    %get3A_68 = arith.constant 3 : index
    %get3A_69 = arith.constant 0 : index
    %get3A_70 = arith.constant 0 : index
    %get3A_71 = vector.load %arg2[%get3A_68, %get3A_69, %get3A_70] : memref<9x128x128xf32, #tpu.memory_space<vmem>>, vector<1x128x128xf32>
    %get3A_72 = vector.shape_cast %get3A_71 : vector<1x128x128xf32> to vector<128x128xf32>
    %dot_general3A_73 = arith.constant dense<0.000000e+00> : vector<4096x128xf32>
    %dot_general3A_74 = tpu.matmul %mul3A_67, %get3A_72, %dot_general3A_73 {dimension_numbers = #tpu.dot_dimension_numbers<[1], [0], [0], [1], [0, 0, 1, 1], [], []>, transpose_lhs_hint = false} : vector<4096x128xf32>, vector<128x128xf32>, vector<4096x128xf32> -> vector<4096x128xf32>
    %add3A_75 = arith.addf %add3A_59, %dot_general3A_74 : vector<4096x128xf32>
    %get3A_76 = arith.constant 0 : index
    %get3A_77 = arith.constant 4 : index
    %get3A_78 = vector.load %arg3[%get3A_76, %get3A_77] : memref<4096x16xf32, #tpu.memory_space<vmem>>, vector<4096x1xf32>
    %mul3A_79 = vector.broadcast %get3A_78 : vector<4096x1xf32> to vector<4096x128xf32>
    %mul3A_80 = arith.mulf %get3A_3, %mul3A_79 : vector<4096x128xf32>
    %get3A_81 = arith.constant 4 : index
    %get3A_82 = arith.constant 0 : index
    %get3A_83 = arith.constant 0 : index
    %get3A_84 = vector.load %arg2[%get3A_81, %get3A_82, %get3A_83] : memref<9x128x128xf32, #tpu.memory_space<vmem>>, vector<1x128x128xf32>
    %get3A_85 = vector.shape_cast %get3A_84 : vector<1x128x128xf32> to vector<128x128xf32>
    %dot_general3A_86 = arith.constant dense<0.000000e+00> : vector<4096x128xf32>
    %dot_general3A_87 = tpu.matmul %mul3A_80, %get3A_85, %dot_general3A_86 {dimension_numbers = #tpu.dot_dimension_numbers<[1], [0], [0], [1], [0, 0, 1, 1], [], []>, transpose_lhs_hint = false} : vector<4096x128xf32>, vector<128x128xf32>, vector<4096x128xf32> -> vector<4096x128xf32>
    %add3A_88 = arith.addf %add3A_75, %dot_general3A_87 : vector<4096x128xf32>
    %slice3A_89 = vector.extract_strided_slice %get3A_3 {offsets = [1, 0], sizes = [4095, 128], strides = [1, 1]} : vector<4096x128xf32> to vector<4095x128xf32>
    %slice3A_90 = vector.extract_strided_slice %get3A_3 {offsets = [0, 0], sizes = [1, 128], strides = [1, 1]} : vector<4096x128xf32> to vector<1x128xf32>
    %concatenate3A_91 = tpu.concatenate %slice3A_89, %slice3A_90 in 0 : vector<4095x128xf32>, vector<1x128xf32> -> vector<4096x128xf32>
    %get3A_92 = arith.constant 0 : index
    %get3A_93 = arith.constant 5 : index
    %get3A_94 = vector.load %arg3[%get3A_92, %get3A_93] : memref<4096x16xf32, #tpu.memory_space<vmem>>, vector<4096x1xf32>
    %mul3A_95 = vector.broadcast %get3A_94 : vector<4096x1xf32> to vector<4096x128xf32>
    %mul3A_96 = arith.mulf %concatenate3A_91, %mul3A_95 : vector<4096x128xf32>
    %get3A_97 = arith.constant 5 : index
    %get3A_98 = arith.constant 0 : index
    %get3A_99 = arith.constant 0 : index
    %get3A_100 = vector.load %arg2[%get3A_97, %get3A_98, %get3A_99] : memref<9x128x128xf32, #tpu.memory_space<vmem>>, vector<1x128x128xf32>
    %get3A_101 = vector.shape_cast %get3A_100 : vector<1x128x128xf32> to vector<128x128xf32>
    %dot_general3A_102 = arith.constant dense<0.000000e+00> : vector<4096x128xf32>
    %dot_general3A_103 = tpu.matmul %mul3A_96, %get3A_101, %dot_general3A_102 {dimension_numbers = #tpu.dot_dimension_numbers<[1], [0], [0], [1], [0, 0, 1, 1], [], []>, transpose_lhs_hint = false} : vector<4096x128xf32>, vector<128x128xf32>, vector<4096x128xf32> -> vector<4096x128xf32>
    %add3A_104 = arith.addf %add3A_88, %dot_general3A_103 : vector<4096x128xf32>
    %slice3A_105 = vector.extract_strided_slice %get3A_3 {offsets = [63, 0], sizes = [4033, 128], strides = [1, 1]} : vector<4096x128xf32> to vector<4033x128xf32>
    %slice3A_106 = vector.extract_strided_slice %get3A_3 {offsets = [0, 0], sizes = [63, 128], strides = [1, 1]} : vector<4096x128xf32> to vector<63x128xf32>
    %concatenate3A_107 = tpu.concatenate %slice3A_105, %slice3A_106 in 0 : vector<4033x128xf32>, vector<63x128xf32> -> vector<4096x128xf32>
    %get3A_108 = arith.constant 0 : index
    %get3A_109 = arith.constant 6 : index
    %get3A_110 = vector.load %arg3[%get3A_108, %get3A_109] : memref<4096x16xf32, #tpu.memory_space<vmem>>, vector<4096x1xf32>
    %mul3A_111 = vector.broadcast %get3A_110 : vector<4096x1xf32> to vector<4096x128xf32>
    %mul3A_112 = arith.mulf %concatenate3A_107, %mul3A_111 : vector<4096x128xf32>
    %get3A_113 = arith.constant 6 : index
    %get3A_114 = arith.constant 0 : index
    %get3A_115 = arith.constant 0 : index
    %get3A_116 = vector.load %arg2[%get3A_113, %get3A_114, %get3A_115] : memref<9x128x128xf32, #tpu.memory_space<vmem>>, vector<1x128x128xf32>
    %get3A_117 = vector.shape_cast %get3A_116 : vector<1x128x128xf32> to vector<128x128xf32>
    %dot_general3A_118 = arith.constant dense<0.000000e+00> : vector<4096x128xf32>
    %dot_general3A_119 = tpu.matmul %mul3A_112, %get3A_117, %dot_general3A_118 {dimension_numbers = #tpu.dot_dimension_numbers<[1], [0], [0], [1], [0, 0, 1, 1], [], []>, transpose_lhs_hint = false} : vector<4096x128xf32>, vector<128x128xf32>, vector<4096x128xf32> -> vector<4096x128xf32>
    %add3A_120 = arith.addf %add3A_104, %dot_general3A_119 : vector<4096x128xf32>
    %slice3A_121 = vector.extract_strided_slice %get3A_3 {offsets = [64, 0], sizes = [4032, 128], strides = [1, 1]} : vector<4096x128xf32> to vector<4032x128xf32>
    %slice3A_122 = vector.extract_strided_slice %get3A_3 {offsets = [0, 0], sizes = [64, 128], strides = [1, 1]} : vector<4096x128xf32> to vector<64x128xf32>
    %concatenate3A_123 = tpu.concatenate %slice3A_121, %slice3A_122 in 0 : vector<4032x128xf32>, vector<64x128xf32> -> vector<4096x128xf32>
    %get3A_124 = arith.constant 0 : index
    %get3A_125 = arith.constant 7 : index
    %get3A_126 = vector.load %arg3[%get3A_124, %get3A_125] : memref<4096x16xf32, #tpu.memory_space<vmem>>, vector<4096x1xf32>
    %mul3A_127 = vector.broadcast %get3A_126 : vector<4096x1xf32> to vector<4096x128xf32>
    %mul3A_128 = arith.mulf %concatenate3A_123, %mul3A_127 : vector<4096x128xf32>
    %get3A_129 = arith.constant 7 : index
    %get3A_130 = arith.constant 0 : index
    %get3A_131 = arith.constant 0 : index
    %get3A_132 = vector.load %arg2[%get3A_129, %get3A_130, %get3A_131] : memref<9x128x128xf32, #tpu.memory_space<vmem>>, vector<1x128x128xf32>
    %get3A_133 = vector.shape_cast %get3A_132 : vector<1x128x128xf32> to vector<128x128xf32>
    %dot_general3A_134 = arith.constant dense<0.000000e+00> : vector<4096x128xf32>
    %dot_general3A_135 = tpu.matmul %mul3A_128, %get3A_133, %dot_general3A_134 {dimension_numbers = #tpu.dot_dimension_numbers<[1], [0], [0], [1], [0, 0, 1, 1], [], []>, transpose_lhs_hint = false} : vector<4096x128xf32>, vector<128x128xf32>, vector<4096x128xf32> -> vector<4096x128xf32>
    %add3A_136 = arith.addf %add3A_120, %dot_general3A_135 : vector<4096x128xf32>
    %slice3A_137 = vector.extract_strided_slice %get3A_3 {offsets = [65, 0], sizes = [4031, 128], strides = [1, 1]} : vector<4096x128xf32> to vector<4031x128xf32>
    %slice3A_138 = vector.extract_strided_slice %get3A_3 {offsets = [0, 0], sizes = [65, 128], strides = [1, 1]} : vector<4096x128xf32> to vector<65x128xf32>
    %concatenate3A_139 = tpu.concatenate %slice3A_137, %slice3A_138 in 0 : vector<4031x128xf32>, vector<65x128xf32> -> vector<4096x128xf32>
    %get3A_140 = arith.constant 0 : index
    %get3A_141 = arith.constant 8 : index
    %get3A_142 = vector.load %arg3[%get3A_140, %get3A_141] : memref<4096x16xf32, #tpu.memory_space<vmem>>, vector<4096x1xf32>
    %mul3A_143 = vector.broadcast %get3A_142 : vector<4096x1xf32> to vector<4096x128xf32>
    %mul3A_144 = arith.mulf %concatenate3A_139, %mul3A_143 : vector<4096x128xf32>
    %get3A_145 = arith.constant 8 : index
    %get3A_146 = arith.constant 0 : index
    %get3A_147 = arith.constant 0 : index
    %get3A_148 = vector.load %arg2[%get3A_145, %get3A_146, %get3A_147] : memref<9x128x128xf32, #tpu.memory_space<vmem>>, vector<1x128x128xf32>
    %get3A_149 = vector.shape_cast %get3A_148 : vector<1x128x128xf32> to vector<128x128xf32>
    %dot_general3A_150 = arith.constant dense<0.000000e+00> : vector<4096x128xf32>
    %dot_general3A_151 = tpu.matmul %mul3A_144, %get3A_149, %dot_general3A_150 {dimension_numbers = #tpu.dot_dimension_numbers<[1], [0], [0], [1], [0, 0, 1, 1], [], []>, transpose_lhs_hint = false} : vector<4096x128xf32>, vector<128x128xf32>, vector<4096x128xf32> -> vector<4096x128xf32>
    %add3A_152 = arith.addf %add3A_136, %dot_general3A_151 : vector<4096x128xf32>
    %swap3A = arith.constant 0 : index
    %swap3A_153 = arith.constant 0 : index
    %swap3A_154 = arith.constant 0 : index
    %swap3A_155 = vector.load %arg4[%swap3A, %swap3A_153, %swap3A_154] : memref<1x4096x128xf32, #tpu.memory_space<vmem>>, vector<1x4096x128xf32>
    %swap3A_156 = vector.shape_cast %swap3A_155 : vector<1x4096x128xf32> to vector<4096x128xf32>
    %swap3A_157 = vector.shape_cast %add3A_152 : vector<4096x128xf32> to vector<1x4096x128xf32>
    tpu.vector_store %arg4[%swap3A, %swap3A_153, %swap3A_154], %swap3A_157 {strides = array<i32>} : memref<1x4096x128xf32, #tpu.memory_space<vmem>>, vector<1x4096x128xf32>,
    return
  }
  func.func @transform_0(%arg0: i32) -> (i32, i32, i32) {
    %c0_i32 = arith.constant 0 : i32
    %c0_i32_0 = arith.constant 0 : i32
    %c0_i32_1 = arith.constant 0 : i32
    return %arg0, %c0_i32, %c0_i32_0 : i32, i32, i32
  }
  func.func @transform_1(%arg0: i32) -> (i32, i32, i32) {
    %c0_i32 = arith.constant 0 : i32
    %c0_i32_0 = arith.constant 0 : i32
    %c0_i32_1 = arith.constant 0 : i32
    %c0_i32_2 = arith.constant 0 : i32
    return %c0_i32, %c0_i32_0, %c0_i32_1 : i32, i32, i32
  }
  func.func @transform_2(%arg0: i32) -> (i32, i32) {
    %c0_i32 = arith.constant 0 : i32
    %c0_i32_0 = arith.constant 0 : i32
    %c0_i32_1 = arith.constant 0 : i32
    return %c0_i32, %c0_i32_0 : i32, i32
  }
  func.func @transform_3(%arg0: i32) -> (i32, i32, i32) {
    %c0_i32 = arith.constant 0 : i32
    %c0_i32_0 = arith.constant 0 : i32
    %c0_i32_1 = arith.constant 0 : i32
    return %arg0, %c0_i32, %c0_i32_0 : i32, i32, i32
  }
  func.func @transform_4(%arg0: i32) -> (i32, i32) {
    %c0_i32 = arith.constant 0 : i32
    %c0_i32_0 = arith.constant 0 : i32
    %c0_i32_1 = arith.constant 0 : i32
    return %c0_i32, %c0_i32_0 : i32, i32
  }
}

module attributes {stable_mosaic.version = 14 : i64} {
  func.func @_stage_f_body(%arg0: i32, %arg1: i32, %arg2: memref<1x2048x128xf32, #tpu.memory_space<vmem>>, %arg3: memref<1x128xf32, #tpu.memory_space<vmem>>, %arg4: memref<1x128xf32, #tpu.memory_space<vmem>>, %arg5: memref<1x128x2048xf32, #tpu.memory_space<vmem>>) attributes {dimension_semantics = [#tpu.dimension_semantics<arbitrary>, #tpu.dimension_semantics<arbitrary>], iteration_bounds = array<i64: 4, 4>, scalar_prefetch = 0 : i64, scratch_operands = 0 : i64, tpu.core_type = #tpu.core_type<tc>, window_params = [{transform_indices = @transform_0, window_bounds = array<i64: 1, 2048, 128>}, {pipeline_mode = #tpu.pipeline_mode<synchronous>, transform_indices = @transform_1, window_bounds = array<i64: 1, 128>}, {pipeline_mode = #tpu.pipeline_mode<synchronous>, transform_indices = @transform_2, window_bounds = array<i64: 1, 128>}, {transform_indices = @transform_3, window_bounds = array<i64: 1, 128, 2048>}]} {
    %get3A = arith.constant 0 : index
    %get3A_0 = arith.constant 0 : index
    %get3A_1 = arith.constant 0 : index
    %get3A_2 = vector.load %arg2[%get3A, %get3A_0, %get3A_1] : memref<1x2048x128xf32, #tpu.memory_space<vmem>>, vector<1x2048x128xf32>
    %get3A_3 = vector.shape_cast %get3A_2 : vector<1x2048x128xf32> to vector<2048x128xf32>
    %get3A_4 = arith.constant 0 : index
    %get3A_5 = arith.constant 0 : index
    %get3A_6 = vector.load %arg3[%get3A_4, %get3A_5] : memref<1x128xf32, #tpu.memory_space<vmem>>, vector<1x128xf32>
    %mul3A = vector.broadcast %get3A_6 : vector<1x128xf32> to vector<2048x128xf32>
    %mul3A_7 = arith.mulf %get3A_3, %mul3A : vector<2048x128xf32>
    %get3A_8 = arith.constant 0 : index
    %get3A_9 = arith.constant 0 : index
    %get3A_10 = vector.load %arg4[%get3A_8, %get3A_9] : memref<1x128xf32, #tpu.memory_space<vmem>>, vector<1x128xf32>
    %add3A = vector.broadcast %get3A_10 : vector<1x128xf32> to vector<2048x128xf32>
    %add3A_11 = arith.addf %mul3A_7, %add3A : vector<2048x128xf32>
    %max3A = arith.constant 0.000000e+00 : f32
    %max3A_12 = vector.broadcast %max3A : f32 to vector<2048x128xf32>
    %max3A_13 = arith.maximumf %add3A_11, %max3A_12 : vector<2048x128xf32>
    %transpose3A = tpu.transpose %max3A_13, [1, 0] : vector<2048x128xf32> -> vector<128x2048xf32>
    %swap3A = arith.constant 0 : index
    %swap3A_14 = arith.constant 0 : index
    %swap3A_15 = arith.constant 0 : index
    %swap3A_16 = vector.load %arg5[%swap3A, %swap3A_14, %swap3A_15] : memref<1x128x2048xf32, #tpu.memory_space<vmem>>, vector<1x128x2048xf32>
    %swap3A_17 = vector.shape_cast %swap3A_16 : vector<1x128x2048xf32> to vector<128x2048xf32>
    %swap3A_18 = vector.shape_cast %transpose3A : vector<128x2048xf32> to vector<1x128x2048xf32>
    tpu.vector_store %arg5[%swap3A, %swap3A_14, %swap3A_15], %swap3A_18 {strides = array<i32>} : memref<1x128x2048xf32, #tpu.memory_space<vmem>>, vector<1x128x2048xf32>,
    return
  }
  func.func @transform_0(%arg0: i32, %arg1: i32) -> (i32, i32, i32) {
    %c0_i32 = arith.constant 0 : i32
    %c0_i32_0 = arith.constant 0 : i32
    return %arg0, %arg1, %c0_i32 : i32, i32, i32
  }
  func.func @transform_1(%arg0: i32, %arg1: i32) -> (i32, i32) {
    %c0_i32 = arith.constant 0 : i32
    %c0_i32_0 = arith.constant 0 : i32
    %c0_i32_1 = arith.constant 0 : i32
    return %c0_i32, %c0_i32_0 : i32, i32
  }
  func.func @transform_2(%arg0: i32, %arg1: i32) -> (i32, i32) {
    %c0_i32 = arith.constant 0 : i32
    %c0_i32_0 = arith.constant 0 : i32
    %c0_i32_1 = arith.constant 0 : i32
    return %c0_i32, %c0_i32_0 : i32, i32
  }
  func.func @transform_3(%arg0: i32, %arg1: i32) -> (i32, i32, i32) {
    %c0_i32 = arith.constant 0 : i32
    %c0_i32_0 = arith.constant 0 : i32
    return %arg0, %c0_i32, %arg1 : i32, i32, i32
  }
}

</mosaic_0001>

<sc_bundles>
// kernel: kernel.11.cloned.1.call-start
scs
__scs_entry_jumppad:
0x0: {  	(pc) =	sbr.rel $0x88, $3  }
0x1: {  	(tag) =	ssettag $0x0;
	lr =	simm.s32 $0x1  }
0x2: {  	[smem:$0x3F95] =	sst lr;
	_ =	strace $0xD0000000  }
0x3: {  	_ = 	snop  }
0x4: {  	_ = 	snop  }
0x5: {  	_ = 	snop  }
0x6: {  	_ = 	snop  }
0x7: {  	_ = 	snop  }
__scs_overlays_trampoline_lowered:
0x8: {  	[smem:$0x3FA4] =	sst s0  }
0x9: {  	[smem:$0x3FA5] =	sst s1  }
0xa: {  	[smem:$0x3FA6] =	sst s2  }
0xb: {  	[smem:$0x3FA7] =	sst s3  }
0xc: {  	[smem:$0x3FA8] =	sst s4  }
0xd: {  	[smem:$0x3FA9] =	sst s5  }
0xe: {  	[smem:$0x3FAA] =	sst s6  }
0xf: {  	[smem:$0x3FAB] =	sst s7  }
0x10: {  	[smem:$0x3FAC] =	sst s8  }
0x11: {  	[smem:$0x3FAD] =	sst s9;
	s0 =	simm.s32 @!p0 $0x0  }
0x12: {  	s1 =	sld [smem:$0x3F93];
	s0 =	simm.s32 @p0 $0x1  }
0x13: {  	[smem:$0x3FAE] =	sst s0;
	s0 =	simm.s32 @!p1 $0x0  }
0x14: {  	s2 =	sld [smem:$0x3F92];
	s0 =	simm.s32 @p1 $0x1  }
0x15: {  	[smem:$0x3FAF] =	sst s0;
	s0 =	simm.s32 @!p2 $0x0  }
0x16: {  	s3 =	sld [smem:$0x3FDB];
	s0 =	simm.s32 @p2 $0x1  }
0x17: {  	s4 =	simm.s32 $0x1BF5;
	[smem:$0x3FB1] =	sst s0  }
0x18: {  	s0 =	sld [smem:$0x3F94];
	_ =	swait.ge [sflag:s4], $0x0  }
0x19: {  	s7 =	sld [smem:$0x3F95]  }
0x1a: {  	s8 =	sadd.s32 $0xFFFFE003, lr  }
0x1b: {  	s9 =	sadd.s32 $0xFFFFFEF7, lr;
	s5 =	simm.s32 $0xFFFFFFFF;
	p2 =	slt.u32 s8, $0xFFFFF086  }
0x1c: {  	p1 =	slt.u32 s9, $0xF7A;
	s5 =	simm.s32 @!p2 $0x0  }
0x1d: {  	s5 =	simm.s32 @p1 $0x1;
	p0 =	seq.s32 s7, s2  }
0x1e: {  	s7 =	smul.u32 @!p0 $0xF7A, s2;
	p2 =	seq.s32 @!p0 s5, $0x0  }
0x1f: {  	s9 =	smul.u32 $0xF7A, s1;
	s8 =	simm.s32 @!p0 $0x1BF5;
	p2 =	por !p2, p0  }
0x20: {  	[sflag:s8] =	ssyncset.s32 @!p0 $0xFFFFF086;
	s6 =	sadd.s32 @!p0 s3, s7;
	s7 =	simm.s32 @!p0 $0x108  }
0x21: {  	s3 =	sadd.s32 s3, s9;
	s6 =	sadd.s32 @!p0 $0x88, s6;
	s7 =	simm.s32 @p2 $0x1082  }
0x22: {  	[simem:s7], [sflag:s8] =	dma.local @!p0 [hbm:s6], $0xF7A  }
0x23: {  	s9 =	sor.u32 $0xD0000000, s2;
	s6 =	simm.s32 $0x108;
	_ =	swait.ge @!p0 [sflag:s8], $0x0  }
0x24: {  	s3 =	sadd.s32 $0x88, s3;
	s6 =	simm.s32 @!p1 $0x1082;
	[sflag:s4] =	ssyncset.s32 $0xFFFFF086  }
0x25: {  	[simem:s6], [sflag:s4] =	dma.local [hbm:s3], $0xF7A  }
0x26: {  	[smem:$0x3F95] =	sst s1;
	(tag) =	ssettag s2;
	_ =	strace s9  }
0x27: {  	s1 =	sld [smem:$0x3FA5]  }
0x28: {  	s2 =	sld [smem:$0x3FA6]  }
0x29: {  	s4 =	sld [smem:$0x3FA8]  }
0x2a: {  	p0 =	seq.s32 s5, $0x0;
	s5 =	sld [smem:$0x3FA9]  }
0x2b: {  	s6 =	sld [smem:$0x3FAA]  }
0x2c: {  	s7 =	sld [smem:$0x3FAB]  }
0x2d: {  	s3 =	simm.s32 $0x108;
	s8 =	sld [smem:$0x3FAC]  }
0x2e: {  	s3 =	simm.s32 @!p0 $0x1082;
	s9 =	sld [smem:$0x3FAD]  }
0x2f: {  	lr =	sadd.s32 s0, s3;
	s0 =	sld [smem:$0x3FA4]  }
0x30: {  	s3 =	sld [smem:$0x3FA7]  }
0x31: {  	[smem:$0x3FB0] =	sst s10  }
0x32: {  	s10 =	sld [smem:$0x3FAE];
	_ =	sdelay $0x3  }
0x33: {  	p0 =	seq.s32 s10, $0x1;
	s10 =	sld [smem:$0x3FB0];
	_ =	sdelay $0x3  }
0x34: {  	[smem:$0x3FB0] =	sst s10  }
0x35: {  	s10 =	sld [smem:$0x3FAF];
	_ =	sdelay $0x3  }
0x36: {  	p1 =	seq.s32 s10, $0x1;
	s10 =	sld [smem:$0x3FB0];
	_ =	sdelay $0x3  }
0x37: {  	[smem:$0x3FB0] =	sst s10  }
0x38: {  	s10 =	sld [smem:$0x3FB1]  }
0x39: {  	_ = 	snop;
	(pc) =	sbr.ind lr, $3  }
0x3a: {  	_ = 	snop  }
0x3b: {  	_ = 	snop  }
0x3c: {  	p2 =	seq.s32 s10, $0x1;
	s10 =	sld [smem:$0x3FB0]  }
0x3d: {  	_ =	shalt  }
0x3e: {  	_ =	shalt  }
0x3f: {  	_ =	shalt  }
0x40: {  	_ =	shalt  }
0x41: {  	_ =	shalt  }
0x42: {  	_ =	shalt  }
0x43: {  	_ =	shalt  }
0x44: {  	_ =	shalt  }
0x45: {  	_ =	shalt  }
0x46: {  	_ =	shalt  }
0x47: {  	_ =	shalt  }
0x48: {  	_ =	shalt  }
0x49: {  	_ =	shalt  }
0x4a: {  	_ =	shalt  }
0x4b: {  	_ =	shalt  }
0x4c: {  	_ =	shalt  }
0x4d: {  	_ =	shalt  }
0x4e: {  	_ =	shalt  }
0x4f: {  	_ =	shalt  }
0x50: {  	_ =	shalt  }
0x51: {  	_ =	shalt  }
0x52: {  	_ =	shalt  }
0x53: {  	_ =	shalt  }
0x54: {  	_ =	shalt  }
0x55: {  	_ =	shalt  }
0x56: {  	_ =	shalt  }
0x57: {  	_ =	shalt  }
0x58: {  	_ =	shalt  }
0x59: {  	_ =	shalt  }
0x5a: {  	_ =	shalt  }
0x5b: {  	_ =	shalt  }
0x5c: {  	_ =	shalt  }
0x5d: {  	_ =	shalt  }
0x5e: {  	_ =	shalt  }
0x5f: {  	_ =	shalt  }
0x60: {  	_ =	shalt  }
0x61: {  	_ =	shalt  }
0x62: {  	_ =	shalt  }
0x63: {  	_ =	shalt  }
0x64: {  	_ =	shalt  }
0x65: {  	_ =	shalt  }
0x66: {  	_ =	shalt  }
0x67: {  	_ =	shalt  }
0x68: {  	_ =	shalt  }
0x69: {  	_ =	shalt  }
0x6a: {  	_ =	shalt  }
0x6b: {  	_ =	shalt  }
0x6c: {  	_ =	shalt  }
0x6d: {  	_ =	shalt  }
0x6e: {  	_ =	shalt  }
0x6f: {  	_ =	shalt  }
0x70: {  	_ =	shalt  }
0x71: {  	_ =	shalt  }
0x72: {  	_ =	shalt  }
0x73: {  	_ =	shalt  }
0x74: {  	_ =	shalt  }
0x75: {  	_ =	shalt  }
0x76: {  	_ =	shalt  }
0x77: {  	_ =	shalt  }
0x78: {  	_ =	shalt  }
0x79: {  	_ =	shalt  }
0x7a: {  	_ =	shalt  }
0x7b: {  	_ =	shalt  }
0x7c: {  	_ =	shalt  }
0x7d: {  	_ =	shalt  }
0x7e: {  	_ =	shalt  }
0x7f: {  	_ =	shalt  }
0x80: {  	_ =	shalt  }
0x81: {  	_ =	shalt  }
0x82: {  	_ =	shalt  }
0x83: {  	_ =	shalt  }
0x84: {  	_ =	shalt  }
0x85: {  	_ =	shalt  }
0x86: {  	_ =	shalt  }
0x87: {  	_ =	shalt  }
.Lfunc_end0:
.L_simem_size_0:
called_computation.1_lowered:
.L_overlay_start_0:
0x88: {  	s2 =	sld [smem:$0x3FD9]  }
0x89: {  	s3 =	sld [smem:$0x3FFE];
	_ =	sdelay $0x1  }
0x8a: {  	s1 =	srdreg.scid  }
0x8b: {  	s0 =	sand.u32 $0x1, s1  }
0x8c: {  	s14 =	sshll.u32 s0, $0xA;
	s2 =	sadd.s32 s3, s2  }
0x8d: {  	s2 =	sadd.s32 s2, s14  }
0x8e: {  	[smem:$0x3FBC] =	sst s2  }
0x8f: {  	_ = 	snop  }
0x90: {  	s2 =	sld [smem:$0x3FD0];
	_ =	sdelay $0x2  }
0x91: {  	s15 =	simm.s32 $0xA;
	s4 =	simm.s32 $0x10  }
0x92: {  	[smem:s4], [sflag:s15] =	dma.local [hbm:s2], $0x1  }
0x93: {  	_ =	swait.eq [sflag:s15], $0x1  }
0x94: {  	[sflag:s15] =	ssyncset.done $0x0  }
0x95: {  	[sflag:s15] =	ssyncadd.s32 $0xFFFFFFFF  }
0x96: {  	s16 =	sld [smem:$0x10];
	(tm) =	ssettm $0x1  }
0x97: {  	s17 =	sld [smem:$0x3FFB];
	_ =	sdelay $0x3  }
0x98: {  	_ =	strace s17  }
0x99: {  	s3 =	sld [smem:$0x3FFC];
	_ =	sdelay $0x3  }
0x9a: {  	_ =	strace s3  }
0x9b: {  	s3 =	sld [smem:$0x3FFD];
	_ =	sdelay $0x3  }
0x9c: {  	_ =	strace s3  }
0x9d: {  	_ =	strace $0x8FFFFFFF  }
0x9e: {  	s18 =	sld [smem:$0x3FDB];
	_ =	sdelay $0x1  }
0x9f: {  	s19 =	simm.s32 $_scs_section_size  }
0xa0: {  	s5 =	simm.s32 $_size__tile_overlayer_lowered;
	s6 =	simm.s32 $_tile_overlayer_lowered  }
0xa1: {  	s22 =	simm.s32 $0x1BFF;
	s21 =	sshll.u32 s6, $0x1;
	s3 =	sadd.s32 s19, s18  }
0xa2: {  	s7 =	simm.s32 $0x0;
	s20 =	sshll.u32 s5, $0x1;
	s5 =	sadd.s32 s21, s3  }
0xa3: {  	[timem:s7], [sflag:s22] =	dma.local [hbm:s5], s20  }
0xa4: {  	_ =	swait.ge [sflag:s22], s20  }
0xa5: {  	s4 =	ssub.s32 $0x0, s20;
	[sflag:s22] =	ssyncset.done $0x0  }
0xa6: {  	[sflag:s22] =	ssyncadd.s32 s4;
	_ =	sdelay $0x1  }
0xa7: {  	s23 =	simm.s32 $0x1B8B  }
0xa8: {  	_ =	swait.ge [sflag:s23], $0x1  }
0xa9: {  	[sflag:s23] =	ssyncset.done $0x0  }
0xaa: {  	s25 =	simm.s32 $0x1B8E;
	s24 =	sld [smem:$0x3FFE];
	[sflag:s23] =	ssyncadd.s32 $0xFFFFFFFF  }
0xab: {  	s26 =	simm.s32 $execute0_lowered;
	[smem:$0x3FD2] =	sst s25  }
0xac: {  	s5 =	sshll.u32 s26, $0x1;
	_ =	strace $0x80000049;
	[dreg:$0x1] =	wrdreg $0xFFFFFFFF  }
0xad: {  	s28 =	simm.s32 $_size_execute0_lowered;
	s3 =	sadd.s32 s3, s5;
	[dreg:$0x0] =	wrdreg $0x0  }
0xae: {  	s5 =	sshll.u32 s28, $0x1;
	[dreg:$0x2] =	wrdreg s3  }
0xaf: {  	[dreg:$0x3] =	wrdreg s5  }
0xb0: {  	[dreg:$0x4] =	wrdreg $0xC0  }
0xb1: {  	_ =	task [dreg:s7], $0x5FFFF  }
0xb2: {  	[dreg:$0x1] =	wrdreg $0xFFFFFFFF  }
0xb3: {  	[dreg:$0x0] =	wrdreg $0x60  }
0xb4: {  	[dreg:$0x2] =	wrdreg s24  }
0xb5: {  	[dreg:$0x3] =	wrdreg s16  }
0xb6: {  	[dreg:$0x4] =	wrdreg $0x9  }
0xb7: {  	_ =	task.clear_ibuf [dreg:s7], $0x5FFFF;
	_ =	strace $0x90000049  }
0xb8: {  	s29 =	simm.s32 $0x9;
	_ =	strace $0x8000004B  }
0xb9: {  	_ =	swait.ge [sflag:s29], $0x1  }
0xba: {  	[sflag:s29] =	ssyncadd.s32 $0xFFFFFFFF  }
0xbb: {  	_ =	strace $0x9000004B  }
0xbc: {  	_ =	sfence  }
0xbd: {  	s30 =	sld [smem:$0x0];
	_ =	sdelay $0x2  }
0xbe: {  	s31 =	sshll.u32 s1, $0xD;
	s1 =	sshrl.u32 s1, $0x2  }
0xbf: {  	s3 =	sand.u32 $0x4000, s31;
	s1 =	sadd.s32 s1, s30  }
0xc0: {  	s0 =	sor.u32 s3, s0;
	s1 =	sshll.u32 s1, $0x11  }
0xc1: {  	s0 =	sor.u32 s1, s0  }
0xc2: {  	s0 =	sadd.s32 $0x8F2B, s0  }
0xc3: {  	[sflag:s0] =	ssyncadd.remote.s32 $0x1  }
0xc4: {  	_ =	sfence.sel $0xFFFF  }
0xc5: {  	[dreg:$0x0] =	wrdreg $0xFFFFFFFF;
	(pc) =	sbr.abs _section_cstart, $3  }
0xc6: {  	[dreg:$0x1] =	wrdreg $0xFFFFFFFF  }
0xc7: {  	_ =	task.clear_ibuf [dreg:s7], $0x2FFFF;
	_ =	strace $0x9FFFFFFF  }
0xc8: {  	(tm) =	ssettm $0x7FFFFFFF  }
0xc9: {  	_ =	shalt  }
tec
execute0_lowered:
.L_overlay_start_1:
0x0: {  	(tag) =	ssettag $0x1  }
0x1: {  	s0 =	srdreg.scid  }
0x2: {  	s8 =	stileid.u32;
	s1 =	rddreg [dreg:$0x0]  }
0x3: {  	s9 =	simm.s32 $0x0;
	s0 =	sand.u32 $0x1, s0;
	s2 =	sand.u32 $0x3, s8  }
0x4: {  	s3 =	sshrl.u32 s8, $0x2;
	[smem:$0x7FF] =	sst s9;
	s10 =	sadd.s32 $0x200, s1  }
0x5: {  	s11 =	sadd.s32 $0x10200, s1;
	s29 =	sshll.u32 s8, $0x3;
	s4 =	sshll.u32 s2, $0x5  }
0x6: {  	s5 =	sshll.u32 s0, $0x4;
	s25 =	sshll.u32 s3, $0x13;
	_ =	strace $0x8000004A  }
0x7: {  	s6 =	sshll.u32 s3, $0x11;
	s2 =	sshll.u32 s2, $0xF;
	[dreg:$0x3] =	wrdreg s10  }
0x8: {  	s7 =	sshll.u32 s0, $0x2;
	s0 =	ssub.s32 $0x2, s0;
	[dreg:$0x4] =	wrdreg s11  }
0x9: {  	s3 =	sshll.u32 s3, $0x14;
	s4 =	sor.u32 s5, s4;
	s6 =	sor.u32 s2, s6  }
0xa: {  	s26 =	sshrl.u32 s0, $0x1;
	s5 =	sor.u32 s25, s4;
	[dreg:$0x5] =	wrdreg s6  }
0xb: {  	s6 =	sshrl.u32 s6, $0x3;
	s0 =	ssub.s32 s0, s26;
	s31 =	sor.u32 s4, s3  }
0xc: {  	s5 =	sshrl.u32 s5, $0x3;
	s28 =	sadd.s32 s10, s6;
	[dreg:$0x9] =	wrdreg s31  }
0xd: {  	s6 =	sadd.s32 s11, s6;
	s0 =	smax.u32 s0, $0x1;
	[dreg:$0x6] =	wrdreg s28  }
0xe: {  	s5 =	sadd.s32 s5, s1;
	s1 =	sadd.s32 s7, s1;
	[dreg:$0x7] =	wrdreg s6  }
0xf: {  	[dreg:$0xb] =	wrdreg s0;
	s1 =	sadd.s32 s29, s1;
	s30 =	sadd.s32 $0x20400, s5  }
0x10: {  	[dreg:$0x8] =	wrdreg s30;
	s1 =	sadd.s32 $0x60400, s1  }
0x11: {  	s4 =	simm.s32 $0x7;
	[dreg:$0xa] =	wrdreg s1;
	s1 =	simm.s32 $0x0  }
.LBB2_1:
0x12: {  	[dreg:$0xc] =	wrdreg s1  }
0x13: {  	s0 =	rddreg [dreg:$0x6]  }
0x14: {  	s25 =	simm.s32 $0x400;
	s2 =	simm.s32 $0x2000;
	s3 =	simm.s32 $0x18000  }
0x15: {  	[tilespmem:s3], [sflag:$0x1] =	stream.strided.gather [hbm4b:s0+s25], $0x1000, s2, s25, $0x38;
	[tilespmem:$0x1C020] =	vst v63  }
0x16: {  	s26 =	rddreg [dreg:$0x7];
	s28 =	simm.s32 $0x1A000  }
0x17: {  	[tilespmem:s28], [sflag:$0x3] =	stream.strided.gather [hbm4b:s26+s25], $0x1000, s2, s25, $0x38;
	[tilespmem:$0x1C020] =	vst v63  }
0x18: {  	s29 =	rddreg [dreg:$0x8];
	s30 =	simm.s32 $0x10;
	s31 =	simm.s32 $0x80  }
0x19: {  	[tilespmem:s9], [sflag:$0x7] =	stream.strided.gather [hbm4b:s29+s30], $0x10000, s31, s30, $0x38;
	[tilespmem:$0x1C020] =	vst v63  }
0x1a: {  	_ =	swait.ge [sflag:s4], $0x10000  }
0x1b: {  	[sflag:s4] =	ssyncset.done $0x0  }
0x1c: {  	v4 =	vimm.f32 $0.0e+00;
	p0 =	por $0x0, $0x0;
	v5 =	vimm.f32 $0.0e+00;
	s8 =	simm.s32 $0x0;
	[sflag:s4] =	ssyncadd.s32 $0xFFFF0000  }
.LBB2_2:
0x1d: {  	s2 =	rddreg [dreg:$0x5]  }
0x1e: {  	s1 =	sadd.s32 $0x1, s8;
	p1 =	seq.s32 s8, $0x7;
	s5 =	rddreg [dreg:$0x3]  }
0x1f: {  	s9 =	sand.u32 $0x1, s8;
	s0 =	sshll.u32 @!p1 s1, $0xA;
	[dreg:$0xd] =	wrdreg s1  }
0x20: {  	s1 =	sand.u32 @!p1 $0x1, s1;
	s6 =	simm.s32 @!p1 $0x400;
	s0 =	sadd.s32 @!p1 s2, s0  }
0x21: {  	s7 =	simm.s32 @!p1 $0x2000;
	s2 =	sshll.u32 @!p1 s1, $0xC;
	s0 =	sshrl.u32 @!p1 s0, $0x3  }
0x22: {  	s4 =	sadd.s32 @!p1 $0x1, s1;
	s3 =	sor.u32 @!p1 $0x18000, s2;
	s5 =	sadd.s32 @!p1 s5, s0  }
0x23: {  	[tilespmem:s3], [sflag:s4] =	stream.strided.gather @!p1 [hbm4b:s5+s6], $0x1000, s7, s6, $0x38;
	[tilespmem:$0x1C020] =	vst v63  }
0x24: {  	s24 =	sadd.s32 $0x1, s9;
	s3 =	rddreg [dreg:$0x4]  }
0x25: {  	s1 =	sadd.s32 @!p1 $0x3, s1;
	s2 =	sor.u32 @!p1 $0x1A000, s2;
	s0 =	sadd.s32 @!p1 s3, s0  }
0x26: {  	[tilespmem:s2], [sflag:s1] =	stream.strided.gather @!p1 [hbm4b:s0+s6], $0x1000, s7, s6, $0x38;
	[tilespmem:$0x1C020] =	vst v63  }
0x27: {  	_ =	swait.ge [sflag:s24], $0x1000  }
0x28: {  	s25 =	sadd.s32 $0x3, s9;
	s28 =	sshll.u32 s9, $0xE;
	[sflag:s24] =	ssyncset.done $0x0  }
0x29: {  	s29 =	sor.u32 $0x10000, s28;
	s1 =	simm.s32 $0x1;
	[sflag:s24] =	ssyncadd.s32 $0xFFFFF000  }
0x2a: {  	p1 =	slt.u32 s8, $0x2;
	s1 =	simm.s32 @!p0 $0x0;
	_ =	swait.ge [sflag:s25], $0x1000  }
0x2b: {  	s0 =	sadd.s32 @!p1 $0x5, s9;
	s1 =	sshll.u32 s1, $0xE;
	[sflag:s25] =	ssyncset.done $0x0  }
0x2c: {  	s26 =	sshrl.u32 s1, $0x2;
	[dreg:$0xe] =	wrdreg s8;
	[sflag:s25] =	ssyncadd.s32 $0xFFFFF000  }
0x2d: {  	s31 =	sor.u32 $0x10200, s1;
	s20 =	sor.u32 $0x18800, s26;
	_ =	swait.ge @!p1 [sflag:s0], $0x4000  }
0x2e: {  	s30 =	sor.u32 $0x1A800, s26;
	[dreg:$0xf] =	wrdreg s9;
	[sflag:s0] =	ssyncset.done @!p1 $0x0  }
0x2f: {  	[dreg:$0x10] =	wrdreg s29;
	[sflag:s0] =	ssyncadd.s32 @!p1 $0xFFFFC000;
	s0 =	simm.s32 $0xFFFFFFFC  }
.LBB2_3:
0x30: {  	v0 =	vld [tilespmem:s30+$0xFFFFF800]  }
0x31: {  	v2 =	vld [tilespmem:s30+$0xFFFFFC00];
	_ =	sdelay $0x1  }
0x32: {  	v3 =	vld [tilespmem:s30+$0x0];
	_ =	sdelay $0x1  }
0x33: {  	v6 =	vld [tilespmem:s30+$0x400];
	v0 =	vshll.u32 v0, $0x6  }
0x34: {  	v42 =	vshll.u32 v2, $0x6;
	v1 =	vshra.s32 v0, $0x2  }
0x35: {  	v0 =	vshra.s32 v42, $0x2;
	(v2sf) =	vpush v1, $0x0  }
0x36: {  	v43 =	vshll.u32 v3, $0x6;
	(v2sf) =	vpush v0, $0x0  }
0x37: {  	v2 =	vshra.s32 v43, $0x2  }
0x38: {  	v3 =	vshll.u32 v6, $0x6;
	(v2sf) =	vpush v2, $0x0  }
0x39: {  	v3 =	vshra.s32 v3, $0x2  }
0x3a: {  	(v2sf) =	vpush v3, $0x0;
	_ =	sdelay $0x7  }
0x3b: {  	v16 =	vld [tilespmem:s20+$0xFFFFF800]  }
0x3c: {  	v15 =	vld [tilespmem:s20+$0xFFFFFC00]  }
0x3d: {  	v13 =	vld [tilespmem:s20+$0x0];
	(v2sf) =	vpush v1, $0x1;
	s25 =	spop (v2sf)  }
0x3e: {  	(v2sf) =	vpush v0, $0x1;
	v6 =	vld [tilespmem:s25+$0x0];
	s26 =	spop (v2sf)  }
0x3f: {  	v7 =	vld [tilespmem:s26+$0x0]  }
0x40: {  	v14 =	vld [tilespmem:s20+$0x400];
	(v2sf) =	vpush v2, $0x1;
	s28 =	spop (v2sf)  }
0x41: {  	v9 =	vld [tilespmem:s28+$0x0]  }
0x42: {  	v8 =	vbroadcast v16, $0x0;
	v10 =	vbroadcast v15, $0x0;
	(v2sf) =	vpush v3, $0x1;
	s29 =	spop (v2sf)  }
0x43: {  	v45 =	vbroadcast v13, $0x0;
	v44 =	vld [tilespmem:s29+$0x0]  }
0x44: {  	v6 =	vmul.f32 v6, v8;
	v7 =	vmul.f32 v7, v10;
	_ =	sdelay $0x1  }
0x45: {  	v46 =	vbroadcast v14, $0x0;
	v6 =	vadd.f32 v7, v6;
	v7 =	vmul.f32 v9, v45;
	_ =	sdelay $0x1  }
0x46: {  	v6 =	vadd.f32 v7, v6;
	v7 =	vmul.f32 v44, v46;
	_ =	sdelay $0x1  }
0x47: {  	v6 =	vadd.f32 v7, v6;
	_ =	sdelay $0x1  }
0x48: {  	(v2sf) =	vpush v1, $0x2;
	s1 =	spop (v2sf);
	[tilespmem:s31+$0xFFFFFE00] =	vst v6  }
0x49: {  	(v2sf) =	vpush v0, $0x2;
	s2 =	spop (v2sf);
	v7 =	vld [tilespmem:s1+$0x0]  }
0x4a: {  	(v2sf) =	vpush v2, $0x2;
	v47 =	vld [tilespmem:s2+$0x0]  }
0x4b: {  	(v2sf) =	vpush v3, $0x2;
	s3 =	spop (v2sf)  }
0x4c: {  	v49 =	vld [tilespmem:s3+$0x0]  }
0x4d: {  	v48 =	vbroadcast v16, $0x1;
	v11 =	vbroadcast v15, $0x1;
	s4 =	spop (v2sf)  }
0x4e: {  	v51 =	vbroadcast v13, $0x1;
	v50 =	vld [tilespmem:s4+$0x0]  }
0x4f: {  	v7 =	vmul.f32 v7, v48;
	v8 =	vmul.f32 v47, v11;
	_ =	sdelay $0x1  }
0x50: {  	v53 =	vbroadcast v14, $0x1;
	v52 =	vmul.f32 v49, v51;
	v7 =	vadd.f32 v8, v7;
	_ =	sdelay $0x1  }
0x51: {  	v54 =	vmul.f32 v50, v53;
	v7 =	vadd.f32 v52, v7;
	_ =	sdelay $0x1  }
0x52: {  	v8 =	vadd.f32 v54, v7  }
0x53: {  	(v2sf) =	vpush v1, $0x3  }
0x54: {  	(v2sf) =	vpush v0, $0x3;
	s5 =	spop (v2sf);
	[tilespmem:s31+$0xFFFFFE10] =	vst v8  }
0x55: {  	(v2sf) =	vpush v2, $0x3;
	s6 =	spop (v2sf);
	v7 =	vld [tilespmem:s5+$0x0]  }
0x56: {  	(v2sf) =	vpush v3, $0x3;
	s7 =	spop (v2sf);
	v55 =	vld [tilespmem:s6+$0x0]  }
0x57: {  	s8 =	spop (v2sf);
	(v2sf) =	vpush v1, $0x4  }
0x58: {  	(v2sf) =	vpush v0, $0x4;
	v12 =	vld [tilespmem:s7+$0x0]  }
0x59: {  	v56 =	vbroadcast v16, $0x2;
	v57 =	vbroadcast v15, $0x2;
	(v2sf) =	vpush v2, $0x4  }
0x5a: {  	v59 =	vbroadcast v13, $0x2;
	(v2sf) =	vpush v3, $0x4;
	v58 =	vld [tilespmem:s8+$0x0]  }
0x5b: {  	(v2sf) =	vpush v1, $0x5;
	v7 =	vmul.f32 v7, v56;
	v9 =	vmul.f32 v55, v57  }
0x5c: {  	v61 =	vbroadcast v14, $0x2;
	(v2sf) =	vpush v0, $0x5  }
0x5d: {  	(v2sf) =	vpush v2, $0x5;
	v60 =	vmul.f32 v12, v59;
	v7 =	vadd.f32 v9, v7  }
0x5e: {  	(v2sf) =	vpush v3, $0x5  }
0x5f: {  	(v2sf) =	vpush v1, $0x6;
	v62 =	vmul.f32 v58, v61;
	v7 =	vadd.f32 v60, v7  }
0x60: {  	(v2sf) =	vpush v0, $0x6  }
0x61: {  	(v2sf) =	vpush v2, $0x6;
	v11 =	vadd.f32 v62, v7  }
0x62: {  	s9 =	spop (v2sf);
	(v2sf) =	vpush v3, $0x6  }
0x63: {  	s10 =	spop (v2sf);
	(v2sf) =	vpush v1, $0x7;
	[tilespmem:s31+$0xFFFFFE20] =	vst v11  }
0x64: {  	s11 =	spop (v2sf);
	(v2sf) =	vpush v0, $0x7;
	v7 =	vld [tilespmem:s9+$0x0]  }
0x65: {  	s1 =	spop (v2sf);
	(v2sf) =	vpush v2, $0x7;
	v63 =	vld [tilespmem:s10+$0x0]  }
0x66: {  	s2 =	spop (v2sf);
	(v2sf) =	vpush v3, $0x7  }
0x67: {  	s4 =	spop (v2sf);
	(v2sf) =	vpush v1, $0x8;
	v17 =	vld [tilespmem:s11+$0x0]  }
0x68: {  	v20 =	vbroadcast v16, $0x3;
	v21 =	vbroadcast v15, $0x3;
	s5 =	spop (v2sf);
	(v2sf) =	vpush v0, $0x8  }
0x69: {  	v23 =	vbroadcast v13, $0x3;
	s8 =	spop (v2sf);
	(v2sf) =	vpush v2, $0x8;
	v22 =	vld [tilespmem:s1+$0x0]  }
0x6a: {  	s11 =	spop (v2sf);
	(v2sf) =	vpush v3, $0x8;
	v7 =	vmul.f32 v7, v20;
	v9 =	vmul.f32 v63, v21  }
0x6b: {  	v25 =	vbroadcast v14, $0x3;
	s9 =	spop (v2sf);
	(v2sf) =	vpush v1, $0x9  }
0x6c: {  	s10 =	spop (v2sf);
	(v2sf) =	vpush v0, $0x9;
	v24 =	vmul.f32 v17, v23;
	v7 =	vadd.f32 v9, v7  }
0x6d: {  	s12 =	spop (v2sf);
	(v2sf) =	vpush v2, $0x9  }
0x6e: {  	[dreg:$0x11] =	wrdreg s0;
	s0 =	spop (v2sf);
	(v2sf) =	vpush v3, $0x9;
	v26 =	vmul.f32 v22, v25;
	v7 =	vadd.f32 v24, v7  }
0x6f: {  	s16 =	spop (v2sf);
	(v2sf) =	vpush v1, $0xA  }
0x70: {  	s14 =	spop (v2sf);
	(v2sf) =	vpush v0, $0xA;
	v21 =	vadd.f32 v26, v7  }
0x71: {  	s15 =	spop (v2sf);
	(v2sf) =	vpush v2, $0xA  }
0x72: {  	s3 =	spop (v2sf);
	(v2sf) =	vpush v3, $0xA;
	[tilespmem:s31+$0xFFFFFE30] =	vst v21  }
0x73: {  	v7 =	vld [tilespmem:s2+$0x0];
	s2 =	spop (v2sf);
	(v2sf) =	vpush v1, $0xB  }
0x74: {  	v27 =	vld [tilespmem:s4+$0x0];
	s1 =	spop (v2sf);
	(v2sf) =	vpush v0, $0xB  }
0x75: {  	s4 =	spop (v2sf);
	(v2sf) =	vpush v2, $0xB  }
0x76: {  	v30 =	vld [tilespmem:s5+$0x0];
	s6 =	spop (v2sf);
	(v2sf) =	vpush v3, $0xB  }
0x77: {  	v28 =	vbroadcast v16, $0x4;
	v29 =	vbroadcast v15, $0x4;
	s7 =	spop (v2sf);
	(v2sf) =	vpush v1, $0xC  }
0x78: {  	v32 =	vbroadcast v13, $0x4;
	v31 =	vld [tilespmem:s8+$0x0];
	s5 =	spop (v2sf);
	(v2sf) =	vpush v0, $0xC  }
0x79: {  	v7 =	vmul.f32 v7, v28;
	v9 =	vmul.f32 v27, v29;
	s8 =	spop (v2sf);
	(v2sf) =	vpush v2, $0xC  }
0x7a: {  	v34 =	vbroadcast v14, $0x4;
	s25 =	spop (v2sf);
	(v2sf) =	vpush v3, $0xC  }
0x7b: {  	v33 =	vmul.f32 v30, v32;
	v7 =	vadd.f32 v9, v7;
	s26 =	spop (v2sf);
	(v2sf) =	vpush v1, $0xD  }
0x7c: {  	s29 =	spop (v2sf);
	(v2sf) =	vpush v0, $0xD  }
0x7d: {  	v35 =	vmul.f32 v31, v34;
	v7 =	vadd.f32 v33, v7;
	s24 =	spop (v2sf);
	(v2sf) =	vpush v2, $0xD  }
0x7e: {  	s21 =	spop (v2sf);
	(v2sf) =	vpush v3, $0xD  }
0x7f: {  	v29 =	vadd.f32 v35, v7;
	s22 =	spop (v2sf);
	(v2sf) =	vpush v1, $0xE  }
0x80: {  	v7 =	vld [tilespmem:s30+$0xFFFFF810];
	s23 =	spop (v2sf);
	(v2sf) =	vpush v0, $0xE  }
0x81: {  	v37 =	vld [tilespmem:s30+$0xFFFFFC10];
	[tilespmem:s31+$0xFFFFFE40] =	vst v29;
	s19 =	spop (v2sf);
	(v2sf) =	vpush v2, $0xE  }
0x82: {  	v36 =	vld [tilespmem:s11+$0x0];
	s13 =	spop (v2sf);
	(v2sf) =	vpush v3, $0xE  }
0x83: {  	v38 =	vld [tilespmem:s9+$0x0];
	s17 =	spop (v2sf);
	(v2sf) =	vpush v1, $0xF  }
0x84: {  	v39 =	vld [tilespmem:s30+$0x10];
	s18 =	spop (v2sf);
	(v2sf) =	vpush v0, $0xF  }
0x85: {  	v41 =	vld [tilespmem:s10+$0x0];
	v40 =	vshll.u32 v7, $0x6;
	v7 =	vbroadcast v15, $0x5;
	(v2sf) =	vpush v2, $0xF  }
0x86: {  	v42 =	vld [tilespmem:s30+$0x410];
	v1 =	vshll.u32 v37, $0x6;
	s9 =	spop (v2sf);
	(v2sf) =	vpush v3, $0xF;
	v3 =	vbroadcast v16, $0x5  }
0x87: {  	v43 =	vbroadcast v13, $0x5;
	v20 =	vld [tilespmem:s12+$0x0];
	v17 =	vshra.s32 v40, $0x2;
	v18 =	vshra.s32 v1, $0x2;
	s11 =	spop (v2sf)  }
0x88: {  	v7 =	vmul.f32 v38, v7;
	(v2sf) =	vpush v17, $0x0;
	s10 =	spop (v2sf);
	v3 =	vmul.f32 v36, v3  }
0x89: {  	v45 =	vbroadcast v14, $0x5;
	v0 =	vshll.u32 v39, $0x6;
	s28 =	spop (v2sf);
	(v2sf) =	vpush v18, $0x0  }
0x8a: {  	v19 =	vshra.s32 v0, $0x2;
	v44 =	vmul.f32 v41, v43;
	s12 =	spop (v2sf);
	v3 =	vadd.f32 v7, v3  }
0x8b: {  	v46 =	vshll.u32 v42, $0x6;
	(v2sf) =	vpush v19, $0x0;
	[smem:$0x7D0] =	sst s12;
	s12 =	spop (v2sf)  }
0x8c: {  	v1 =	vmul.f32 v20, v45;
	v20 =	vshra.s32 v46, $0x2;
	[smem:$0x7D1] =	sst s12;
	s12 =	spop (v2sf);
	v0 =	vadd.f32 v44, v3  }
0x8d: {  	(v2sf) =	vpush v20, $0x0;
	[smem:$0x7D2] =	sst s12;
	s12 =	spop (v2sf)  }
0x8e: {  	[smem:$0x7D3] =	sst s12;
	s12 =	spop (v2sf);
	v31 =	vadd.f32 v1, v0  }
0x8f: {  	[smem:$0x7D4] =	sst s12;
	s12 =	spop (v2sf)  }
0x90: {  	[smem:$0x7D5] =	sst s12;
	s12 =	spop (v2sf);
	[tilespmem:s31+$0xFFFFFE50] =	vst v31  }
0x91: {  	[smem:$0x7D6] =	sst s12;
	s12 =	spop (v2sf);
	v47 =	vld [tilespmem:s0+$0x0]  }
0x92: {  	[smem:$0x7D7] =	sst s12;
	s12 =	spop (v2sf);
	v7 =	vld [tilespmem:s16+$0x0]  }
0x93: {  	v2 =	vld [tilespmem:s20+$0xFFFFFC10];
	[smem:$0x7D8] =	sst s12;
	s12 =	spop (v2sf)  }
0x94: {  	v48 =	vld [tilespmem:s14+$0x0];
	[smem:$0x7D9] =	sst s12;
	s12 =	spop (v2sf)  }
0x95: {  	v23 =	vbroadcast v16, $0x6;
	v24 =	vbroadcast v15, $0x6;
	v3 =	vld [tilespmem:s20+$0xFFFFF810];
	s16 =	spop (v2sf)  }
0x96: {  	v26 =	vbroadcast v13, $0x6;
	v49 =	vld [tilespmem:s15+$0x0];
	s14 =	spop (v2sf)  }
0x97: {  	(v2sf) =	vpush v17, $0x1;
	v1 =	vld [tilespmem:s20+$0x10];
	[smem:$0x7DA] =	sst s12;
	s12 =	spop (v2sf);
	v23 =	vmul.f32 v47, v23;
	v7 =	vmul.f32 v7, v24  }
0x98: {  	(v2sf) =	vpush v18, $0x1;
	v50 =	vld [tilespmem:s12+$0x0];
	s15 =	spop (v2sf)  }
0x99: {  	v53 =	vbroadcast v14, $0x6;
	v9 =	vmul.f32 v48, v26;
	v22 =	vld [tilespmem:s15+$0x0];
	v7 =	vadd.f32 v7, v23  }
0x9a: {  	(v2sf) =	vpush v19, $0x1;
	v0 =	vld [tilespmem:s20+$0x410];
	s12 =	spop (v2sf)  }
0x9b: {  	v55 =	vmul.f32 v49, v53;
	v25 =	vld [tilespmem:s12+$0x0];
	v7 =	vadd.f32 v9, v7  }
0x9c: {  	v52 =	vbroadcast v2, $0x0;
	(v2sf) =	vpush v20, $0x1;
	v51 =	vbroadcast v3, $0x0;
	s15 =	spop (v2sf)  }
0x9d: {  	v54 =	vbroadcast v1, $0x0;
	v27 =	vld [tilespmem:s15+$0x0];
	v35 =	vadd.f32 v55, v7  }
0x9e: {  	v12 =	vmul.f32 v50, v51;
	v22 =	vmul.f32 v22, v52  }
0x9f: {  	[tilespmem:s31+$0xFFFFFE60] =	vst v35  }
0xa0: {  	v58 =	vbroadcast v0, $0x0;
	v57 =	vmul.f32 v25, v54;
	v56 =	vadd.f32 v22, v12;
	v60 =	vld [tilespmem:s3+$0x0]  }
0xa1: {  	v61 =	vld [tilespmem:s2+$0x0]  }
0xa2: {  	v59 =	vmul.f32 v27, v58;
	v7 =	vadd.f32 v57, v56  }
0xa3: {  	v62 =	vld [tilespmem:s1+$0x0]  }
0xa4: {  	v32 =	vbroadcast v16, $0x7;
	v34 =	vbroadcast v15, $0x7;
	v7 =	vadd.f32 v59, v7  }
0xa5: {  	v37 =	vbroadcast v13, $0x7;
	v36 =	vld [tilespmem:s4+$0x0]  }
0xa6: {  	(v2sf) =	vpush v17, $0x2;
	s3 =	spop (v2sf);
	v10 =	vmul.f32 v60, v32;
	v9 =	vmul.f32 v61, v34;
	[tilespmem:s31+$0xFFFFFF00] =	vst v7  }
0xa7: {  	(v2sf) =	vpush v18, $0x2;
	s12 =	spop (v2sf);
	v63 =	vld [tilespmem:s3+$0x0]  }
0xa8: {  	v41 =	vbroadcast v14, $0x7;
	v12 =	vmul.f32 v62, v37;
	v33 =	vld [tilespmem:s12+$0x0];
	v9 =	vadd.f32 v9, v10  }
0xa9: {  	(v2sf) =	vpush v19, $0x2;
	s15 =	spop (v2sf)  }
0xaa: {  	v38 =	vld [tilespmem:s15+$0x0];
	v10 =	vmul.f32 v36, v41;
	v9 =	vadd.f32 v12, v9  }
0xab: {  	v40 =	vbroadcast v2, $0x1;
	v39 =	vbroadcast v3, $0x1;
	(v2sf) =	vpush v20, $0x2;
	s1 =	spop (v2sf)  }
0xac: {  	v42 =	vbroadcast v1, $0x1;
	v28 =	vld [tilespmem:s1+$0x0];
	v36 =	vadd.f32 v10, v9  }
0xad: {  	v22 =	vmul.f32 v63, v39;
	v23 =	vmul.f32 v33, v40  }
0xae: {  	[tilespmem:s31+$0xFFFFFE70] =	vst v36  }
0xaf: {  	v45 =	vbroadcast v0, $0x1;
	v44 =	vmul.f32 v38, v42;
	v43 =	vadd.f32 v23, v22;
	v48 =	vld [tilespmem:s6+$0x0]  }
0xb0: {  	v49 =	vld [tilespmem:s7+$0x0]  }
0xb1: {  	v47 =	vmul.f32 v28, v45;
	v46 =	vadd.f32 v44, v43  }
0xb2: {  	v50 =	vld [tilespmem:s5+$0x0]  }
0xb3: {  	v52 =	vbroadcast v16, $0x8;
	v54 =	vbroadcast v15, $0x8;
	v9 =	vadd.f32 v47, v46  }
0xb4: {  	v56 =	vbroadcast v13, $0x8;
	v55 =	vld [tilespmem:s8+$0x0]  }
0xb5: {  	(v2sf) =	vpush v17, $0x3;
	s2 =	spop (v2sf);
	v12 =	vmul.f32 v48, v52;
	v10 =	vmul.f32 v49, v54;
	[tilespmem:s31+$0xFFFFFF10] =	vst v9  }
0xb6: {  	(v2sf) =	vpush v18, $0x3;
	s3 =	spop (v2sf);
	v51 =	vld [tilespmem:s2+$0x0]  }
0xb7: {  	v60 =	vbroadcast v14, $0x8;
	v22 =	vmul.f32 v50, v56;
	v53 =	vld [tilespmem:s3+$0x0];
	v10 =	vadd.f32 v10, v12  }
0xb8: {  	(v2sf) =	vpush v19, $0x3;
	s4 =	spop (v2sf)  }
0xb9: {  	v57 =	vld [tilespmem:s4+$0x0];
	v12 =	vmul.f32 v55, v60;
	v10 =	vadd.f32 v22, v10  }
0xba: {  	v58 =	vbroadcast v3, $0x2;
	(v2sf) =	vpush v20, $0x3;
	v59 =	vbroadcast v2, $0x2;
	s5 =	spop (v2sf)  }
0xbb: {  	v61 =	vbroadcast v1, $0x2;
	v30 =	vld [tilespmem:s5+$0x0];
	v38 =	vadd.f32 v12, v10  }
0xbc: {  	v23 =	vmul.f32 v51, v58;
	v24 =	vmul.f32 v53, v59  }
0xbd: {  	[tilespmem:s31+$0xFFFFFE80] =	vst v38  }
0xbe: {  	v28 =	vbroadcast v0, $0x2;
	v63 =	vmul.f32 v57, v61;
	v62 =	vadd.f32 v24, v23;
	v34 =	vld [tilespmem:s25+$0x0]  }
0xbf: {  	v37 =	vld [tilespmem:s26+$0x0]  }
0xc0: {  	v33 =	vmul.f32 v30, v28;
	v32 =	vadd.f32 v63, v62  }
0xc1: {  	v39 =	vld [tilespmem:s29+$0x0]  }
0xc2: {  	v40 =	vbroadcast v16, $0x9;
	v42 =	vbroadcast v15, $0x9;
	v10 =	vadd.f32 v33, v32  }
0xc3: {  	v44 =	vbroadcast v13, $0x9;
	v45 =	vld [tilespmem:s24+$0x0]  }
0xc4: {  	(v2sf) =	vpush v17, $0x4;
	s6 =	spop (v2sf);
	v22 =	vmul.f32 v34, v40;
	v12 =	vmul.f32 v37, v42;
	[tilespmem:s31+$0xFFFFFF20] =	vst v10  }
0xc5: {  	(v2sf) =	vpush v18, $0x4;
	s7 =	spop (v2sf);
	v41 =	vld [tilespmem:s6+$0x0]  }
0xc6: {  	v49 =	vbroadcast v14, $0x9;
	v23 =	vmul.f32 v39, v44;
	v43 =	vld [tilespmem:s7+$0x0];
	v12 =	vadd.f32 v12, v22  }
0xc7: {  	(v2sf) =	vpush v19, $0x4;
	s8 =	spop (v2sf)  }
0xc8: {  	v47 =	vld [tilespmem:s8+$0x0];
	v22 =	vmul.f32 v45, v49;
	v12 =	vadd.f32 v23, v12  }
0xc9: {  	(v2sf) =	vpush v20, $0x4;
	v46 =	vbroadcast v3, $0x3;
	s12 =	spop (v2sf);
	v48 =	vbroadcast v2, $0x3  }
0xca: {  	v51 =	vbroadcast v1, $0x3;
	v50 =	vld [tilespmem:s12+$0x0];
	v40 =	vadd.f32 v22, v12  }
0xcb: {  	v25 =	vmul.f32 v41, v46;
	v24 =	vmul.f32 v43, v48  }
0xcc: {  	[tilespmem:s31+$0xFFFFFE90] =	vst v40  }
0xcd: {  	v54 =	vbroadcast v0, $0x3;
	v53 =	vmul.f32 v47, v51;
	v52 =	vadd.f32 v24, v25;
	v57 =	vld [tilespmem:s21+$0x0]  }
0xce: {  	v58 =	vld [tilespmem:s22+$0x0]  }
0xcf: {  	v56 =	vmul.f32 v50, v54;
	v55 =	vadd.f32 v53, v52  }
0xd0: {  	v59 =	vld [tilespmem:s23+$0x0]  }
0xd1: {  	v60 =	vbroadcast v16, $0xA;
	v62 =	vbroadcast v15, $0xA;
	v12 =	vadd.f32 v56, v55  }
0xd2: {  	v37 =	vbroadcast v13, $0xA;
	v39 =	vld [tilespmem:s19+$0x0]  }
0xd3: {  	(v2sf) =	vpush v17, $0x5;
	s15 =	spop (v2sf);
	v23 =	vmul.f32 v57, v60;
	v22 =	vmul.f32 v58, v62;
	[tilespmem:s31+$0xFFFFFF30] =	vst v12  }
0xd4: {  	(v2sf) =	vpush v18, $0x5;
	s21 =	spop (v2sf);
	v61 =	vld [tilespmem:s15+$0x0]  }
0xd5: {  	v43 =	vbroadcast v14, $0xA;
	v24 =	vmul.f32 v59, v37;
	v63 =	vld [tilespmem:s21+$0x0];
	v22 =	vadd.f32 v22, v23  }
0xd6: {  	(v2sf) =	vpush v19, $0x5;
	s22 =	spop (v2sf)  }
0xd7: {  	v41 =	vbroadcast v3, $0x4;
	v32 =	vld [tilespmem:s22+$0x0];
	v23 =	vmul.f32 v39, v43;
	v22 =	vadd.f32 v24, v22  }
0xd8: {  	(v2sf) =	vpush v20, $0x5;
	v42 =	vbroadcast v2, $0x4;
	s23 =	spop (v2sf)  }
0xd9: {  	v44 =	vld [tilespmem:s23+$0x0];
	v26 =	vmul.f32 v61, v41;
	v41 =	vadd.f32 v23, v22  }
0xda: {  	v45 =	vbroadcast v1, $0x4;
	v25 =	vmul.f32 v63, v42  }
0xdb: {  	[tilespmem:s31+$0xFFFFFEA0] =	vst v41  }
0xdc: {  	v48 =	vbroadcast v0, $0x4;
	v47 =	vmul.f32 v32, v45;
	v46 =	vadd.f32 v25, v26;
	v51 =	vld [tilespmem:s13+$0x0]  }
0xdd: {  	v52 =	vld [tilespmem:s17+$0x0]  }
0xde: {  	v50 =	vmul.f32 v44, v48;
	v49 =	vadd.f32 v47, v46  }
0xdf: {  	v53 =	vld [tilespmem:s18+$0x0]  }
0xe0: {  	v54 =	vbroadcast v16, $0xB;
	v56 =	vbroadcast v15, $0xB;
	v27 =	vadd.f32 v50, v49  }
0xe1: {  	v58 =	vbroadcast v13, $0xB;
	v59 =	vld [tilespmem:s9+$0x0]  }
0xe2: {  	(v2sf) =	vpush v17, $0x6;
	s24 =	spop (v2sf);
	[tilespmem:s31+$0xFFFFFF40] =	vst v27;
	v24 =	vmul.f32 v51, v54;
	v22 =	vmul.f32 v52, v56  }
0xe3: {  	(v2sf) =	vpush v18, $0x6;
	s25 =	spop (v2sf);
	v55 =	vld [tilespmem:s24+$0x0]  }
0xe4: {  	v62 =	vbroadcast v14, $0xB;
	v23 =	vmul.f32 v53, v58;
	v57 =	vld [tilespmem:s25+$0x0];
	v22 =	vadd.f32 v22, v24  }
0xe5: {  	(v2sf) =	vpush v19, $0x6;
	s26 =	spop (v2sf)  }
0xe6: {  	v37 =	vmul.f32 v59, v62;
	v33 =	vld [tilespmem:s26+$0x0];
	v22 =	vadd.f32 v23, v22  }
0xe7: {  	(v2sf) =	vpush v20, $0x6;
	v60 =	vbroadcast v3, $0x5;
	s29 =	spop (v2sf);
	v61 =	vbroadcast v2, $0x5  }
0xe8: {  	v34 =	vbroadcast v1, $0x5;
	v63 =	vld [tilespmem:s29+$0x0];
	v43 =	vadd.f32 v37, v22  }
0xe9: {  	v26 =	vmul.f32 v55, v60;
	v25 =	vmul.f32 v57, v61  }
0xea: {  	[tilespmem:s31+$0xFFFFFEB0] =	vst v43  }
0xeb: {  	v46 =	vbroadcast v0, $0x5;
	v45 =	vmul.f32 v33, v34;
	v39 =	vadd.f32 v25, v26;
	v49 =	vld [tilespmem:s11+$0x0]  }
0xec: {  	v50 =	vld [tilespmem:s10+$0x0]  }
0xed: {  	s3 =	sld [smem:$0x7D0];
	v48 =	vmul.f32 v63, v46;
	v47 =	vadd.f32 v45, v39  }
0xee: {  	v51 =	vld [tilespmem:s28+$0x0]  }
0xef: {  	v52 =	vbroadcast v16, $0xC;
	v54 =	vbroadcast v15, $0xC;
	v25 =	vadd.f32 v48, v47  }
0xf0: {  	v56 =	vbroadcast v13, $0xC;
	v57 =	vld [tilespmem:s3+$0x0]  }
0xf1: {  	(v2sf) =	vpush v17, $0x7;
	s1 =	spop (v2sf);
	[tilespmem:s31+$0xFFFFFF50] =	vst v25;
	v24 =	vmul.f32 v49, v52;
	v22 =	vmul.f32 v50, v54  }
0xf2: {  	(v2sf) =	vpush v18, $0x7;
	s2 =	spop (v2sf);
	v53 =	vld [tilespmem:s1+$0x0]  }
0xf3: {  	v60 =	vbroadcast v14, $0xC;
	v23 =	vmul.f32 v51, v56;
	v55 =	vld [tilespmem:s2+$0x0];
	v22 =	vadd.f32 v22, v24  }
0xf4: {  	(v2sf) =	vpush v19, $0x7;
	s4 =	spop (v2sf)  }
0xf5: {  	v63 =	vmul.f32 v57, v60;
	v34 =	vld [tilespmem:s4+$0x0];
	v22 =	vadd.f32 v23, v22  }
0xf6: {  	(v2sf) =	vpush v20, $0x7;
	s5 =	spop (v2sf);
	v58 =	vbroadcast v3, $0x6;
	v59 =	vbroadcast v2, $0x6  }
0xf7: {  	s6 =	sld [smem:$0x7D1];
	v62 =	vbroadcast v1, $0x6;
	v61 =	vld [tilespmem:s5+$0x0];
	v44 =	vadd.f32 v63, v22  }
0xf8: {  	s7 =	sld [smem:$0x7D2];
	v28 =	vmul.f32 v53, v58;
	v26 =	vmul.f32 v55, v59  }
0xf9: {  	[tilespmem:s31+$0xFFFFFEC0] =	vst v44  }
0xfa: {  	s10 =	sld [smem:$0x7D3];
	v39 =	vbroadcast v0, $0x6;
	v37 =	vmul.f32 v34, v62;
	v33 =	vadd.f32 v26, v28;
	v49 =	vld [tilespmem:s6+$0x0]  }
0xfb: {  	(v2sf) =	vpush v17, $0x8;
	v50 =	vld [tilespmem:s7+$0x0]  }
0xfc: {  	s12 =	sld [smem:$0x7D4];
	(v2sf) =	vpush v18, $0x8;
	v48 =	vmul.f32 v61, v39;
	v47 =	vadd.f32 v37, v33  }
0xfd: {  	(v2sf) =	vpush v19, $0x8;
	v55 =	vld [tilespmem:s10+$0x0]  }
0xfe: {  	v52 =	vbroadcast v16, $0xD;
	v54 =	vbroadcast v15, $0xD;
	v28 =	vadd.f32 v48, v47  }
0xff: {  	(v2sf) =	vpush v20, $0x8;
	v39 =	vbroadcast v13, $0xD;
	v58 =	vld [tilespmem:s12+$0x0]  }
0x100: {  	(v2sf) =	vpush v17, $0x9;
	s8 =	spop (v2sf);
	[tilespmem:s31+$0xFFFFFF60] =	vst v28;
	v22 =	vmul.f32 v49, v52;
	v23 =	vmul.f32 v50, v54  }
0x101: {  	(v2sf) =	vpush v18, $0x9;
	s9 =	spop (v2sf);
	v51 =	vld [tilespmem:s8+$0x0]  }
0x102: {  	v62 =	vbroadcast v14, $0xD;
	v61 =	vmul.f32 v55, v39;
	v53 =	vld [tilespmem:s9+$0x0];
	v22 =	vadd.f32 v23, v22  }
0x103: {  	(v2sf) =	vpush v19, $0x9;
	s11 =	spop (v2sf)  }
0x104: {  	(v2sf) =	vpush v20, $0x9;
	v39 =	vmul.f32 v58, v62;
	v57 =	vld [tilespmem:s11+$0x0];
	v22 =	vadd.f32 v61, v22  }
0x105: {  	(v2sf) =	vpush v17, $0xA;
	s13 =	spop (v2sf);
	v56 =	vbroadcast v3, $0x7;
	v37 =	vbroadcast v2, $0x7  }
0x106: {  	s15 =	sld [smem:$0x7D5];
	(v2sf) =	vpush v18, $0xA;
	v60 =	vbroadcast v1, $0x7;
	v59 =	vld [tilespmem:s13+$0x0];
	v45 =	vadd.f32 v39, v22  }
0x107: {  	s19 =	sld [smem:$0x7D6];
	(v2sf) =	vpush v19, $0xA;
	v24 =	vmul.f32 v51, v56;
	v30 =	vmul.f32 v53, v37  }
0x108: {  	(v2sf) =	vpush v20, $0xA;
	[tilespmem:s31+$0xFFFFFED0] =	vst v45  }
0x109: {  	s22 =	sld [smem:$0x7D7];
	v63 =	vmul.f32 v57, v60;
	v37 =	vbroadcast v0, $0x7;
	v24 =	vadd.f32 v30, v24;
	v42 =	vld [tilespmem:s15+$0x0]  }
0x10a: {  	v49 =	vld [tilespmem:s19+$0x0]  }
0x10b: {  	s24 =	sld [smem:$0x7D8];
	v26 =	vmul.f32 v59, v37;
	v24 =	vadd.f32 v63, v24  }
0x10c: {  	(v2sf) =	vpush v17, $0xB;
	v48 =	vbroadcast v16, $0xE;
	v52 =	vld [tilespmem:s22+$0x0]  }
0x10d: {  	s17 =	spop (v2sf);
	(v2sf) =	vpush v18, $0xB;
	v54 =	vbroadcast v15, $0xE;
	v30 =	vadd.f32 v26, v24  }
0x10e: {  	s18 =	spop (v2sf);
	(v2sf) =	vpush v19, $0xB;
	v22 =	vmul.f32 v42, v48;
	v42 =	vld [tilespmem:s24+$0x0]  }
0x10f: {  	s21 =	spop (v2sf);
	(v2sf) =	vpush v20, $0xB;
	v57 =	vbroadcast v13, $0xE;
	[tilespmem:s31+$0xFFFFFF70] =	vst v30;
	v32 =	vmul.f32 v49, v54  }
0x110: {  	s23 =	spop (v2sf);
	(v2sf) =	vpush v17, $0xC;
	v46 =	vld [tilespmem:s17+$0x0]  }
0x111: {  	s25 =	spop (v2sf);
	v60 =	vbroadcast v14, $0xE;
	v26 =	vmul.f32 v52, v57;
	v22 =	vadd.f32 v32, v22  }
0x112: {  	s26 =	spop (v2sf);
	(v2sf) =	vpush v18, $0xC;
	v47 =	vld [tilespmem:s18+$0x0]  }
0x113: {  	s29 =	spop (v2sf);
	v50 =	vbroadcast v3, $0x8;
	v22 =	vadd.f32 v26, v22;
	v62 =	vmul.f32 v42, v60  }
0x114: {  	(v2sf) =	vpush v19, $0xC;
	s2 =	spop (v2sf);
	v51 =	vld [tilespmem:s21+$0x0]  }
0x115: {  	s28 =	sld [smem:$0x7D9];
	s3 =	spop (v2sf);
	v53 =	vbroadcast v2, $0x8;
	v23 =	vmul.f32 v46, v50;
	v46 =	vadd.f32 v62, v22  }
0x116: {  	s1 =	sld [smem:$0x7DA];
	(v2sf) =	vpush v20, $0xC;
	s4 =	spop (v2sf);
	v55 =	vld [tilespmem:s23+$0x0]  }
0x117: {  	(v2sf) =	vpush v17, $0xD;
	s5 =	spop (v2sf);
	v56 =	vbroadcast v1, $0x8;
	v24 =	vmul.f32 v47, v53;
	[tilespmem:s31+$0xFFFFFEE0] =	vst v46  }
0x118: {  	s6 =	spop (v2sf);
	(v2sf) =	vpush v18, $0xD;
	v47 =	vld [tilespmem:s28+$0x0]  }
0x119: {  	v59 =	vbroadcast v0, $0x8;
	v58 =	vmul.f32 v51, v56;
	v23 =	vadd.f32 v24, v23;
	v50 =	vld [tilespmem:s1+$0x0]  }
0x11a: {  	(v2sf) =	vpush v19, $0xD  }
0x11b: {  	(v2sf) =	vpush v20, $0xD;
	v61 =	vmul.f32 v55, v59;
	v23 =	vadd.f32 v58, v23;
	v53 =	vld [tilespmem:s16+$0x0]  }
0x11c: {  	v16 =	vbroadcast v16, $0xF;
	v15 =	vbroadcast v15, $0xF;
	(v2sf) =	vpush v17, $0xE  }
0x11d: {  	(v2sf) =	vpush v18, $0xE;
	v13 =	vbroadcast v13, $0xF;
	v55 =	vld [tilespmem:s14+$0x0];
	v33 =	vadd.f32 v61, v23  }
0x11e: {  	(v2sf) =	vpush v19, $0xE;
	v60 =	vld [tilespmem:s30+$0xFFFFFC20];
	v16 =	vmul.f32 v47, v16;
	v15 =	vmul.f32 v50, v15  }
0x11f: {  	(v2sf) =	vpush v20, $0xE;
	v59 =	vld [tilespmem:s30+$0xFFFFF820];
	[tilespmem:s31+$0xFFFFFF80] =	vst v33  }
0x120: {  	v14 =	vbroadcast v14, $0xF;
	v63 =	vld [tilespmem:s25+$0x0];
	v13 =	vmul.f32 v53, v13;
	v15 =	vadd.f32 v15, v16  }
0x121: {  	s7 =	spop (v2sf);
	(v2sf) =	vpush v17, $0xF;
	v61 =	vld [tilespmem:s30+$0x20]  }
0x122: {  	s8 =	spop (v2sf);
	(v2sf) =	vpush v18, $0xF;
	v62 =	vld [tilespmem:s30+$0x420];
	v14 =	vmul.f32 v55, v14;
	v13 =	vadd.f32 v13, v15  }
0x123: {  	s9 =	spop (v2sf);
	(v2sf) =	vpush v19, $0xF;
	v48 =	vbroadcast v3, $0x9  }
0x124: {  	s10 =	spop (v2sf);
	(v2sf) =	vpush v20, $0xF;
	v47 =	vadd.f32 v14, v13;
	v13 =	vshll.u32 v59, $0x6  }
0x125: {  	s11 =	spop (v2sf);
	v34 =	vshll.u32 v60, $0x6;
	v22 =	vmul.f32 v63, v48;
	v63 =	vshra.s32 v13, $0x2  }
0x126: {  	s12 =	spop (v2sf);
	v18 =	vshra.s32 v34, $0x2;
	v37 =	vshll.u32 v61, $0x6;
	(v2sf) =	vpush v63, $0x0  }
0x127: {  	s13 =	spop (v2sf);
	v39 =	vshll.u32 v62, $0x6;
	v19 =	vshra.s32 v37, $0x2;
	(v2sf) =	vpush v18, $0x0  }
0x128: {  	s14 =	spop (v2sf);
	v20 =	vshra.s32 v39, $0x2;
	(v2sf) =	vpush v19, $0x0  }
0x129: {  	[smem:$0x7DB] =	sst s6;
	s15 =	spop (v2sf);
	(v2sf) =	vpush v20, $0x0  }
0x12a: {  	[smem:$0x7DC] =	sst s7;
	s16 =	spop (v2sf);
	(v2sf) =	vpush v63, $0x1  }
0x12b: {  	[smem:$0x7DD] =	sst s8;
	s17 =	spop (v2sf);
	(v2sf) =	vpush v18, $0x1  }
0x12c: {  	[smem:$0x7DE] =	sst s9;
	s18 =	spop (v2sf);
	(v2sf) =	vpush v19, $0x1  }
0x12d: {  	[smem:$0x7DF] =	sst s10;
	s19 =	spop (v2sf);
	(v2sf) =	vpush v20, $0x1  }
0x12e: {  	[smem:$0x7E3] =	sst s11;
	v42 =	vld [tilespmem:s26+$0x0];
	s21 =	spop (v2sf);
	(v2sf) =	vpush v63, $0x2  }
0x12f: {  	[smem:$0x7E4] =	sst s12;
	s22 =	spop (v2sf);
	(v2sf) =	vpush v18, $0x2  }
0x130: {  	[smem:$0x7E5] =	sst s13;
	v49 =	vld [tilespmem:s29+$0x0];
	s23 =	spop (v2sf);
	(v2sf) =	vpush v19, $0x2  }
0x131: {  	v51 =	vbroadcast v2, $0x9;
	[smem:$0x7E6] =	sst s14;
	s24 =	spop (v2sf);
	(v2sf) =	vpush v20, $0x2  }
0x132: {  	[smem:$0x7EB] =	sst s15;
	v52 =	vld [tilespmem:s2+$0x0];
	s25 =	spop (v2sf);
	(v2sf) =	vpush v63, $0x3  }
0x133: {  	v54 =	vbroadcast v1, $0x9;
	[smem:$0x7EC] =	sst s16;
	v23 =	vmul.f32 v42, v51;
	s26 =	spop (v2sf);
	(v2sf) =	vpush v18, $0x3  }
0x134: {  	v57 =	vbroadcast v0, $0x9;
	[smem:$0x7EF] =	sst s17;
	s28 =	spop (v2sf);
	(v2sf) =	vpush v19, $0x3  }
0x135: {  	v56 =	vmul.f32 v49, v54;
	v22 =	vadd.f32 v23, v22;
	[dreg:$0x13] =	wrdreg s26;
	s26 =	spop (v2sf);
	(v2sf) =	vpush v20, $0x3  }
0x136: {  	[smem:$0x7F2] =	sst s18;
	s29 =	spop (v2sf);
	(v2sf) =	vpush v63, $0x4  }
0x137: {  	[dreg:$0x1e] =	wrdreg s19;
	v58 =	vmul.f32 v52, v57;
	v22 =	vadd.f32 v56, v22;
	s19 =	spop (v2sf);
	(v2sf) =	vpush v18, $0x4  }
0x138: {  	[dreg:$0x1a] =	wrdreg s21;
	s18 =	spop (v2sf);
	(v2sf) =	vpush v19, $0x4  }
0x139: {  	[dreg:$0x18] =	wrdreg s22;
	v32 =	vadd.f32 v58, v22;
	s17 =	spop (v2sf);
	(v2sf) =	vpush v20, $0x4  }
0x13a: {  	[dreg:$0x17] =	wrdreg s23;
	(v2sf) =	vpush v63, $0x5;
	s13 =	spop (v2sf)  }
0x13b: {  	[dreg:$0x12] =	wrdreg s28;
	[tilespmem:s31+$0xFFFFFF90] =	vst v32;
	(v2sf) =	vpush v18, $0x5;
	s28 =	spop (v2sf)  }
0x13c: {  	[dreg:$0x15] =	wrdreg s24;
	v50 =	vld [tilespmem:s3+$0x0];
	(v2sf) =	vpush v19, $0x5;
	s0 =	spop (v2sf)  }
0x13d: {  	[dreg:$0x14] =	wrdreg s25;
	[tilespmem:s31+$0xFFFFFEF0] =	vst v47;
	v49 =	vld [tilespmem:s4+$0x0];
	(v2sf) =	vpush v20, $0x5;
	s4 =	spop (v2sf)  }
0x13e: {  	v48 =	vld [tilespmem:s5+$0x0];
	(v2sf) =	vpush v63, $0x6  }
0x13f: {  	s1 =	spop (v2sf);
	(v2sf) =	vpush v18, $0x6  }
0x140: {  	s2 =	spop (v2sf);
	(v2sf) =	vpush v19, $0x6  }
0x141: {  	s3 =	spop (v2sf);
	(v2sf) =	vpush v20, $0x6  }
0x142: {  	s5 =	spop (v2sf);
	(v2sf) =	vpush v63, $0x7  }
0x143: {  	s6 =	spop (v2sf);
	(v2sf) =	vpush v18, $0x7  }
0x144: {  	s7 =	spop (v2sf);
	(v2sf) =	vpush v19, $0x7  }
0x145: {  	s8 =	spop (v2sf);
	(v2sf) =	vpush v20, $0x7  }
0x146: {  	s9 =	spop (v2sf);
	(v2sf) =	vpush v63, $0x8  }
0x147: {  	s10 =	spop (v2sf);
	(v2sf) =	vpush v18, $0x8  }
0x148: {  	s11 =	spop (v2sf);
	(v2sf) =	vpush v19, $0x8  }
0x149: {  	s12 =	spop (v2sf);
	(v2sf) =	vpush v20, $0x8  }
0x14a: {  	s15 =	spop (v2sf);
	(v2sf) =	vpush v63, $0x9  }
0x14b: {  	s16 =	spop (v2sf);
	(v2sf) =	vpush v18, $0x9  }
0x14c: {  	s14 =	spop (v2sf);
	(v2sf) =	vpush v19, $0x9  }
0x14d: {  	s21 =	spop (v2sf);
	(v2sf) =	vpush v20, $0x9  }
0x14e: {  	s22 =	spop (v2sf);
	(v2sf) =	vpush v63, $0xA  }
0x14f: {  	v14 =	vld [tilespmem:s20+$0xFFFFF820];
	s23 =	spop (v2sf);
	(v2sf) =	vpush v18, $0xA  }
0x150: {  	v15 =	vld [tilespmem:s20+$0xFFFFFC20];
	s24 =	spop (v2sf);
	(v2sf) =	vpush v19, $0xA  }
0x151: {  	v42 =	vld [tilespmem:s26+$0x0];
	s25 =	spop (v2sf);
	(v2sf) =	vpush v20, $0xA  }
0x152: {  	v13 =	vld [tilespmem:s20+$0x20];
	s26 =	spop (v2sf);
	(v2sf) =	vpush v63, $0xB  }
0x153: {  	v51 =	vld [tilespmem:s29+$0x0];
	s29 =	spop (v2sf);
	(v2sf) =	vpush v18, $0xB  }
0x154: {  	v16 =	vld [tilespmem:s20+$0x420];
	[smem:$0x7E0] =	sst s29;
	s29 =	spop (v2sf);
	(v2sf) =	vpush v19, $0xB  }
0x155: {  	v52 =	vld [tilespmem:s19+$0x0];
	[smem:$0x7E1] =	sst s29;
	s29 =	spop (v2sf);
	(v2sf) =	vpush v20, $0xB  }
0x156: {  	v53 =	vbroadcast v14, $0x0;
	v54 =	vbroadcast v15, $0x0;
	[smem:$0x7E2] =	sst s29;
	s29 =	spop (v2sf);
	(v2sf) =	vpush v63, $0xC  }
0x157: {  	v55 =	vld [tilespmem:s18+$0x0];
	v56 =	vbroadcast v13, $0x0;
	[smem:$0x7E7] =	sst s29;
	s29 =	spop (v2sf);
	(v2sf) =	vpush v18, $0xC  }
0x158: {  	v22 =	vmul.f32 v42, v53;
	v23 =	vmul.f32 v51, v54;
	s19 =	spop (v2sf);
	(v2sf) =	vpush v19, $0xC  }
0x159: {  	v58 =	vbroadcast v16, $0x0;
	[smem:$0x7E8] =	sst s29;
	s29 =	spop (v2sf);
	(v2sf) =	vpush v20, $0xC  }
0x15a: {  	v57 =	vmul.f32 v52, v56;
	v22 =	vadd.f32 v23, v22;
	[smem:$0x7E9] =	sst s19;
	s19 =	spop (v2sf);
	(v2sf) =	vpush v63, $0xD  }
0x15b: {  	[smem:$0x7EA] =	sst s29;
	s29 =	spop (v2sf);
	(v2sf) =	vpush v18, $0xD  }
0x15c: {  	v59 =	vmul.f32 v55, v58;
	v22 =	vadd.f32 v57, v22;
	[smem:$0x7ED] =	sst s19;
	s19 =	spop (v2sf);
	(v2sf) =	vpush v19, $0xD  }
0x15d: {  	[smem:$0x7EE] =	sst s29;
	s29 =	spop (v2sf);
	(v2sf) =	vpush v20, $0xD  }
0x15e: {  	v60 =	vld [tilespmem:s30+$0xFFFFF830];
	v37 =	vadd.f32 v59, v22;
	[smem:$0x7F0] =	sst s19;
	s19 =	spop (v2sf);
	(v2sf) =	vpush v63, $0xE  }
0x15f: {  	v62 =	vld [tilespmem:s30+$0xFFFFFC30];
	[smem:$0x7F1] =	sst s29;
	s29 =	spop (v2sf);
	(v2sf) =	vpush v18, $0xE  }
0x160: {  	[tilespmem:s31+$0x0] =	vst v37;
	[smem:$0x7F3] =	sst s19;
	s19 =	spop (v2sf);
	(v2sf) =	vpush v19, $0xE  }
0x161: {  	v61 =	vld [tilespmem:s17+$0x0];
	[smem:$0x7F4] =	sst s29;
	s29 =	spop (v2sf);
	(v2sf) =	vpush v20, $0xE  }
0x162: {  	[smem:$0x7F5] =	sst s19;
	s19 =	spop (v2sf);
	(v2sf) =	vpush v63, $0xF;
	v63 =	vld [tilespmem:s13+$0x0]  }
0x163: {  	v42 =	vld [tilespmem:s30+$0x30];
	[smem:$0x7F6] =	sst s29;
	s29 =	spop (v2sf)  }
0x164: {  	v17 =	vshll.u32 v62, $0x6;
	v51 =	vshll.u32 v60, $0x6;
	v55 =	vld [tilespmem:s30+$0x430];
	(v2sf) =	vpush v18, $0xF;
	s17 =	spop (v2sf)  }
0x165: {  	v53 =	vbroadcast v14, $0x1;
	v54 =	vbroadcast v15, $0x1;
	v52 =	vld [tilespmem:s28+$0x0];
	(v2sf) =	vpush v19, $0xF;
	s18 =	spop (v2sf)  }
0x166: {  	v23 =	vshra.s32 v17, $0x2;
	v22 =	vshra.s32 v51, $0x2;
	[smem:$0x7F7] =	sst s19;
	(v2sf) =	vpush v20, $0xF;
	s19 =	spop (v2sf)  }
0x167: {  	v56 =	vld [tilespmem:s0+$0x0];
	v20 =	vmul.f32 v61, v53;
	(v2sf) =	vpush v22, $0x0;
	s28 =	spop (v2sf);
	v24 =	vmul.f32 v63, v54  }
0x168: {  	v57 =	vbroadcast v13, $0x1;
	v18 =	vshll.u32 v42, $0x6;
	[smem:$0x7F8] =	sst s29;
	(v2sf) =	vpush v23, $0x0;
	s29 =	spop (v2sf)  }
0x169: {  	v58 =	vbroadcast v16, $0x1;
	s13 =	spop (v2sf);
	v20 =	vadd.f32 v24, v20;
	v24 =	vshra.s32 v18, $0x2  }
0x16a: {  	v59 =	vshll.u32 v55, $0x6;
	v17 =	vmul.f32 v52, v57;
	[smem:$0x7F9] =	sst s17;
	s17 =	spop (v2sf);
	(v2sf) =	vpush v24, $0x0  }
0x16b: {  	v26 =	vshra.s32 v59, $0x2;
	[smem:$0x7FA] =	sst s18;
	s18 =	spop (v2sf)  }
0x16c: {  	[smem:$0x7FB] =	sst s19;
	v18 =	vmul.f32 v56, v58;
	v17 =	vadd.f32 v17, v20;
	(v2sf) =	vpush v26, $0x0;
	s19 =	spop (v2sf)  }
0x16d: {  	[smem:$0x7FC] =	sst s28;
	s28 =	spop (v2sf)  }
0x16e: {  	[smem:$0x7FD] =	sst s29;
	v39 =	vadd.f32 v18, v17;
	s29 =	spop (v2sf)  }
0x16f: {  	[dreg:$0x19] =	wrdreg s28;
	s28 =	spop (v2sf)  }
0x170: {  	v19 =	vld [tilespmem:s20+$0x30];
	[dreg:$0x1b] =	wrdreg s19;
	[tilespmem:s31+$0x10] =	vst v39;
	s19 =	spop (v2sf)  }
0x171: {  	[dreg:$0x1c] =	wrdreg s18;
	v60 =	vld [tilespmem:s4+$0x0];
	s18 =	spop (v2sf)  }
0x172: {  	[dreg:$0x1d] =	wrdreg s17;
	v61 =	vld [tilespmem:s1+$0x0];
	s17 =	spop (v2sf)  }
0x173: {  	[dreg:$0x1f] =	wrdreg s13;
	v17 =	vld [tilespmem:s20+$0xFFFFF830];
	s13 =	spop (v2sf)  }
0x174: {  	v18 =	vld [tilespmem:s20+$0xFFFFFC30];
	s4 =	spop (v2sf)  }
0x175: {  	v52 =	vbroadcast v14, $0x2;
	v53 =	vbroadcast v15, $0x2;
	v62 =	vld [tilespmem:s2+$0x0];
	s1 =	spop (v2sf)  }
0x176: {  	v63 =	vld [tilespmem:s3+$0x0];
	(v2sf) =	vpush v22, $0x1;
	s3 =	spop (v2sf)  }
0x177: {  	[dreg:$0x16] =	wrdreg s29;
	(v2sf) =	vpush v23, $0x1;
	v52 =	vmul.f32 v60, v52;
	v20 =	vmul.f32 v61, v53;
	v51 =	vld [tilespmem:s3+$0x0];
	s29 =	spop (v2sf)  }
0x178: {  	v55 =	vbroadcast v13, $0x2;
	v54 =	vld [tilespmem:s29+$0x0]  }
0x179: {  	(v2sf) =	vpush v24, $0x1;
	v52 =	vadd.f32 v20, v52;
	v20 =	vld [tilespmem:s20+$0x430];
	s2 =	spop (v2sf)  }
0x17a: {  	v34 =	vmul.f32 v62, v55;
	v60 =	vbroadcast v16, $0x2;
	v53 =	vld [tilespmem:s2+$0x0]  }
0x17b: {  	v56 =	vbroadcast v17, $0x0;
	v57 =	vbroadcast v18, $0x0;
	(v2sf) =	vpush v26, $0x1;
	s3 =	spop (v2sf)  }
0x17c: {  	v62 =	vbroadcast v19, $0x0;
	v42 =	vmul.f32 v63, v60;
	v34 =	vadd.f32 v34, v52;
	v58 =	vld [tilespmem:s3+$0x0]  }
0x17d: {  	v51 =	vmul.f32 v51, v56;
	v61 =	vmul.f32 v54, v57  }
0x17e: {  	v42 =	vadd.f32 v42, v34  }
0x17f: {  	v57 =	vbroadcast v20, $0x0;
	v63 =	vadd.f32 v61, v51;
	v56 =	vmul.f32 v53, v62  }
0x180: {  	[tilespmem:s31+$0x20] =	vst v42  }
0x181: {  	v60 =	vld [tilespmem:s6+$0x0];
	v59 =	vmul.f32 v58, v57;
	v34 =	vadd.f32 v56, v63  }
0x182: {  	v53 =	vld [tilespmem:s5+$0x0]  }
0x183: {  	v34 =	vadd.f32 v59, v34  }
0x184: {  	v51 =	vld [tilespmem:s7+$0x0];
	v62 =	vbroadcast v15, $0x3  }
0x185: {  	v5 =	vadd.f32 v6, v5;
	(v2sf) =	vpush v22, $0x2;
	v55 =	vld [tilespmem:s8+$0x0];
	v61 =	vbroadcast v14, $0x3;
	s5 =	spop (v2sf);
	[tilespmem:s31+$0x100] =	vst v34  }
0x186: {  	(v2sf) =	vpush v23, $0x2;
	s6 =	spop (v2sf);
	v63 =	vmul.f32 v6, v6;
	v6 =	vmul.f32 v60, v62;
	v57 =	vld [tilespmem:s5+$0x0]  }
0x187: {  	(v2sf) =	vpush v24, $0x2;
	v60 =	vbroadcast v13, $0x3;
	v53 =	vmul.f32 v53, v61;
	v54 =	vld [tilespmem:s6+$0x0]  }
0x188: {  	s7 =	spop (v2sf);
	(v2sf) =	vpush v26, $0x2;
	v62 =	vbroadcast v17, $0x1  }
0x189: {  	v61 =	vbroadcast v16, $0x3;
	v51 =	vmul.f32 v51, v60;
	v58 =	vld [tilespmem:s7+$0x0];
	v6 =	vadd.f32 v6, v53  }
0x18a: {  	s8 =	spop (v2sf);
	v4 =	vadd.f32 v63, v4;
	v63 =	vbroadcast v18, $0x1;
	v60 =	vmul.f32 v8, v8  }
0x18b: {  	v53 =	vmul.f32 v55, v61;
	v56 =	vld [tilespmem:s8+$0x0];
	v61 =	vbroadcast v19, $0x1;
	v6 =	vadd.f32 v51, v6  }
0x18c: {  	v5 =	vadd.f32 v8, v5;
	v59 =	vmul.f32 v57, v62;
	v54 =	vmul.f32 v54, v63  }
0x18d: {  	v4 =	vadd.f32 v60, v4;
	v8 =	vadd.f32 v53, v6;
	v62 =	vmul.f32 v11, v11  }
0x18e: {  	v63 =	vmul.f32 v58, v61;
	v57 =	vbroadcast v20, $0x1;
	v6 =	vadd.f32 v54, v59  }
0x18f: {  	v5 =	vadd.f32 v11, v5;
	v58 =	vmul.f32 v21, v21;
	[tilespmem:s31+$0x30] =	vst v8  }
0x190: {  	v4 =	vadd.f32 v62, v4;
	v52 =	vld [tilespmem:s9+$0x0];
	v59 =	vmul.f32 v56, v57;
	v6 =	vadd.f32 v63, v6  }
0x191: {  	v5 =	vadd.f32 v21, v5;
	v53 =	vld [tilespmem:s10+$0x0]  }
0x192: {  	v60 =	vmul.f32 v29, v29;
	v11 =	vadd.f32 v58, v4;
	v4 =	vadd.f32 v59, v6  }
0x193: {  	v5 =	vadd.f32 v29, v5;
	(v2sf) =	vpush v22, $0x3;
	v54 =	vld [tilespmem:s11+$0x0]  }
0x194: {  	v61 =	vbroadcast v14, $0x4;
	v62 =	vbroadcast v15, $0x4;
	v6 =	vadd.f32 v60, v11;
	v11 =	vld [tilespmem:s12+$0x0];
	s12 =	spop (v2sf);
	[tilespmem:s31+$0x110] =	vst v4  }
0x195: {  	v60 =	vbroadcast v13, $0x4;
	(v2sf) =	vpush v23, $0x3;
	s29 =	spop (v2sf);
	v51 =	vld [tilespmem:s12+$0x0]  }
0x196: {  	v5 =	vadd.f32 v31, v5;
	v21 =	vmul.f32 v52, v61;
	v29 =	vmul.f32 v53, v62;
	v57 =	vld [tilespmem:s29+$0x0]  }
0x197: {  	v63 =	vmul.f32 v31, v31;
	(v2sf) =	vpush v24, $0x3;
	v61 =	vbroadcast v16, $0x4;
	s2 =	spop (v2sf)  }
0x198: {  	v62 =	vbroadcast v17, $0x2;
	v31 =	vmul.f32 v54, v60;
	v52 =	vld [tilespmem:s2+$0x0];
	v21 =	vadd.f32 v29, v21  }
0x199: {  	v6 =	vadd.f32 v63, v6;
	v63 =	vbroadcast v18, $0x2;
	(v2sf) =	vpush v26, $0x3;
	s3 =	spop (v2sf)  }
0x19a: {  	v60 =	vld [tilespmem:s3+$0x0];
	v21 =	vadd.f32 v31, v21;
	v11 =	vmul.f32 v11, v61;
	v61 =	vmul.f32 v51, v62  }
0x19b: {  	v62 =	vmul.f32 v57, v63;
	v63 =	vbroadcast v19, $0x2  }
0x19c: {  	v5 =	vadd.f32 v35, v5;
	v54 =	vmul.f32 v35, v35;
	v21 =	vadd.f32 v11, v21  }
0x19d: {  	v58 =	vbroadcast v20, $0x2;
	v55 =	vadd.f32 v62, v61;
	v57 =	vmul.f32 v52, v63  }
0x19e: {  	v5 =	vadd.f32 v36, v5;
	v6 =	vadd.f32 v54, v6;
	v54 =	vmul.f32 v36, v36;
	[tilespmem:s31+$0x40] =	vst v21  }
0x19f: {  	v60 =	vmul.f32 v60, v58;
	v35 =	vld [tilespmem:s15+$0x0];
	v11 =	vadd.f32 v57, v55  }
0x1a0: {  	v59 =	vmul.f32 v38, v38;
	v38 =	vadd.f32 v38, v5;
	v6 =	vadd.f32 v54, v6;
	v31 =	vld [tilespmem:s16+$0x0]  }
0x1a1: {  	v29 =	vmul.f32 v40, v40;
	(v2sf) =	vpush v22, $0x4;
	v5 =	vadd.f32 v60, v11  }
0x1a2: {  	v36 =	vmul.f32 v41, v41;
	v6 =	vadd.f32 v59, v6;
	v59 =	vbroadcast v18, $0x3;
	v51 =	vld [tilespmem:s14+$0x0]  }
0x1a3: {  	s5 =	spop (v2sf);
	v61 =	vbroadcast v14, $0x5;
	v62 =	vbroadcast v15, $0x5;
	v11 =	vadd.f32 v40, v38;
	v38 =	vld [tilespmem:s21+$0x0];
	[tilespmem:s31+$0x120] =	vst v5  }
0x1a4: {  	(v2sf) =	vpush v23, $0x4;
	v63 =	vbroadcast v3, $0xA;
	v60 =	vbroadcast v13, $0x5;
	s6 =	spop (v2sf);
	v53 =	vld [tilespmem:s5+$0x0]  }
0x1a5: {  	v61 =	vmul.f32 v35, v61;
	v31 =	vmul.f32 v31, v62;
	v56 =	vld [tilespmem:s6+$0x0]  }
0x1a6: {  	v6 =	vadd.f32 v29, v6;
	v35 =	vmul.f32 v50, v63;
	(v2sf) =	vpush v24, $0x4;
	s7 =	spop (v2sf)  }
0x1a7: {  	v63 =	vbroadcast v16, $0x5;
	v62 =	vmul.f32 v51, v60;
	v50 =	vld [tilespmem:s7+$0x0];
	v29 =	vadd.f32 v31, v61  }
0x1a8: {  	s9 =	sld [smem:$0x7DB];
	v58 =	vbroadcast v2, $0xA;
	v57 =	vbroadcast v17, $0x3;
	(v2sf) =	vpush v26, $0x4;
	s8 =	spop (v2sf)  }
0x1a9: {  	v55 =	vld [tilespmem:s8+$0x0];
	v29 =	vadd.f32 v62, v29;
	v31 =	vmul.f32 v38, v63;
	v62 =	vbroadcast v19, $0x3  }
0x1aa: {  	v60 =	vmul.f32 v53, v57;
	v61 =	vmul.f32 v56, v59  }
0x1ab: {  	v49 =	vmul.f32 v49, v58;
	v40 =	vld [tilespmem:s9+$0x0];
	v63 =	vbroadcast v1, $0xA;
	v29 =	vadd.f32 v31, v29  }
0x1ac: {  	v56 =	vmul.f32 v50, v62;
	v57 =	vbroadcast v20, $0x3;
	v54 =	vadd.f32 v61, v60  }
0x1ad: {  	v58 =	vbroadcast v0, $0xA;
	v36 =	vadd.f32 v36, v6;
	v35 =	vadd.f32 v49, v35;
	[tilespmem:s31+$0x50] =	vst v29  }
0x1ae: {  	v48 =	vmul.f32 v48, v63;
	v59 =	vld [tilespmem:s22+$0x0];
	v60 =	vmul.f32 v55, v57;
	v6 =	vadd.f32 v56, v54  }
0x1af: {  	v11 =	vadd.f32 v41, v11;
	(v2sf) =	vpush v22, $0x5;
	v61 =	vld [tilespmem:s23+$0x0]  }
0x1b0: {  	v40 =	vmul.f32 v40, v58;
	v35 =	vadd.f32 v48, v35;
	v6 =	vadd.f32 v60, v6  }
0x1b1: {  	v11 =	vadd.f32 v43, v11;
	s10 =	spop (v2sf);
	(v2sf) =	vpush v23, $0x5;
	v62 =	vmul.f32 v43, v43;
	v63 =	vld [tilespmem:s24+$0x0]  }
0x1b2: {  	s12 =	sld [smem:$0x7DC];
	v57 =	vbroadcast v15, $0x6;
	v38 =	vadd.f32 v40, v35;
	v35 =	vld [tilespmem:s25+$0x0];
	v56 =	vbroadcast v14, $0x6;
	[tilespmem:s31+$0x130] =	vst v6  }
0x1b3: {  	v58 =	vbroadcast v13, $0x6;
	s11 =	spop (v2sf);
	v55 =	vmul.f32 v44, v44;
	v54 =	vadd.f32 v62, v36;
	v49 =	vld [tilespmem:s10+$0x0]  }
0x1b4: {  	s15 =	sld [smem:$0x7DD];
	(v2sf) =	vpush v24, $0x5;
	[tilespmem:s31+$0xFFFFFFA0] =	vst v38;
	v59 =	vmul.f32 v59, v56;
	v60 =	vmul.f32 v61, v57;
	v51 =	vld [tilespmem:s11+$0x0]  }
0x1b5: {  	v11 =	vadd.f32 v44, v11;
	v62 =	vbroadcast v17, $0x4;
	v36 =	vadd.f32 v55, v54;
	v41 =	vld [tilespmem:s12+$0x0];
	s14 =	spop (v2sf)  }
0x1b6: {  	v44 =	vmul.f32 v63, v58;
	v61 =	vbroadcast v16, $0x6;
	v48 =	vld [tilespmem:s14+$0x0];
	v31 =	vadd.f32 v60, v59  }
0x1b7: {  	s21 =	sld [smem:$0x7DE];
	v52 =	vld [tilespmem:s15+$0x0];
	v63 =	vbroadcast v3, $0xB;
	v57 =	vbroadcast v18, $0x4;
	(v2sf) =	vpush v26, $0x5;
	s16 =	spop (v2sf)  }
0x1b8: {  	v35 =	vmul.f32 v35, v61;
	v60 =	vbroadcast v19, $0x4;
	v55 =	vld [tilespmem:s16+$0x0];
	v31 =	vadd.f32 v44, v31  }
0x1b9: {  	s22 =	sld [smem:$0x7DF];
	v58 =	vmul.f32 v49, v62;
	v59 =	vmul.f32 v51, v57  }
0x1ba: {  	v61 =	vbroadcast v2, $0xB;
	v44 =	vld [tilespmem:s21+$0x0];
	v41 =	vmul.f32 v41, v63;
	v31 =	vadd.f32 v35, v31  }
0x1bb: {  	s23 =	sld [smem:$0x7E0];
	v63 =	vbroadcast v20, $0x4;
	v62 =	vmul.f32 v48, v60;
	v40 =	vadd.f32 v59, v58  }
0x1bc: {  	v43 =	vmul.f32 v45, v45;
	v11 =	vadd.f32 v45, v11;
	v54 =	vmul.f32 v52, v61;
	v35 =	vld [tilespmem:s22+$0x0];
	[tilespmem:s31+$0x60] =	vst v31  }
0x1bd: {  	s24 =	sld [smem:$0x7E1];
	v56 =	vbroadcast v1, $0xB;
	v50 =	vld [tilespmem:s26+$0x0];
	v58 =	vmul.f32 v55, v63;
	v40 =	vadd.f32 v62, v40  }
0x1be: {  	s25 =	sld [smem:$0x7E2];
	v41 =	vadd.f32 v54, v41;
	v57 =	vmul.f32 v46, v46;
	v60 =	vbroadcast v0, $0xB;
	v48 =	vld [tilespmem:s23+$0x0]  }
0x1bf: {  	v46 =	vadd.f32 v46, v11;
	v59 =	vmul.f32 v44, v56;
	v11 =	vadd.f32 v58, v40  }
0x1c0: {  	v36 =	vadd.f32 v43, v36;
	(v2sf) =	vpush v22, $0x6;
	v49 =	vld [tilespmem:s24+$0x0];
	v63 =	vbroadcast v15, $0x7  }
0x1c1: {  	s26 =	spop (v2sf);
	v61 =	vadd.f32 v59, v41;
	v35 =	vmul.f32 v35, v60;
	v41 =	vld [tilespmem:s25+$0x0];
	v62 =	vbroadcast v14, $0x7;
	[tilespmem:s31+$0x140] =	vst v11  }
0x1c2: {  	v36 =	vadd.f32 v57, v36;
	v57 =	vbroadcast v13, $0x7;
	(v2sf) =	vpush v23, $0x6;
	s29 =	spop (v2sf);
	v56 =	vld [tilespmem:s26+$0x0]  }
0x1c3: {  	s3 =	sld [smem:$0x7E3];
	v40 =	vadd.f32 v35, v61;
	v58 =	vmul.f32 v50, v62;
	v59 =	vmul.f32 v48, v63;
	v52 =	vld [tilespmem:s29+$0x0]  }
0x1c4: {  	v54 =	vbroadcast v17, $0x5;
	v46 =	vadd.f32 v47, v46;
	(v2sf) =	vpush v24, $0x6;
	s2 =	spop (v2sf)  }
0x1c5: {  	s6 =	sld [smem:$0x7E4];
	v61 =	vmul.f32 v49, v57;
	v63 =	vbroadcast v16, $0x7;
	[tilespmem:s31+$0xFFFFFFB0] =	vst v40;
	v62 =	vld [tilespmem:s2+$0x0];
	v35 =	vadd.f32 v59, v58  }
0x1c6: {  	v55 =	vbroadcast v18, $0x5;
	v60 =	vmul.f32 v47, v47;
	(v2sf) =	vpush v26, $0x6;
	v50 =	vld [tilespmem:s3+$0x0];
	s5 =	spop (v2sf)  }
0x1c7: {  	s8 =	sld [smem:$0x7E6];
	v41 =	vmul.f32 v41, v63;
	v58 =	vbroadcast v19, $0x5;
	v51 =	vld [tilespmem:s5+$0x0];
	v35 =	vadd.f32 v61, v35  }
0x1c8: {  	s7 =	sld [smem:$0x7E5];
	v46 =	vadd.f32 v7, v46;
	v57 =	vld [tilespmem:s6+$0x0];
	v56 =	vmul.f32 v56, v54;
	v44 =	vmul.f32 v52, v55  }
0x1c9: {  	s9 =	sld [smem:$0x7E7];
	v7 =	vmul.f32 v7, v7;
	v36 =	vadd.f32 v60, v36;
	v35 =	vadd.f32 v41, v35  }
0x1ca: {  	s10 =	sld [smem:$0x7E8];
	v48 =	vld [tilespmem:s8+$0x0];
	v61 =	vbroadcast v20, $0x5;
	v60 =	vmul.f32 v62, v58;
	v43 =	vadd.f32 v44, v56  }
0x1cb: {  	s11 =	sld [smem:$0x7E9];
	v7 =	vadd.f32 v7, v36;
	v59 =	vbroadcast v3, $0xC;
	v63 =	vbroadcast v2, $0xC;
	v41 =	vld [tilespmem:s7+$0x0];
	[tilespmem:s31+$0x70] =	vst v35  }
0x1cc: {  	v62 =	vmul.f32 v9, v9;
	v53 =	vld [tilespmem:s9+$0x0];
	v56 =	vmul.f32 v51, v61;
	v43 =	vadd.f32 v60, v43  }
0x1cd: {  	s12 =	sld [smem:$0x7EA];
	(v2sf) =	vpush v22, $0x7;
	v49 =	vmul.f32 v50, v59;
	v45 =	vmul.f32 v57, v63;
	v47 =	vld [tilespmem:s10+$0x0]  }
0x1ce: {  	v57 =	vbroadcast v1, $0xC;
	v58 =	vld [tilespmem:s11+$0x0];
	v36 =	vadd.f32 v62, v7;
	v7 =	vadd.f32 v56, v43  }
0x1cf: {  	s14 =	spop (v2sf);
	(v2sf) =	vpush v23, $0x7;
	v63 =	vbroadcast v13, $0x8;
	v62 =	vbroadcast v0, $0xC  }
0x1d0: {  	v59 =	vadd.f32 v45, v49;
	v45 =	vld [tilespmem:s12+$0x0];
	v61 =	vbroadcast v15, $0x8;
	v60 =	vbroadcast v14, $0x8;
	[tilespmem:s31+$0x150] =	vst v7  }
0x1d1: {  	v9 =	vadd.f32 v9, v46;
	s15 =	spop (v2sf);
	v41 =	vmul.f32 v41, v57;
	v57 =	vmul.f32 v48, v62;
	v51 =	vld [tilespmem:s14+$0x0]  }
0x1d2: {  	(v2sf) =	vpush v24, $0x7;
	v53 =	vmul.f32 v53, v60;
	v56 =	vmul.f32 v47, v61;
	v55 =	vld [tilespmem:s15+$0x0]  }
0x1d3: {  	s16 =	spop (v2sf);
	v62 =	vbroadcast v18, $0x6;
	v41 =	vadd.f32 v41, v59;
	v58 =	vmul.f32 v58, v63  }
0x1d4: {  	v60 =	vbroadcast v16, $0x8;
	v61 =	vbroadcast v17, $0x6;
	v59 =	vld [tilespmem:s16+$0x0];
	v44 =	vadd.f32 v56, v53  }
0x1d5: {  	s22 =	sld [smem:$0x7EB];
	(v2sf) =	vpush v26, $0x7;
	s21 =	spop (v2sf);
	v43 =	vmul.f32 v10, v10;
	v41 =	vadd.f32 v57, v41  }
0x1d6: {  	s23 =	sld [smem:$0x7EC];
	v63 =	vld [tilespmem:s21+$0x0];
	v45 =	vmul.f32 v45, v60;
	v44 =	vadd.f32 v58, v44;
	v53 =	vmul.f32 v51, v61  }
0x1d7: {  	s26 =	sld [smem:$0x7EF];
	v9 =	vadd.f32 v10, v9;
	[tilespmem:s31+$0xFFFFFFC0] =	vst v41;
	v54 =	vmul.f32 v55, v62;
	v55 =	vbroadcast v19, $0x6  }
0x1d8: {  	s24 =	sld [smem:$0x7ED];
	v43 =	vadd.f32 v43, v36;
	v57 =	vld [tilespmem:s22+$0x0];
	v36 =	vadd.f32 v45, v44  }
0x1d9: {  	s25 =	sld [smem:$0x7EE];
	v60 =	vld [tilespmem:s23+$0x0];
	v10 =	vadd.f32 v54, v53;
	v58 =	vmul.f32 v59, v55;
	v59 =	vbroadcast v20, $0x6  }
0x1da: {  	s6 =	sld [smem:$0x7F2];
	v9 =	vadd.f32 v12, v9;
	(v2sf) =	vpush v22, $0x8;
	v56 =	vmul.f32 v12, v12;
	v50 =	vld [tilespmem:s26+$0x0];
	[tilespmem:s31+$0x80] =	vst v36  }
0x1db: {  	s2 =	sld [smem:$0x7F1];
	v62 =	vbroadcast v3, $0xD;
	v12 =	vld [tilespmem:s24+$0x0];
	v10 =	vadd.f32 v58, v10;
	v61 =	vmul.f32 v63, v59  }
0x1dc: {  	s29 =	sld [smem:$0x7F0];
	v48 =	vadd.f32 v27, v9;
	v27 =	vmul.f32 v27, v27;
	v43 =	vadd.f32 v56, v43;
	v46 =	vld [tilespmem:s25+$0x0]  }
0x1dd: {  	v49 =	vld [tilespmem:s6+$0x0];
	v56 =	vmul.f32 v57, v62;
	v63 =	vbroadcast v2, $0xD;
	v9 =	vadd.f32 v61, v10  }
0x1de: {  	v48 =	vadd.f32 v25, v48;
	v57 =	vbroadcast v14, $0x9;
	v62 =	vbroadcast v13, $0x9;
	v58 =	vld [tilespmem:s2+$0x0]  }
0x1df: {  	s3 =	spop (v2sf);
	(v2sf) =	vpush v23, $0x8;
	v59 =	vbroadcast v15, $0x9;
	v10 =	vld [tilespmem:s29+$0x0];
	v47 =	vmul.f32 v60, v63;
	[tilespmem:s31+$0x160] =	vst v9  }
0x1e0: {  	s5 =	spop (v2sf);
	(v2sf) =	vpush v24, $0x8;
	v61 =	vbroadcast v1, $0xD;
	v63 =	vbroadcast v16, $0x9;
	v60 =	vld [tilespmem:s3+$0x0]  }
0x1e1: {  	v27 =	vadd.f32 v27, v43;
	v12 =	vmul.f32 v12, v57;
	v46 =	vmul.f32 v46, v59;
	v44 =	vld [tilespmem:s5+$0x0]  }
0x1e2: {  	s7 =	spop (v2sf);
	(v2sf) =	vpush v26, $0x8;
	v57 =	vbroadcast v17, $0x7;
	v50 =	vmul.f32 v50, v61  }
0x1e3: {  	v43 =	vadd.f32 v47, v56;
	v61 =	vbroadcast v0, $0xD;
	v54 =	vld [tilespmem:s7+$0x0];
	v45 =	vmul.f32 v58, v63  }
0x1e4: {  	s8 =	spop (v2sf);
	v12 =	vadd.f32 v46, v12;
	v58 =	vbroadcast v18, $0x7;
	v10 =	vmul.f32 v10, v62  }
0x1e5: {  	v59 =	vld [tilespmem:s8+$0x0];
	v43 =	vadd.f32 v50, v43;
	v46 =	vmul.f32 v49, v61;
	v62 =	vbroadcast v19, $0x7  }
0x1e6: {  	v10 =	vadd.f32 v10, v12;
	v60 =	vmul.f32 v60, v57;
	v44 =	vmul.f32 v44, v58  }
0x1e7: {  	s9 =	sld [smem:$0x7F3];
	v51 =	vmul.f32 v25, v25;
	v50 =	vbroadcast v20, $0x7;
	v43 =	vadd.f32 v46, v43  }
0x1e8: {  	s10 =	sld [smem:$0x7F4];
	v49 =	vmul.f32 v54, v62;
	v25 =	vadd.f32 v45, v10;
	v63 =	vadd.f32 v44, v60  }
0x1e9: {  	s11 =	rddreg [dreg:$0x1e];
	[tilespmem:s31+$0xFFFFFFD0] =	vst v43  }
0x1ea: {  	s12 =	sld [smem:$0x7F5];
	v55 =	vmul.f32 v59, v50;
	v58 =	vld [tilespmem:s11+$0x0];
	[tilespmem:s31+$0x90] =	vst v25;
	v10 =	vadd.f32 v49, v63  }
0x1eb: {  	v52 =	vmul.f32 v28, v28;
	s14 =	sld [smem:$0x7F6];
	v28 =	vadd.f32 v28, v48;
	v27 =	vadd.f32 v51, v27;
	v54 =	vld [tilespmem:s9+$0x0]  }
0x1ec: {  	v56 =	vld [tilespmem:s10+$0x0];
	v10 =	vadd.f32 v55, v10  }
0x1ed: {  	v48 =	vmul.f32 v33, v33;
	v28 =	vadd.f32 v30, v28;
	v27 =	vadd.f32 v52, v27;
	v12 =	vld [tilespmem:s12+$0x0]  }
0x1ee: {  	(v2sf) =	vpush v22, $0x9;
	s15 =	spop (v2sf);
	v61 =	vbroadcast v3, $0xE;
	v57 =	vmul.f32 v30, v30;
	v45 =	vld [tilespmem:s14+$0x0];
	[tilespmem:s31+$0x170] =	vst v10  }
0x1ef: {  	(v2sf) =	vpush v23, $0x9;
	s16 =	spop (v2sf);
	v59 =	vbroadcast v14, $0xA;
	v60 =	vbroadcast v15, $0xA;
	v50 =	vld [tilespmem:s15+$0x0]  }
0x1f0: {  	s21 =	rddreg [dreg:$0x1a];
	v27 =	vadd.f32 v57, v27;
	v57 =	vbroadcast v16, $0xA;
	v63 =	vbroadcast v13, $0xA;
	v46 =	vld [tilespmem:s16+$0x0]  }
0x1f1: {  	(v2sf) =	vpush v24, $0x9;
	s22 =	spop (v2sf);
	v47 =	vmul.f32 v58, v61;
	v62 =	vmul.f32 v56, v60;
	v56 =	vld [tilespmem:s21+$0x0]  }
0x1f2: {  	(v2sf) =	vpush v26, $0x9;
	v55 =	vbroadcast v1, $0xE;
	v30 =	vmul.f32 v54, v59;
	v58 =	vld [tilespmem:s22+$0x0]  }
0x1f3: {  	s23 =	rddreg [dreg:$0x18];
	v12 =	vmul.f32 v12, v63;
	v59 =	vbroadcast v17, $0x8  }
0x1f4: {  	v44 =	vld [tilespmem:s23+$0x0];
	s24 =	spop (v2sf);
	v45 =	vmul.f32 v45, v57;
	v60 =	vbroadcast v18, $0x8;
	v30 =	vadd.f32 v62, v30  }
0x1f5: {  	v28 =	vadd.f32 v33, v28;
	v53 =	vld [tilespmem:s24+$0x0];
	v63 =	vbroadcast v19, $0x8;
	v62 =	vbroadcast v2, $0xE  }
0x1f6: {  	s25 =	rddreg [dreg:$0x17];
	v12 =	vadd.f32 v12, v30;
	v61 =	vmul.f32 v50, v59;
	v46 =	vmul.f32 v46, v60  }
0x1f7: {  	v48 =	vadd.f32 v48, v27;
	v54 =	vld [tilespmem:s25+$0x0];
	v33 =	vmul.f32 v56, v62;
	v57 =	vmul.f32 v58, v63  }
0x1f8: {  	s26 =	sld [smem:$0x7F7];
	v58 =	vbroadcast v20, $0x8;
	v27 =	vadd.f32 v45, v12;
	v56 =	vadd.f32 v46, v61  }
0x1f9: {  	s29 =	sld [smem:$0x7F8];
	v44 =	vmul.f32 v44, v55;
	v33 =	vadd.f32 v33, v47  }
0x1fa: {  	s2 =	sld [smem:$0x7F9];
	v61 =	vbroadcast v0, $0xE;
	v62 =	vmul.f32 v53, v58;
	[tilespmem:s31+$0xA0] =	vst v27;
	v12 =	vadd.f32 v57, v56  }
0x1fb: {  	v28 =	vadd.f32 v32, v28;
	s3 =	sld [smem:$0x7FA];
	(v2sf) =	vpush v22, $0xA;
	v60 =	vld [tilespmem:s26+$0x0]  }
0x1fc: {  	v63 =	vld [tilespmem:s29+$0x0];
	v33 =	vadd.f32 v44, v33;
	v53 =	vmul.f32 v54, v61;
	v12 =	vadd.f32 v62, v12  }
0x1fd: {  	v28 =	vadd.f32 v38, v28;
	s5 =	spop (v2sf);
	(v2sf) =	vpush v23, $0xA;
	v59 =	vmul.f32 v32, v32;
	v54 =	vld [tilespmem:s2+$0x0]  }
0x1fe: {  	s6 =	spop (v2sf);
	(v2sf) =	vpush v24, $0xA;
	v55 =	vbroadcast v14, $0xB;
	v57 =	vld [tilespmem:s3+$0x0];
	v33 =	vadd.f32 v53, v33;
	[tilespmem:s31+$0x180] =	vst v12  }
0x1ff: {  	v38 =	vmul.f32 v38, v38;
	v52 =	vadd.f32 v59, v48;
	v56 =	vbroadcast v15, $0xB;
	v59 =	vld [tilespmem:s5+$0x0]  }
0x200: {  	s7 =	rddreg [dreg:$0x15];
	s8 =	spop (v2sf);
	v61 =	vbroadcast v13, $0xB;
	[tilespmem:s31+$0xFFFFFFE0] =	vst v33;
	v58 =	vmul.f32 v60, v55;
	v60 =	vld [tilespmem:s6+$0x0]  }
0x201: {  	s10 =	spop (v2sf);
	(v2sf) =	vpush v26, $0xA;
	v62 =	vbroadcast v16, $0xB;
	v44 =	vmul.f32 v63, v56;
	v49 =	vld [tilespmem:s7+$0x0]  }
0x202: {  	v32 =	vadd.f32 v38, v52;
	v51 =	vld [tilespmem:s8+$0x0];
	v30 =	vmul.f32 v54, v61;
	v63 =	vbroadcast v17, $0x9  }
0x203: {  	v48 =	vmul.f32 v57, v62;
	v57 =	vbroadcast v18, $0x9;
	v38 =	vadd.f32 v44, v58  }
0x204: {  	v3 =	vbroadcast v3, $0xF;
	v61 =	vbroadcast v19, $0x9;
	v58 =	vld [tilespmem:s10+$0x0]  }
0x205: {  	s11 =	rddreg [dreg:$0x13];
	v30 =	vadd.f32 v30, v38;
	v59 =	vmul.f32 v59, v63;
	v60 =	vmul.f32 v60, v57  }
0x206: {  	s9 =	rddreg [dreg:$0x14];
	v50 =	vbroadcast v20, $0x9;
	v62 =	vld [tilespmem:s11+$0x0];
	v63 =	vmul.f32 v49, v3  }
0x207: {  	s12 =	rddreg [dreg:$0x12];
	v49 =	vmul.f32 v51, v61;
	v3 =	vadd.f32 v48, v30;
	v48 =	vadd.f32 v60, v59  }
0x208: {  	s14 =	sld [smem:$0x7FB];
	v56 =	vld [tilespmem:s9+$0x0]  }
0x209: {  	v1 =	vbroadcast v1, $0xF;
	s15 =	sld [smem:$0x7FC];
	v54 =	vmul.f32 v58, v50;
	v30 =	vadd.f32 v49, v48  }
0x20a: {  	v28 =	vadd.f32 v40, v28;
	v40 =	vmul.f32 v40, v40;
	s16 =	sld [smem:$0x7FD];
	s22 =	spop (v2sf);
	(v2sf) =	vpush v22, $0xB;
	v51 =	vld [tilespmem:s12+$0x0];
	[tilespmem:s31+$0xB0] =	vst v3  }
0x20b: {  	v2 =	vbroadcast v2, $0xF;
	v46 =	vmul.f32 v62, v1;
	v53 =	vld [tilespmem:s14+$0x0];
	v1 =	vadd.f32 v54, v30  }
0x20c: {  	v28 =	vadd.f32 v41, v28;
	v41 =	vmul.f32 v41, v41;
	s23 =	spop (v2sf);
	(v2sf) =	vpush v23, $0xB;
	v55 =	vld [tilespmem:s15+$0x0]  }
0x20d: {  	v0 =	vbroadcast v0, $0xF;
	s24 =	spop (v2sf);
	(v2sf) =	vpush v24, $0xB;
	v2 =	vmul.f32 v56, v2;
	v57 =	vld [tilespmem:s16+$0x0];
	[tilespmem:s31+$0x190] =	vst v1  }
0x20e: {  	v28 =	vadd.f32 v43, v28;
	v56 =	vmul.f32 v43, v43;
	v62 =	vbroadcast v13, $0xC;
	v61 =	vld [tilespmem:s22+$0x0]  }
0x20f: {  	s21 =	rddreg [dreg:$0x1f];
	v2 =	vadd.f32 v2, v63;
	v58 =	vbroadcast v14, $0xC;
	v59 =	vbroadcast v15, $0xC;
	v63 =	vld [tilespmem:s23+$0x0]  }
0x210: {  	v32 =	vadd.f32 v40, v32;
	v60 =	vld [tilespmem:s21+$0x0];
	v48 =	vbroadcast v16, $0xC;
	v49 =	vbroadcast v17, $0xA  }
0x211: {  	s25 =	spop (v2sf);
	(v2sf) =	vpush v26, $0xB;
	v38 =	vmul.f32 v53, v58;
	v40 =	vmul.f32 v55, v59;
	v50 =	vld [tilespmem:s24+$0x0]  }
0x212: {  	v2 =	vadd.f32 v46, v2;
	v0 =	vmul.f32 v51, v0;
	v51 =	vbroadcast v18, $0xA  }
0x213: {  	v30 =	vmul.f32 v57, v62;
	v52 =	vld [tilespmem:s25+$0x0];
	v55 =	vbroadcast v19, $0xA;
	v38 =	vadd.f32 v40, v38  }
0x214: {  	v32 =	vadd.f32 v41, v32;
	v53 =	vmul.f32 v61, v49;
	v43 =	vmul.f32 v63, v51  }
0x215: {  	v0 =	vadd.f32 v0, v2;
	v2 =	vmul.f32 v60, v48;
	v30 =	vadd.f32 v30, v38  }
0x216: {  	v59 =	vbroadcast v20, $0xA;
	v58 =	vmul.f32 v50, v55;
	v57 =	vadd.f32 v43, v53  }
0x217: {  	v54 =	vmul.f32 v33, v33;
	v33 =	vadd.f32 v33, v28;
	v28 =	vadd.f32 v2, v30  }
0x218: {  	v32 =	vadd.f32 v56, v32;
	v62 =	vmul.f32 v52, v59;
	v2 =	vadd.f32 v58, v57  }
0x219: {  	v47 =	vbroadcast v15, $0xD;
	s26 =	rddreg [dreg:$0x1d];
	s5 =	spop (v2sf);
	(v2sf) =	vpush v22, $0xC;
	v33 =	vadd.f32 v0, v33;
	[tilespmem:s31+$0xC0] =	vst v28  }
0x21a: {  	s29 =	rddreg [dreg:$0x1c];
	v44 =	vmul.f32 v39, v39;
	v32 =	vadd.f32 v54, v32;
	v60 =	vld [tilespmem:s26+$0x0];
	v2 =	vadd.f32 v62, v2  }
0x21b: {  	s2 =	rddreg [dreg:$0x1b];
	s6 =	spop (v2sf);
	(v2sf) =	vpush v23, $0xC;
	v56 =	vmul.f32 v0, v0;
	v33 =	vadd.f32 v37, v33;
	v63 =	vld [tilespmem:s29+$0x0]  }
0x21c: {  	v46 =	vbroadcast v14, $0xD;
	v54 =	vbroadcast v17, $0xB;
	s7 =	spop (v2sf);
	(v2sf) =	vpush v24, $0xC;
	v45 =	vld [tilespmem:s2+$0x0];
	[tilespmem:s31+$0x1A0] =	vst v2  }
0x21d: {  	v32 =	vadd.f32 v56, v32;
	v56 =	vbroadcast v18, $0xB;
	v33 =	vadd.f32 v39, v33;
	v50 =	vld [tilespmem:s5+$0x0]  }
0x21e: {  	s3 =	rddreg [dreg:$0x19];
	v61 =	vmul.f32 v37, v37;
	v49 =	vmul.f32 v42, v42;
	v52 =	vld [tilespmem:s6+$0x0]  }
0x21f: {  	v51 =	vbroadcast v13, $0xD;
	v59 =	vmul.f32 v8, v8;
	v33 =	vadd.f32 v42, v33;
	v48 =	vld [tilespmem:s3+$0x0]  }
0x220: {  	s8 =	spop (v2sf);
	(v2sf) =	vpush v26, $0xC;
	v39 =	vmul.f32 v60, v46;
	v37 =	vmul.f32 v63, v47;
	v55 =	vld [tilespmem:s7+$0x0]  }
0x221: {  	v42 =	vbroadcast v20, $0xB;
	v32 =	vadd.f32 v61, v32;
	v53 =	vbroadcast v16, $0xD  }
0x222: {  	v61 =	vbroadcast v19, $0xB;
	v30 =	vmul.f32 v45, v51;
	v57 =	vld [tilespmem:s8+$0x0];
	v37 =	vadd.f32 v37, v39  }
0x223: {  	v58 =	vmul.f32 v50, v54;
	v60 =	vmul.f32 v52, v56  }
0x224: {  	v32 =	vadd.f32 v44, v32;
	v41 =	vmul.f32 v48, v53;
	v30 =	vadd.f32 v30, v37  }
0x225: {  	v8 =	vadd.f32 v8, v33;
	v63 =	vmul.f32 v55, v61;
	v33 =	vadd.f32 v60, v58  }
0x226: {  	v32 =	vadd.f32 v49, v32;
	v30 =	vadd.f32 v41, v30  }
0x227: {  	v8 =	vadd.f32 v21, v8;
	v47 =	vmul.f32 v57, v42;
	v33 =	vadd.f32 v63, v33  }
0x228: {  	s9 =	rddreg [dreg:$0x16];
	v62 =	vmul.f32 v21, v21;
	v32 =	vadd.f32 v59, v32;
	s10 =	spop (v2sf);
	(v2sf) =	vpush v22, $0xD;
	[tilespmem:s31+$0xD0] =	vst v30  }
0x229: {  	v46 =	vmul.f32 v29, v29;
	v29 =	vadd.f32 v29, v8;
	v45 =	vld [tilespmem:s9+$0x0];
	v8 =	vadd.f32 v47, v33  }
0x22a: {  	v44 =	vmul.f32 v36, v36;
	v43 =	vadd.f32 v62, v32;
	v48 =	vld [tilespmem:s28+$0x0]  }
0x22b: {  	v49 =	vmul.f32 v31, v31;
	v59 =	vbroadcast v16, $0xE;
	s11 =	spop (v2sf);
	(v2sf) =	vpush v23, $0xD;
	v50 =	vld [tilespmem:s19+$0x0];
	[tilespmem:s31+$0x1B0] =	vst v8  }
0x22c: {  	v51 =	vbroadcast v14, $0xE;
	s12 =	spop (v2sf);
	(v2sf) =	vpush v24, $0xD;
	v21 =	vadd.f32 v46, v43;
	v55 =	vld [tilespmem:s10+$0x0]  }
0x22d: {  	v62 =	vbroadcast v18, $0xC;
	v29 =	vadd.f32 v31, v29;
	v52 =	vbroadcast v15, $0xE;
	v58 =	vld [tilespmem:s11+$0x0]  }
0x22e: {  	v21 =	vadd.f32 v49, v21;
	v54 =	vmul.f32 v35, v35;
	v57 =	vbroadcast v13, $0xE;
	v53 =	vld [tilespmem:s18+$0x0]  }
0x22f: {  	s14 =	spop (v2sf);
	(v2sf) =	vpush v26, $0xD;
	v31 =	vmul.f32 v45, v51;
	v56 =	vmul.f32 v48, v52;
	v61 =	vld [tilespmem:s12+$0x0]  }
0x230: {  	v46 =	vbroadcast v19, $0xC;
	v21 =	vadd.f32 v54, v21;
	v60 =	vbroadcast v17, $0xC  }
0x231: {  	v29 =	vadd.f32 v35, v29;
	v33 =	vmul.f32 v50, v57;
	v63 =	vld [tilespmem:s14+$0x0];
	v31 =	vadd.f32 v56, v31  }
0x232: {  	v21 =	vadd.f32 v44, v21;
	v32 =	vmul.f32 v55, v60;
	v45 =	vmul.f32 v58, v62  }
0x233: {  	v47 =	vmul.f32 v25, v25;
	v38 =	vmul.f32 v53, v59;
	v31 =	vadd.f32 v33, v31  }
0x234: {  	v49 =	vbroadcast v20, $0xC;
	v48 =	vmul.f32 v61, v46;
	v32 =	vadd.f32 v45, v32  }
0x235: {  	v21 =	vadd.f32 v47, v21;
	v31 =	vadd.f32 v38, v31  }
0x236: {  	v51 =	vmul.f32 v27, v27;
	v52 =	vmul.f32 v63, v49;
	v32 =	vadd.f32 v48, v32  }
0x237: {  	v29 =	vadd.f32 v36, v29;
	s15 =	spop (v2sf);
	(v2sf) =	vpush v22, $0xE;
	[tilespmem:s31+$0xE0] =	vst v31  }
0x238: {  	v54 =	vadd.f32 v51, v21;
	v50 =	vld [tilespmem:s17+$0x0];
	v21 =	vadd.f32 v52, v32  }
0x239: {  	v16 =	vbroadcast v16, $0xF;
	v25 =	vadd.f32 v25, v29;
	v53 =	vld [tilespmem:s13+$0x0]  }
0x23a: {  	v14 =	vbroadcast v14, $0xF;
	v39 =	vbroadcast v19, $0xD;
	s16 =	spop (v2sf);
	(v2sf) =	vpush v23, $0xE;
	v56 =	vld [tilespmem:s4+$0x0];
	[tilespmem:s31+$0x1C0] =	vst v21  }
0x23b: {  	v15 =	vbroadcast v15, $0xF;
	v13 =	vbroadcast v13, $0xF;
	v25 =	vadd.f32 v27, v25;
	v60 =	vld [tilespmem:s15+$0x0]  }
0x23c: {  	v42 =	vbroadcast v20, $0xD;
	v36 =	vbroadcast v18, $0xD;
	s17 =	spop (v2sf);
	(v2sf) =	vpush v24, $0xE;
	v61 =	vld [tilespmem:s16+$0x0]  }
0x23d: {  	v37 =	vmul.f32 v30, v30;
	v55 =	vmul.f32 v3, v3;
	v3 =	vadd.f32 v3, v25;
	v58 =	vld [tilespmem:s1+$0x0]  }
0x23e: {  	s18 =	spop (v2sf);
	(v2sf) =	vpush v26, $0xE;
	v14 =	vmul.f32 v50, v14;
	v15 =	vmul.f32 v53, v15;
	v63 =	vld [tilespmem:s17+$0x0]  }
0x23f: {  	v59 =	vmul.f32 v28, v28;
	v62 =	vbroadcast v17, $0xD;
	v3 =	vadd.f32 v28, v3  }
0x240: {  	v57 =	vadd.f32 v55, v54;
	v13 =	vmul.f32 v56, v13;
	v38 =	vld [tilespmem:s18+$0x0];
	v14 =	vadd.f32 v15, v14  }
0x241: {  	v3 =	vadd.f32 v30, v3;
	v15 =	vmul.f32 v60, v62;
	v27 =	vmul.f32 v61, v36  }
0x242: {  	v25 =	vadd.f32 v59, v57;
	v16 =	vmul.f32 v58, v16;
	v13 =	vadd.f32 v13, v14  }
0x243: {  	v3 =	vadd.f32 v31, v3;
	v41 =	vmul.f32 v63, v39;
	v15 =	vadd.f32 v27, v15  }
0x244: {  	v40 =	vmul.f32 v31, v31;
	v14 =	vadd.f32 v37, v25;
	v13 =	vadd.f32 v16, v13  }
0x245: {  	v43 =	vmul.f32 v38, v42;
	v15 =	vadd.f32 v41, v15  }
0x246: {  	v14 =	vadd.f32 v40, v14;
	v44 =	vmul.f32 v13, v13;
	v3 =	vadd.f32 v13, v3  }
0x247: {  	s19 =	spop (v2sf);
	(v2sf) =	vpush v22, $0xF;
	v15 =	vadd.f32 v43, v15  }
0x248: {  	v45 =	vmul.f32 v34, v34;
	v14 =	vadd.f32 v44, v14;
	v3 =	vadd.f32 v34, v3  }
0x249: {  	s21 =	spop (v2sf);
	(v2sf) =	vpush v23, $0xF;
	[tilespmem:s31+$0x1D0] =	vst v15  }
0x24a: {  	v46 =	vmul.f32 v4, v4;
	v14 =	vadd.f32 v45, v14;
	v3 =	vadd.f32 v4, v3;
	v4 =	vld [tilespmem:s19+$0x0]  }
0x24b: {  	s22 =	spop (v2sf);
	(v2sf) =	vpush v24, $0xF;
	v48 =	vld [tilespmem:s21+$0x0]  }
0x24c: {  	v47 =	vmul.f32 v5, v5;
	v14 =	vadd.f32 v46, v14;
	v3 =	vadd.f32 v5, v3  }
0x24d: {  	v49 =	vmul.f32 v6, v6;
	v50 =	vbroadcast v17, $0xE;
	s23 =	spop (v2sf);
	(v2sf) =	vpush v26, $0xF;
	v51 =	vld [tilespmem:s22+$0x0]  }
0x24e: {  	v5 =	vadd.f32 v47, v14;
	v3 =	vadd.f32 v6, v3;
	v6 =	vbroadcast v18, $0xE  }
0x24f: {  	v54 =	vbroadcast v19, $0xE;
	v52 =	vmul.f32 v11, v11;
	v53 =	vld [tilespmem:s23+$0x0]  }
0x250: {  	v5 =	vadd.f32 v49, v5;
	v4 =	vmul.f32 v4, v50;
	v6 =	vmul.f32 v48, v6  }
0x251: {  	v55 =	vmul.f32 v7, v7;
	v56 =	vbroadcast v20, $0xE;
	v3 =	vadd.f32 v11, v3  }
0x252: {  	v5 =	vadd.f32 v52, v5;
	v4 =	vadd.f32 v6, v4;
	v6 =	vmul.f32 v51, v54  }
0x253: {  	v3 =	vadd.f32 v7, v3;
	v7 =	vmul.f32 v9, v9  }
0x254: {  	v5 =	vadd.f32 v55, v5;
	v4 =	vadd.f32 v6, v4;
	v6 =	vmul.f32 v53, v56  }
0x255: {  	v3 =	vadd.f32 v9, v3  }
0x256: {  	v5 =	vadd.f32 v7, v5;
	v4 =	vadd.f32 v6, v4;
	v6 =	vmul.f32 v10, v10  }
0x257: {  	v3 =	vadd.f32 v10, v3  }
0x258: {  	s24 =	spop (v2sf);
	v5 =	vadd.f32 v6, v5;
	v6 =	vmul.f32 v12, v12;
	[tilespmem:s31+$0x1E0] =	vst v4  }
0x259: {  	s25 =	spop (v2sf);
	v3 =	vadd.f32 v12, v3;
	v7 =	vld [tilespmem:s24+$0x0]  }
0x25a: {  	v57 =	vld [tilespmem:s25+$0x0];
	v5 =	vadd.f32 v6, v5;
	v6 =	vmul.f32 v1, v1  }
0x25b: {  	s26 =	spop (v2sf);
	v1 =	vadd.f32 v1, v3  }
0x25c: {  	v58 =	vld [tilespmem:s26+$0x0];
	v3 =	vadd.f32 v6, v5;
	v5 =	vmul.f32 v2, v2;
	v6 =	vbroadcast v17, $0xF  }
0x25d: {  	v59 =	vbroadcast v18, $0xF;
	s28 =	spop (v2sf);
	v1 =	vadd.f32 v2, v1  }
0x25e: {  	v3 =	vadd.f32 v5, v3;
	v5 =	vmul.f32 v8, v8;
	v6 =	vmul.f32 v7, v6;
	v7 =	vld [tilespmem:s28+$0x0]  }
0x25f: {  	v60 =	vbroadcast v19, $0xF;
	v2 =	vmul.f32 v57, v59  }
0x260: {  	v1 =	vadd.f32 v8, v1;
	v3 =	vadd.f32 v5, v3;
	v5 =	vmul.f32 v21, v21  }
0x261: {  	v61 =	vbroadcast v20, $0xF;
	v2 =	vadd.f32 v2, v6;
	v6 =	vmul.f32 v58, v60  }
0x262: {  	s29 =	rddreg [dreg:$0x11];
	v1 =	vadd.f32 v21, v1;
	v3 =	vadd.f32 v5, v3  }
0x263: {  	s0 =	sadd.s32 $0x4, s29;
	v5 =	vmul.f32 v15, v15;
	v2 =	vadd.f32 v6, v2;
	v6 =	vmul.f32 v7, v61  }
0x264: {  	p1 =	slt.u32 s0, $0x3C;
	v1 =	vadd.f32 v15, v1  }
.Ltmp0:
0x265: {  	v3 =	vadd.f32 v5, v3;
	v5 =	vmul.f32 v4, v4;
	v2 =	vadd.f32 v6, v2;
	(pc) =	sbr.rel @p1 .LBB2_3-.Ltmp0, $4  }
0x266: {  	_ = 	snop  }
0x267: {  	[tilespmem:s31+$0xFFFFFFF0] =	vst v0;
	v62 =	vadd.f32 v4, v1;
	v63 =	vadd.f32 v5, v3;
	v3 =	vmul.f32 v2, v2  }
0x268: {  	[tilespmem:s31+$0xF0] =	vst v13  }
0x269: {  	s30 =	sadd.s32 $0x40, s30;
	s20 =	sadd.s32 $0x40, s20;
	[tilespmem:s31+$0x1F0] =	vst v2;
	v5 =	vadd.f32 v2, v62;
	s31 =	sadd.s32 $0x400, s31;
	v4 =	vadd.f32 v3, v63  }
0x26a: {  	s0 =	rddreg [dreg:$0xe]  }
0x26b: {  	s1 =	rddreg [dreg:$0x9]  }
0x26c: {  	s31 =	rddreg [dreg:$0xd]  }
0x26d: {  	s29 =	rddreg [dreg:$0xf];
	p1 =	sne.s32 s31, $0x8  }
.Ltmp1:
0x26e: {  	s2 =	rddreg [dreg:$0x1];
	s0 =	sshll.u32 s0, $0x11;
	(pc) =	sbr.rel @p1 .LBB2_2-.Ltmp1, $4  }
0x26f: {  	s30 =	simm.s32 $0x10;
	s3 =	simm.s32 $0x80;
	s0 =	sadd.s32 s1, s0  }
0x270: {  	s4 =	rddreg [dreg:$0x10];
	p0 =	por !p0, !p0;
	s0 =	sshrl.u32 s0, $0x3  }
0x271: {  	s8 =	smov.u32 s31;
	s1 =	sadd.s32 $0x5, s29;
	s0 =	sadd.s32 s2, s0  }
0x272: {  	[hbm4b:s0+s30] =	stream.strided.scatter [tilespmem:s4], [sflag:s1], $0x4000, s3, s30, $0x38;
	[tilespmem:$0x1C020] =	vst v63  }
0x273: {  	s0 =	simm.s32 $0x5  }
0x274: {  	_ =	swait.ge [sflag:s0], $0x4000  }
0x275: {  	[sflag:s0] =	ssyncset.done $0x0  }
0x276: {  	s28 =	simm.s32 $0x6;
	[sflag:s0] =	ssyncadd.s32 $0xFFFFC000  }
0x277: {  	_ =	swait.ge [sflag:s28], $0x4000  }
0x278: {  	[sflag:s28] =	ssyncset.done $0x0  }
0x279: {  	[sflag:s28] =	ssyncadd.s32 $0xFFFFC000  }
0x27a: {  	s9 =	simm.s32 $0x0;
	[tilespmem:$0x1C000] =	vst v5  }
0x27b: {  	s1 =	simm.s32 $0x1C000;
	s4 =	simm.s32 $0x7;
	s29 =	rddreg [dreg:$0xa];
	[tilespmem:$0x1C010] =	vst v4  }
0x27c: {  	[hbm4b:s29+s9] =	stream.linear.scatter [tilespmem:s1], [sflag:$0x7], $0x20, $0x38;
	[tilespmem:$0x1C020] =	vst v63  }
0x27d: {  	_ =	swait.ge [sflag:s4], $0x20  }
0x27e: {  	s30 =	rddreg [dreg:$0xc]  }
0x27f: {  	s31 =	rddreg [dreg:$0xb];
	s1 =	sadd.s32 $0x1, s30  }
0x280: {  	p0 =	sne.s32 s1, s31  }
.Ltmp2:
0x281: {  	_ = 	snop;
	(pc) =	sbr.rel @p0 .LBB2_1-.Ltmp2, $3  }
0x282: {  	_ =	sdelay $0x1  }
0x283: {  	[sflag:s4] =	ssyncset.done $0x0  }
0x284: {  	[sflag:s4] =	ssyncadd.s32 $0xFFFFFFE0  }
0x285: {  	_ =	sfence.sel $0x180000  }
0x286: {  	[bflag:$0x0] =	sbarrier.arrive $0xFFFF  }
0x287: {  	_ =	strace $0x9000004A  }
0x288: {  	s0 =	stileid.u32;
	[bflag:$0x2] =	sbarrier.arrive $0xFFFF  }
0x289: {  	p0 =	sne.s32 s0, $0x0;
	s0 =	rddreg [dreg:$0x2]  }
0x28a: {  	s0 =	sadd.s32 @!p0 $0x100000, s0  }
0x28b: {  	[sflag:s0] =	ssyncadd.tile.s32 @!p0 $0x1;
	_ =	shalt  }
.Lfunc_end2:
_tile_overlayer_lowered:
.L_overlay_start_2:
0x28c: {  	(tag) =	ssettag $0x2  }
0x28d: {  	s0 =	rddreg [dreg:$0x0];
	s2 =	stileid.u32  }
0x28e: {  	s1 =	rddreg [dreg:$0x1];
	p0 =	sne.s32 s2, $0x0  }
0x28f: {  	s3 =	rddreg [dreg:$0x2];
	[bflag:$0x3] =	sbarrier.arrive $0xFFFF;
	s2 =	simm.s32 @!p0 $0x1C07  }
0x290: {  	[timem:s3], [sflag:s2] =	dma.local @!p0 [hbm:s0], s1  }
0x291: {  	s0 =	simm.s32 @!p0 $0x7  }
0x292: {  	_ =	swait.ge @!p0 [sflag:s0], s1  }
0x293: {  	s1 =	ssub.s32 @!p0 $0x0, s1;
	[sflag:s0] =	ssyncset.done @!p0 $0x0  }
0x294: {  	[sflag:s0] =	ssyncadd.s32 @!p0 s1  }
0x295: {  	[bflag:$0x3] =	sbarrier.arrive $0xFFFF  }
0x296: {  	_ =	shalt  }

// kernel: kernel.8.cloned.1.call-start
scs
__scs_entry_jumppad:
0x0: {  	(pc) =	sbr.rel $0x88, $3  }
0x1: {  	(tag) =	ssettag $0x0;
	lr =	simm.s32 $0x1  }
0x2: {  	[smem:$0x3F95] =	sst lr;
	_ =	strace $0xD0000000  }
0x3: {  	_ = 	snop  }
0x4: {  	_ = 	snop  }
0x5: {  	_ = 	snop  }
0x6: {  	_ = 	snop  }
0x7: {  	_ = 	snop  }
__scs_overlays_trampoline_lowered:
0x8: {  	[smem:$0x3FA4] =	sst s0  }
0x9: {  	[smem:$0x3FA5] =	sst s1  }
0xa: {  	[smem:$0x3FA6] =	sst s2  }
0xb: {  	[smem:$0x3FA7] =	sst s3  }
0xc: {  	[smem:$0x3FA8] =	sst s4  }
0xd: {  	[smem:$0x3FA9] =	sst s5  }
0xe: {  	[smem:$0x3FAA] =	sst s6  }
0xf: {  	[smem:$0x3FAB] =	sst s7  }
0x10: {  	[smem:$0x3FAC] =	sst s8  }
0x11: {  	[smem:$0x3FAD] =	sst s9;
	s0 =	simm.s32 @!p0 $0x0  }
0x12: {  	s1 =	sld [smem:$0x3F93];
	s0 =	simm.s32 @p0 $0x1  }
0x13: {  	[smem:$0x3FAE] =	sst s0;
	s0 =	simm.s32 @!p1 $0x0  }
0x14: {  	s2 =	sld [smem:$0x3F92];
	s0 =	simm.s32 @p1 $0x1  }
0x15: {  	[smem:$0x3FAF] =	sst s0;
	s0 =	simm.s32 @!p2 $0x0  }
0x16: {  	s3 =	sld [smem:$0x3FDB];
	s0 =	simm.s32 @p2 $0x1  }
0x17: {  	s4 =	simm.s32 $0x1BF5;
	[smem:$0x3FB1] =	sst s0  }
0x18: {  	s0 =	sld [smem:$0x3F94];
	_ =	swait.ge [sflag:s4], $0x0  }
0x19: {  	s7 =	sld [smem:$0x3F95]  }
0x1a: {  	s8 =	sadd.s32 $0xFFFFE003, lr  }
0x1b: {  	s9 =	sadd.s32 $0xFFFFFEF7, lr;
	s5 =	simm.s32 $0xFFFFFFFF;
	p2 =	slt.u32 s8, $0xFFFFF086  }
0x1c: {  	p1 =	slt.u32 s9, $0xF7A;
	s5 =	simm.s32 @!p2 $0x0  }
0x1d: {  	s5 =	simm.s32 @p1 $0x1;
	p0 =	seq.s32 s7, s2  }
0x1e: {  	s7 =	smul.u32 @!p0 $0xF7A, s2;
	p2 =	seq.s32 @!p0 s5, $0x0  }
0x1f: {  	s9 =	smul.u32 $0xF7A, s1;
	s8 =	simm.s32 @!p0 $0x1BF5;
	p2 =	por !p2, p0  }
0x20: {  	[sflag:s8] =	ssyncset.s32 @!p0 $0xFFFFF086;
	s6 =	sadd.s32 @!p0 s3, s7;
	s7 =	simm.s32 @!p0 $0x108  }
0x21: {  	s3 =	sadd.s32 s3, s9;
	s6 =	sadd.s32 @!p0 $0x88, s6;
	s7 =	simm.s32 @p2 $0x1082  }
0x22: {  	[simem:s7], [sflag:s8] =	dma.local @!p0 [hbm:s6], $0xF7A  }
0x23: {  	s9 =	sor.u32 $0xD0000000, s2;
	s6 =	simm.s32 $0x108;
	_ =	swait.ge @!p0 [sflag:s8], $0x0  }
0x24: {  	s3 =	sadd.s32 $0x88, s3;
	s6 =	simm.s32 @!p1 $0x1082;
	[sflag:s4] =	ssyncset.s32 $0xFFFFF086  }
0x25: {  	[simem:s6], [sflag:s4] =	dma.local [hbm:s3], $0xF7A  }
0x26: {  	[smem:$0x3F95] =	sst s1;
	(tag) =	ssettag s2;
	_ =	strace s9  }
0x27: {  	s1 =	sld [smem:$0x3FA5]  }
0x28: {  	s2 =	sld [smem:$0x3FA6]  }
0x29: {  	s4 =	sld [smem:$0x3FA8]  }
0x2a: {  	p0 =	seq.s32 s5, $0x0;
	s5 =	sld [smem:$0x3FA9]  }
0x2b: {  	s6 =	sld [smem:$0x3FAA]  }
0x2c: {  	s7 =	sld [smem:$0x3FAB]  }
0x2d: {  	s3 =	simm.s32 $0x108;
	s8 =	sld [smem:$0x3FAC]  }
0x2e: {  	s3 =	simm.s32 @!p0 $0x1082;
	s9 =	sld [smem:$0x3FAD]  }
0x2f: {  	lr =	sadd.s32 s0, s3;
	s0 =	sld [smem:$0x3FA4]  }
0x30: {  	s3 =	sld [smem:$0x3FA7]  }
0x31: {  	[smem:$0x3FB0] =	sst s10  }
0x32: {  	s10 =	sld [smem:$0x3FAE];
	_ =	sdelay $0x3  }
0x33: {  	p0 =	seq.s32 s10, $0x1;
	s10 =	sld [smem:$0x3FB0];
	_ =	sdelay $0x3  }
0x34: {  	[smem:$0x3FB0] =	sst s10  }
0x35: {  	s10 =	sld [smem:$0x3FAF];
	_ =	sdelay $0x3  }
0x36: {  	p1 =	seq.s32 s10, $0x1;
	s10 =	sld [smem:$0x3FB0];
	_ =	sdelay $0x3  }
0x37: {  	[smem:$0x3FB0] =	sst s10  }
0x38: {  	s10 =	sld [smem:$0x3FB1]  }
0x39: {  	_ = 	snop;
	(pc) =	sbr.ind lr, $3  }
0x3a: {  	_ = 	snop  }
0x3b: {  	_ = 	snop  }
0x3c: {  	p2 =	seq.s32 s10, $0x1;
	s10 =	sld [smem:$0x3FB0]  }
0x3d: {  	_ =	shalt  }
0x3e: {  	_ =	shalt  }
0x3f: {  	_ =	shalt  }
0x40: {  	_ =	shalt  }
0x41: {  	_ =	shalt  }
0x42: {  	_ =	shalt  }
0x43: {  	_ =	shalt  }
0x44: {  	_ =	shalt  }
0x45: {  	_ =	shalt  }
0x46: {  	_ =	shalt  }
0x47: {  	_ =	shalt  }
0x48: {  	_ =	shalt  }
0x49: {  	_ =	shalt  }
0x4a: {  	_ =	shalt  }
0x4b: {  	_ =	shalt  }
0x4c: {  	_ =	shalt  }
0x4d: {  	_ =	shalt  }
0x4e: {  	_ =	shalt  }
0x4f: {  	_ =	shalt  }
0x50: {  	_ =	shalt  }
0x51: {  	_ =	shalt  }
0x52: {  	_ =	shalt  }
0x53: {  	_ =	shalt  }
0x54: {  	_ =	shalt  }
0x55: {  	_ =	shalt  }
0x56: {  	_ =	shalt  }
0x57: {  	_ =	shalt  }
0x58: {  	_ =	shalt  }
0x59: {  	_ =	shalt  }
0x5a: {  	_ =	shalt  }
0x5b: {  	_ =	shalt  }
0x5c: {  	_ =	shalt  }
0x5d: {  	_ =	shalt  }
0x5e: {  	_ =	shalt  }
0x5f: {  	_ =	shalt  }
0x60: {  	_ =	shalt  }
0x61: {  	_ =	shalt  }
0x62: {  	_ =	shalt  }
0x63: {  	_ =	shalt  }
0x64: {  	_ =	shalt  }
0x65: {  	_ =	shalt  }
0x66: {  	_ =	shalt  }
0x67: {  	_ =	shalt  }
0x68: {  	_ =	shalt  }
0x69: {  	_ =	shalt  }
0x6a: {  	_ =	shalt  }
0x6b: {  	_ =	shalt  }
0x6c: {  	_ =	shalt  }
0x6d: {  	_ =	shalt  }
0x6e: {  	_ =	shalt  }
0x6f: {  	_ =	shalt  }
0x70: {  	_ =	shalt  }
0x71: {  	_ =	shalt  }
0x72: {  	_ =	shalt  }
0x73: {  	_ =	shalt  }
0x74: {  	_ =	shalt  }
0x75: {  	_ =	shalt  }
0x76: {  	_ =	shalt  }
0x77: {  	_ =	shalt  }
0x78: {  	_ =	shalt  }
0x79: {  	_ =	shalt  }
0x7a: {  	_ =	shalt  }
0x7b: {  	_ =	shalt  }
0x7c: {  	_ =	shalt  }
0x7d: {  	_ =	shalt  }
0x7e: {  	_ =	shalt  }
0x7f: {  	_ =	shalt  }
0x80: {  	_ =	shalt  }
0x81: {  	_ =	shalt  }
0x82: {  	_ =	shalt  }
0x83: {  	_ =	shalt  }
0x84: {  	_ =	shalt  }
0x85: {  	_ =	shalt  }
0x86: {  	_ =	shalt  }
0x87: {  	_ =	shalt  }
.Lfunc_end0:
.L_simem_size_0:
called_computation_lowered:
.L_overlay_start_0:
0x88: {  	s2 =	sld [smem:$0x3FD9]  }
0x89: {  	s3 =	sld [smem:$0x3FFE];
	_ =	sdelay $0x1  }
0x8a: {  	s1 =	srdreg.scid  }
0x8b: {  	s0 =	sand.u32 $0x1, s1  }
0x8c: {  	s14 =	sshll.u32 s0, $0xA;
	s2 =	sadd.s32 s3, s2  }
0x8d: {  	s2 =	sadd.s32 s2, s14  }
0x8e: {  	[smem:$0x3FBC] =	sst s2  }
0x8f: {  	_ = 	snop  }
0x90: {  	s2 =	sld [smem:$0x3FD0];
	_ =	sdelay $0x2  }
0x91: {  	s15 =	simm.s32 $0xA;
	s4 =	simm.s32 $0x10  }
0x92: {  	[smem:s4], [sflag:s15] =	dma.local [hbm:s2], $0x1  }
0x93: {  	_ =	swait.eq [sflag:s15], $0x1  }
0x94: {  	s16 =	sld [smem:$0x10];
	[sflag:s15] =	ssyncset.done $0x0  }
0x95: {  	s17 =	sld [smem:$0x12];
	[sflag:s15] =	ssyncadd.s32 $0xFFFFFFFF  }
0x96: {  	s18 =	sld [smem:$0x13];
	(tm) =	ssettm $0x1  }
0x97: {  	s5 =	sld [smem:$0x3FFB];
	_ =	sdelay $0x3  }
0x98: {  	_ =	strace s5  }
0x99: {  	s5 =	sld [smem:$0x3FFC];
	_ =	sdelay $0x3  }
0x9a: {  	_ =	strace s5  }
0x9b: {  	s5 =	sld [smem:$0x3FFD];
	_ =	sdelay $0x3  }
0x9c: {  	_ =	strace s5  }
0x9d: {  	_ =	strace $0x8FFFFFFF  }
0x9e: {  	s19 =	sld [smem:$0x3FDB];
	_ =	sdelay $0x1  }
0x9f: {  	s6 =	simm.s32 $_scs_section_size  }
0xa0: {  	s7 =	simm.s32 $_size__tile_overlayer_lowered;
	s8 =	simm.s32 $_tile_overlayer_lowered  }
0xa1: {  	s22 =	simm.s32 $0x1BFF;
	s21 =	sshll.u32 s8, $0x1;
	s5 =	sadd.s32 s6, s19  }
0xa2: {  	s9 =	simm.s32 $0x0;
	s20 =	sshll.u32 s7, $0x1;
	s7 =	sadd.s32 s21, s5  }
0xa3: {  	[timem:s9], [sflag:s22] =	dma.local [hbm:s7], s20  }
0xa4: {  	_ =	swait.ge [sflag:s22], s20  }
0xa5: {  	s6 =	ssub.s32 $0x0, s20;
	[sflag:s22] =	ssyncset.done $0x0  }
0xa6: {  	[sflag:s22] =	ssyncadd.s32 s6;
	_ =	sdelay $0x1  }
0xa7: {  	s23 =	simm.s32 $0x1B8B  }
0xa8: {  	_ =	swait.ge [sflag:s23], $0x1  }
0xa9: {  	[sflag:s23] =	ssyncset.done $0x0  }
0xaa: {  	s25 =	simm.s32 $0x1B8E;
	s24 =	sld [smem:$0x3FFE];
	[sflag:s23] =	ssyncadd.s32 $0xFFFFFFFF  }
0xab: {  	s26 =	simm.s32 $execute0_lowered;
	[smem:$0x3FD2] =	sst s25  }
0xac: {  	s7 =	sshll.u32 s26, $0x1;
	_ =	strace $0x80000046;
	[dreg:$0x1] =	wrdreg $0xFFFFFFFF  }
0xad: {  	s28 =	simm.s32 $_size_execute0_lowered;
	s5 =	sadd.s32 s5, s7;
	[dreg:$0x0] =	wrdreg $0x0  }
0xae: {  	s7 =	sshll.u32 s28, $0x1;
	[dreg:$0x2] =	wrdreg s5  }
0xaf: {  	[dreg:$0x3] =	wrdreg s7  }
0xb0: {  	[dreg:$0x4] =	wrdreg $0xC0  }
0xb1: {  	_ =	task [dreg:s9], $0x5FFFF  }
0xb2: {  	[dreg:$0x1] =	wrdreg $0xFFFFFFFF  }
0xb3: {  	[dreg:$0x0] =	wrdreg $0x60  }
0xb4: {  	[dreg:$0x2] =	wrdreg s16  }
0xb5: {  	[dreg:$0x3] =	wrdreg s17  }
0xb6: {  	[dreg:$0x4] =	wrdreg s18  }
0xb7: {  	[dreg:$0x5] =	wrdreg s24  }
0xb8: {  	[dreg:$0x6] =	wrdreg $0x9  }
0xb9: {  	_ =	task.clear_ibuf [dreg:s9], $0x7FFFF;
	_ =	strace $0x90000046  }
0xba: {  	s29 =	simm.s32 $0x9;
	_ =	strace $0x80000048  }
0xbb: {  	_ =	swait.ge [sflag:s29], $0x1  }
0xbc: {  	[sflag:s29] =	ssyncadd.s32 $0xFFFFFFFF  }
0xbd: {  	_ =	strace $0x90000048  }
0xbe: {  	_ =	sfence  }
0xbf: {  	s30 =	sld [smem:$0x0];
	_ =	sdelay $0x2  }
0xc0: {  	s31 =	sshll.u32 s1, $0xD;
	s1 =	sshrl.u32 s1, $0x2  }
0xc1: {  	s3 =	sand.u32 $0x4000, s31;
	s1 =	sadd.s32 s1, s30  }
0xc2: {  	s0 =	sor.u32 s3, s0;
	s1 =	sshll.u32 s1, $0x11  }
0xc3: {  	s0 =	sor.u32 s1, s0  }
0xc4: {  	s0 =	sadd.s32 $0x8F2B, s0  }
0xc5: {  	[sflag:s0] =	ssyncadd.remote.s32 $0x1  }
0xc6: {  	_ =	sfence.sel $0xFFFF  }
0xc7: {  	[dreg:$0x0] =	wrdreg $0xFFFFFFFF;
	(pc) =	sbr.abs _section_cstart, $3  }
0xc8: {  	[dreg:$0x1] =	wrdreg $0xFFFFFFFF  }
0xc9: {  	_ =	task.clear_ibuf [dreg:s9], $0x2FFFF;
	_ =	strace $0x9FFFFFFF  }
0xca: {  	(tm) =	ssettm $0x7FFFFFFF  }
0xcb: {  	_ =	shalt  }
tec
execute0_lowered:
.L_overlay_start_1:
0x0: {  	(tag) =	ssettag $0x1  }
0x1: {  	s9 =	rddreg [dreg:$0x0]  }
0x2: {  	s0 =	rddreg [dreg:$0x1]  }
0x3: {  	s1 =	rddreg [dreg:$0x2]  }
0x4: {  	s5 =	stileid.u32;
	s2 =	rddreg [dreg:$0x3]  }
0x5: {  	s3 =	srdreg.scid;
	s10 =	simm.s32 $0x0;
	s4 =	sshll.u32 s5, $0x1  }
0x6: {  	s3 =	sand.u32 $0x1, s3;
	s5 =	sshrl.u32 s5, $0x2;
	[smem:$0x7FF] =	sst s10  }
0x7: {  	s11 =	sadd.s32 $0x200, s2;
	s12 =	sadd.s32 $0x10200, s2;
	s13 =	sadd.s32 $0x20200, s2  }
0x8: {  	s4 =	sand.u32 $0x6, s4;
	_ =	strace $0x80000047;
	[dreg:$0x7] =	wrdreg s13  }
0x9: {  	s8 =	sshll.u32 s5, $0x13;
	s23 =	sshll.u32 s5, $0x14;
	[dreg:$0x5] =	wrdreg s11  }
0xa: {  	s5 =	sshll.u32 s5, $0x11;
	[dreg:$0x6] =	wrdreg s12;
	s6 =	sor.u32 s3, s4  }
0xb: {  	s3 =	ssub.s32 $0x2, s3;
	s4 =	sshll.u32 s4, $0xE;
	s7 =	sshll.u32 s6, $0x4  }
0xc: {  	s24 =	sshrl.u32 s3, $0x1;
	s4 =	sor.u32 s5, s4;
	s28 =	sshll.u32 s6, $0x1  }
0xd: {  	s8 =	sor.u32 s8, s7;
	[dreg:$0x9] =	wrdreg s4;
	s0 =	sadd.s32 s0, s28  }
0xe: {  	s4 =	sshrl.u32 s4, $0x3;
	s29 =	sadd.s32 s1, s28;
	[dreg:$0xd] =	wrdreg s0  }
0xf: {  	s3 =	ssub.s32 s3, s24;
	s26 =	sadd.s32 s11, s4;
	[dreg:$0xe] =	wrdreg s29  }
0x10: {  	s1 =	simm.s32 $0x10;
	s4 =	sadd.s32 s12, s4;
	[dreg:$0xb] =	wrdreg s26  }
0x11: {  	s8 =	sshrl.u32 s8, $0x3;
	s31 =	smax.u32 s3, $0x1;
	[dreg:$0xc] =	wrdreg s4  }
0x12: {  	s2 =	sadd.s32 s8, s2;
	s8 =	sor.u32 s23, s7;
	[dreg:$0x10] =	wrdreg s31  }
0x13: {  	[dreg:$0x8] =	wrdreg s8;
	s8 =	sshrl.u32 s8, $0x3;
	s30 =	sadd.s32 $0x22200, s2  }
0x14: {  	s3 =	simm.s32 $0x0;
	s25 =	sadd.s32 s9, s8;
	[dreg:$0xf] =	wrdreg s30  }
0x15: {  	s4 =	simm.s32 $0x7;
	s2 =	simm.s32 $0x80;
	[dreg:$0xa] =	wrdreg s25  }
.LBB2_1:
0x16: {  	[dreg:$0x11] =	wrdreg s3  }
0x17: {  	s0 =	rddreg [dreg:$0xa]  }
0x18: {  	s19 =	simm.s32 $0x10000;
	s20 =	rddreg [dreg:$0xb]  }
0x19: {  	[tilespmem:s19], [sflag:$0x1] =	stream.strided.gather [hbm4b:s0+s1], $0x4000, s2, s1, $0x38;
	[tilespmem:$0x1C020] =	vst v63  }
0x1a: {  	s21 =	simm.s32 $0x400;
	s22 =	simm.s32 $0x2000;
	s23 =	simm.s32 $0x18000  }
0x1b: {  	[tilespmem:s23], [sflag:$0x3] =	stream.strided.gather [hbm4b:s20+s21], $0x1000, s22, s21, $0x38;
	[tilespmem:$0x1C020] =	vst v63  }
0x1c: {  	s24 =	rddreg [dreg:$0xc];
	s25 =	simm.s32 $0x1A000  }
0x1d: {  	[tilespmem:s25], [sflag:$0x5] =	stream.strided.gather [hbm4b:s24+s21], $0x1000, s22, s21, $0x38;
	[tilespmem:$0x1C020] =	vst v63  }
0x1e: {  	s26 =	rddreg [dreg:$0x7]  }
0x1f: {  	[tilespmem:s10], [sflag:$0x7] =	stream.linear.gather [hbm4b:s26+s10], $0x10000, $0x38;
	[tilespmem:$0x1C020] =	vst v63  }
0x20: {  	_ =	swait.ge [sflag:s4], $0x10000  }
0x21: {  	[sflag:s4] =	ssyncset.done $0x0  }
0x22: {  	s29 =	simm.s32 $0x1C000;
	s28 =	rddreg [dreg:$0xd];
	[sflag:s4] =	ssyncadd.s32 $0xFFFF0000  }
0x23: {  	[tilespmem:s29], [sflag:$0x7] =	stream.linear.gather [hbm4b:s28+s10], $0x10, $0x38;
	[tilespmem:$0x1C020] =	vst v63  }
0x24: {  	_ =	swait.ge [sflag:s4], $0x10  }
0x25: {  	[sflag:s4] =	ssyncset.done $0x0  }
0x26: {  	s31 =	simm.s32 $0x1C010;
	s30 =	rddreg [dreg:$0xe];
	[sflag:s4] =	ssyncadd.s32 $0xFFFFFFF0  }
0x27: {  	[tilespmem:s31], [sflag:$0x7] =	stream.linear.gather [hbm4b:s30+s10], $0x10, $0x38;
	[tilespmem:$0x1C020] =	vst v63  }
0x28: {  	_ =	swait.ge [sflag:s4], $0x10  }
0x29: {  	[sflag:s4] =	ssyncset.done $0x0  }
0x2a: {  	[sflag:s4] =	ssyncadd.s32 $0xFFFFFFF0  }
0x2b: {  	v0 =	vld [tilespmem:$0x1C000]  }
0x2c: {  	p0 =	por $0x0, $0x0;
	s0 =	simm.s32 $0x0;
	v1 =	vld [tilespmem:$0x1C010]  }
.LBB2_3:
0x2d: {  	s7 =	sadd.s32 $0x1, s0;
	p1 =	seq.s32 s0, $0x7;
	s3 =	rddreg [dreg:$0x8]  }
0x2e: {  	s5 =	rddreg [dreg:$0x0];
	s1 =	sand.u32 @!p1 $0x1, s7;
	s2 =	sshll.u32 @!p1 s7, $0x11  }
0x2f: {  	s6 =	simm.s32 @!p1 $0x80;
	[dreg:$0x12] =	wrdreg s7;
	s2 =	sadd.s32 @!p1 s3, s2  }
0x30: {  	s3 =	sshll.u32 @!p1 s1, $0xE;
	s4 =	sadd.s32 @!p1 $0x1, s1;
	s2 =	sshrl.u32 @!p1 s2, $0x3  }
0x31: {  	s3 =	sor.u32 @!p1 $0x10000, s3;
	s2 =	sadd.s32 @!p1 s5, s2;
	s5 =	simm.s32 @!p1 $0x10  }
0x32: {  	[tilespmem:s3], [sflag:s4] =	stream.strided.gather @!p1 [hbm4b:s2+s5], $0x4000, s6, s5, $0x38;
	[tilespmem:$0x1C020] =	vst v63  }
0x33: {  	s24 =	sand.u32 $0x1, s0;
	s2 =	sshll.u32 @!p1 s7, $0xA;
	s3 =	rddreg [dreg:$0x9]  }
0x34: {  	s8 =	simm.s32 @!p1 $0x2000;
	s5 =	sadd.s32 @!p1 $0x3, s1;
	s2 =	sadd.s32 @!p1 s3, s2  }
0x35: {  	s6 =	rddreg [dreg:$0x5];
	s3 =	sshll.u32 @!p1 s1, $0xC;
	s2 =	sshrl.u32 @!p1 s2, $0x3  }
0x36: {  	s7 =	simm.s32 @!p1 $0x400;
	s4 =	sor.u32 @!p1 $0x18000, s3;
	s6 =	sadd.s32 @!p1 s6, s2  }
0x37: {  	[tilespmem:s4], [sflag:s5] =	stream.strided.gather @!p1 [hbm4b:s6+s7], $0x1000, s8, s7, $0x38;
	[tilespmem:$0x1C020] =	vst v63  }
0x38: {  	s25 =	sadd.s32 $0x1, s24;
	s4 =	rddreg [dreg:$0x6]  }
0x39: {  	s1 =	sadd.s32 @!p1 $0x5, s1;
	s3 =	sor.u32 @!p1 $0x1A000, s3;
	s2 =	sadd.s32 @!p1 s4, s2  }
0x3a: {  	[tilespmem:s3], [sflag:s1] =	stream.strided.gather @!p1 [hbm4b:s2+s7], $0x1000, s8, s7, $0x38;
	[tilespmem:$0x1C020] =	vst v63  }
0x3b: {  	_ =	swait.ge [sflag:s25], $0x4000  }
0x3c: {  	[sflag:s25] =	ssyncset.done $0x0  }
0x3d: {  	s26 =	sadd.s32 $0x3, s24;
	[sflag:s25] =	ssyncadd.s32 $0xFFFFC000  }
0x3e: {  	_ =	swait.ge [sflag:s26], $0x1000  }
0x3f: {  	s2 =	simm.s32 $0x1;
	[sflag:s26] =	ssyncset.done $0x0  }
0x40: {  	s0 =	sadd.s32 $0x5, s24;
	s2 =	simm.s32 @!p0 $0x0;
	[sflag:s26] =	ssyncadd.s32 $0xFFFFF000  }
0x41: {  	s1 =	simm.s32 $0xFFFFFFFC;
	s2 =	sshll.u32 s2, $0xE;
	_ =	swait.ge [sflag:s0], $0x1000  }
0x42: {  	s28 =	sshrl.u32 s2, $0x2;
	s31 =	sor.u32 $0x10200, s2;
	[sflag:s0] =	ssyncset.done $0x0  }
0x43: {  	s29 =	sor.u32 $0x18800, s28;
	s30 =	sor.u32 $0x1A800, s28;
	[sflag:s0] =	ssyncadd.s32 $0xFFFFF000  }
.LBB2_4:
0x44: {  	[dreg:$0x13] =	wrdreg s1;
	v2 =	vld [tilespmem:s30+$0xFFFFF800]  }
0x45: {  	v3 =	vld [tilespmem:s30+$0xFFFFFC00]  }
0x46: {  	v4 =	vld [tilespmem:s30+$0x0]  }
0x47: {  	v5 =	vld [tilespmem:s30+$0x400];
	_ =	sdelay $0x1  }
0x48: {  	v2 =	vshll.u32 v2, $0x6  }
0x49: {  	v2 =	vshra.s32 v2, $0x2;
	v3 =	vshll.u32 v3, $0x6  }
0x4a: {  	v4 =	vshll.u32 v4, $0x6;
	(v2sf) =	vpush v2, $0x0;
	v3 =	vshra.s32 v3, $0x2  }
0x4b: {  	v5 =	vshll.u32 v5, $0x6;
	v4 =	vshra.s32 v4, $0x2;
	(v2sf) =	vpush v3, $0x0  }
0x4c: {  	v5 =	vshra.s32 v5, $0x2;
	(v2sf) =	vpush v4, $0x0  }
0x4d: {  	(v2sf) =	vpush v5, $0x0;
	_ =	sdelay $0x1  }
0x4e: {  	v10 =	vld [tilespmem:s31+$0xFFFFFE00];
	_ =	sdelay $0x1  }
0x4f: {  	v9 =	vld [tilespmem:s29+$0xFFFFF800]  }
0x50: {  	v7 =	vld [tilespmem:s29+$0xFFFFFC00]  }
0x51: {  	v8 =	vld [tilespmem:s29+$0x0]  }
0x52: {  	v6 =	vld [tilespmem:s29+$0x400];
	v10 =	vmul.f32 v10, v0;
	_ =	sdelay $0x1  }
0x53: {  	v11 =	vbroadcast v9, $0x0;
	v10 =	vadd.f32 v10, v1  }
0x54: {  	v12 =	vbroadcast v7, $0x0  }
0x55: {  	v13 =	vbroadcast v8, $0x0;
	v11 =	vmul.f32 v10, v11  }
0x56: {  	v14 =	vbroadcast v6, $0x0;
	v12 =	vmul.f32 v10, v12;
	(v2sf) =	vpush v2, $0x1;
	s0 =	spop (v2sf)  }
0x57: {  	v25 =	vmul.f32 v10, v13;
	(v2sf) =	vpush v3, $0x1;
	[tilespmem:s0+$0x0] =	vst.add.f32.msk $0xffff, v11;
	s4 =	spop (v2sf)  }
0x58: {  	v10 =	vmul.f32 v10, v14;
	(v2sf) =	vpush v4, $0x1;
	[tilespmem:s4+$0x0] =	vst.add.f32.msk $0xffff, v12;
	s5 =	spop (v2sf)  }
0x59: {  	(v2sf) =	vpush v5, $0x1;
	[tilespmem:s5+$0x0] =	vst.add.f32.msk $0xffff, v25;
	s6 =	spop (v2sf)  }
0x5a: {  	[tilespmem:s6+$0x0] =	vst.add.f32.msk $0xffff, v10  }
0x5b: {  	v10 =	vld [tilespmem:s31+$0xFFFFFE10];
	_ =	sdelay $0x4  }
0x5c: {  	v10 =	vmul.f32 v10, v0;
	_ =	sdelay $0x1  }
0x5d: {  	v26 =	vbroadcast v9, $0x1;
	v10 =	vadd.f32 v10, v1  }
0x5e: {  	v27 =	vbroadcast v7, $0x1  }
0x5f: {  	v28 =	vbroadcast v8, $0x1;
	v11 =	vmul.f32 v10, v26  }
0x60: {  	v29 =	vbroadcast v6, $0x1;
	(v2sf) =	vpush v2, $0x2;
	s7 =	spop (v2sf);
	v12 =	vmul.f32 v10, v27  }
0x61: {  	s8 =	spop (v2sf);
	(v2sf) =	vpush v3, $0x2;
	v30 =	vmul.f32 v10, v28;
	[tilespmem:s7+$0x0] =	vst.add.f32.msk $0xffff, v11  }
0x62: {  	s9 =	spop (v2sf);
	(v2sf) =	vpush v4, $0x2;
	v10 =	vmul.f32 v10, v29;
	[tilespmem:s8+$0x0] =	vst.add.f32.msk $0xffff, v12  }
0x63: {  	s10 =	spop (v2sf);
	(v2sf) =	vpush v5, $0x2;
	[tilespmem:s9+$0x0] =	vst.add.f32.msk $0xffff, v30  }
0x64: {  	[tilespmem:s10+$0x0] =	vst.add.f32.msk $0xffff, v10  }
0x65: {  	v10 =	vld [tilespmem:s31+$0xFFFFFE20];
	_ =	sdelay $0x1  }
0x66: {  	(v2sf) =	vpush v2, $0x3  }
0x67: {  	(v2sf) =	vpush v3, $0x3  }
0x68: {  	(v2sf) =	vpush v4, $0x3  }
0x69: {  	(v2sf) =	vpush v5, $0x3;
	v10 =	vmul.f32 v10, v0  }
0x6a: {  	(v2sf) =	vpush v2, $0x4  }
0x6b: {  	v31 =	vbroadcast v9, $0x2;
	(v2sf) =	vpush v3, $0x4;
	v10 =	vadd.f32 v10, v1  }
0x6c: {  	v32 =	vbroadcast v7, $0x2;
	(v2sf) =	vpush v4, $0x4  }
0x6d: {  	v33 =	vbroadcast v8, $0x2;
	(v2sf) =	vpush v5, $0x4;
	v11 =	vmul.f32 v10, v31  }
0x6e: {  	v34 =	vbroadcast v6, $0x2;
	s11 =	spop (v2sf);
	(v2sf) =	vpush v2, $0x5;
	v12 =	vmul.f32 v10, v32  }
0x6f: {  	(v2sf) =	vpush v3, $0x5;
	s12 =	spop (v2sf);
	v35 =	vmul.f32 v10, v33;
	[tilespmem:s11+$0x0] =	vst.add.f32.msk $0xffff, v11  }
0x70: {  	(v2sf) =	vpush v4, $0x5;
	s13 =	spop (v2sf);
	v10 =	vmul.f32 v10, v34;
	[tilespmem:s12+$0x0] =	vst.add.f32.msk $0xffff, v12  }
0x71: {  	(v2sf) =	vpush v5, $0x5;
	s14 =	spop (v2sf);
	[tilespmem:s13+$0x0] =	vst.add.f32.msk $0xffff, v35  }
0x72: {  	(v2sf) =	vpush v2, $0x6;
	[tilespmem:s14+$0x0] =	vst.add.f32.msk $0xffff, v10  }
0x73: {  	(v2sf) =	vpush v3, $0x6;
	v10 =	vld [tilespmem:s31+$0xFFFFFE30]  }
0x74: {  	(v2sf) =	vpush v4, $0x6  }
0x75: {  	s15 =	spop (v2sf);
	(v2sf) =	vpush v5, $0x6  }
0x76: {  	s3 =	spop (v2sf);
	(v2sf) =	vpush v2, $0x7  }
0x77: {  	s4 =	spop (v2sf);
	(v2sf) =	vpush v3, $0x7  }
0x78: {  	s5 =	spop (v2sf);
	(v2sf) =	vpush v4, $0x7;
	v10 =	vmul.f32 v10, v0  }
0x79: {  	s17 =	spop (v2sf);
	(v2sf) =	vpush v5, $0x7  }
0x7a: {  	v36 =	vbroadcast v9, $0x3;
	s18 =	spop (v2sf);
	(v2sf) =	vpush v2, $0x8;
	v10 =	vadd.f32 v10, v1  }
0x7b: {  	v37 =	vbroadcast v7, $0x3;
	s16 =	spop (v2sf);
	(v2sf) =	vpush v3, $0x8  }
0x7c: {  	v38 =	vbroadcast v8, $0x3;
	s19 =	spop (v2sf);
	(v2sf) =	vpush v4, $0x8;
	v11 =	vmul.f32 v10, v36  }
0x7d: {  	v39 =	vbroadcast v6, $0x3;
	s0 =	spop (v2sf);
	(v2sf) =	vpush v5, $0x8;
	v12 =	vmul.f32 v10, v37  }
0x7e: {  	s2 =	spop (v2sf);
	(v2sf) =	vpush v2, $0x9;
	v40 =	vmul.f32 v10, v38;
	[tilespmem:s15+$0x0] =	vst.add.f32.msk $0xffff, v11  }
0x7f: {  	s1 =	spop (v2sf);
	(v2sf) =	vpush v3, $0x9;
	v10 =	vmul.f32 v10, v39;
	[tilespmem:s3+$0x0] =	vst.add.f32.msk $0xffff, v12  }
0x80: {  	s3 =	spop (v2sf);
	(v2sf) =	vpush v4, $0x9;
	[tilespmem:s4+$0x0] =	vst.add.f32.msk $0xffff, v40  }
0x81: {  	s6 =	spop (v2sf);
	(v2sf) =	vpush v5, $0x9;
	[tilespmem:s5+$0x0] =	vst.add.f32.msk $0xffff, v10  }
0x82: {  	s4 =	spop (v2sf);
	(v2sf) =	vpush v2, $0xA;
	v10 =	vld [tilespmem:s31+$0xFFFFFE40]  }
0x83: {  	s5 =	spop (v2sf);
	(v2sf) =	vpush v3, $0xA  }
0x84: {  	s7 =	spop (v2sf);
	(v2sf) =	vpush v4, $0xA  }
0x85: {  	s8 =	spop (v2sf);
	(v2sf) =	vpush v5, $0xA  }
0x86: {  	s10 =	spop (v2sf);
	(v2sf) =	vpush v2, $0xB  }
0x87: {  	s9 =	spop (v2sf);
	(v2sf) =	vpush v3, $0xB;
	v10 =	vmul.f32 v10, v0  }
0x88: {  	s11 =	spop (v2sf);
	(v2sf) =	vpush v4, $0xB  }
0x89: {  	v41 =	vbroadcast v9, $0x4;
	s14 =	spop (v2sf);
	(v2sf) =	vpush v5, $0xB;
	v10 =	vadd.f32 v10, v1  }
0x8a: {  	v42 =	vbroadcast v7, $0x4;
	s15 =	spop (v2sf);
	(v2sf) =	vpush v2, $0xC  }
0x8b: {  	v43 =	vbroadcast v8, $0x4;
	s13 =	spop (v2sf);
	(v2sf) =	vpush v3, $0xC;
	v11 =	vmul.f32 v10, v41  }
0x8c: {  	v44 =	vbroadcast v6, $0x4;
	v12 =	vmul.f32 v10, v42;
	s12 =	spop (v2sf);
	(v2sf) =	vpush v4, $0xC  }
0x8d: {  	v45 =	vmul.f32 v10, v43;
	s24 =	spop (v2sf);
	(v2sf) =	vpush v5, $0xC;
	[tilespmem:s17+$0x0] =	vst.add.f32.msk $0xffff, v11  }
0x8e: {  	v10 =	vmul.f32 v10, v44;
	s25 =	spop (v2sf);
	(v2sf) =	vpush v2, $0xD;
	[tilespmem:s18+$0x0] =	vst.add.f32.msk $0xffff, v12  }
0x8f: {  	s26 =	spop (v2sf);
	(v2sf) =	vpush v3, $0xD;
	[tilespmem:s16+$0x0] =	vst.add.f32.msk $0xffff, v45  }
0x90: {  	s28 =	spop (v2sf);
	(v2sf) =	vpush v4, $0xD;
	[tilespmem:s19+$0x0] =	vst.add.f32.msk $0xffff, v10  }
0x91: {  	s23 =	spop (v2sf);
	(v2sf) =	vpush v5, $0xD;
	v10 =	vld [tilespmem:s31+$0xFFFFFE50]  }
0x92: {  	s20 =	spop (v2sf);
	(v2sf) =	vpush v2, $0xE  }
0x93: {  	v46 =	vld [tilespmem:s30+$0xFFFFF810];
	s21 =	spop (v2sf);
	(v2sf) =	vpush v3, $0xE  }
0x94: {  	v47 =	vld [tilespmem:s30+$0xFFFFFC10];
	s22 =	spop (v2sf);
	(v2sf) =	vpush v4, $0xE  }
0x95: {  	v48 =	vld [tilespmem:s30+$0x10];
	s19 =	spop (v2sf);
	(v2sf) =	vpush v5, $0xE  }
0x96: {  	s17 =	spop (v2sf);
	(v2sf) =	vpush v2, $0xF;
	v2 =	vld [tilespmem:s30+$0x410];
	v10 =	vmul.f32 v10, v0  }
0x97: {  	(v2sf) =	vpush v3, $0xF;
	s18 =	spop (v2sf)  }
0x98: {  	[smem:$0x7C6] =	sst s19;
	v3 =	vshll.u32 v46, $0x6;
	(v2sf) =	vpush v4, $0xF;
	s19 =	spop (v2sf);
	v49 =	vadd.f32 v10, v1  }
0x99: {  	(v2sf) =	vpush v5, $0xF;
	v10 =	vshra.s32 v3, $0x2;
	v3 =	vshll.u32 v47, $0x6;
	s16 =	spop (v2sf)  }
0x9a: {  	[smem:$0x7C7] =	sst s16;
	(v2sf) =	vpush v10, $0x0;
	v11 =	vshra.s32 v3, $0x2;
	v3 =	vshll.u32 v48, $0x6;
	s16 =	spop (v2sf)  }
0x9b: {  	[smem:$0x7C8] =	sst s16;
	(v2sf) =	vpush v11, $0x0;
	v12 =	vshra.s32 v3, $0x2;
	v2 =	vshll.u32 v2, $0x6;
	s16 =	spop (v2sf)  }
0x9c: {  	v3 =	vbroadcast v9, $0x5;
	[smem:$0x7C9] =	sst s16;
	(v2sf) =	vpush v12, $0x0;
	v13 =	vshra.s32 v2, $0x2;
	s16 =	spop (v2sf)  }
0x9d: {  	v15 =	vld [tilespmem:s31+$0xFFFFFF00];
	[smem:$0x7CA] =	sst s16;
	(v2sf) =	vpush v13, $0x0;
	s16 =	spop (v2sf)  }
0x9e: {  	v4 =	vld [tilespmem:s29+$0x410];
	v2 =	vmul.f32 v49, v3;
	[smem:$0x7CB] =	sst s16;
	s16 =	spop (v2sf)  }
0x9f: {  	v5 =	vld [tilespmem:s29+$0xFFFFF810];
	v3 =	vbroadcast v7, $0x5;
	[smem:$0x7CC] =	sst s16;
	s16 =	spop (v2sf)  }
0xa0: {  	v50 =	vbroadcast v8, $0x5;
	[tilespmem:s0+$0x0] =	vst.add.f32.msk $0xffff, v2;
	s0 =	spop (v2sf)  }
0xa1: {  	v17 =	vbroadcast v6, $0x5;
	v2 =	vld [tilespmem:s29+$0xFFFFFC10];
	v16 =	vmul.f32 v49, v3;
	[smem:$0x7CD] =	sst s0;
	s0 =	spop (v2sf)  }
0xa2: {  	v18 =	vmul.f32 v49, v50;
	v3 =	vld [tilespmem:s29+$0x10];
	[smem:$0x7CE] =	sst s0;
	s0 =	spop (v2sf)  }
0xa3: {  	v14 =	vmul.f32 v49, v17;
	[tilespmem:s2+$0x0] =	vst.add.f32.msk $0xffff, v16;
	[smem:$0x7CF] =	sst s0;
	s0 =	spop (v2sf)  }
0xa4: {  	v15 =	vmul.f32 v15, v0;
	[tilespmem:s1+$0x0] =	vst.add.f32.msk $0xffff, v18;
	[smem:$0x7D0] =	sst s0;
	s0 =	spop (v2sf)  }
0xa5: {  	[tilespmem:s3+$0x0] =	vst.add.f32.msk $0xffff, v14;
	s2 =	spop (v2sf)  }
0xa6: {  	v15 =	vadd.f32 v15, v1;
	v51 =	vbroadcast v5, $0x0;
	v53 =	vld [tilespmem:s31+$0xFFFFFE60];
	s1 =	spop (v2sf)  }
0xa7: {  	v52 =	vbroadcast v2, $0x0;
	s3 =	spop (v2sf)  }
0xa8: {  	v16 =	vmul.f32 v15, v51;
	v54 =	vbroadcast v3, $0x0;
	[smem:$0x7D1] =	sst s0;
	s0 =	spop (v2sf)  }
0xa9: {  	v19 =	vbroadcast v4, $0x0;
	v14 =	vmul.f32 v15, v52;
	(v2sf) =	vpush v10, $0x1;
	[smem:$0x7D2] =	sst s0;
	s0 =	spop (v2sf)  }
0xaa: {  	v55 =	vmul.f32 v15, v54;
	(v2sf) =	vpush v11, $0x1;
	[tilespmem:s0+$0x0] =	vst.add.f32.msk $0xffff, v16;
	s0 =	spop (v2sf)  }
0xab: {  	v56 =	vmul.f32 v15, v19;
	v57 =	vmul.f32 v53, v0;
	(v2sf) =	vpush v12, $0x1;
	[tilespmem:s0+$0x0] =	vst.add.f32.msk $0xffff, v14;
	s0 =	spop (v2sf)  }
0xac: {  	(v2sf) =	vpush v13, $0x1;
	[tilespmem:s0+$0x0] =	vst.add.f32.msk $0xffff, v55;
	s0 =	spop (v2sf)  }
0xad: {  	v59 =	vbroadcast v9, $0x6;
	v14 =	vadd.f32 v57, v1;
	[tilespmem:s0+$0x0] =	vst.add.f32.msk $0xffff, v56  }
0xae: {  	v60 =	vbroadcast v7, $0x6;
	v58 =	vld [tilespmem:s31+$0xFFFFFF10]  }
0xaf: {  	v61 =	vbroadcast v8, $0x6;
	v16 =	vmul.f32 v14, v59  }
0xb0: {  	v62 =	vbroadcast v6, $0x6;
	v17 =	vmul.f32 v14, v60  }
0xb1: {  	v63 =	vmul.f32 v14, v61;
	[tilespmem:s6+$0x0] =	vst.add.f32.msk $0xffff, v16  }
0xb2: {  	v14 =	vmul.f32 v14, v62;
	[tilespmem:s4+$0x0] =	vst.add.f32.msk $0xffff, v17  }
0xb3: {  	[tilespmem:s5+$0x0] =	vst.add.f32.msk $0xffff, v63;
	v15 =	vmul.f32 v58, v0  }
0xb4: {  	[tilespmem:s7+$0x0] =	vst.add.f32.msk $0xffff, v14  }
0xb5: {  	v20 =	vbroadcast v5, $0x1;
	v17 =	vld [tilespmem:s31+$0xFFFFFE70];
	v15 =	vadd.f32 v15, v1  }
0xb6: {  	v21 =	vbroadcast v2, $0x1  }
0xb7: {  	v22 =	vbroadcast v3, $0x1;
	v16 =	vmul.f32 v15, v20  }
0xb8: {  	v23 =	vbroadcast v4, $0x1;
	(v2sf) =	vpush v10, $0x2;
	v14 =	vmul.f32 v15, v21;
	s4 =	spop (v2sf)  }
0xb9: {  	(v2sf) =	vpush v11, $0x2;
	v24 =	vmul.f32 v15, v22;
	s5 =	spop (v2sf);
	[tilespmem:s4+$0x0] =	vst.add.f32.msk $0xffff, v16  }
0xba: {  	(v2sf) =	vpush v12, $0x2;
	v25 =	vmul.f32 v15, v23;
	v26 =	vmul.f32 v17, v0;
	s6 =	spop (v2sf);
	[tilespmem:s5+$0x0] =	vst.add.f32.msk $0xffff, v14  }
0xbb: {  	(v2sf) =	vpush v13, $0x2;
	s7 =	spop (v2sf);
	[tilespmem:s6+$0x0] =	vst.add.f32.msk $0xffff, v24  }
0xbc: {  	v28 =	vbroadcast v9, $0x7;
	v14 =	vadd.f32 v26, v1;
	[tilespmem:s7+$0x0] =	vst.add.f32.msk $0xffff, v25  }
0xbd: {  	v29 =	vbroadcast v7, $0x7;
	v27 =	vld [tilespmem:s31+$0xFFFFFF20]  }
0xbe: {  	v30 =	vbroadcast v8, $0x7;
	v16 =	vmul.f32 v14, v28  }
0xbf: {  	v31 =	vbroadcast v6, $0x7;
	v17 =	vmul.f32 v14, v29  }
0xc0: {  	v32 =	vmul.f32 v14, v30;
	[tilespmem:s8+$0x0] =	vst.add.f32.msk $0xffff, v16  }
0xc1: {  	v14 =	vmul.f32 v14, v31;
	[tilespmem:s10+$0x0] =	vst.add.f32.msk $0xffff, v17  }
0xc2: {  	[tilespmem:s9+$0x0] =	vst.add.f32.msk $0xffff, v32;
	v15 =	vmul.f32 v27, v0  }
0xc3: {  	[tilespmem:s11+$0x0] =	vst.add.f32.msk $0xffff, v14  }
0xc4: {  	v33 =	vbroadcast v5, $0x2;
	v17 =	vld [tilespmem:s31+$0xFFFFFE80];
	v15 =	vadd.f32 v15, v1  }
0xc5: {  	v34 =	vbroadcast v2, $0x2  }
0xc6: {  	v35 =	vbroadcast v3, $0x2;
	v16 =	vmul.f32 v15, v33  }
0xc7: {  	v36 =	vbroadcast v4, $0x2;
	(v2sf) =	vpush v10, $0x3;
	s4 =	spop (v2sf);
	v14 =	vmul.f32 v15, v34  }
0xc8: {  	(v2sf) =	vpush v11, $0x3;
	s5 =	spop (v2sf);
	v37 =	vmul.f32 v15, v35;
	[tilespmem:s4+$0x0] =	vst.add.f32.msk $0xffff, v16  }
0xc9: {  	(v2sf) =	vpush v12, $0x3;
	s6 =	spop (v2sf);
	v38 =	vmul.f32 v15, v36;
	v39 =	vmul.f32 v17, v0;
	[tilespmem:s5+$0x0] =	vst.add.f32.msk $0xffff, v14  }
0xca: {  	(v2sf) =	vpush v13, $0x3;
	s7 =	spop (v2sf);
	[tilespmem:s6+$0x0] =	vst.add.f32.msk $0xffff, v37  }
0xcb: {  	v41 =	vbroadcast v9, $0x8;
	v14 =	vadd.f32 v39, v1;
	[tilespmem:s7+$0x0] =	vst.add.f32.msk $0xffff, v38  }
0xcc: {  	v42 =	vbroadcast v7, $0x8;
	v40 =	vld [tilespmem:s31+$0xFFFFFF30]  }
0xcd: {  	v43 =	vbroadcast v8, $0x8;
	v16 =	vmul.f32 v14, v41  }
0xce: {  	v44 =	vbroadcast v6, $0x8;
	v17 =	vmul.f32 v14, v42  }
0xcf: {  	v45 =	vmul.f32 v14, v43;
	[tilespmem:s14+$0x0] =	vst.add.f32.msk $0xffff, v16  }
0xd0: {  	v14 =	vmul.f32 v14, v44;
	[tilespmem:s15+$0x0] =	vst.add.f32.msk $0xffff, v17  }
0xd1: {  	[tilespmem:s13+$0x0] =	vst.add.f32.msk $0xffff, v45;
	v15 =	vmul.f32 v40, v0  }
0xd2: {  	[tilespmem:s12+$0x0] =	vst.add.f32.msk $0xffff, v14  }
0xd3: {  	v46 =	vbroadcast v5, $0x3;
	v17 =	vld [tilespmem:s31+$0xFFFFFE90];
	v15 =	vadd.f32 v15, v1  }
0xd4: {  	v47 =	vbroadcast v2, $0x3  }
0xd5: {  	v48 =	vbroadcast v3, $0x3;
	v16 =	vmul.f32 v15, v46  }
0xd6: {  	v49 =	vbroadcast v4, $0x3;
	(v2sf) =	vpush v10, $0x4;
	s8 =	spop (v2sf);
	v14 =	vmul.f32 v15, v47  }
0xd7: {  	(v2sf) =	vpush v11, $0x4;
	s9 =	spop (v2sf);
	v50 =	vmul.f32 v15, v48;
	[tilespmem:s8+$0x0] =	vst.add.f32.msk $0xffff, v16  }
0xd8: {  	(v2sf) =	vpush v12, $0x4;
	s10 =	spop (v2sf);
	v51 =	vmul.f32 v15, v49;
	v52 =	vmul.f32 v17, v0;
	[tilespmem:s9+$0x0] =	vst.add.f32.msk $0xffff, v14  }
0xd9: {  	(v2sf) =	vpush v13, $0x4;
	s11 =	spop (v2sf);
	[tilespmem:s10+$0x0] =	vst.add.f32.msk $0xffff, v50  }
0xda: {  	v54 =	vbroadcast v9, $0x9;
	v14 =	vadd.f32 v52, v1;
	[tilespmem:s11+$0x0] =	vst.add.f32.msk $0xffff, v51  }
0xdb: {  	v55 =	vbroadcast v7, $0x9;
	v53 =	vld [tilespmem:s31+$0xFFFFFF40]  }
0xdc: {  	v56 =	vbroadcast v8, $0x9;
	v16 =	vmul.f32 v14, v54  }
0xdd: {  	v57 =	vbroadcast v6, $0x9;
	v17 =	vmul.f32 v14, v55  }
0xde: {  	v58 =	vmul.f32 v14, v56;
	[tilespmem:s24+$0x0] =	vst.add.f32.msk $0xffff, v16  }
0xdf: {  	v14 =	vmul.f32 v14, v57;
	[tilespmem:s25+$0x0] =	vst.add.f32.msk $0xffff, v17  }
0xe0: {  	[tilespmem:s26+$0x0] =	vst.add.f32.msk $0xffff, v58;
	v15 =	vmul.f32 v53, v0  }
0xe1: {  	[tilespmem:s28+$0x0] =	vst.add.f32.msk $0xffff, v14  }
0xe2: {  	v59 =	vbroadcast v5, $0x4;
	v17 =	vld [tilespmem:s31+$0xFFFFFEA0];
	v15 =	vadd.f32 v15, v1  }
0xe3: {  	v60 =	vbroadcast v2, $0x4  }
0xe4: {  	v61 =	vbroadcast v3, $0x4;
	v16 =	vmul.f32 v15, v59  }
0xe5: {  	v62 =	vbroadcast v4, $0x4;
	(v2sf) =	vpush v10, $0x5;
	s12 =	spop (v2sf);
	v14 =	vmul.f32 v15, v60  }
0xe6: {  	(v2sf) =	vpush v11, $0x5;
	s13 =	spop (v2sf);
	v63 =	vmul.f32 v15, v61;
	[tilespmem:s12+$0x0] =	vst.add.f32.msk $0xffff, v16  }
0xe7: {  	(v2sf) =	vpush v12, $0x5;
	s14 =	spop (v2sf);
	v19 =	vmul.f32 v15, v62;
	v20 =	vmul.f32 v17, v0;
	[tilespmem:s13+$0x0] =	vst.add.f32.msk $0xffff, v14  }
0xe8: {  	(v2sf) =	vpush v13, $0x5;
	s15 =	spop (v2sf);
	[tilespmem:s14+$0x0] =	vst.add.f32.msk $0xffff, v63  }
0xe9: {  	v21 =	vbroadcast v9, $0xA;
	v15 =	vadd.f32 v20, v1;
	[tilespmem:s15+$0x0] =	vst.add.f32.msk $0xffff, v19  }
0xea: {  	v22 =	vbroadcast v7, $0xA;
	v14 =	vld [tilespmem:s31+$0xFFFFFF50]  }
0xeb: {  	v23 =	vbroadcast v8, $0xA;
	v16 =	vmul.f32 v15, v21  }
0xec: {  	v24 =	vbroadcast v6, $0xA;
	v17 =	vmul.f32 v15, v22  }
0xed: {  	v25 =	vmul.f32 v15, v23;
	[tilespmem:s23+$0x0] =	vst.add.f32.msk $0xffff, v16  }
0xee: {  	v15 =	vmul.f32 v15, v24;
	[tilespmem:s20+$0x0] =	vst.add.f32.msk $0xffff, v17  }
0xef: {  	[tilespmem:s21+$0x0] =	vst.add.f32.msk $0xffff, v25;
	v14 =	vmul.f32 v14, v0  }
0xf0: {  	[tilespmem:s22+$0x0] =	vst.add.f32.msk $0xffff, v15  }
0xf1: {  	v26 =	vbroadcast v5, $0x5;
	v17 =	vld [tilespmem:s31+$0xFFFFFEB0];
	v14 =	vadd.f32 v14, v1  }
0xf2: {  	v27 =	vbroadcast v2, $0x5  }
0xf3: {  	v28 =	vbroadcast v3, $0x5;
	v16 =	vmul.f32 v14, v26  }
0xf4: {  	v29 =	vbroadcast v4, $0x5;
	(v2sf) =	vpush v10, $0x6;
	s20 =	spop (v2sf);
	v15 =	vmul.f32 v14, v27  }
0xf5: {  	(v2sf) =	vpush v11, $0x6;
	s21 =	spop (v2sf);
	v30 =	vmul.f32 v14, v28;
	[tilespmem:s20+$0x0] =	vst.add.f32.msk $0xffff, v16  }
0xf6: {  	(v2sf) =	vpush v12, $0x6;
	s22 =	spop (v2sf);
	v14 =	vmul.f32 v14, v29;
	v31 =	vmul.f32 v17, v0;
	[tilespmem:s21+$0x0] =	vst.add.f32.msk $0xffff, v15  }
0xf7: {  	(v2sf) =	vpush v13, $0x6;
	s23 =	spop (v2sf);
	[tilespmem:s22+$0x0] =	vst.add.f32.msk $0xffff, v30  }
0xf8: {  	v32 =	vbroadcast v9, $0xB;
	v15 =	vadd.f32 v31, v1;
	[tilespmem:s23+$0x0] =	vst.add.f32.msk $0xffff, v14  }
0xf9: {  	v33 =	vbroadcast v7, $0xB;
	s24 =	sld [smem:$0x7C6];
	v14 =	vld [tilespmem:s31+$0xFFFFFF60]  }
0xfa: {  	v34 =	vbroadcast v8, $0xB;
	v16 =	vmul.f32 v15, v32  }
0xfb: {  	v35 =	vbroadcast v6, $0xB;
	v17 =	vmul.f32 v15, v33  }
0xfc: {  	v36 =	vmul.f32 v15, v34;
	[tilespmem:s24+$0x0] =	vst.add.f32.msk $0xffff, v16  }
0xfd: {  	v15 =	vmul.f32 v15, v35;
	[tilespmem:s17+$0x0] =	vst.add.f32.msk $0xffff, v17  }
0xfe: {  	[tilespmem:s18+$0x0] =	vst.add.f32.msk $0xffff, v36;
	v14 =	vmul.f32 v14, v0  }
0xff: {  	[tilespmem:s19+$0x0] =	vst.add.f32.msk $0xffff, v15  }
0x100: {  	v37 =	vbroadcast v5, $0x6;
	v17 =	vld [tilespmem:s31+$0xFFFFFEC0];
	v14 =	vadd.f32 v14, v1  }
0x101: {  	v38 =	vbroadcast v2, $0x6  }
0x102: {  	v39 =	vbroadcast v3, $0x6;
	v16 =	vmul.f32 v14, v37  }
0x103: {  	v40 =	vbroadcast v4, $0x6;
	(v2sf) =	vpush v10, $0x7;
	s25 =	spop (v2sf);
	v15 =	vmul.f32 v14, v38  }
0x104: {  	(v2sf) =	vpush v11, $0x7;
	s26 =	spop (v2sf);
	v41 =	vmul.f32 v14, v39;
	[tilespmem:s25+$0x0] =	vst.add.f32.msk $0xffff, v16  }
0x105: {  	(v2sf) =	vpush v12, $0x7;
	s28 =	spop (v2sf);
	v14 =	vmul.f32 v14, v40;
	v42 =	vmul.f32 v17, v0;
	[tilespmem:s26+$0x0] =	vst.add.f32.msk $0xffff, v15  }
0x106: {  	(v2sf) =	vpush v13, $0x7;
	s4 =	spop (v2sf);
	[tilespmem:s28+$0x0] =	vst.add.f32.msk $0xffff, v41  }
0x107: {  	v43 =	vbroadcast v9, $0xC;
	v15 =	vadd.f32 v42, v1;
	[tilespmem:s4+$0x0] =	vst.add.f32.msk $0xffff, v14  }
0x108: {  	s5 =	sld [smem:$0x7C7];
	v44 =	vbroadcast v7, $0xC;
	v14 =	vld [tilespmem:s31+$0xFFFFFF70]  }
0x109: {  	s6 =	sld [smem:$0x7C8];
	v45 =	vbroadcast v8, $0xC;
	v16 =	vmul.f32 v15, v43  }
0x10a: {  	s7 =	sld [smem:$0x7C9];
	v46 =	vbroadcast v6, $0xC;
	v17 =	vmul.f32 v15, v44  }
0x10b: {  	s8 =	sld [smem:$0x7CA];
	v47 =	vmul.f32 v15, v45;
	[tilespmem:s5+$0x0] =	vst.add.f32.msk $0xffff, v16  }
0x10c: {  	v15 =	vmul.f32 v15, v46;
	[tilespmem:s6+$0x0] =	vst.add.f32.msk $0xffff, v17  }
0x10d: {  	[tilespmem:s7+$0x0] =	vst.add.f32.msk $0xffff, v47;
	v14 =	vmul.f32 v14, v0  }
0x10e: {  	[tilespmem:s8+$0x0] =	vst.add.f32.msk $0xffff, v15  }
0x10f: {  	v48 =	vbroadcast v5, $0x7;
	v17 =	vld [tilespmem:s31+$0xFFFFFED0];
	v14 =	vadd.f32 v14, v1  }
0x110: {  	v49 =	vbroadcast v2, $0x7  }
0x111: {  	v50 =	vbroadcast v3, $0x7;
	v16 =	vmul.f32 v14, v48  }
0x112: {  	v51 =	vbroadcast v4, $0x7;
	(v2sf) =	vpush v10, $0x8;
	s9 =	spop (v2sf);
	v15 =	vmul.f32 v14, v49  }
0x113: {  	(v2sf) =	vpush v11, $0x8;
	s10 =	spop (v2sf);
	v52 =	vmul.f32 v14, v50;
	[tilespmem:s9+$0x0] =	vst.add.f32.msk $0xffff, v16  }
0x114: {  	(v2sf) =	vpush v12, $0x8;
	s11 =	spop (v2sf);
	v14 =	vmul.f32 v14, v51;
	v53 =	vmul.f32 v17, v0;
	[tilespmem:s10+$0x0] =	vst.add.f32.msk $0xffff, v15  }
0x115: {  	(v2sf) =	vpush v13, $0x8;
	s12 =	spop (v2sf);
	[tilespmem:s11+$0x0] =	vst.add.f32.msk $0xffff, v52  }
0x116: {  	v54 =	vbroadcast v9, $0xD;
	v15 =	vadd.f32 v53, v1;
	[tilespmem:s12+$0x0] =	vst.add.f32.msk $0xffff, v14  }
0x117: {  	v55 =	vbroadcast v7, $0xD;
	s13 =	sld [smem:$0x7CB];
	v14 =	vld [tilespmem:s31+$0xFFFFFF80]  }
0x118: {  	v56 =	vbroadcast v8, $0xD;
	s14 =	sld [smem:$0x7CC];
	v16 =	vmul.f32 v15, v54  }
0x119: {  	v57 =	vbroadcast v6, $0xD;
	v17 =	vmul.f32 v15, v55  }
0x11a: {  	s15 =	sld [smem:$0x7CD];
	v58 =	vmul.f32 v15, v56;
	[tilespmem:s13+$0x0] =	vst.add.f32.msk $0xffff, v16  }
0x11b: {  	v15 =	vmul.f32 v15, v57;
	[tilespmem:s14+$0x0] =	vst.add.f32.msk $0xffff, v17  }
0x11c: {  	[tilespmem:s16+$0x0] =	vst.add.f32.msk $0xffff, v58;
	v14 =	vmul.f32 v14, v0  }
0x11d: {  	[tilespmem:s15+$0x0] =	vst.add.f32.msk $0xffff, v15  }
0x11e: {  	v59 =	vbroadcast v5, $0x8;
	v17 =	vld [tilespmem:s31+$0xFFFFFEE0];
	v14 =	vadd.f32 v14, v1  }
0x11f: {  	v60 =	vbroadcast v2, $0x8  }
0x120: {  	v61 =	vbroadcast v3, $0x8;
	v16 =	vmul.f32 v14, v59  }
0x121: {  	v62 =	vbroadcast v4, $0x8;
	(v2sf) =	vpush v10, $0x9;
	s16 =	spop (v2sf);
	v15 =	vmul.f32 v14, v60  }
0x122: {  	(v2sf) =	vpush v11, $0x9;
	s17 =	spop (v2sf);
	v63 =	vmul.f32 v14, v61;
	[tilespmem:s16+$0x0] =	vst.add.f32.msk $0xffff, v16  }
0x123: {  	(v2sf) =	vpush v12, $0x9;
	s18 =	spop (v2sf);
	v14 =	vmul.f32 v14, v62;
	v20 =	vmul.f32 v17, v0;
	[tilespmem:s17+$0x0] =	vst.add.f32.msk $0xffff, v15  }
0x124: {  	(v2sf) =	vpush v13, $0x9;
	s19 =	spop (v2sf);
	[tilespmem:s18+$0x0] =	vst.add.f32.msk $0xffff, v63  }
0x125: {  	v21 =	vbroadcast v9, $0xE;
	v15 =	vadd.f32 v20, v1;
	[tilespmem:s19+$0x0] =	vst.add.f32.msk $0xffff, v14  }
0x126: {  	v22 =	vbroadcast v7, $0xE;
	s20 =	sld [smem:$0x7CE];
	v14 =	vld [tilespmem:s31+$0xFFFFFF90]  }
0x127: {  	v23 =	vbroadcast v8, $0xE;
	s21 =	sld [smem:$0x7CF];
	v16 =	vmul.f32 v15, v21  }
0x128: {  	v24 =	vbroadcast v6, $0xE;
	s22 =	sld [smem:$0x7D0];
	v17 =	vmul.f32 v15, v22  }
0x129: {  	s23 =	sld [smem:$0x7D1];
	v25 =	vmul.f32 v15, v23;
	[tilespmem:s20+$0x0] =	vst.add.f32.msk $0xffff, v16  }
0x12a: {  	v15 =	vmul.f32 v15, v24;
	[tilespmem:s21+$0x0] =	vst.add.f32.msk $0xffff, v17  }
0x12b: {  	(v2sf) =	vpush v10, $0xA;
	[tilespmem:s22+$0x0] =	vst.add.f32.msk $0xffff, v25;
	v14 =	vmul.f32 v14, v0  }
0x12c: {  	(v2sf) =	vpush v11, $0xA;
	[tilespmem:s23+$0x0] =	vst.add.f32.msk $0xffff, v15  }
0x12d: {  	v26 =	vbroadcast v5, $0x9;
	(v2sf) =	vpush v12, $0xA;
	v30 =	vld [tilespmem:s31+$0xFFFFFEF0];
	v14 =	vadd.f32 v14, v1  }
0x12e: {  	v27 =	vbroadcast v2, $0x9  }
0x12f: {  	v29 =	vbroadcast v3, $0x9;
	v28 =	vmul.f32 v14, v26  }
0x130: {  	v31 =	vbroadcast v4, $0x9;
	s24 =	spop (v2sf);
	v16 =	vmul.f32 v14, v27  }
0x131: {  	s25 =	spop (v2sf);
	v32 =	vmul.f32 v14, v29;
	[tilespmem:s24+$0x0] =	vst.add.f32.msk $0xffff, v28  }
0x132: {  	(v2sf) =	vpush v13, $0xA;
	s26 =	spop (v2sf);
	v14 =	vmul.f32 v14, v31;
	v33 =	vmul.f32 v30, v0;
	[tilespmem:s25+$0x0] =	vst.add.f32.msk $0xffff, v16  }
0x133: {  	(v2sf) =	vpush v10, $0xB;
	s28 =	spop (v2sf);
	[tilespmem:s26+$0x0] =	vst.add.f32.msk $0xffff, v32  }
0x134: {  	v9 =	vbroadcast v9, $0xF;
	(v2sf) =	vpush v11, $0xB;
	[tilespmem:s28+$0x0] =	vst.add.f32.msk $0xffff, v14;
	v14 =	vadd.f32 v33, v1  }
0x135: {  	v7 =	vbroadcast v7, $0xF;
	(v2sf) =	vpush v12, $0xB  }
0x136: {  	v8 =	vbroadcast v8, $0xF;
	(v2sf) =	vpush v13, $0xB;
	v9 =	vmul.f32 v14, v9  }
0x137: {  	(v2sf) =	vpush v10, $0xC;
	v7 =	vmul.f32 v14, v7  }
0x138: {  	(v2sf) =	vpush v11, $0xC;
	v8 =	vmul.f32 v14, v8;
	[tilespmem:s2+$0x0] =	vst.add.f32.msk $0xffff, v9  }
0x139: {  	(v2sf) =	vpush v12, $0xC;
	[tilespmem:s1+$0x0] =	vst.add.f32.msk $0xffff, v7  }
0x13a: {  	(v2sf) =	vpush v13, $0xC;
	[tilespmem:s3+$0x0] =	vst.add.f32.msk $0xffff, v8;
	s3 =	spop (v2sf)  }
0x13b: {  	(v2sf) =	vpush v10, $0xD;
	s4 =	spop (v2sf)  }
0x13c: {  	s5 =	spop (v2sf);
	(v2sf) =	vpush v11, $0xD  }
0x13d: {  	(v2sf) =	vpush v12, $0xD  }
0x13e: {  	(v2sf) =	vpush v13, $0xD  }
0x13f: {  	(v2sf) =	vpush v10, $0xE  }
0x140: {  	v40 =	vld [tilespmem:s30+$0xFFFFF820];
	(v2sf) =	vpush v11, $0xE  }
0x141: {  	v6 =	vbroadcast v6, $0xF;
	v41 =	vld [tilespmem:s30+$0xFFFFFC20];
	s6 =	spop (v2sf);
	(v2sf) =	vpush v12, $0xE  }
0x142: {  	v42 =	vld [tilespmem:s30+$0x20];
	s2 =	sld [smem:$0x7D2];
	s7 =	spop (v2sf);
	(v2sf) =	vpush v13, $0xE  }
0x143: {  	v43 =	vld [tilespmem:s30+$0x420];
	v6 =	vmul.f32 v14, v6;
	s8 =	spop (v2sf);
	(v2sf) =	vpush v10, $0xF  }
0x144: {  	s9 =	spop (v2sf);
	(v2sf) =	vpush v11, $0xF  }
0x145: {  	[tilespmem:s2+$0x0] =	vst.add.f32.msk $0xffff, v6;
	v6 =	vshll.u32 v40, $0x6;
	s10 =	spop (v2sf);
	(v2sf) =	vpush v12, $0xF  }
0x146: {  	v45 =	vshll.u32 v41, $0x6;
	v44 =	vshra.s32 v6, $0x2;
	s11 =	spop (v2sf);
	(v2sf) =	vpush v13, $0xF  }
0x147: {  	v46 =	vshll.u32 v42, $0x6;
	v8 =	vshra.s32 v45, $0x2;
	s12 =	spop (v2sf);
	(v2sf) =	vpush v44, $0x0  }
0x148: {  	v47 =	vshll.u32 v43, $0x6;
	v9 =	vshra.s32 v46, $0x2;
	s13 =	spop (v2sf);
	(v2sf) =	vpush v8, $0x0  }
0x149: {  	v10 =	vshra.s32 v47, $0x2;
	s14 =	spop (v2sf);
	(v2sf) =	vpush v9, $0x0  }
0x14a: {  	s15 =	spop (v2sf);
	(v2sf) =	vpush v10, $0x0  }
0x14b: {  	s16 =	spop (v2sf);
	(v2sf) =	vpush v44, $0x1  }
0x14c: {  	s17 =	spop (v2sf);
	(v2sf) =	vpush v8, $0x1  }
0x14d: {  	s18 =	spop (v2sf);
	(v2sf) =	vpush v9, $0x1  }
0x14e: {  	v15 =	vld [tilespmem:s31+$0xFFFFFFA0];
	s19 =	spop (v2sf);
	(v2sf) =	vpush v10, $0x1  }
0x14f: {  	s20 =	spop (v2sf);
	(v2sf) =	vpush v44, $0x2  }
0x150: {  	[smem:$0x7D8] =	sst s6;
	s21 =	spop (v2sf);
	(v2sf) =	vpush v8, $0x2  }
0x151: {  	[smem:$0x7DD] =	sst s7;
	s22 =	spop (v2sf);
	(v2sf) =	vpush v9, $0x2  }
0x152: {  	[smem:$0x7DE] =	sst s8;
	s23 =	spop (v2sf);
	(v2sf) =	vpush v10, $0x2  }
0x153: {  	v15 =	vmul.f32 v15, v0;
	[smem:$0x7DF] =	sst s9;
	s24 =	spop (v2sf);
	(v2sf) =	vpush v44, $0x3  }
0x154: {  	[smem:$0x7E4] =	sst s10;
	s25 =	spop (v2sf);
	(v2sf) =	vpush v8, $0x3  }
0x155: {  	v34 =	vbroadcast v5, $0xA;
	v18 =	vadd.f32 v15, v1;
	[smem:$0x7E9] =	sst s11;
	s26 =	spop (v2sf);
	(v2sf) =	vpush v9, $0x3  }
0x156: {  	[smem:$0x7EA] =	sst s12;
	s0 =	spop (v2sf);
	(v2sf) =	vpush v10, $0x3  }
0x157: {  	v36 =	vmul.f32 v18, v34;
	[smem:$0x7EB] =	sst s13;
	s1 =	spop (v2sf);
	(v2sf) =	vpush v44, $0x4  }
0x158: {  	v35 =	vbroadcast v2, $0xA;
	[smem:$0x7EC] =	sst s14;
	s2 =	spop (v2sf);
	(v2sf) =	vpush v8, $0x4  }
0x159: {  	[tilespmem:s3+$0x0] =	vst.add.f32.msk $0xffff, v36;
	[dreg:$0x1f] =	wrdreg s15;
	s3 =	spop (v2sf);
	(v2sf) =	vpush v9, $0x4  }
0x15a: {  	v37 =	vbroadcast v3, $0xA;
	v38 =	vmul.f32 v18, v35;
	[dreg:$0x1e] =	wrdreg s16;
	(v2sf) =	vpush v10, $0x4  }
0x15b: {  	[dreg:$0x1d] =	wrdreg s17;
	s6 =	spop (v2sf);
	(v2sf) =	vpush v44, $0x5  }
0x15c: {  	v39 =	vmul.f32 v18, v37;
	[tilespmem:s4+$0x0] =	vst.add.f32.msk $0xffff, v38;
	[dreg:$0x1c] =	wrdreg s18;
	s4 =	spop (v2sf);
	(v2sf) =	vpush v8, $0x5  }
0x15d: {  	[dreg:$0x1b] =	wrdreg s19;
	s7 =	spop (v2sf);
	(v2sf) =	vpush v9, $0x5  }
0x15e: {  	[tilespmem:s5+$0x0] =	vst.add.f32.msk $0xffff, v39;
	[dreg:$0x19] =	wrdreg s20;
	s5 =	spop (v2sf);
	(v2sf) =	vpush v10, $0x5  }
0x15f: {  	[dreg:$0x1a] =	wrdreg s21;
	s9 =	spop (v2sf);
	(v2sf) =	vpush v44, $0x6  }
0x160: {  	[dreg:$0x18] =	wrdreg s22;
	s10 =	spop (v2sf);
	(v2sf) =	vpush v8, $0x6  }
0x161: {  	[dreg:$0x17] =	wrdreg s23;
	s11 =	spop (v2sf);
	(v2sf) =	vpush v9, $0x6  }
0x162: {  	[dreg:$0x16] =	wrdreg s24;
	s8 =	spop (v2sf);
	(v2sf) =	vpush v10, $0x6  }
0x163: {  	[dreg:$0x15] =	wrdreg s25;
	s12 =	spop (v2sf);
	(v2sf) =	vpush v44, $0x7  }
0x164: {  	[dreg:$0x14] =	wrdreg s26;
	s13 =	spop (v2sf);
	(v2sf) =	vpush v8, $0x7  }
0x165: {  	s15 =	spop (v2sf)  }
0x166: {  	(v2sf) =	vpush v9, $0x7;
	s14 =	spop (v2sf)  }
0x167: {  	(v2sf) =	vpush v10, $0x7;
	s18 =	spop (v2sf)  }
0x168: {  	(v2sf) =	vpush v44, $0x8;
	s16 =	spop (v2sf)  }
0x169: {  	(v2sf) =	vpush v8, $0x8;
	s19 =	spop (v2sf)  }
0x16a: {  	(v2sf) =	vpush v9, $0x8;
	s17 =	spop (v2sf)  }
0x16b: {  	(v2sf) =	vpush v10, $0x8;
	s22 =	spop (v2sf)  }
0x16c: {  	(v2sf) =	vpush v44, $0x9;
	s20 =	spop (v2sf)  }
0x16d: {  	(v2sf) =	vpush v8, $0x9;
	s23 =	spop (v2sf)  }
0x16e: {  	(v2sf) =	vpush v9, $0x9;
	s21 =	spop (v2sf)  }
0x16f: {  	(v2sf) =	vpush v10, $0x9;
	s26 =	spop (v2sf)  }
0x170: {  	(v2sf) =	vpush v44, $0xA;
	s24 =	spop (v2sf)  }
0x171: {  	(v2sf) =	vpush v8, $0xA;
	s28 =	spop (v2sf)  }
0x172: {  	(v2sf) =	vpush v9, $0xA;
	s25 =	spop (v2sf)  }
0x173: {  	[smem:$0x7D3] =	sst s28;
	(v2sf) =	vpush v10, $0xA;
	s28 =	spop (v2sf)  }
0x174: {  	[smem:$0x7D4] =	sst s28;
	(v2sf) =	vpush v44, $0xB;
	s28 =	spop (v2sf)  }
0x175: {  	[smem:$0x7D5] =	sst s28;
	(v2sf) =	vpush v8, $0xB;
	s28 =	spop (v2sf)  }
0x176: {  	[smem:$0x7D6] =	sst s28;
	(v2sf) =	vpush v9, $0xB;
	s28 =	spop (v2sf)  }
0x177: {  	[smem:$0x7D7] =	sst s28;
	(v2sf) =	vpush v10, $0xB;
	s28 =	spop (v2sf)  }
0x178: {  	[smem:$0x7D9] =	sst s28;
	(v2sf) =	vpush v44, $0xC;
	s28 =	spop (v2sf)  }
0x179: {  	[smem:$0x7DA] =	sst s28;
	(v2sf) =	vpush v8, $0xC;
	s28 =	spop (v2sf)  }
0x17a: {  	[smem:$0x7DB] =	sst s28;
	(v2sf) =	vpush v9, $0xC;
	s28 =	spop (v2sf)  }
0x17b: {  	[smem:$0x7DC] =	sst s28;
	(v2sf) =	vpush v10, $0xC;
	s28 =	spop (v2sf)  }
0x17c: {  	[smem:$0x7E0] =	sst s28;
	(v2sf) =	vpush v44, $0xD;
	s28 =	spop (v2sf)  }
0x17d: {  	[smem:$0x7E1] =	sst s28;
	(v2sf) =	vpush v8, $0xD;
	s28 =	spop (v2sf)  }
0x17e: {  	v48 =	vld [tilespmem:s31+$0x0];
	[smem:$0x7E2] =	sst s28;
	(v2sf) =	vpush v9, $0xD;
	s28 =	spop (v2sf)  }
0x17f: {  	v6 =	vld [tilespmem:s29+$0xFFFFF820];
	[smem:$0x7E3] =	sst s28;
	(v2sf) =	vpush v10, $0xD;
	s28 =	spop (v2sf)  }
0x180: {  	v49 =	vld [tilespmem:s30+$0xFFFFF830];
	[smem:$0x7E5] =	sst s28;
	(v2sf) =	vpush v44, $0xE;
	s28 =	spop (v2sf)  }
0x181: {  	v50 =	vld [tilespmem:s30+$0xFFFFFC30];
	[smem:$0x7E6] =	sst s28;
	(v2sf) =	vpush v8, $0xE;
	s28 =	spop (v2sf)  }
0x182: {  	v51 =	vld [tilespmem:s30+$0x30];
	[smem:$0x7E7] =	sst s28;
	(v2sf) =	vpush v9, $0xE;
	s28 =	spop (v2sf)  }
0x183: {  	v54 =	vld [tilespmem:s30+$0x430];
	[smem:$0x7E8] =	sst s28;
	(v2sf) =	vpush v10, $0xE;
	s28 =	spop (v2sf)  }
0x184: {  	[smem:$0x7ED] =	sst s28;
	(v2sf) =	vpush v44, $0xF;
	s28 =	spop (v2sf)  }
0x185: {  	v11 =	vmul.f32 v48, v0;
	v53 =	vbroadcast v6, $0x0;
	[smem:$0x7EE] =	sst s28;
	(v2sf) =	vpush v8, $0xF;
	s28 =	spop (v2sf)  }
0x186: {  	v55 =	vshll.u32 v49, $0x6;
	v56 =	vshll.u32 v50, $0x6;
	[smem:$0x7EF] =	sst s28;
	(v2sf) =	vpush v9, $0xF;
	s28 =	spop (v2sf)  }
0x187: {  	v57 =	vshll.u32 v51, $0x6;
	v17 =	vshra.s32 v55, $0x2;
	[smem:$0x7F0] =	sst s28;
	(v2sf) =	vpush v10, $0xF;
	s28 =	spop (v2sf)  }
0x188: {  	v7 =	vld [tilespmem:s29+$0xFFFFFC20];
	v58 =	vshll.u32 v54, $0x6;
	v14 =	vshra.s32 v56, $0x2;
	[smem:$0x7F1] =	sst s28;
	(v2sf) =	vpush v17, $0x0;
	s28 =	spop (v2sf)  }
0x189: {  	v15 =	vshra.s32 v57, $0x2;
	v52 =	vadd.f32 v11, v1;
	[smem:$0x7F2] =	sst s28;
	(v2sf) =	vpush v14, $0x0;
	s28 =	spop (v2sf)  }
0x18a: {  	v16 =	vshra.s32 v58, $0x2;
	v8 =	vld [tilespmem:s29+$0x20];
	[smem:$0x7F3] =	sst s28;
	(v2sf) =	vpush v15, $0x0;
	s28 =	spop (v2sf)  }
0x18b: {  	v11 =	vmul.f32 v52, v53;
	v9 =	vld [tilespmem:s29+$0x420];
	[smem:$0x7F4] =	sst s28;
	(v2sf) =	vpush v16, $0x0;
	s28 =	spop (v2sf)  }
0x18c: {  	v20 =	vld [tilespmem:s31+$0x100];
	[smem:$0x7F5] =	sst s28;
	s28 =	spop (v2sf)  }
0x18d: {  	v59 =	vbroadcast v7, $0x0;
	[tilespmem:s0+$0x0] =	vst.add.f32.msk $0xffff, v11;
	s0 =	spop (v2sf)  }
0x18e: {  	v12 =	vld [tilespmem:s29+$0xFFFFFC30];
	[smem:$0x7F6] =	sst s0;
	s0 =	spop (v2sf)  }
0x18f: {  	v11 =	vld [tilespmem:s29+$0xFFFFF830];
	v10 =	vmul.f32 v52, v59;
	v60 =	vbroadcast v8, $0x0;
	[smem:$0x7F7] =	sst s0;
	s0 =	spop (v2sf)  }
0x190: {  	v13 =	vld [tilespmem:s29+$0x30];
	v21 =	vbroadcast v9, $0x0;
	[smem:$0x7F8] =	sst s0;
	s0 =	spop (v2sf)  }
0x191: {  	[tilespmem:s1+$0x0] =	vst.add.f32.msk $0xffff, v10;
	v22 =	vmul.f32 v52, v60;
	[smem:$0x7F9] =	sst s0;
	s0 =	spop (v2sf)  }
0x192: {  	v20 =	vmul.f32 v20, v0;
	v10 =	vld [tilespmem:s29+$0x430];
	v19 =	vmul.f32 v52, v21;
	[smem:$0x7FA] =	sst s0;
	s0 =	spop (v2sf)  }
0x193: {  	[tilespmem:s2+$0x0] =	vst.add.f32.msk $0xffff, v22;
	s2 =	spop (v2sf)  }
0x194: {  	v61 =	vadd.f32 v20, v1;
	v62 =	vbroadcast v11, $0x0;
	[tilespmem:s3+$0x0] =	vst.add.f32.msk $0xffff, v19;
	s3 =	spop (v2sf)  }
0x195: {  	v25 =	vbroadcast v12, $0x0;
	v63 =	vld [tilespmem:s31+$0x10];
	[smem:$0x7FB] =	sst s0;
	s0 =	spop (v2sf)  }
0x196: {  	v23 =	vbroadcast v13, $0x0;
	v20 =	vmul.f32 v61, v62;
	[smem:$0x7FC] =	sst s0;
	s0 =	spop (v2sf)  }
0x197: {  	v22 =	vmul.f32 v61, v25;
	v24 =	vbroadcast v10, $0x0;
	(v2sf) =	vpush v17, $0x1;
	[smem:$0x7FD] =	sst s0;
	s0 =	spop (v2sf)  }
0x198: {  	v26 =	vmul.f32 v61, v23;
	(v2sf) =	vpush v14, $0x1;
	[tilespmem:s0+$0x0] =	vst.add.f32.msk $0xffff, v20;
	s0 =	spop (v2sf)  }
0x199: {  	v19 =	vmul.f32 v61, v24;
	(v2sf) =	vpush v15, $0x1;
	[tilespmem:s0+$0x0] =	vst.add.f32.msk $0xffff, v22;
	s0 =	spop (v2sf)  }
0x19a: {  	(v2sf) =	vpush v16, $0x1;
	v27 =	vmul.f32 v63, v0;
	[tilespmem:s0+$0x0] =	vst.add.f32.msk $0xffff, v26;
	s0 =	spop (v2sf)  }
0x19b: {  	[tilespmem:s0+$0x0] =	vst.add.f32.msk $0xffff, v19  }
0x19c: {  	v29 =	vbroadcast v6, $0x1;
	v28 =	vadd.f32 v27, v1;
	v30 =	vld [tilespmem:s31+$0x110]  }
0x19d: {  	v31 =	vbroadcast v7, $0x1  }
0x19e: {  	v32 =	vbroadcast v8, $0x1;
	v20 =	vmul.f32 v28, v29  }
0x19f: {  	v33 =	vbroadcast v9, $0x1;
	v22 =	vmul.f32 v28, v31  }
0x1a0: {  	v34 =	vmul.f32 v28, v32;
	[tilespmem:s6+$0x0] =	vst.add.f32.msk $0xffff, v20  }
0x1a1: {  	v19 =	vmul.f32 v28, v33;
	[tilespmem:s4+$0x0] =	vst.add.f32.msk $0xffff, v22;
	v21 =	vmul.f32 v30, v0  }
0x1a2: {  	[tilespmem:s7+$0x0] =	vst.add.f32.msk $0xffff, v34  }
0x1a3: {  	v36 =	vbroadcast v11, $0x1;
	[tilespmem:s5+$0x0] =	vst.add.f32.msk $0xffff, v19;
	v35 =	vadd.f32 v21, v1  }
0x1a4: {  	v38 =	vbroadcast v12, $0x1;
	v37 =	vld [tilespmem:s31+$0x20]  }
0x1a5: {  	v39 =	vbroadcast v13, $0x1;
	v20 =	vmul.f32 v35, v36  }
0x1a6: {  	v40 =	vbroadcast v10, $0x1;
	(v2sf) =	vpush v17, $0x2;
	s4 =	spop (v2sf);
	v22 =	vmul.f32 v35, v38  }
0x1a7: {  	(v2sf) =	vpush v14, $0x2;
	s5 =	spop (v2sf);
	v41 =	vmul.f32 v35, v39;
	[tilespmem:s4+$0x0] =	vst.add.f32.msk $0xffff, v20  }
0x1a8: {  	(v2sf) =	vpush v15, $0x2;
	s6 =	spop (v2sf);
	v19 =	vmul.f32 v35, v40;
	[tilespmem:s5+$0x0] =	vst.add.f32.msk $0xffff, v22  }
0x1a9: {  	(v2sf) =	vpush v16, $0x2;
	s7 =	spop (v2sf);
	v42 =	vmul.f32 v37, v0;
	[tilespmem:s6+$0x0] =	vst.add.f32.msk $0xffff, v41  }
0x1aa: {  	[tilespmem:s7+$0x0] =	vst.add.f32.msk $0xffff, v19  }
0x1ab: {  	v44 =	vbroadcast v6, $0x2;
	v43 =	vadd.f32 v42, v1;
	v45 =	vld [tilespmem:s31+$0x120]  }
0x1ac: {  	v46 =	vbroadcast v7, $0x2  }
0x1ad: {  	v47 =	vbroadcast v8, $0x2;
	v20 =	vmul.f32 v43, v44  }
0x1ae: {  	v48 =	vbroadcast v9, $0x2;
	v22 =	vmul.f32 v43, v46  }
0x1af: {  	v49 =	vmul.f32 v43, v47;
	[tilespmem:s9+$0x0] =	vst.add.f32.msk $0xffff, v20  }
0x1b0: {  	v19 =	vmul.f32 v43, v48;
	[tilespmem:s10+$0x0] =	vst.add.f32.msk $0xffff, v22;
	v21 =	vmul.f32 v45, v0  }
0x1b1: {  	[tilespmem:s11+$0x0] =	vst.add.f32.msk $0xffff, v49  }
0x1b2: {  	v51 =	vbroadcast v11, $0x2;
	[tilespmem:s8+$0x0] =	vst.add.f32.msk $0xffff, v19;
	v50 =	vadd.f32 v21, v1  }
0x1b3: {  	v53 =	vbroadcast v12, $0x2;
	v52 =	vld [tilespmem:s31+$0x30]  }
0x1b4: {  	v54 =	vbroadcast v13, $0x2;
	v20 =	vmul.f32 v50, v51  }
0x1b5: {  	v55 =	vbroadcast v10, $0x2;
	(v2sf) =	vpush v17, $0x3;
	s8 =	spop (v2sf);
	v22 =	vmul.f32 v50, v53  }
0x1b6: {  	(v2sf) =	vpush v14, $0x3;
	s9 =	spop (v2sf);
	v56 =	vmul.f32 v50, v54;
	[tilespmem:s8+$0x0] =	vst.add.f32.msk $0xffff, v20  }
0x1b7: {  	(v2sf) =	vpush v15, $0x3;
	s10 =	spop (v2sf);
	v19 =	vmul.f32 v50, v55;
	[tilespmem:s9+$0x0] =	vst.add.f32.msk $0xffff, v22  }
0x1b8: {  	(v2sf) =	vpush v16, $0x3;
	s11 =	spop (v2sf);
	v57 =	vmul.f32 v52, v0;
	[tilespmem:s10+$0x0] =	vst.add.f32.msk $0xffff, v56  }
0x1b9: {  	[tilespmem:s11+$0x0] =	vst.add.f32.msk $0xffff, v19  }
0x1ba: {  	v59 =	vbroadcast v6, $0x3;
	v58 =	vadd.f32 v57, v1;
	v60 =	vld [tilespmem:s31+$0x130]  }
0x1bb: {  	v61 =	vbroadcast v7, $0x3  }
0x1bc: {  	v62 =	vbroadcast v8, $0x3;
	v20 =	vmul.f32 v58, v59  }
0x1bd: {  	v63 =	vbroadcast v9, $0x3;
	v22 =	vmul.f32 v58, v61  }
0x1be: {  	v27 =	vmul.f32 v58, v62;
	[tilespmem:s12+$0x0] =	vst.add.f32.msk $0xffff, v20  }
0x1bf: {  	v19 =	vmul.f32 v58, v63;
	[tilespmem:s13+$0x0] =	vst.add.f32.msk $0xffff, v22;
	v21 =	vmul.f32 v60, v0  }
0x1c0: {  	[tilespmem:s15+$0x0] =	vst.add.f32.msk $0xffff, v27  }
0x1c1: {  	v29 =	vbroadcast v11, $0x3;
	[tilespmem:s14+$0x0] =	vst.add.f32.msk $0xffff, v19;
	v28 =	vadd.f32 v21, v1  }
0x1c2: {  	v31 =	vbroadcast v12, $0x3;
	v30 =	vld [tilespmem:s31+$0x40]  }
0x1c3: {  	v32 =	vbroadcast v13, $0x3;
	v20 =	vmul.f32 v28, v29  }
0x1c4: {  	v33 =	vbroadcast v10, $0x3;
	(v2sf) =	vpush v17, $0x4;
	s12 =	spop (v2sf);
	v22 =	vmul.f32 v28, v31  }
0x1c5: {  	(v2sf) =	vpush v14, $0x4;
	s13 =	spop (v2sf);
	v34 =	vmul.f32 v28, v32;
	[tilespmem:s12+$0x0] =	vst.add.f32.msk $0xffff, v20  }
0x1c6: {  	(v2sf) =	vpush v15, $0x4;
	s14 =	spop (v2sf);
	v19 =	vmul.f32 v28, v33;
	[tilespmem:s13+$0x0] =	vst.add.f32.msk $0xffff, v22  }
0x1c7: {  	(v2sf) =	vpush v16, $0x4;
	s15 =	spop (v2sf);
	v35 =	vmul.f32 v30, v0;
	[tilespmem:s14+$0x0] =	vst.add.f32.msk $0xffff, v34  }
0x1c8: {  	[tilespmem:s15+$0x0] =	vst.add.f32.msk $0xffff, v19  }
0x1c9: {  	v37 =	vbroadcast v6, $0x4;
	v36 =	vadd.f32 v35, v1;
	v38 =	vld [tilespmem:s31+$0x140]  }
0x1ca: {  	v39 =	vbroadcast v7, $0x4  }
0x1cb: {  	v40 =	vbroadcast v8, $0x4;
	v20 =	vmul.f32 v36, v37  }
0x1cc: {  	v41 =	vbroadcast v9, $0x4;
	v22 =	vmul.f32 v36, v39  }
0x1cd: {  	v42 =	vmul.f32 v36, v40;
	[tilespmem:s18+$0x0] =	vst.add.f32.msk $0xffff, v20  }
0x1ce: {  	v19 =	vmul.f32 v36, v41;
	[tilespmem:s16+$0x0] =	vst.add.f32.msk $0xffff, v22;
	v21 =	vmul.f32 v38, v0  }
0x1cf: {  	[tilespmem:s19+$0x0] =	vst.add.f32.msk $0xffff, v42  }
0x1d0: {  	v44 =	vbroadcast v11, $0x4;
	[tilespmem:s17+$0x0] =	vst.add.f32.msk $0xffff, v19;
	v43 =	vadd.f32 v21, v1  }
0x1d1: {  	v46 =	vbroadcast v12, $0x4;
	v45 =	vld [tilespmem:s31+$0x50]  }
0x1d2: {  	v47 =	vbroadcast v13, $0x4;
	v20 =	vmul.f32 v43, v44  }
0x1d3: {  	v48 =	vbroadcast v10, $0x4;
	(v2sf) =	vpush v17, $0x5;
	s16 =	spop (v2sf);
	v22 =	vmul.f32 v43, v46  }
0x1d4: {  	(v2sf) =	vpush v14, $0x5;
	s17 =	spop (v2sf);
	v49 =	vmul.f32 v43, v47;
	[tilespmem:s16+$0x0] =	vst.add.f32.msk $0xffff, v20  }
0x1d5: {  	(v2sf) =	vpush v15, $0x5;
	s18 =	spop (v2sf);
	v19 =	vmul.f32 v43, v48;
	[tilespmem:s17+$0x0] =	vst.add.f32.msk $0xffff, v22  }
0x1d6: {  	(v2sf) =	vpush v16, $0x5;
	s19 =	spop (v2sf);
	v50 =	vmul.f32 v45, v0;
	[tilespmem:s18+$0x0] =	vst.add.f32.msk $0xffff, v49  }
0x1d7: {  	[tilespmem:s19+$0x0] =	vst.add.f32.msk $0xffff, v19  }
0x1d8: {  	v52 =	vbroadcast v6, $0x5;
	v51 =	vadd.f32 v50, v1;
	v53 =	vld [tilespmem:s31+$0x150]  }
0x1d9: {  	v54 =	vbroadcast v7, $0x5  }
0x1da: {  	v55 =	vbroadcast v8, $0x5;
	v20 =	vmul.f32 v51, v52  }
0x1db: {  	v56 =	vbroadcast v9, $0x5;
	v22 =	vmul.f32 v51, v54  }
0x1dc: {  	v57 =	vmul.f32 v51, v55;
	[tilespmem:s22+$0x0] =	vst.add.f32.msk $0xffff, v20  }
0x1dd: {  	v19 =	vmul.f32 v51, v56;
	[tilespmem:s20+$0x0] =	vst.add.f32.msk $0xffff, v22;
	v21 =	vmul.f32 v53, v0  }
0x1de: {  	[tilespmem:s23+$0x0] =	vst.add.f32.msk $0xffff, v57  }
0x1df: {  	v59 =	vbroadcast v11, $0x5;
	[tilespmem:s21+$0x0] =	vst.add.f32.msk $0xffff, v19;
	v58 =	vadd.f32 v21, v1  }
0x1e0: {  	v61 =	vbroadcast v12, $0x5;
	v60 =	vld [tilespmem:s31+$0x60]  }
0x1e1: {  	v62 =	vbroadcast v13, $0x5;
	v20 =	vmul.f32 v58, v59  }
0x1e2: {  	v63 =	vbroadcast v10, $0x5;
	(v2sf) =	vpush v17, $0x6;
	s20 =	spop (v2sf);
	v22 =	vmul.f32 v58, v61  }
0x1e3: {  	(v2sf) =	vpush v14, $0x6;
	s21 =	spop (v2sf);
	v28 =	vmul.f32 v58, v62;
	[tilespmem:s20+$0x0] =	vst.add.f32.msk $0xffff, v20  }
0x1e4: {  	(v2sf) =	vpush v15, $0x6;
	s22 =	spop (v2sf);
	v19 =	vmul.f32 v58, v63;
	[tilespmem:s21+$0x0] =	vst.add.f32.msk $0xffff, v22  }
0x1e5: {  	(v2sf) =	vpush v16, $0x6;
	s23 =	spop (v2sf);
	v29 =	vmul.f32 v60, v0;
	[tilespmem:s22+$0x0] =	vst.add.f32.msk $0xffff, v28  }
0x1e6: {  	[tilespmem:s23+$0x0] =	vst.add.f32.msk $0xffff, v19  }
0x1e7: {  	v31 =	vbroadcast v6, $0x6;
	v30 =	vadd.f32 v29, v1;
	v32 =	vld [tilespmem:s31+$0x160];
	_ =	sdelay $0x1  }
0x1e8: {  	v33 =	vbroadcast v7, $0x6;
	v20 =	vmul.f32 v30, v31  }
0x1e9: {  	v34 =	vbroadcast v8, $0x6  }
0x1ea: {  	v35 =	vbroadcast v9, $0x6;
	v22 =	vmul.f32 v30, v33;
	[tilespmem:s26+$0x0] =	vst.add.f32.msk $0xffff, v20;
	s26 =	sld [smem:$0x7D3]  }
0x1eb: {  	v36 =	vmul.f32 v30, v34;
	v21 =	vmul.f32 v32, v0  }
0x1ec: {  	v19 =	vmul.f32 v30, v35;
	[tilespmem:s24+$0x0] =	vst.add.f32.msk $0xffff, v22  }
0x1ed: {  	v38 =	vbroadcast v11, $0x6;
	[tilespmem:s26+$0x0] =	vst.add.f32.msk $0xffff, v36;
	v37 =	vadd.f32 v21, v1  }
0x1ee: {  	v40 =	vbroadcast v12, $0x6;
	[tilespmem:s25+$0x0] =	vst.add.f32.msk $0xffff, v19  }
0x1ef: {  	v41 =	vbroadcast v13, $0x6;
	v39 =	vld [tilespmem:s31+$0x70];
	v20 =	vmul.f32 v37, v38  }
0x1f0: {  	v42 =	vbroadcast v10, $0x6;
	(v2sf) =	vpush v17, $0x7;
	s4 =	spop (v2sf);
	v22 =	vmul.f32 v37, v40  }
0x1f1: {  	(v2sf) =	vpush v14, $0x7;
	s5 =	spop (v2sf);
	v43 =	vmul.f32 v37, v41;
	[tilespmem:s4+$0x0] =	vst.add.f32.msk $0xffff, v20  }
0x1f2: {  	(v2sf) =	vpush v15, $0x7;
	s6 =	spop (v2sf);
	v19 =	vmul.f32 v37, v42;
	[tilespmem:s5+$0x0] =	vst.add.f32.msk $0xffff, v22  }
0x1f3: {  	(v2sf) =	vpush v16, $0x7;
	s7 =	spop (v2sf);
	[tilespmem:s6+$0x0] =	vst.add.f32.msk $0xffff, v43  }
0x1f4: {  	v44 =	vmul.f32 v39, v0;
	[tilespmem:s7+$0x0] =	vst.add.f32.msk $0xffff, v19  }
0x1f5: {  	v47 =	vld [tilespmem:s31+$0x170]  }
0x1f6: {  	v46 =	vbroadcast v6, $0x7;
	v45 =	vadd.f32 v44, v1  }
0x1f7: {  	s8 =	sld [smem:$0x7D4];
	v48 =	vbroadcast v7, $0x7  }
0x1f8: {  	s9 =	sld [smem:$0x7D5];
	v49 =	vbroadcast v8, $0x7;
	v20 =	vmul.f32 v45, v46  }
0x1f9: {  	s10 =	sld [smem:$0x7D6];
	v50 =	vbroadcast v9, $0x7;
	v22 =	vmul.f32 v45, v48  }
0x1fa: {  	s11 =	sld [smem:$0x7D7];
	v51 =	vmul.f32 v45, v49;
	[tilespmem:s8+$0x0] =	vst.add.f32.msk $0xffff, v20;
	v21 =	vmul.f32 v47, v0  }
0x1fb: {  	v19 =	vmul.f32 v45, v50;
	[tilespmem:s9+$0x0] =	vst.add.f32.msk $0xffff, v22  }
0x1fc: {  	v53 =	vbroadcast v11, $0x7;
	[tilespmem:s10+$0x0] =	vst.add.f32.msk $0xffff, v51;
	v52 =	vadd.f32 v21, v1  }
0x1fd: {  	v55 =	vbroadcast v12, $0x7;
	[tilespmem:s11+$0x0] =	vst.add.f32.msk $0xffff, v19  }
0x1fe: {  	v56 =	vbroadcast v13, $0x7;
	v54 =	vld [tilespmem:s31+$0x80];
	v20 =	vmul.f32 v52, v53  }
0x1ff: {  	v57 =	vbroadcast v10, $0x7;
	(v2sf) =	vpush v17, $0x8;
	s12 =	spop (v2sf);
	v22 =	vmul.f32 v52, v55  }
0x200: {  	(v2sf) =	vpush v14, $0x8;
	s13 =	spop (v2sf);
	v58 =	vmul.f32 v52, v56;
	[tilespmem:s12+$0x0] =	vst.add.f32.msk $0xffff, v20  }
0x201: {  	(v2sf) =	vpush v15, $0x8;
	s14 =	spop (v2sf);
	v19 =	vmul.f32 v52, v57;
	[tilespmem:s13+$0x0] =	vst.add.f32.msk $0xffff, v22  }
0x202: {  	(v2sf) =	vpush v16, $0x8;
	s15 =	spop (v2sf);
	[tilespmem:s14+$0x0] =	vst.add.f32.msk $0xffff, v58  }
0x203: {  	v60 =	vbroadcast v4, $0xA;
	v59 =	vmul.f32 v54, v0;
	[tilespmem:s15+$0x0] =	vst.add.f32.msk $0xffff, v19  }
0x204: {  	s16 =	sld [smem:$0x7D8];
	v22 =	vld [tilespmem:s31+$0x180]  }
0x205: {  	v61 =	vbroadcast v6, $0x8;
	v18 =	vmul.f32 v18, v60;
	v20 =	vadd.f32 v59, v1  }
0x206: {  	s17 =	sld [smem:$0x7D9];
	v62 =	vbroadcast v7, $0x8  }
0x207: {  	v24 =	vbroadcast v8, $0x8;
	s18 =	sld [smem:$0x7DA];
	[tilespmem:s16+$0x0] =	vst.add.f32.msk $0xffff, v18;
	v21 =	vmul.f32 v20, v61  }
0x208: {  	v25 =	vbroadcast v9, $0x8;
	s19 =	sld [smem:$0x7DB];
	v28 =	vld [tilespmem:s31+$0xFFFFFFB0];
	v63 =	vmul.f32 v20, v62  }
0x209: {  	s20 =	sld [smem:$0x7DC];
	v26 =	vmul.f32 v20, v24;
	[tilespmem:s17+$0x0] =	vst.add.f32.msk $0xffff, v21;
	v27 =	vmul.f32 v22, v0  }
0x20a: {  	v20 =	vmul.f32 v20, v25;
	[tilespmem:s18+$0x0] =	vst.add.f32.msk $0xffff, v63  }
0x20b: {  	v30 =	vbroadcast v11, $0x8;
	[tilespmem:s19+$0x0] =	vst.add.f32.msk $0xffff, v26;
	v29 =	vadd.f32 v27, v1  }
0x20c: {  	v31 =	vbroadcast v12, $0x8;
	[tilespmem:s20+$0x0] =	vst.add.f32.msk $0xffff, v20  }
0x20d: {  	v33 =	vbroadcast v13, $0x8;
	v32 =	vld [tilespmem:s31+$0x90];
	v19 =	vmul.f32 v29, v30  }
0x20e: {  	v34 =	vbroadcast v10, $0x8;
	(v2sf) =	vpush v17, $0x9;
	s21 =	spop (v2sf);
	v20 =	vmul.f32 v29, v31  }
0x20f: {  	(v2sf) =	vpush v14, $0x9;
	s22 =	spop (v2sf);
	v36 =	vmul.f32 v29, v33;
	[tilespmem:s21+$0x0] =	vst.add.f32.msk $0xffff, v19  }
0x210: {  	(v2sf) =	vpush v15, $0x9;
	s23 =	spop (v2sf);
	v18 =	vmul.f32 v29, v34;
	[tilespmem:s22+$0x0] =	vst.add.f32.msk $0xffff, v20  }
0x211: {  	v35 =	vmul.f32 v28, v0;
	(v2sf) =	vpush v16, $0x9;
	s24 =	spop (v2sf);
	[tilespmem:s23+$0x0] =	vst.add.f32.msk $0xffff, v36  }
0x212: {  	v21 =	vmul.f32 v32, v0;
	[tilespmem:s24+$0x0] =	vst.add.f32.msk $0xffff, v18  }
0x213: {  	v37 =	vbroadcast v5, $0xB;
	v19 =	vadd.f32 v35, v1;
	v40 =	vld [tilespmem:s31+$0x190]  }
0x214: {  	s25 =	sld [smem:$0x7DD];
	v41 =	vbroadcast v6, $0x9;
	v21 =	vadd.f32 v21, v1  }
0x215: {  	s5 =	sld [smem:$0x7E0];
	v43 =	vbroadcast v7, $0x9;
	v20 =	vmul.f32 v19, v37  }
0x216: {  	s6 =	sld [smem:$0x7E1];
	v45 =	vbroadcast v8, $0x9;
	v44 =	vmul.f32 v21, v41  }
0x217: {  	s7 =	sld [smem:$0x7E2];
	v47 =	vbroadcast v9, $0x9;
	v46 =	vmul.f32 v21, v43;
	[tilespmem:s25+$0x0] =	vst.add.f32.msk $0xffff, v20  }
0x218: {  	s8 =	sld [smem:$0x7E3];
	v48 =	vmul.f32 v21, v45;
	[tilespmem:s5+$0x0] =	vst.add.f32.msk $0xffff, v44;
	v23 =	vmul.f32 v40, v0  }
0x219: {  	v38 =	vbroadcast v2, $0xB;
	v21 =	vmul.f32 v21, v47;
	[tilespmem:s6+$0x0] =	vst.add.f32.msk $0xffff, v46  }
0x21a: {  	s26 =	sld [smem:$0x7DE];
	v51 =	vbroadcast v11, $0x9;
	[tilespmem:s7+$0x0] =	vst.add.f32.msk $0xffff, v48;
	v50 =	vadd.f32 v23, v1  }
0x21b: {  	v52 =	vbroadcast v12, $0x9;
	v18 =	vmul.f32 v19, v38;
	[tilespmem:s8+$0x0] =	vst.add.f32.msk $0xffff, v21  }
0x21c: {  	v53 =	vbroadcast v13, $0x9;
	v21 =	vld [tilespmem:s31+$0xA0];
	v22 =	vmul.f32 v50, v51  }
0x21d: {  	v55 =	vbroadcast v10, $0x9;
	(v2sf) =	vpush v17, $0xA;
	s10 =	spop (v2sf);
	[tilespmem:s26+$0x0] =	vst.add.f32.msk $0xffff, v18;
	v54 =	vmul.f32 v50, v52  }
0x21e: {  	(v2sf) =	vpush v14, $0xA;
	s11 =	spop (v2sf);
	v56 =	vmul.f32 v50, v53;
	[tilespmem:s10+$0x0] =	vst.add.f32.msk $0xffff, v22  }
0x21f: {  	(v2sf) =	vpush v15, $0xA;
	s12 =	spop (v2sf);
	v18 =	vmul.f32 v50, v55;
	[tilespmem:s11+$0x0] =	vst.add.f32.msk $0xffff, v54  }
0x220: {  	v39 =	vbroadcast v3, $0xB;
	s13 =	spop (v2sf);
	(v2sf) =	vpush v16, $0xA;
	[tilespmem:s12+$0x0] =	vst.add.f32.msk $0xffff, v56  }
0x221: {  	s4 =	sld [smem:$0x7DF];
	v49 =	vbroadcast v4, $0xB;
	v57 =	vmul.f32 v21, v0;
	[tilespmem:s13+$0x0] =	vst.add.f32.msk $0xffff, v18  }
0x222: {  	s9 =	sld [smem:$0x7E4];
	v42 =	vmul.f32 v19, v39;
	v60 =	vld [tilespmem:s31+$0x1A0]  }
0x223: {  	v59 =	vbroadcast v6, $0xA;
	v19 =	vmul.f32 v19, v49;
	v18 =	vadd.f32 v57, v1  }
0x224: {  	v61 =	vbroadcast v7, $0xA;
	s14 =	sld [smem:$0x7E5];
	[tilespmem:s4+$0x0] =	vst.add.f32.msk $0xffff, v42  }
0x225: {  	v62 =	vbroadcast v8, $0xA;
	s15 =	sld [smem:$0x7E6];
	[tilespmem:s9+$0x0] =	vst.add.f32.msk $0xffff, v19;
	v20 =	vmul.f32 v18, v59  }
0x226: {  	s16 =	sld [smem:$0x7E7];
	v63 =	vbroadcast v9, $0xA;
	v58 =	vld [tilespmem:s31+$0xFFFFFFC0];
	v22 =	vmul.f32 v18, v61  }
0x227: {  	s17 =	sld [smem:$0x7E8];
	v26 =	vmul.f32 v18, v62;
	[tilespmem:s14+$0x0] =	vst.add.f32.msk $0xffff, v20;
	v21 =	vmul.f32 v60, v0  }
0x228: {  	v18 =	vmul.f32 v18, v63;
	[tilespmem:s15+$0x0] =	vst.add.f32.msk $0xffff, v22  }
0x229: {  	v29 =	vbroadcast v11, $0xA;
	[tilespmem:s16+$0x0] =	vst.add.f32.msk $0xffff, v26;
	v28 =	vadd.f32 v21, v1  }
0x22a: {  	v30 =	vbroadcast v12, $0xA;
	v31 =	vbroadcast v13, $0xA;
	[tilespmem:s17+$0x0] =	vst.add.f32.msk $0xffff, v18  }
0x22b: {  	v33 =	vbroadcast v10, $0xA;
	v22 =	vld [tilespmem:s31+$0xB0];
	v21 =	vmul.f32 v28, v29  }
0x22c: {  	(v2sf) =	vpush v17, $0xB;
	s19 =	spop (v2sf);
	v19 =	vmul.f32 v58, v0;
	v32 =	vmul.f32 v28, v30  }
0x22d: {  	v27 =	vbroadcast v5, $0xC;
	(v2sf) =	vpush v14, $0xB;
	s20 =	spop (v2sf);
	v34 =	vmul.f32 v28, v31;
	[tilespmem:s19+$0x0] =	vst.add.f32.msk $0xffff, v21  }
0x22e: {  	(v2sf) =	vpush v15, $0xB;
	s21 =	spop (v2sf);
	v19 =	vadd.f32 v19, v1;
	v18 =	vmul.f32 v28, v33;
	[tilespmem:s20+$0x0] =	vst.add.f32.msk $0xffff, v32  }
0x22f: {  	s18 =	sld [smem:$0x7E9];
	v35 =	vbroadcast v2, $0xC;
	v36 =	vbroadcast v3, $0xC;
	(v2sf) =	vpush v16, $0xB;
	s22 =	spop (v2sf);
	[tilespmem:s21+$0x0] =	vst.add.f32.msk $0xffff, v34  }
0x230: {  	s23 =	sld [smem:$0x7EA];
	v20 =	vmul.f32 v19, v27;
	v22 =	vmul.f32 v22, v0;
	[tilespmem:s22+$0x0] =	vst.add.f32.msk $0xffff, v18  }
0x231: {  	v38 =	vbroadcast v4, $0xC;
	s24 =	sld [smem:$0x7EB];
	v37 =	vmul.f32 v19, v35;
	v40 =	vld [tilespmem:s31+$0x1B0]  }
0x232: {  	v39 =	vbroadcast v6, $0xB;
	s25 =	sld [smem:$0x7EC];
	[tilespmem:s18+$0x0] =	vst.add.f32.msk $0xffff, v20;
	v21 =	vmul.f32 v19, v36;
	v22 =	vadd.f32 v22, v1  }
0x233: {  	s26 =	sld [smem:$0x7ED];
	v42 =	vbroadcast v7, $0xB;
	v41 =	vmul.f32 v19, v38;
	[tilespmem:s23+$0x0] =	vst.add.f32.msk $0xffff, v37  }
0x234: {  	v44 =	vbroadcast v8, $0xB;
	s4 =	sld [smem:$0x7EE];
	[tilespmem:s24+$0x0] =	vst.add.f32.msk $0xffff, v21;
	v43 =	vmul.f32 v22, v39  }
0x235: {  	s5 =	sld [smem:$0x7EF];
	v46 =	vbroadcast v9, $0xB;
	[tilespmem:s25+$0x0] =	vst.add.f32.msk $0xffff, v41;
	v45 =	vmul.f32 v22, v42  }
0x236: {  	s6 =	sld [smem:$0x7F0];
	v47 =	vmul.f32 v22, v44;
	[tilespmem:s26+$0x0] =	vst.add.f32.msk $0xffff, v43;
	v49 =	vmul.f32 v40, v0  }
0x237: {  	v48 =	vmul.f32 v22, v46;
	[tilespmem:s4+$0x0] =	vst.add.f32.msk $0xffff, v45  }
0x238: {  	v51 =	vbroadcast v11, $0xB;
	[tilespmem:s5+$0x0] =	vst.add.f32.msk $0xffff, v47;
	v50 =	vadd.f32 v49, v1  }
0x239: {  	v53 =	vbroadcast v12, $0xB;
	[tilespmem:s6+$0x0] =	vst.add.f32.msk $0xffff, v48  }
0x23a: {  	(v2sf) =	vpush v17, $0xC;
	v55 =	vbroadcast v13, $0xB;
	v54 =	vld [tilespmem:s31+$0xC0];
	v19 =	vmul.f32 v50, v51  }
0x23b: {  	s7 =	spop (v2sf);
	(v2sf) =	vpush v14, $0xC;
	v56 =	vbroadcast v10, $0xB;
	v52 =	vld [tilespmem:s31+$0xFFFFFFD0];
	v21 =	vmul.f32 v50, v53  }
0x23c: {  	s8 =	spop (v2sf);
	(v2sf) =	vpush v15, $0xC;
	v57 =	vmul.f32 v50, v55;
	[tilespmem:s7+$0x0] =	vst.add.f32.msk $0xffff, v19  }
0x23d: {  	s9 =	spop (v2sf);
	v18 =	vmul.f32 v50, v56;
	[tilespmem:s8+$0x0] =	vst.add.f32.msk $0xffff, v21  }
0x23e: {  	(v2sf) =	vpush v16, $0xC;
	s10 =	spop (v2sf);
	[tilespmem:s9+$0x0] =	vst.add.f32.msk $0xffff, v57  }
0x23f: {  	v59 =	vmul.f32 v54, v0;
	[tilespmem:s10+$0x0] =	vst.add.f32.msk $0xffff, v18  }
0x240: {  	v21 =	vld [tilespmem:s31+$0x1C0]  }
0x241: {  	v61 =	vbroadcast v6, $0xC;
	v18 =	vadd.f32 v59, v1  }
0x242: {  	s12 =	sld [smem:$0x7F1];
	v62 =	vbroadcast v7, $0xC;
	v63 =	vbroadcast v8, $0xC  }
0x243: {  	s13 =	sld [smem:$0x7F2];
	v29 =	vbroadcast v9, $0xC;
	v22 =	vmul.f32 v18, v61  }
0x244: {  	s14 =	sld [smem:$0x7F3];
	v58 =	vmul.f32 v52, v0;
	v28 =	vmul.f32 v18, v62  }
0x245: {  	s15 =	sld [smem:$0x7F4];
	v30 =	vmul.f32 v18, v63;
	[tilespmem:s12+$0x0] =	vst.add.f32.msk $0xffff, v22;
	v21 =	vmul.f32 v21, v0  }
0x246: {  	v60 =	vbroadcast v5, $0xD;
	v19 =	vadd.f32 v58, v1;
	v18 =	vmul.f32 v18, v29;
	[tilespmem:s13+$0x0] =	vst.add.f32.msk $0xffff, v28  }
0x247: {  	v32 =	vbroadcast v11, $0xC;
	[tilespmem:s14+$0x0] =	vst.add.f32.msk $0xffff, v30;
	v21 =	vadd.f32 v21, v1  }
0x248: {  	v34 =	vbroadcast v12, $0xC;
	v20 =	vmul.f32 v19, v60;
	[tilespmem:s15+$0x0] =	vst.add.f32.msk $0xffff, v18  }
0x249: {  	s11 =	rddreg [dreg:$0x1f];
	s17 =	spop (v2sf);
	(v2sf) =	vpush v17, $0xD;
	v36 =	vbroadcast v13, $0xC;
	v35 =	vld [tilespmem:s31+$0xD0];
	v22 =	vmul.f32 v21, v32  }
0x24a: {  	v38 =	vbroadcast v10, $0xC;
	s18 =	spop (v2sf);
	(v2sf) =	vpush v14, $0xD;
	[tilespmem:s11+$0x0] =	vst.add.f32.msk $0xffff, v20;
	v37 =	vmul.f32 v21, v34  }
0x24b: {  	s19 =	spop (v2sf);
	(v2sf) =	vpush v15, $0xD;
	v39 =	vmul.f32 v21, v36;
	[tilespmem:s17+$0x0] =	vst.add.f32.msk $0xffff, v22  }
0x24c: {  	v31 =	vbroadcast v2, $0xD;
	v41 =	vmul.f32 v21, v38;
	[tilespmem:s18+$0x0] =	vst.add.f32.msk $0xffff, v37  }
0x24d: {  	v42 =	vbroadcast v4, $0xD;
	(v2sf) =	vpush v16, $0xD;
	s20 =	spop (v2sf);
	v40 =	vbroadcast v3, $0xD;
	[tilespmem:s19+$0x0] =	vst.add.f32.msk $0xffff, v39  }
0x24e: {  	s16 =	rddreg [dreg:$0x1e];
	v33 =	vmul.f32 v19, v31;
	v44 =	vmul.f32 v35, v0;
	[tilespmem:s20+$0x0] =	vst.add.f32.msk $0xffff, v41  }
0x24f: {  	s23 =	sld [smem:$0x7F5];
	v43 =	vmul.f32 v19, v40;
	v45 =	vld [tilespmem:s31+$0x1D0]  }
0x250: {  	s21 =	rddreg [dreg:$0x1d];
	v47 =	vbroadcast v6, $0xD;
	v19 =	vmul.f32 v19, v42;
	[tilespmem:s16+$0x0] =	vst.add.f32.msk $0xffff, v33;
	v46 =	vadd.f32 v44, v1  }
0x251: {  	s22 =	rddreg [dreg:$0x1c];
	v48 =	vbroadcast v7, $0xD;
	[tilespmem:s21+$0x0] =	vst.add.f32.msk $0xffff, v43  }
0x252: {  	v50 =	vbroadcast v8, $0xD;
	[tilespmem:s22+$0x0] =	vst.add.f32.msk $0xffff, v19;
	v21 =	vmul.f32 v46, v47  }
0x253: {  	s24 =	sld [smem:$0x7F6];
	v51 =	vbroadcast v9, $0xD;
	v49 =	vld [tilespmem:s31+$0xFFFFFFE0];
	v19 =	vmul.f32 v46, v48  }
0x254: {  	s25 =	sld [smem:$0x7F7];
	v52 =	vmul.f32 v46, v50;
	[tilespmem:s23+$0x0] =	vst.add.f32.msk $0xffff, v21;
	v20 =	vmul.f32 v45, v0  }
0x255: {  	v18 =	vmul.f32 v46, v51;
	[tilespmem:s28+$0x0] =	vst.add.f32.msk $0xffff, v19  }
0x256: {  	v54 =	vbroadcast v11, $0xD;
	[tilespmem:s24+$0x0] =	vst.add.f32.msk $0xffff, v52;
	v53 =	vadd.f32 v20, v1  }
0x257: {  	v56 =	vbroadcast v12, $0xD;
	v58 =	vbroadcast v13, $0xD;
	[tilespmem:s25+$0x0] =	vst.add.f32.msk $0xffff, v18  }
0x258: {  	s26 =	spop (v2sf);
	v60 =	vbroadcast v10, $0xD;
	v59 =	vld [tilespmem:s31+$0xE0];
	v57 =	vmul.f32 v53, v54  }
0x259: {  	(v2sf) =	vpush v17, $0xE;
	v55 =	vmul.f32 v49, v0;
	s28 =	spop (v2sf);
	v22 =	vmul.f32 v53, v56  }
0x25a: {  	v62 =	vbroadcast v5, $0xE;
	s4 =	spop (v2sf);
	(v2sf) =	vpush v14, $0xE;
	v61 =	vmul.f32 v53, v58;
	[tilespmem:s26+$0x0] =	vst.add.f32.msk $0xffff, v57  }
0x25b: {  	v21 =	vadd.f32 v55, v1;
	(v2sf) =	vpush v15, $0xE;
	v19 =	vmul.f32 v53, v60;
	[tilespmem:s28+$0x0] =	vst.add.f32.msk $0xffff, v22  }
0x25c: {  	v27 =	vbroadcast v2, $0xE;
	v28 =	vbroadcast v3, $0xE;
	s5 =	spop (v2sf);
	(v2sf) =	vpush v16, $0xE;
	[tilespmem:s4+$0x0] =	vst.add.f32.msk $0xffff, v61  }
0x25d: {  	s6 =	rddreg [dreg:$0x1b];
	v63 =	vmul.f32 v21, v62;
	v29 =	vmul.f32 v59, v0;
	[tilespmem:s5+$0x0] =	vst.add.f32.msk $0xffff, v19  }
0x25e: {  	s7 =	rddreg [dreg:$0x19];
	v31 =	vbroadcast v4, $0xE;
	v19 =	vmul.f32 v21, v27;
	v30 =	vld [tilespmem:s31+$0x1E0]  }
0x25f: {  	s8 =	rddreg [dreg:$0x1a];
	v34 =	vbroadcast v6, $0xE;
	v32 =	vmul.f32 v21, v28;
	[tilespmem:s6+$0x0] =	vst.add.f32.msk $0xffff, v63;
	v33 =	vadd.f32 v29, v1  }
0x260: {  	s10 =	sld [smem:$0x7F8];
	v35 =	vmul.f32 v21, v31;
	[tilespmem:s7+$0x0] =	vst.add.f32.msk $0xffff, v19  }
0x261: {  	s9 =	rddreg [dreg:$0x18];
	v37 =	vbroadcast v7, $0xE;
	v36 =	vmul.f32 v33, v34;
	[tilespmem:s8+$0x0] =	vst.add.f32.msk $0xffff, v32  }
0x262: {  	s11 =	sld [smem:$0x7F9];
	v38 =	vbroadcast v8, $0xE;
	v41 =	vbroadcast v9, $0xE;
	[tilespmem:s9+$0x0] =	vst.add.f32.msk $0xffff, v35  }
0x263: {  	s12 =	sld [smem:$0x7FA];
	v21 =	vmul.f32 v33, v37;
	[tilespmem:s10+$0x0] =	vst.add.f32.msk $0xffff, v36;
	v39 =	vmul.f32 v30, v0  }
0x264: {  	s13 =	sld [smem:$0x7FB];
	v42 =	vmul.f32 v33, v38;
	v40 =	vld [tilespmem:s31+$0xFFFFFFF0]  }
0x265: {  	v44 =	vbroadcast v11, $0xE;
	v20 =	vmul.f32 v33, v41;
	[tilespmem:s11+$0x0] =	vst.add.f32.msk $0xffff, v21;
	v43 =	vadd.f32 v39, v1  }
0x266: {  	v46 =	vbroadcast v12, $0xE;
	[tilespmem:s12+$0x0] =	vst.add.f32.msk $0xffff, v42  }
0x267: {  	v47 =	vbroadcast v13, $0xE;
	[tilespmem:s13+$0x0] =	vst.add.f32.msk $0xffff, v20;
	v45 =	vmul.f32 v43, v44  }
0x268: {  	v48 =	vbroadcast v10, $0xE;
	s14 =	spop (v2sf);
	(v2sf) =	vpush v17, $0xF;
	v49 =	vld [tilespmem:s31+$0xF0];
	v21 =	vmul.f32 v43, v46  }
0x269: {  	(v2sf) =	vpush v14, $0xF;
	s15 =	spop (v2sf);
	v50 =	vmul.f32 v43, v47;
	[tilespmem:s14+$0x0] =	vst.add.f32.msk $0xffff, v45  }
0x26a: {  	(v2sf) =	vpush v15, $0xF;
	s16 =	spop (v2sf);
	v23 =	vmul.f32 v40, v0;
	v19 =	vmul.f32 v43, v48;
	[tilespmem:s15+$0x0] =	vst.add.f32.msk $0xffff, v21  }
0x26b: {  	(v2sf) =	vpush v16, $0xF;
	s17 =	spop (v2sf);
	[tilespmem:s16+$0x0] =	vst.add.f32.msk $0xffff, v50  }
0x26c: {  	v2 =	vbroadcast v2, $0xF;
	v5 =	vbroadcast v5, $0xF;
	v51 =	vadd.f32 v23, v1;
	[tilespmem:s17+$0x0] =	vst.add.f32.msk $0xffff, v19  }
0x26d: {  	v4 =	vbroadcast v4, $0xF;
	v52 =	vmul.f32 v49, v0;
	v53 =	vld [tilespmem:s31+$0x1F0]  }
0x26e: {  	s1 =	rddreg [dreg:$0x13];
	v3 =	vbroadcast v3, $0xF;
	v5 =	vmul.f32 v51, v5  }
0x26f: {  	v6 =	vbroadcast v6, $0xF;
	s18 =	rddreg [dreg:$0x17];
	v2 =	vmul.f32 v51, v2;
	v15 =	vadd.f32 v52, v1  }
0x270: {  	s19 =	rddreg [dreg:$0x16];
	v54 =	vbroadcast v7, $0xF;
	v3 =	vmul.f32 v51, v3;
	[tilespmem:s18+$0x0] =	vst.add.f32.msk $0xffff, v5  }
0x271: {  	s20 =	rddreg [dreg:$0x15];
	v4 =	vmul.f32 v51, v4;
	[tilespmem:s19+$0x0] =	vst.add.f32.msk $0xffff, v2;
	v2 =	vmul.f32 v15, v6  }
0x272: {  	s21 =	rddreg [dreg:$0x14];
	[tilespmem:s20+$0x0] =	vst.add.f32.msk $0xffff, v3;
	v3 =	vbroadcast v8, $0xF;
	v55 =	vmul.f32 v53, v0  }
0x273: {  	s22 =	sld [smem:$0x7FC];
	v57 =	vbroadcast v9, $0xF;
	v56 =	vmul.f32 v15, v54;
	[tilespmem:s21+$0x0] =	vst.add.f32.msk $0xffff, v4  }
0x274: {  	s23 =	sld [smem:$0x7FD];
	v58 =	vbroadcast v11, $0xF;
	[tilespmem:s2+$0x0] =	vst.add.f32.msk $0xffff, v2;
	v2 =	vmul.f32 v15, v3;
	v3 =	vadd.f32 v55, v1  }
0x275: {  	s1 =	sadd.s32 $0x4, s1;
	v60 =	vbroadcast v12, $0xF;
	v59 =	vmul.f32 v15, v57;
	[tilespmem:s3+$0x0] =	vst.add.f32.msk $0xffff, v56  }
0x276: {  	p1 =	slt.u32 s1, $0x3C;
	v61 =	vbroadcast v13, $0xF;
	[tilespmem:s22+$0x0] =	vst.add.f32.msk $0xffff, v2;
	v2 =	vmul.f32 v3, v58  }
.Ltmp0:
0x277: {  	v63 =	vbroadcast v10, $0xF;
	s24 =	spop (v2sf);
	[tilespmem:s23+$0x0] =	vst.add.f32.msk $0xffff, v59;
	v62 =	vmul.f32 v3, v60;
	(pc) =	sbr.rel @p1 .LBB2_4-.Ltmp0, $4  }
0x278: {  	s25 =	spop (v2sf);
	[tilespmem:s24+$0x0] =	vst.add.f32.msk $0xffff, v2;
	v2 =	vmul.f32 v3, v61  }
0x279: {  	s26 =	spop (v2sf);
	v3 =	vmul.f32 v3, v63;
	[tilespmem:s25+$0x0] =	vst.add.f32.msk $0xffff, v62  }
0x27a: {  	s28 =	spop (v2sf);
	[tilespmem:s26+$0x0] =	vst.add.f32.msk $0xffff, v2  }
0x27b: {  	s30 =	sadd.s32 $0x40, s30;
	s29 =	sadd.s32 $0x40, s29;
	s31 =	sadd.s32 $0x400, s31;
	[tilespmem:s28+$0x0] =	vst.add.f32.msk $0xffff, v3  }
0x27c: {  	s0 =	rddreg [dreg:$0x12]  }
0x27d: {  	p1 =	seq.s32 s0, $0x8  }
.Ltmp1:
0x27e: {  	_ = 	snop;
	(pc) =	sbr.rel @!p1 .LBB2_3-.Ltmp1, $2  }
0x27f: {  	_ =	sdelay $0x2  }
0x280: {  	p0 =	por !p0, !p0  }
0x281: {  	s10 =	simm.s32 $0x0;
	s0 =	rddreg [dreg:$0xf]  }
0x282: {  	s1 =	simm.s32 $0x10;
	s2 =	simm.s32 $0x80;
	s4 =	simm.s32 $0x7  }
0x283: {  	[hbm4b:s0+s1] =	stream.strided.scatter [tilespmem:s10], [sflag:$0x7], $0x10000, s2, s1, $0x38;
	[tilespmem:$0x1C020] =	vst v63  }
0x284: {  	_ =	swait.ge [sflag:s4], $0x10000  }
0x285: {  	s3 =	rddreg [dreg:$0x11]  }
0x286: {  	s31 =	rddreg [dreg:$0x10];
	s3 =	sadd.s32 $0x1, s3  }
0x287: {  	p0 =	sne.s32 s3, s31  }
.Ltmp2:
0x288: {  	_ = 	snop;
	(pc) =	sbr.rel @p0 .LBB2_1-.Ltmp2, $3  }
0x289: {  	_ =	sdelay $0x1  }
0x28a: {  	[sflag:s4] =	ssyncset.done $0x0  }
0x28b: {  	[sflag:s4] =	ssyncadd.s32 $0xFFFF0000  }
0x28c: {  	_ =	sfence.sel $0x180000  }
0x28d: {  	[bflag:$0x0] =	sbarrier.arrive $0xFFFF  }
0x28e: {  	_ =	strace $0x90000047  }
0x28f: {  	s0 =	stileid.u32;
	[bflag:$0x2] =	sbarrier.arrive $0xFFFF  }
0x290: {  	p0 =	sne.s32 s0, $0x0;
	s0 =	rddreg [dreg:$0x4]  }
0x291: {  	s0 =	sadd.s32 @!p0 $0x100000, s0  }
0x292: {  	[sflag:s0] =	ssyncadd.tile.s32 @!p0 $0x1;
	_ =	shalt  }
.Lfunc_end2:
_tile_overlayer_lowered:
.L_overlay_start_2:
0x293: {  	(tag) =	ssettag $0x2  }
0x294: {  	s0 =	rddreg [dreg:$0x0];
	s2 =	stileid.u32  }
0x295: {  	s1 =	rddreg [dreg:$0x1];
	p0 =	sne.s32 s2, $0x0  }
0x296: {  	s3 =	rddreg [dreg:$0x2];
	[bflag:$0x3] =	sbarrier.arrive $0xFFFF;
	s2 =	simm.s32 @!p0 $0x1C07  }
0x297: {  	[timem:s3], [sflag:s2] =	dma.local @!p0 [hbm:s0], s1  }
0x298: {  	s0 =	simm.s32 @!p0 $0x7  }
0x299: {  	_ =	swait.ge @!p0 [sflag:s0], s1  }
0x29a: {  	s1 =	ssub.s32 @!p0 $0x0, s1;
	[sflag:s0] =	ssyncset.done @!p0 $0x0  }
0x29b: {  	[sflag:s0] =	ssyncadd.s32 @!p0 s1  }
0x29c: {  	[bflag:$0x3] =	sbarrier.arrive $0xFFFF  }
0x29d: {  	_ =	shalt  }

</sc_bundles>
